<compile_context>
chip_gen: v7x
topology: tpu7x:2x2x1
jax: 0.10.2.dev20260603
libtpu: 0.0.44.dev20260713+nightly
codegen_flags: <defaults>
</compile_context>

<pallas_src>
import functools

import jax
import jax.numpy as jnp
from jax import lax
from jax.experimental import pallas as pl
from jax.experimental.pallas import tpu as pltpu
from jax.experimental.pallas import tpu_sc as plsc

N_NODES = 10000
DIM = 128
N_EDGES = 320000

NUM_CORES = 2
NUM_SUBCORES = 16
NUM_WORKERS = NUM_CORES * NUM_SUBCORES

EDGES_PER_WORKER = N_EDGES // NUM_WORKERS
CHUNK = 80
CHUNKS_PER_WORKER = EDGES_PER_WORKER // CHUNK
SEG = 25
NSEG = CHUNKS_PER_WORKER // SEG
NBUF = 3
ROWS_PER_TILE = 624
TAIL_ROWS = N_NODES - ROWS_PER_TILE * NUM_SUBCORES

_sc_mesh = plsc.VectorSubcoreMesh(
    core_axis_name="c", subcore_axis_name="s",
    num_cores=NUM_CORES, num_subcores=NUM_SUBCORES)


@functools.partial(
    pl.kernel,
    out_type=jax.ShapeDtypeStruct((NUM_CORES, N_NODES, DIM), jnp.float32),
    mesh=_sc_mesh,
    scratch_types=[
        pltpu.VMEM((2, SEG, CHUNK), jnp.int32),
        pltpu.VMEM((NBUF, CHUNK, DIM), jnp.float32),
        pltpu.VMEM_SHARED((N_NODES, DIM), jnp.float32),
        [pltpu.SemaphoreType.DMA] * NBUF,
        [pltpu.SemaphoreType.DMA] * NBUF,
    ],
)
def _sc_agg(h_hbm, idx_hbm, zeros_hbm, out_hbm, idx_v,
            rows_v, acc_sh, gsem, ssem):
    cid = lax.axis_index("c")
    sid = lax.axis_index("s")
    wid = cid * NUM_SUBCORES + sid

    pltpu.sync_copy(zeros_hbm.at[pl.ds(0, ROWS_PER_TILE)],
                    acc_sh.at[pl.ds(sid * ROWS_PER_TILE, ROWS_PER_TILE)])

    @pl.when(sid == NUM_SUBCORES - 1)
    def _zero_tail():
        pltpu.sync_copy(
            zeros_hbm.at[pl.ds(0, TAIL_ROWS)],
            acc_sh.at[pl.ds(ROWS_PER_TILE * NUM_SUBCORES, TAIL_ROWS)])

    plsc.subcore_barrier()

    def _gather(k, b):
        return pltpu.async_copy(h_hbm.at[idx_v.at[0, k]], rows_v.at[b],
                                gsem[b])

    def _gather_wait(k, b):
        pltpu.make_async_copy(h_hbm.at[idx_v.at[0, k]], rows_v.at[b],
                              gsem[b]).wait()

    def _scatter(k, b):
        return pltpu.async_copy(rows_v.at[b], acc_sh.at[idx_v.at[1, k]],
                                ssem[b], add=True)

    def _scatter_wait(k, b):
        pltpu.make_async_copy(rows_v.at[b], acc_sh.at[idx_v.at[1, k]],
                              ssem[b]).wait()

    def _segment(s, _):
        pltpu.sync_copy(idx_hbm.at[wid, s], idx_v)
        for b in range(2):
            _gather(b, b)
        for k in range(SEG):
            b = k % NBUF
            _gather_wait(k, b)
            _scatter(k, b)
            if k + 2 <= SEG - 1:
                b2 = (k + 2) % NBUF
                if k >= 1:
                    _scatter_wait(k - 1, b2)
                _gather(k + 2, b2)
        for k in range(SEG - NBUF, SEG):
            _scatter_wait(k, k % NBUF)
        return ()

    lax.fori_loop(0, NSEG, _segment, ())

    plsc.subcore_barrier()

    rbase = sid * ROWS_PER_TILE
    pltpu.sync_copy(acc_sh.at[pl.ds(rbase, ROWS_PER_TILE)],
                    out_hbm.at[cid, pl.ds(rbase, ROWS_PER_TILE)])

    @pl.when(sid == NUM_SUBCORES - 1)
    def _out_tail():
        tbase = ROWS_PER_TILE * NUM_SUBCORES
        pltpu.sync_copy(acc_sh.at[pl.ds(tbase, TAIL_ROWS)],
                        out_hbm.at[cid, pl.ds(tbase, TAIL_ROWS)])


ROW_BLOCK = 2000


def _mlp_body(eps_ref, h_ref, p0_ref, p1_ref, w1_ref, b1_ref, w2_ref, b2_ref,
              o_ref):
    z = (1.0 + eps_ref[0]) * h_ref[...] + p0_ref[0] + p1_ref[0]
    z = jnp.dot(z, w1_ref[...], preferred_element_type=jnp.float32)
    z = jnp.maximum(z + b1_ref[...], 0.0)
    z = jnp.dot(z, w2_ref[...], preferred_element_type=jnp.float32)
    o_ref[...] = jnp.maximum(z + b2_ref[...], 0.0)


def _head_body(eps_ref, h_ref, p0_ref, p1_ref, w1_ref, b1_ref, w2_ref, b2_ref,
               wp_ref, bp_ref, o_ref):
    z = (1.0 + eps_ref[0]) * h_ref[...] + p0_ref[0] + p1_ref[0]
    z = jnp.dot(z, w1_ref[...], preferred_element_type=jnp.float32)
    z = jnp.maximum(z + b1_ref[...], 0.0)
    z = jnp.dot(z, w2_ref[...], preferred_element_type=jnp.float32)
    z = jnp.maximum(z + b2_ref[...], 0.0)
    s = jnp.dot(z, wp_ref[...], preferred_element_type=jnp.float32)
    o_ref[...] = jax.nn.sigmoid(s + bp_ref[...])


def _common_specs():
    grid = (N_NODES // ROW_BLOCK,)
    eps_spec = pl.BlockSpec(memory_space=pltpu.SMEM)
    h_spec = pl.BlockSpec((ROW_BLOCK, DIM), lambda i: (i, 0))
    p0_spec = pl.BlockSpec((1, ROW_BLOCK, DIM), lambda i: (0, i, 0))
    p1_spec = pl.BlockSpec((1, ROW_BLOCK, DIM), lambda i: (1, i, 0))
    w_spec = pl.BlockSpec((DIM, DIM), lambda i: (0, 0))
    b_spec = pl.BlockSpec((DIM,), lambda i: (0,))
    return grid, [eps_spec, h_spec, p0_spec, p1_spec, w_spec, b_spec, w_spec,
                  b_spec]


def _mlp(h, parts, w1, b1, w2, b2, eps):
    grid, specs = _common_specs()
    return pl.pallas_call(
        _mlp_body,
        grid=grid,
        in_specs=specs,
        out_specs=pl.BlockSpec((ROW_BLOCK, DIM), lambda i: (i, 0)),
        out_shape=jax.ShapeDtypeStruct((N_NODES, DIM), jnp.float32),
    )(jnp.reshape(eps, (1,)), h, parts, parts, w1, b1, w2, b2)


def _mlp_head(h, parts, w1, b1, w2, b2, eps, wp, bp):
    grid, specs = _common_specs()
    specs = specs + [pl.BlockSpec((DIM, 1), lambda i: (0, 0)),
                     pl.BlockSpec((1,), lambda i: (0,))]
    return pl.pallas_call(
        _head_body,
        grid=grid,
        in_specs=specs,
        out_specs=pl.BlockSpec((ROW_BLOCK, 1), lambda i: (i, 0)),
        out_shape=jax.ShapeDtypeStruct((N_NODES, 1), jnp.float32),
    )(jnp.reshape(eps, (1,)), h, parts, parts, w1, b1, w2, b2, wp, bp)


def kernel(x, edge_index, W1_0, b1_0, W2_0, b2_0, W1_1, b1_1, W2_1, b2_1,
           Wp, bp, eps0, eps1):
    idx = jnp.transpose(
        jnp.reshape(edge_index, (2, NUM_WORKERS, NSEG, SEG, CHUNK)),
        (1, 2, 0, 3, 4))
    zeros = jnp.zeros((ROWS_PER_TILE, DIM), jnp.float32)
    parts0 = _sc_agg(x, idx, zeros)
    h1 = _mlp(x, parts0, W1_0, b1_0, W2_0, b2_0, eps0)
    parts1 = _sc_agg(h1, idx, zeros)
    return _mlp_head(h1, parts1, W1_1, b1_1, W2_1, b2_1, eps1, Wp, bp)

# --- scband reference (transcript-rebuilt; emitter-appended) ---
"""Pipeline reference for scband-classifier-36429912605270 (READ-ONLY COPY).

The authoritative reference and input builder live on the scoring server;
editing this copy changes nothing except your own understanding.
"""

import jax, jax.numpy as jnp
import numpy as np

N, E, D, H = 10000, 320000, 128, 128

def setup_inputs(seed: int = 0) -> dict:
    key = jax.random.key(seed)
    ks = jax.random.split(key, 14)
    x = jax.random.normal(ks[0], (N, D), dtype=jnp.float32)
    edge_index = jax.random.randint(ks[1], (2, E), 0, N, dtype=jnp.int32)
    def lin(k, din, dout):
        return jax.random.normal(k, (din, dout), dtype=jnp.float32) / np.sqrt(din)
    inp = {
        'x': x,
        'edge_index': edge_index,
        'W1_0': lin(ks[2], D, H), 'b1_0': jnp.zeros((H,), jnp.float32),
        'W2_0': lin(ks[3], H, H), 'b2_0': jnp.zeros((H,), jnp.float32),
        'W1_1': lin(ks[4], H, H), 'b1_1': jnp.zeros((H,), jnp.float32),
        'W2_1': lin(ks[5], H, H), 'b2_1': jnp.zeros((H,), jnp.float32),
        'Wp': lin(ks[6], H, 1), 'bp': jnp.zeros((1,), jnp.float32),
        'eps0': jnp.zeros((), jnp.float32),
        'eps1': jnp.zeros((), jnp.float32),
    }
    return inp

def reference(x, edge_index, W1_0, b1_0, W2_0, b2_0, W1_1, b1_1, W2_1, b2_1, Wp, bp, eps0, eps1):
    src = edge_index[0]
    dst = edge_index[1]

    def gin_conv(h, W1, b1, W2, b2, eps):
        # sum-aggregation over neighbors (neighbor_pooling_type='sum')
        msgs = jnp.take(h, src, axis=0)
        agg = jnp.zeros((h.shape[0], h.shape[1]), h.dtype).at[dst].add(msgs)
        z = (1.0 + eps) * h + agg
        z = jax.nn.relu(z @ W1 + b1)
        z = jax.nn.relu(z @ W2 + b2)
        return z

    h = gin_conv(x, W1_0, b1_0, W2_0, b2_0, eps0)
    h = gin_conv(h, W1_1, b1_1, W2_1, b2_1, eps1)
    # predict head: Linear(hidden_dim, 1) + Sigmoid; dropout is inactive at inference
    out = jax.nn.sigmoid(h @ Wp + bp)
    return out

if __name__ == "__main__":
    import jax
    _d = setup_inputs()
    print(jax.jit(kernel)(*tuple(_d.values())))

</pallas_src>

<mosaic_0001>
#map = affine_map<(d0, d1) -> (0, 0)>
#map1 = affine_map<(d0, d1) -> (0, 0, 0, 0, 0)>
#map2 = affine_map<(d0, d1) -> (0, 0, 0)>
module attributes {stable_mosaic.version = 14 : i64} {
  func.func @_sc_agg(%arg0: i32, %arg1: i32, %arg2: memref<10000x128xf32, #tpu.memory_space<hbm>>, %arg3: memref<32x5x2x25x80xi32, #tpu.memory_space<hbm>>, %arg4: memref<624x128xf32, #tpu.memory_space<hbm>>, %arg5: memref<2x10000x128xf32, #tpu.memory_space<hbm>>, %arg6: memref<2x25x80xi32, #tpu.memory_space<vmem>>, %arg7: memref<3x80x128xf32, #tpu.memory_space<vmem>>, %arg8: memref<10000x128xf32, #tpu.memory_space<vmem_shared>>, %arg9: memref<!tpu.dma_semaphore, #tpu.memory_space<semaphore_mem>>, %arg10: memref<!tpu.dma_semaphore, #tpu.memory_space<semaphore_mem>>, %arg11: memref<!tpu.dma_semaphore, #tpu.memory_space<semaphore_mem>>, %arg12: memref<!tpu.dma_semaphore, #tpu.memory_space<semaphore_mem>>, %arg13: memref<!tpu.dma_semaphore, #tpu.memory_space<semaphore_mem>>, %arg14: memref<!tpu.dma_semaphore, #tpu.memory_space<semaphore_mem>>) attributes {dimension_semantics = [#tpu.dimension_semantics<core_parallel>, #tpu.dimension_semantics<subcore_parallel>], iteration_bounds = array<i64: 2, 16>, scalar_prefetch = 0 : i64, scratch_operands = 9 : i64, tpu.core_type = #tpu.core_type<sc_vector_subcore>, window_params = [{transform_indices = #map}, {transform_indices = #map1}, {transform_indices = #map}, {transform_indices = #map2}]} {
    %mul3A = arith.constant 16 : i32
    %mul3A_0 = arith.muli %arg0, %mul3A : i32
    %add3A = arith.addi %mul3A_0, %arg1 : i32
    %mul3A_1 = arith.constant 624 : i32
    %mul3A_2 = arith.muli %arg1, %mul3A_1 : i32
    "tpu.region"() ({
      %run_scoped3A = tpu.sem_alloc : memref<!tpu.dma_semaphore, #tpu.memory_space<semaphore_mem>>
      %dma_start3A = arith.constant 0 : i32
      %dma_start3A_17 = tpu.memref_slice %arg8[%mul3A_2, %dma_start3A] : memref<10000x128xf32, #tpu.memory_space<vmem_shared>> -> memref<624x128xf32, #tpu.memory_space<vmem_shared>>
      %dma_start3A_18 = arith.constant 0 : i32
      %dma_start3A_19 = arith.constant 0 : i32
      %dma_start3A_20 = tpu.memref_slice %arg4[%dma_start3A_18, %dma_start3A_19] : memref<624x128xf32, #tpu.memory_space<hbm>> -> memref<624x128xf32, #tpu.memory_space<hbm>>
      tpu.enqueue_dma source(%dma_start3A_20 : memref<624x128xf32, #tpu.memory_space<hbm>>) target(%dma_start3A_17 : memref<624x128xf32, #tpu.memory_space<vmem_shared>>) target_semaphore(%run_scoped3A : memref<!tpu.dma_semaphore, #tpu.memory_space<semaphore_mem>>)
      %dma_wait3A = arith.constant 0 : i32
      %dma_wait3A_21 = tpu.memref_slice %arg8[%mul3A_2, %dma_wait3A] : memref<10000x128xf32, #tpu.memory_space<vmem_shared>> -> memref<624x128xf32, #tpu.memory_space<vmem_shared>>
      %dma_wait3A_22 = arith.constant 0 : i32
      %dma_wait3A_23 = arith.constant 0 : i32
      %dma_wait3A_24 = tpu.memref_slice %arg4[%dma_wait3A_22, %dma_wait3A_23] : memref<624x128xf32, #tpu.memory_space<hbm>> -> memref<624x128xf32, #tpu.memory_space<hbm>>
      tpu.wait_dma2 semaphore(%run_scoped3A : memref<!tpu.dma_semaphore, #tpu.memory_space<semaphore_mem>>) src(%dma_wait3A_24 : memref<624x128xf32, #tpu.memory_space<hbm>>) dst(%dma_wait3A_21 : memref<624x128xf32, #tpu.memory_space<vmem_shared>>)
      tpu.yield
    }) : () -> ()
    %eq3A = arith.constant 15 : i32
    %eq3A_3 = arith.cmpi eq, %arg1, %eq3A : i32
    %convert_element_type3A = arith.extui %eq3A_3 : i1 to i32
    %cond3A = arith.constant 0 : i32
    %cond3A_4 = arith.cmpi ne, %convert_element_type3A, %cond3A : i32
    scf.if %cond3A_4 {
      "tpu.region"() ({
        %run_scoped3A = tpu.sem_alloc : memref<!tpu.dma_semaphore, #tpu.memory_space<semaphore_mem>>
        %dma_start3A = arith.constant 9984 : i32
        %dma_start3A_17 = arith.constant 0 : i32
        %dma_start3A_18 = tpu.memref_slice %arg8[%dma_start3A, %dma_start3A_17] : memref<10000x128xf32, #tpu.memory_space<vmem_shared>> -> memref<16x128xf32, #tpu.memory_space<vmem_shared>>
        %dma_start3A_19 = arith.constant 0 : i32
        %dma_start3A_20 = arith.constant 0 : i32
        %dma_start3A_21 = tpu.memref_slice %arg4[%dma_start3A_19, %dma_start3A_20] : memref<624x128xf32, #tpu.memory_space<hbm>> -> memref<16x128xf32, #tpu.memory_space<hbm>>
        tpu.enqueue_dma source(%dma_start3A_21 : memref<16x128xf32, #tpu.memory_space<hbm>>) target(%dma_start3A_18 : memref<16x128xf32, #tpu.memory_space<vmem_shared>>) target_semaphore(%run_scoped3A : memref<!tpu.dma_semaphore, #tpu.memory_space<semaphore_mem>>)
        %dma_wait3A = arith.constant 9984 : i32
        %dma_wait3A_22 = arith.constant 0 : i32
        %dma_wait3A_23 = tpu.memref_slice %arg8[%dma_wait3A, %dma_wait3A_22] : memref<10000x128xf32, #tpu.memory_space<vmem_shared>> -> memref<16x128xf32, #tpu.memory_space<vmem_shared>>
        %dma_wait3A_24 = arith.constant 0 : i32
        %dma_wait3A_25 = arith.constant 0 : i32
        %dma_wait3A_26 = tpu.memref_slice %arg4[%dma_wait3A_24, %dma_wait3A_25] : memref<624x128xf32, #tpu.memory_space<hbm>> -> memref<16x128xf32, #tpu.memory_space<hbm>>
        tpu.wait_dma2 semaphore(%run_scoped3A : memref<!tpu.dma_semaphore, #tpu.memory_space<semaphore_mem>>) src(%dma_wait3A_26 : memref<16x128xf32, #tpu.memory_space<hbm>>) dst(%dma_wait3A_23 : memref<16x128xf32, #tpu.memory_space<vmem_shared>>)
        tpu.yield
      }) : () -> ()
    } else {
    }
    %barrier3A = arith.constant 0 : index
    tpu.barrier barrier_id(%barrier3A)
    %scan3A = arith.constant 0 : i32
    %scan3A_5 = arith.constant 5 : i32
    %scan3A_6 = arith.addi %scan3A, %scan3A_5 : i32
    %scan3A_7 = arith.constant 1 : i32
    scf.for %scan3A_17 = %scan3A to %scan3A_6 step %scan3A_7  : i32 {
      "tpu.region"() ({
        %run_scoped3A = tpu.sem_alloc : memref<!tpu.dma_semaphore, #tpu.memory_space<semaphore_mem>>
        %dma_start3A_1316 = arith.constant 0 : i32
        %dma_start3A_1317 = arith.constant 0 : i32
        %dma_start3A_1318 = arith.constant 0 : i32
        %dma_start3A_1319 = tpu.memref_slice %arg3[%add3A, %scan3A_17, %dma_start3A_1316, %dma_start3A_1317, %dma_start3A_1318] : memref<32x5x2x25x80xi32, #tpu.memory_space<hbm>> -> memref<1x1x2x25x80xi32, #tpu.memory_space<hbm>>
        %dma_start3A_1320 = tpu.memref_squeeze %dma_start3A_1319 : memref<1x1x2x25x80xi32, #tpu.memory_space<hbm>> -> memref<2x25x80xi32, #tpu.memory_space<hbm>>
        %dma_start3A_1321 = arith.constant 0 : i32
        %dma_start3A_1322 = arith.constant 0 : i32
        %dma_start3A_1323 = arith.constant 0 : i32
        %dma_start3A_1324 = tpu.memref_slice %arg3[%add3A, %scan3A_17, %dma_start3A_1321, %dma_start3A_1322, %dma_start3A_1323] : memref<32x5x2x25x80xi32, #tpu.memory_space<hbm>> -> memref<1x1x2x25x80xi32, #tpu.memory_space<hbm>>
        %dma_start3A_1325 = tpu.memref_squeeze %dma_start3A_1324 : memref<1x1x2x25x80xi32, #tpu.memory_space<hbm>> -> memref<2x25x80xi32, #tpu.memory_space<hbm>>
        tpu.enqueue_dma source(%dma_start3A_1325 : memref<2x25x80xi32, #tpu.memory_space<hbm>>) target(%arg6 : memref<2x25x80xi32, #tpu.memory_space<vmem>>) target_semaphore(%run_scoped3A : memref<!tpu.dma_semaphore, #tpu.memory_space<semaphore_mem>>)
        %dma_wait3A_1326 = arith.constant 0 : i32
        %dma_wait3A_1327 = arith.constant 0 : i32
        %dma_wait3A_1328 = arith.constant 0 : i32
        %dma_wait3A_1329 = tpu.memref_slice %arg3[%add3A, %scan3A_17, %dma_wait3A_1326, %dma_wait3A_1327, %dma_wait3A_1328] : memref<32x5x2x25x80xi32, #tpu.memory_space<hbm>> -> memref<1x1x2x25x80xi32, #tpu.memory_space<hbm>>
        %dma_wait3A_1330 = tpu.memref_squeeze %dma_wait3A_1329 : memref<1x1x2x25x80xi32, #tpu.memory_space<hbm>> -> memref<2x25x80xi32, #tpu.memory_space<hbm>>
        %dma_wait3A_1331 = arith.constant 0 : i32
        %dma_wait3A_1332 = arith.constant 0 : i32
        %dma_wait3A_1333 = arith.constant 0 : i32
        %dma_wait3A_1334 = tpu.memref_slice %arg3[%add3A, %scan3A_17, %dma_wait3A_1331, %dma_wait3A_1332, %dma_wait3A_1333] : memref<32x5x2x25x80xi32, #tpu.memory_space<hbm>> -> memref<1x1x2x25x80xi32, #tpu.memory_space<hbm>>
        %dma_wait3A_1335 = tpu.memref_squeeze %dma_wait3A_1334 : memref<1x1x2x25x80xi32, #tpu.memory_space<hbm>> -> memref<2x25x80xi32, #tpu.memory_space<hbm>>
        tpu.wait_dma2 semaphore(%run_scoped3A : memref<!tpu.dma_semaphore, #tpu.memory_space<semaphore_mem>>) src(%dma_wait3A_1335 : memref<2x25x80xi32, #tpu.memory_space<hbm>>) dst(%arg6 : memref<2x25x80xi32, #tpu.memory_space<vmem>>)
        tpu.yield
      }) : () -> ()
      %dma_start3A = arith.constant 0 : i32
      %dma_start3A_18 = arith.constant 0 : i32
      %dma_start3A_19 = arith.constant 0 : i32
      %dma_start3A_20 = arith.constant 0 : i32
      %dma_start3A_21 = arith.constant 0 : i32
      %dma_start3A_22 = tpu.memref_slice %arg7[%dma_start3A_19, %dma_start3A_20, %dma_start3A_21] : memref<3x80x128xf32, #tpu.memory_space<vmem>> -> memref<1x80x128xf32, #tpu.memory_space<vmem>>
      %dma_start3A_23 = tpu.memref_squeeze %dma_start3A_22 : memref<1x80x128xf32, #tpu.memory_space<vmem>> -> memref<80x128xf32, #tpu.memory_space<vmem>>
      %dma_start3A_24 = arith.constant 0 : i32
      %dma_start3A_25 = tpu.memref_slice %arg6[%dma_start3A, %dma_start3A_18, %dma_start3A_24] : memref<2x25x80xi32, #tpu.memory_space<vmem>> -> memref<1x1x80xi32, #tpu.memory_space<vmem>>
      %dma_start3A_26 = tpu.memref_squeeze %dma_start3A_25 : memref<1x1x80xi32, #tpu.memory_space<vmem>> -> memref<80xi32, #tpu.memory_space<vmem>>
      %dma_start3A_27 = arith.constant 0 : i32
      %dma_start3A_28 = arith.constant 0 : i32
      %dma_start3A_29 = tpu.memref_slice %arg2[%dma_start3A_27, %dma_start3A_28] : memref<10000x128xf32, #tpu.memory_space<hbm>> -> memref<10000x128xf32, #tpu.memory_space<hbm>>
      tpu.enqueue_indirect_dma source(%dma_start3A_29 : memref<10000x128xf32, #tpu.memory_space<hbm>>) target(%dma_start3A_23 : memref<80x128xf32, #tpu.memory_space<vmem>>) offsets(%dma_start3A_26 : memref<80xi32, #tpu.memory_space<vmem>>) semaphore(%arg9 : memref<!tpu.dma_semaphore, #tpu.memory_space<semaphore_mem>>)
      %dma_start3A_30 = arith.constant 0 : i32
      %dma_start3A_31 = arith.constant 1 : i32
      %dma_start3A_32 = arith.constant 1 : i32
      %dma_start3A_33 = arith.constant 0 : i32
      %dma_start3A_34 = arith.constant 0 : i32
      %dma_start3A_35 = tpu.memref_slice %arg7[%dma_start3A_32, %dma_start3A_33, %dma_start3A_34] : memref<3x80x128xf32, #tpu.memory_space<vmem>> -> memref<1x80x128xf32, #tpu.memory_space<vmem>>
      %dma_start3A_36 = tpu.memref_squeeze %dma_start3A_35 : memref<1x80x128xf32, #tpu.memory_space<vmem>> -> memref<80x128xf32, #tpu.memory_space<vmem>>
      %dma_start3A_37 = arith.constant 0 : i32
      %dma_start3A_38 = tpu.memref_slice %arg6[%dma_start3A_30, %dma_start3A_31, %dma_start3A_37] : memref<2x25x80xi32, #tpu.memory_space<vmem>> -> memref<1x1x80xi32, #tpu.memory_space<vmem>>
      %dma_start3A_39 = tpu.memref_squeeze %dma_start3A_38 : memref<1x1x80xi32, #tpu.memory_space<vmem>> -> memref<80xi32, #tpu.memory_space<vmem>>
      %dma_start3A_40 = arith.constant 0 : i32
      %dma_start3A_41 = arith.constant 0 : i32
      %dma_start3A_42 = tpu.memref_slice %arg2[%dma_start3A_40, %dma_start3A_41] : memref<10000x128xf32, #tpu.memory_space<hbm>> -> memref<10000x128xf32, #tpu.memory_space<hbm>>
      tpu.enqueue_indirect_dma source(%dma_start3A_42 : memref<10000x128xf32, #tpu.memory_space<hbm>>) target(%dma_start3A_36 : memref<80x128xf32, #tpu.memory_space<vmem>>) offsets(%dma_start3A_39 : memref<80xi32, #tpu.memory_space<vmem>>) semaphore(%arg10 : memref<!tpu.dma_semaphore, #tpu.memory_space<semaphore_mem>>)
      %dma_wait3A = arith.constant 0 : i32
      %dma_wait3A_43 = arith.constant 0 : i32
      %dma_wait3A_44 = arith.constant 0 : i32
      %dma_wait3A_45 = arith.constant 0 : i32
      %dma_wait3A_46 = arith.constant 0 : i32
      %dma_wait3A_47 = tpu.memref_slice %arg7[%dma_wait3A_44, %dma_wait3A_45, %dma_wait3A_46] : memref<3x80x128xf32, #tpu.memory_space<vmem>> -> memref<1x80x128xf32, #tpu.memory_space<vmem>>
      %dma_wait3A_48 = tpu.memref_squeeze %dma_wait3A_47 : memref<1x80x128xf32, #tpu.memory_space<vmem>> -> memref<80x128xf32, #tpu.memory_space<vmem>>
      %dma_wait3A_49 = arith.constant 0 : i32
      %dma_wait3A_50 = tpu.memref_slice %arg6[%dma_wait3A, %dma_wait3A_43, %dma_wait3A_49] : memref<2x25x80xi32, #tpu.memory_space<vmem>> -> memref<1x1x80xi32, #tpu.memory_space<vmem>>
      %dma_wait3A_51 = tpu.memref_squeeze %dma_wait3A_50 : memref<1x1x80xi32, #tpu.memory_space<vmem>> -> memref<80xi32, #tpu.memory_space<vmem>>
      %dma_wait3A_52 = arith.constant 0 : i32
      %dma_wait3A_53 = arith.constant 0 : i32
      %dma_wait3A_54 = tpu.memref_slice %arg2[%dma_wait3A_52, %dma_wait3A_53] : memref<10000x128xf32, #tpu.memory_space<hbm>> -> memref<10000x128xf32, #tpu.memory_space<hbm>>
      tpu.wait_indirect_dma semaphore(%arg9 : memref<!tpu.dma_semaphore, #tpu.memory_space<semaphore_mem>>) src(%dma_wait3A_54 : memref<10000x128xf32, #tpu.memory_space<hbm>>) dst(%dma_wait3A_48 : memref<80x128xf32, #tpu.memory_space<vmem>>)
      %dma_start3A_55 = arith.constant 0 : i32
      %dma_start3A_56 = arith.constant 1 : i32
      %dma_start3A_57 = arith.constant 0 : i32
      %dma_start3A_58 = arith.constant 0 : i32
      %dma_start3A_59 = arith.constant 0 : i32
      %dma_start3A_60 = tpu.memref_slice %arg7[%dma_start3A_55, %dma_start3A_58, %dma_start3A_59] : memref<3x80x128xf32, #tpu.memory_space<vmem>> -> memref<1x80x128xf32, #tpu.memory_space<vmem>>
      %dma_start3A_61 = tpu.memref_squeeze %dma_start3A_60 : memref<1x80x128xf32, #tpu.memory_space<vmem>> -> memref<80x128xf32, #tpu.memory_space<vmem>>
      %dma_start3A_62 = arith.constant 0 : i32
      %dma_start3A_63 = tpu.memref_slice %arg6[%dma_start3A_56, %dma_start3A_57, %dma_start3A_62] : memref<2x25x80xi32, #tpu.memory_space<vmem>> -> memref<1x1x80xi32, #tpu.memory_space<vmem>>
      %dma_start3A_64 = tpu.memref_squeeze %dma_start3A_63 : memref<1x1x80xi32, #tpu.memory_space<vmem>> -> memref<80xi32, #tpu.memory_space<vmem>>
      %dma_start3A_65 = arith.constant 0 : i32
      %dma_start3A_66 = arith.constant 0 : i32
      %dma_start3A_67 = tpu.memref_slice %arg8[%dma_start3A_65, %dma_start3A_66] : memref<10000x128xf32, #tpu.memory_space<vmem_shared>> -> memref<10000x128xf32, #tpu.memory_space<vmem_shared>>
      tpu.enqueue_indirect_dma source(%dma_start3A_61 : memref<80x128xf32, #tpu.memory_space<vmem>>) target(%dma_start3A_67 : memref<10000x128xf32, #tpu.memory_space<vmem_shared>>) offsets(%dma_start3A_64 : memref<80xi32, #tpu.memory_space<vmem>>) semaphore(%arg12 : memref<!tpu.dma_semaphore, #tpu.memory_space<semaphore_mem>>) {add = true}
      %dma_start3A_68 = arith.constant 0 : i32
      %dma_start3A_69 = arith.constant 2 : i32
      %dma_start3A_70 = arith.constant 2 : i32
      %dma_start3A_71 = arith.constant 0 : i32
      %dma_start3A_72 = arith.constant 0 : i32
      %dma_start3A_73 = tpu.memref_slice %arg7[%dma_start3A_70, %dma_start3A_71, %dma_start3A_72] : memref<3x80x128xf32, #tpu.memory_space<vmem>> -> memref<1x80x128xf32, #tpu.memory_space<vmem>>
      %dma_start3A_74 = tpu.memref_squeeze %dma_start3A_73 : memref<1x80x128xf32, #tpu.memory_space<vmem>> -> memref<80x128xf32, #tpu.memory_space<vmem>>
      %dma_start3A_75 = arith.constant 0 : i32
      %dma_start3A_76 = tpu.memref_slice %arg6[%dma_start3A_68, %dma_start3A_69, %dma_start3A_75] : memref<2x25x80xi32, #tpu.memory_space<vmem>> -> memref<1x1x80xi32, #tpu.memory_space<vmem>>
      %dma_start3A_77 = tpu.memref_squeeze %dma_start3A_76 : memref<1x1x80xi32, #tpu.memory_space<vmem>> -> memref<80xi32, #tpu.memory_space<vmem>>
      %dma_start3A_78 = arith.constant 0 : i32
      %dma_start3A_79 = arith.constant 0 : i32
      %dma_start3A_80 = tpu.memref_slice %arg2[%dma_start3A_78, %dma_start3A_79] : memref<10000x128xf32, #tpu.memory_space<hbm>> -> memref<10000x128xf32, #tpu.memory_space<hbm>>
      tpu.enqueue_indirect_dma source(%dma_start3A_80 : memref<10000x128xf32, #tpu.memory_space<hbm>>) target(%dma_start3A_74 : memref<80x128xf32, #tpu.memory_space<vmem>>) offsets(%dma_start3A_77 : memref<80xi32, #tpu.memory_space<vmem>>) semaphore(%arg11 : memref<!tpu.dma_semaphore, #tpu.memory_space<semaphore_mem>>)
      %dma_wait3A_81 = arith.constant 0 : i32
      %dma_wait3A_82 = arith.constant 1 : i32
      %dma_wait3A_83 = arith.constant 1 : i32
      %dma_wait3A_84 = arith.constant 0 : i32
      %dma_wait3A_85 = arith.constant 0 : i32
      %dma_wait3A_86 = tpu.memref_slice %arg7[%dma_wait3A_83, %dma_wait3A_84, %dma_wait3A_85] : memref<3x80x128xf32, #tpu.memory_space<vmem>> -> memref<1x80x128xf32, #tpu.memory_space<vmem>>
      %dma_wait3A_87 = tpu.memref_squeeze %dma_wait3A_86 : memref<1x80x128xf32, #tpu.memory_space<vmem>> -> memref<80x128xf32, #tpu.memory_space<vmem>>
      %dma_wait3A_88 = arith.constant 0 : i32
      %dma_wait3A_89 = tpu.memref_slice %arg6[%dma_wait3A_81, %dma_wait3A_82, %dma_wait3A_88] : memref<2x25x80xi32, #tpu.memory_space<vmem>> -> memref<1x1x80xi32, #tpu.memory_space<vmem>>
      %dma_wait3A_90 = tpu.memref_squeeze %dma_wait3A_89 : memref<1x1x80xi32, #tpu.memory_space<vmem>> -> memref<80xi32, #tpu.memory_space<vmem>>
      %dma_wait3A_91 = arith.constant 0 : i32
      %dma_wait3A_92 = arith.constant 0 : i32
      %dma_wait3A_93 = tpu.memref_slice %arg2[%dma_wait3A_91, %dma_wait3A_92] : memref<10000x128xf32, #tpu.memory_space<hbm>> -> memref<10000x128xf32, #tpu.memory_space<hbm>>
      tpu.wait_indirect_dma semaphore(%arg10 : memref<!tpu.dma_semaphore, #tpu.memory_space<semaphore_mem>>) src(%dma_wait3A_93 : memref<10000x128xf32, #tpu.memory_space<hbm>>) dst(%dma_wait3A_87 : memref<80x128xf32, #tpu.memory_space<vmem>>)
      %dma_start3A_94 = arith.constant 1 : i32
      %dma_start3A_95 = arith.constant 1 : i32
      %dma_start3A_96 = arith.constant 1 : i32
      %dma_start3A_97 = arith.constant 0 : i32
      %dma_start3A_98 = arith.constant 0 : i32
      %dma_start3A_99 = tpu.memref_slice %arg7[%dma_start3A_94, %dma_start3A_97, %dma_start3A_98] : memref<3x80x128xf32, #tpu.memory_space<vmem>> -> memref<1x80x128xf32, #tpu.memory_space<vmem>>
      %dma_start3A_100 = tpu.memref_squeeze %dma_start3A_99 : memref<1x80x128xf32, #tpu.memory_space<vmem>> -> memref<80x128xf32, #tpu.memory_space<vmem>>
      %dma_start3A_101 = arith.constant 0 : i32
      %dma_start3A_102 = tpu.memref_slice %arg6[%dma_start3A_95, %dma_start3A_96, %dma_start3A_101] : memref<2x25x80xi32, #tpu.memory_space<vmem>> -> memref<1x1x80xi32, #tpu.memory_space<vmem>>
      %dma_start3A_103 = tpu.memref_squeeze %dma_start3A_102 : memref<1x1x80xi32, #tpu.memory_space<vmem>> -> memref<80xi32, #tpu.memory_space<vmem>>
      %dma_start3A_104 = arith.constant 0 : i32
      %dma_start3A_105 = arith.constant 0 : i32
      %dma_start3A_106 = tpu.memref_slice %arg8[%dma_start3A_104, %dma_start3A_105] : memref<10000x128xf32, #tpu.memory_space<vmem_shared>> -> memref<10000x128xf32, #tpu.memory_space<vmem_shared>>
      tpu.enqueue_indirect_dma source(%dma_start3A_100 : memref<80x128xf32, #tpu.memory_space<vmem>>) target(%dma_start3A_106 : memref<10000x128xf32, #tpu.memory_space<vmem_shared>>) offsets(%dma_start3A_103 : memref<80xi32, #tpu.memory_space<vmem>>) semaphore(%arg13 : memref<!tpu.dma_semaphore, #tpu.memory_space<semaphore_mem>>) {add = true}
      %dma_wait3A_107 = arith.constant 0 : i32
      %dma_wait3A_108 = arith.constant 1 : i32
      %dma_wait3A_109 = arith.constant 0 : i32
      %dma_wait3A_110 = arith.constant 0 : i32
      %dma_wait3A_111 = arith.constant 0 : i32
      %dma_wait3A_112 = tpu.memref_slice %arg7[%dma_wait3A_107, %dma_wait3A_110, %dma_wait3A_111] : memref<3x80x128xf32, #tpu.memory_space<vmem>> -> memref<1x80x128xf32, #tpu.memory_space<vmem>>
      %dma_wait3A_113 = tpu.memref_squeeze %dma_wait3A_112 : memref<1x80x128xf32, #tpu.memory_space<vmem>> -> memref<80x128xf32, #tpu.memory_space<vmem>>
      %dma_wait3A_114 = arith.constant 0 : i32
      %dma_wait3A_115 = tpu.memref_slice %arg6[%dma_wait3A_108, %dma_wait3A_109, %dma_wait3A_114] : memref<2x25x80xi32, #tpu.memory_space<vmem>> -> memref<1x1x80xi32, #tpu.memory_space<vmem>>
      %dma_wait3A_116 = tpu.memref_squeeze %dma_wait3A_115 : memref<1x1x80xi32, #tpu.memory_space<vmem>> -> memref<80xi32, #tpu.memory_space<vmem>>
      %dma_wait3A_117 = arith.constant 0 : i32
      %dma_wait3A_118 = arith.constant 0 : i32
      %dma_wait3A_119 = tpu.memref_slice %arg8[%dma_wait3A_117, %dma_wait3A_118] : memref<10000x128xf32, #tpu.memory_space<vmem_shared>> -> memref<10000x128xf32, #tpu.memory_space<vmem_shared>>
      tpu.wait_indirect_dma semaphore(%arg12 : memref<!tpu.dma_semaphore, #tpu.memory_space<semaphore_mem>>) src(%dma_wait3A_113 : memref<80x128xf32, #tpu.memory_space<vmem>>) dst(%dma_wait3A_119 : memref<10000x128xf32, #tpu.memory_space<vmem_shared>>)
      %dma_start3A_120 = arith.constant 0 : i32
      %dma_start3A_121 = arith.constant 3 : i32
      %dma_start3A_122 = arith.constant 0 : i32
      %dma_start3A_123 = arith.constant 0 : i32
      %dma_start3A_124 = arith.constant 0 : i32
      %dma_start3A_125 = tpu.memref_slice %arg7[%dma_start3A_122, %dma_start3A_123, %dma_start3A_124] : memref<3x80x128xf32, #tpu.memory_space<vmem>> -> memref<1x80x128xf32, #tpu.memory_space<vmem>>
      %dma_start3A_126 = tpu.memref_squeeze %dma_start3A_125 : memref<1x80x128xf32, #tpu.memory_space<vmem>> -> memref<80x128xf32, #tpu.memory_space<vmem>>
      %dma_start3A_127 = arith.constant 0 : i32
      %dma_start3A_128 = tpu.memref_slice %arg6[%dma_start3A_120, %dma_start3A_121, %dma_start3A_127] : memref<2x25x80xi32, #tpu.memory_space<vmem>> -> memref<1x1x80xi32, #tpu.memory_space<vmem>>
      %dma_start3A_129 = tpu.memref_squeeze %dma_start3A_128 : memref<1x1x80xi32, #tpu.memory_space<vmem>> -> memref<80xi32, #tpu.memory_space<vmem>>
      %dma_start3A_130 = arith.constant 0 : i32
      %dma_start3A_131 = arith.constant 0 : i32
      %dma_start3A_132 = tpu.memref_slice %arg2[%dma_start3A_130, %dma_start3A_131] : memref<10000x128xf32, #tpu.memory_space<hbm>> -> memref<10000x128xf32, #tpu.memory_space<hbm>>
      tpu.enqueue_indirect_dma source(%dma_start3A_132 : memref<10000x128xf32, #tpu.memory_space<hbm>>) target(%dma_start3A_126 : memref<80x128xf32, #tpu.memory_space<vmem>>) offsets(%dma_start3A_129 : memref<80xi32, #tpu.memory_space<vmem>>) semaphore(%arg9 : memref<!tpu.dma_semaphore, #tpu.memory_space<semaphore_mem>>)
      %dma_wait3A_133 = arith.constant 0 : i32
      %dma_wait3A_134 = arith.constant 2 : i32
      %dma_wait3A_135 = arith.constant 2 : i32
      %dma_wait3A_136 = arith.constant 0 : i32
      %dma_wait3A_137 = arith.constant 0 : i32
      %dma_wait3A_138 = tpu.memref_slice %arg7[%dma_wait3A_135, %dma_wait3A_136, %dma_wait3A_137] : memref<3x80x128xf32, #tpu.memory_space<vmem>> -> memref<1x80x128xf32, #tpu.memory_space<vmem>>
      %dma_wait3A_139 = tpu.memref_squeeze %dma_wait3A_138 : memref<1x80x128xf32, #tpu.memory_space<vmem>> -> memref<80x128xf32, #tpu.memory_space<vmem>>
      %dma_wait3A_140 = arith.constant 0 : i32
      %dma_wait3A_141 = tpu.memref_slice %arg6[%dma_wait3A_133, %dma_wait3A_134, %dma_wait3A_140] : memref<2x25x80xi32, #tpu.memory_space<vmem>> -> memref<1x1x80xi32, #tpu.memory_space<vmem>>
      %dma_wait3A_142 = tpu.memref_squeeze %dma_wait3A_141 : memref<1x1x80xi32, #tpu.memory_space<vmem>> -> memref<80xi32, #tpu.memory_space<vmem>>
      %dma_wait3A_143 = arith.constant 0 : i32
      %dma_wait3A_144 = arith.constant 0 : i32
      %dma_wait3A_145 = tpu.memref_slice %arg2[%dma_wait3A_143, %dma_wait3A_144] : memref<10000x128xf32, #tpu.memory_space<hbm>> -> memref<10000x128xf32, #tpu.memory_space<hbm>>
      tpu.wait_indirect_dma semaphore(%arg11 : memref<!tpu.dma_semaphore, #tpu.memory_space<semaphore_mem>>) src(%dma_wait3A_145 : memref<10000x128xf32, #tpu.memory_space<hbm>>) dst(%dma_wait3A_139 : memref<80x128xf32, #tpu.memory_space<vmem>>)
      %dma_start3A_146 = arith.constant 2 : i32
      %dma_start3A_147 = arith.constant 1 : i32
      %dma_start3A_148 = arith.constant 2 : i32
      %dma_start3A_149 = arith.constant 0 : i32
      %dma_start3A_150 = arith.constant 0 : i32
      %dma_start3A_151 = tpu.memref_slice %arg7[%dma_start3A_146, %dma_start3A_149, %dma_start3A_150] : memref<3x80x128xf32, #tpu.memory_space<vmem>> -> memref<1x80x128xf32, #tpu.memory_space<vmem>>
      %dma_start3A_152 = tpu.memref_squeeze %dma_start3A_151 : memref<1x80x128xf32, #tpu.memory_space<vmem>> -> memref<80x128xf32, #tpu.memory_space<vmem>>
      %dma_start3A_153 = arith.constant 0 : i32
      %dma_start3A_154 = tpu.memref_slice %arg6[%dma_start3A_147, %dma_start3A_148, %dma_start3A_153] : memref<2x25x80xi32, #tpu.memory_space<vmem>> -> memref<1x1x80xi32, #tpu.memory_space<vmem>>
      %dma_start3A_155 = tpu.memref_squeeze %dma_start3A_154 : memref<1x1x80xi32, #tpu.memory_space<vmem>> -> memref<80xi32, #tpu.memory_space<vmem>>
      %dma_start3A_156 = arith.constant 0 : i32
      %dma_start3A_157 = arith.constant 0 : i32
      %dma_start3A_158 = tpu.memref_slice %arg8[%dma_start3A_156, %dma_start3A_157] : memref<10000x128xf32, #tpu.memory_space<vmem_shared>> -> memref<10000x128xf32, #tpu.memory_space<vmem_shared>>
      tpu.enqueue_indirect_dma source(%dma_start3A_152 : memref<80x128xf32, #tpu.memory_space<vmem>>) target(%dma_start3A_158 : memref<10000x128xf32, #tpu.memory_space<vmem_shared>>) offsets(%dma_start3A_155 : memref<80xi32, #tpu.memory_space<vmem>>) semaphore(%arg14 : memref<!tpu.dma_semaphore, #tpu.memory_space<semaphore_mem>>) {add = true}
      %dma_wait3A_159 = arith.constant 1 : i32
      %dma_wait3A_160 = arith.constant 1 : i32
      %dma_wait3A_161 = arith.constant 1 : i32
      %dma_wait3A_162 = arith.constant 0 : i32
      %dma_wait3A_163 = arith.constant 0 : i32
      %dma_wait3A_164 = tpu.memref_slice %arg7[%dma_wait3A_159, %dma_wait3A_162, %dma_wait3A_163] : memref<3x80x128xf32, #tpu.memory_space<vmem>> -> memref<1x80x128xf32, #tpu.memory_space<vmem>>
      %dma_wait3A_165 = tpu.memref_squeeze %dma_wait3A_164 : memref<1x80x128xf32, #tpu.memory_space<vmem>> -> memref<80x128xf32, #tpu.memory_space<vmem>>
      %dma_wait3A_166 = arith.constant 0 : i32
      %dma_wait3A_167 = tpu.memref_slice %arg6[%dma_wait3A_160, %dma_wait3A_161, %dma_wait3A_166] : memref<2x25x80xi32, #tpu.memory_space<vmem>> -> memref<1x1x80xi32, #tpu.memory_space<vmem>>
      %dma_wait3A_168 = tpu.memref_squeeze %dma_wait3A_167 : memref<1x1x80xi32, #tpu.memory_space<vmem>> -> memref<80xi32, #tpu.memory_space<vmem>>
      %dma_wait3A_169 = arith.constant 0 : i32
      %dma_wait3A_170 = arith.constant 0 : i32
      %dma_wait3A_171 = tpu.memref_slice %arg8[%dma_wait3A_169, %dma_wait3A_170] : memref<10000x128xf32, #tpu.memory_space<vmem_shared>> -> memref<10000x128xf32, #tpu.memory_space<vmem_shared>>
      tpu.wait_indirect_dma semaphore(%arg13 : memref<!tpu.dma_semaphore, #tpu.memory_space<semaphore_mem>>) src(%dma_wait3A_165 : memref<80x128xf32, #tpu.memory_space<vmem>>) dst(%dma_wait3A_171 : memref<10000x128xf32, #tpu.memory_space<vmem_shared>>)
      %dma_start3A_172 = arith.constant 0 : i32
      %dma_start3A_173 = arith.constant 4 : i32
      %dma_start3A_174 = arith.constant 1 : i32
      %dma_start3A_175 = arith.constant 0 : i32
      %dma_start3A_176 = arith.constant 0 : i32
      %dma_start3A_177 = tpu.memref_slice %arg7[%dma_start3A_174, %dma_start3A_175, %dma_start3A_176] : memref<3x80x128xf32, #tpu.memory_space<vmem>> -> memref<1x80x128xf32, #tpu.memory_space<vmem>>
      %dma_start3A_178 = tpu.memref_squeeze %dma_start3A_177 : memref<1x80x128xf32, #tpu.memory_space<vmem>> -> memref<80x128xf32, #tpu.memory_space<vmem>>
      %dma_start3A_179 = arith.constant 0 : i32
      %dma_start3A_180 = tpu.memref_slice %arg6[%dma_start3A_172, %dma_start3A_173, %dma_start3A_179] : memref<2x25x80xi32, #tpu.memory_space<vmem>> -> memref<1x1x80xi32, #tpu.memory_space<vmem>>
      %dma_start3A_181 = tpu.memref_squeeze %dma_start3A_180 : memref<1x1x80xi32, #tpu.memory_space<vmem>> -> memref<80xi32, #tpu.memory_space<vmem>>
      %dma_start3A_182 = arith.constant 0 : i32
      %dma_start3A_183 = arith.constant 0 : i32
      %dma_start3A_184 = tpu.memref_slice %arg2[%dma_start3A_182, %dma_start3A_183] : memref<10000x128xf32, #tpu.memory_space<hbm>> -> memref<10000x128xf32, #tpu.memory_space<hbm>>
      tpu.enqueue_indirect_dma source(%dma_start3A_184 : memref<10000x128xf32, #tpu.memory_space<hbm>>) target(%dma_start3A_178 : memref<80x128xf32, #tpu.memory_space<vmem>>) offsets(%dma_start3A_181 : memref<80xi32, #tpu.memory_space<vmem>>) semaphore(%arg10 : memref<!tpu.dma_semaphore, #tpu.memory_space<semaphore_mem>>)
      %dma_wait3A_185 = arith.constant 0 : i32
      %dma_wait3A_186 = arith.constant 3 : i32
      %dma_wait3A_187 = arith.constant 0 : i32
      %dma_wait3A_188 = arith.constant 0 : i32
      %dma_wait3A_189 = arith.constant 0 : i32
      %dma_wait3A_190 = tpu.memref_slice %arg7[%dma_wait3A_187, %dma_wait3A_188, %dma_wait3A_189] : memref<3x80x128xf32, #tpu.memory_space<vmem>> -> memref<1x80x128xf32, #tpu.memory_space<vmem>>
      %dma_wait3A_191 = tpu.memref_squeeze %dma_wait3A_190 : memref<1x80x128xf32, #tpu.memory_space<vmem>> -> memref<80x128xf32, #tpu.memory_space<vmem>>
      %dma_wait3A_192 = arith.constant 0 : i32
      %dma_wait3A_193 = tpu.memref_slice %arg6[%dma_wait3A_185, %dma_wait3A_186, %dma_wait3A_192] : memref<2x25x80xi32, #tpu.memory_space<vmem>> -> memref<1x1x80xi32, #tpu.memory_space<vmem>>
      %dma_wait3A_194 = tpu.memref_squeeze %dma_wait3A_193 : memref<1x1x80xi32, #tpu.memory_space<vmem>> -> memref<80xi32, #tpu.memory_space<vmem>>
      %dma_wait3A_195 = arith.constant 0 : i32
      %dma_wait3A_196 = arith.constant 0 : i32
      %dma_wait3A_197 = tpu.memref_slice %arg2[%dma_wait3A_195, %dma_wait3A_196] : memref<10000x128xf32, #tpu.memory_space<hbm>> -> memref<10000x128xf32, #tpu.memory_space<hbm>>
      tpu.wait_indirect_dma semaphore(%arg9 : memref<!tpu.dma_semaphore, #tpu.memory_space<semaphore_mem>>) src(%dma_wait3A_197 : memref<10000x128xf32, #tpu.memory_space<hbm>>) dst(%dma_wait3A_191 : memref<80x128xf32, #tpu.memory_space<vmem>>)
      %dma_start3A_198 = arith.constant 0 : i32
      %dma_start3A_199 = arith.constant 1 : i32
      %dma_start3A_200 = arith.constant 3 : i32
      %dma_start3A_201 = arith.constant 0 : i32
      %dma_start3A_202 = arith.constant 0 : i32
      %dma_start3A_203 = tpu.memref_slice %arg7[%dma_start3A_198, %dma_start3A_201, %dma_start3A_202] : memref<3x80x128xf32, #tpu.memory_space<vmem>> -> memref<1x80x128xf32, #tpu.memory_space<vmem>>
      %dma_start3A_204 = tpu.memref_squeeze %dma_start3A_203 : memref<1x80x128xf32, #tpu.memory_space<vmem>> -> memref<80x128xf32, #tpu.memory_space<vmem>>
      %dma_start3A_205 = arith.constant 0 : i32
      %dma_start3A_206 = tpu.memref_slice %arg6[%dma_start3A_199, %dma_start3A_200, %dma_start3A_205] : memref<2x25x80xi32, #tpu.memory_space<vmem>> -> memref<1x1x80xi32, #tpu.memory_space<vmem>>
      %dma_start3A_207 = tpu.memref_squeeze %dma_start3A_206 : memref<1x1x80xi32, #tpu.memory_space<vmem>> -> memref<80xi32, #tpu.memory_space<vmem>>
      %dma_start3A_208 = arith.constant 0 : i32
      %dma_start3A_209 = arith.constant 0 : i32
      %dma_start3A_210 = tpu.memref_slice %arg8[%dma_start3A_208, %dma_start3A_209] : memref<10000x128xf32, #tpu.memory_space<vmem_shared>> -> memref<10000x128xf32, #tpu.memory_space<vmem_shared>>
      tpu.enqueue_indirect_dma source(%dma_start3A_204 : memref<80x128xf32, #tpu.memory_space<vmem>>) target(%dma_start3A_210 : memref<10000x128xf32, #tpu.memory_space<vmem_shared>>) offsets(%dma_start3A_207 : memref<80xi32, #tpu.memory_space<vmem>>) semaphore(%arg12 : memref<!tpu.dma_semaphore, #tpu.memory_space<semaphore_mem>>) {add = true}
      %dma_wait3A_211 = arith.constant 2 : i32
      %dma_wait3A_212 = arith.constant 1 : i32
      %dma_wait3A_213 = arith.constant 2 : i32
      %dma_wait3A_214 = arith.constant 0 : i32
      %dma_wait3A_215 = arith.constant 0 : i32
      %dma_wait3A_216 = tpu.memref_slice %arg7[%dma_wait3A_211, %dma_wait3A_214, %dma_wait3A_215] : memref<3x80x128xf32, #tpu.memory_space<vmem>> -> memref<1x80x128xf32, #tpu.memory_space<vmem>>
      %dma_wait3A_217 = tpu.memref_squeeze %dma_wait3A_216 : memref<1x80x128xf32, #tpu.memory_space<vmem>> -> memref<80x128xf32, #tpu.memory_space<vmem>>
      %dma_wait3A_218 = arith.constant 0 : i32
      %dma_wait3A_219 = tpu.memref_slice %arg6[%dma_wait3A_212, %dma_wait3A_213, %dma_wait3A_218] : memref<2x25x80xi32, #tpu.memory_space<vmem>> -> memref<1x1x80xi32, #tpu.memory_space<vmem>>
      %dma_wait3A_220 = tpu.memref_squeeze %dma_wait3A_219 : memref<1x1x80xi32, #tpu.memory_space<vmem>> -> memref<80xi32, #tpu.memory_space<vmem>>
      %dma_wait3A_221 = arith.constant 0 : i32
      %dma_wait3A_222 = arith.constant 0 : i32
      %dma_wait3A_223 = tpu.memref_slice %arg8[%dma_wait3A_221, %dma_wait3A_222] : memref<10000x128xf32, #tpu.memory_space<vmem_shared>> -> memref<10000x128xf32, #tpu.memory_space<vmem_shared>>
      tpu.wait_indirect_dma semaphore(%arg14 : memref<!tpu.dma_semaphore, #tpu.memory_space<semaphore_mem>>) src(%dma_wait3A_217 : memref<80x128xf32, #tpu.memory_space<vmem>>) dst(%dma_wait3A_223 : memref<10000x128xf32, #tpu.memory_space<vmem_shared>>)
      %dma_start3A_224 = arith.constant 0 : i32
      %dma_start3A_225 = arith.constant 5 : i32
      %dma_start3A_226 = arith.constant 2 : i32
      %dma_start3A_227 = arith.constant 0 : i32
      %dma_start3A_228 = arith.constant 0 : i32
      %dma_start3A_229 = tpu.memref_slice %arg7[%dma_start3A_226, %dma_start3A_227, %dma_start3A_228] : memref<3x80x128xf32, #tpu.memory_space<vmem>> -> memref<1x80x128xf32, #tpu.memory_space<vmem>>
      %dma_start3A_230 = tpu.memref_squeeze %dma_start3A_229 : memref<1x80x128xf32, #tpu.memory_space<vmem>> -> memref<80x128xf32, #tpu.memory_space<vmem>>
      %dma_start3A_231 = arith.constant 0 : i32
      %dma_start3A_232 = tpu.memref_slice %arg6[%dma_start3A_224, %dma_start3A_225, %dma_start3A_231] : memref<2x25x80xi32, #tpu.memory_space<vmem>> -> memref<1x1x80xi32, #tpu.memory_space<vmem>>
      %dma_start3A_233 = tpu.memref_squeeze %dma_start3A_232 : memref<1x1x80xi32, #tpu.memory_space<vmem>> -> memref<80xi32, #tpu.memory_space<vmem>>
      %dma_start3A_234 = arith.constant 0 : i32
      %dma_start3A_235 = arith.constant 0 : i32
      %dma_start3A_236 = tpu.memref_slice %arg2[%dma_start3A_234, %dma_start3A_235] : memref<10000x128xf32, #tpu.memory_space<hbm>> -> memref<10000x128xf32, #tpu.memory_space<hbm>>
      tpu.enqueue_indirect_dma source(%dma_start3A_236 : memref<10000x128xf32, #tpu.memory_space<hbm>>) target(%dma_start3A_230 : memref<80x128xf32, #tpu.memory_space<vmem>>) offsets(%dma_start3A_233 : memref<80xi32, #tpu.memory_space<vmem>>) semaphore(%arg11 : memref<!tpu.dma_semaphore, #tpu.memory_space<semaphore_mem>>)
      %dma_wait3A_237 = arith.constant 0 : i32
      %dma_wait3A_238 = arith.constant 4 : i32
      %dma_wait3A_239 = arith.constant 1 : i32
      %dma_wait3A_240 = arith.constant 0 : i32
      %dma_wait3A_241 = arith.constant 0 : i32
      %dma_wait3A_242 = tpu.memref_slice %arg7[%dma_wait3A_239, %dma_wait3A_240, %dma_wait3A_241] : memref<3x80x128xf32, #tpu.memory_space<vmem>> -> memref<1x80x128xf32, #tpu.memory_space<vmem>>
      %dma_wait3A_243 = tpu.memref_squeeze %dma_wait3A_242 : memref<1x80x128xf32, #tpu.memory_space<vmem>> -> memref<80x128xf32, #tpu.memory_space<vmem>>
      %dma_wait3A_244 = arith.constant 0 : i32
      %dma_wait3A_245 = tpu.memref_slice %arg6[%dma_wait3A_237, %dma_wait3A_238, %dma_wait3A_244] : memref<2x25x80xi32, #tpu.memory_space<vmem>> -> memref<1x1x80xi32, #tpu.memory_space<vmem>>
      %dma_wait3A_246 = tpu.memref_squeeze %dma_wait3A_245 : memref<1x1x80xi32, #tpu.memory_space<vmem>> -> memref<80xi32, #tpu.memory_space<vmem>>
      %dma_wait3A_247 = arith.constant 0 : i32
      %dma_wait3A_248 = arith.constant 0 : i32
      %dma_wait3A_249 = tpu.memref_slice %arg2[%dma_wait3A_247, %dma_wait3A_248] : memref<10000x128xf32, #tpu.memory_space<hbm>> -> memref<10000x128xf32, #tpu.memory_space<hbm>>
      tpu.wait_indirect_dma semaphore(%arg10 : memref<!tpu.dma_semaphore, #tpu.memory_space<semaphore_mem>>) src(%dma_wait3A_249 : memref<10000x128xf32, #tpu.memory_space<hbm>>) dst(%dma_wait3A_243 : memref<80x128xf32, #tpu.memory_space<vmem>>)
      %dma_start3A_250 = arith.constant 1 : i32
      %dma_start3A_251 = arith.constant 1 : i32
      %dma_start3A_252 = arith.constant 4 : i32
      %dma_start3A_253 = arith.constant 0 : i32
      %dma_start3A_254 = arith.constant 0 : i32
      %dma_start3A_255 = tpu.memref_slice %arg7[%dma_start3A_250, %dma_start3A_253, %dma_start3A_254] : memref<3x80x128xf32, #tpu.memory_space<vmem>> -> memref<1x80x128xf32, #tpu.memory_space<vmem>>
      %dma_start3A_256 = tpu.memref_squeeze %dma_start3A_255 : memref<1x80x128xf32, #tpu.memory_space<vmem>> -> memref<80x128xf32, #tpu.memory_space<vmem>>
      %dma_start3A_257 = arith.constant 0 : i32
      %dma_start3A_258 = tpu.memref_slice %arg6[%dma_start3A_251, %dma_start3A_252, %dma_start3A_257] : memref<2x25x80xi32, #tpu.memory_space<vmem>> -> memref<1x1x80xi32, #tpu.memory_space<vmem>>
      %dma_start3A_259 = tpu.memref_squeeze %dma_start3A_258 : memref<1x1x80xi32, #tpu.memory_space<vmem>> -> memref<80xi32, #tpu.memory_space<vmem>>
      %dma_start3A_260 = arith.constant 0 : i32
      %dma_start3A_261 = arith.constant 0 : i32
      %dma_start3A_262 = tpu.memref_slice %arg8[%dma_start3A_260, %dma_start3A_261] : memref<10000x128xf32, #tpu.memory_space<vmem_shared>> -> memref<10000x128xf32, #tpu.memory_space<vmem_shared>>
      tpu.enqueue_indirect_dma source(%dma_start3A_256 : memref<80x128xf32, #tpu.memory_space<vmem>>) target(%dma_start3A_262 : memref<10000x128xf32, #tpu.memory_space<vmem_shared>>) offsets(%dma_start3A_259 : memref<80xi32, #tpu.memory_space<vmem>>) semaphore(%arg13 : memref<!tpu.dma_semaphore, #tpu.memory_space<semaphore_mem>>) {add = true}
      %dma_wait3A_263 = arith.constant 0 : i32
      %dma_wait3A_264 = arith.constant 1 : i32
      %dma_wait3A_265 = arith.constant 3 : i32
      %dma_wait3A_266 = arith.constant 0 : i32
      %dma_wait3A_267 = arith.constant 0 : i32
      %dma_wait3A_268 = tpu.memref_slice %arg7[%dma_wait3A_263, %dma_wait3A_266, %dma_wait3A_267] : memref<3x80x128xf32, #tpu.memory_space<vmem>> -> memref<1x80x128xf32, #tpu.memory_space<vmem>>
      %dma_wait3A_269 = tpu.memref_squeeze %dma_wait3A_268 : memref<1x80x128xf32, #tpu.memory_space<vmem>> -> memref<80x128xf32, #tpu.memory_space<vmem>>
      %dma_wait3A_270 = arith.constant 0 : i32
      %dma_wait3A_271 = tpu.memref_slice %arg6[%dma_wait3A_264, %dma_wait3A_265, %dma_wait3A_270] : memref<2x25x80xi32, #tpu.memory_space<vmem>> -> memref<1x1x80xi32, #tpu.memory_space<vmem>>
      %dma_wait3A_272 = tpu.memref_squeeze %dma_wait3A_271 : memref<1x1x80xi32, #tpu.memory_space<vmem>> -> memref<80xi32, #tpu.memory_space<vmem>>
      %dma_wait3A_273 = arith.constant 0 : i32
      %dma_wait3A_274 = arith.constant 0 : i32
      %dma_wait3A_275 = tpu.memref_slice %arg8[%dma_wait3A_273, %dma_wait3A_274] : memref<10000x128xf32, #tpu.memory_space<vmem_shared>> -> memref<10000x128xf32, #tpu.memory_space<vmem_shared>>
      tpu.wait_indirect_dma semaphore(%arg12 : memref<!tpu.dma_semaphore, #tpu.memory_space<semaphore_mem>>) src(%dma_wait3A_269 : memref<80x128xf32, #tpu.memory_space<vmem>>) dst(%dma_wait3A_275 : memref<10000x128xf32, #tpu.memory_space<vmem_shared>>)
      %dma_start3A_276 = arith.constant 0 : i32
      %dma_start3A_277 = arith.constant 6 : i32
      %dma_start3A_278 = arith.constant 0 : i32
      %dma_start3A_279 = arith.constant 0 : i32
      %dma_start3A_280 = arith.constant 0 : i32
      %dma_start3A_281 = tpu.memref_slice %arg7[%dma_start3A_278, %dma_start3A_279, %dma_start3A_280] : memref<3x80x128xf32, #tpu.memory_space<vmem>> -> memref<1x80x128xf32, #tpu.memory_space<vmem>>
      %dma_start3A_282 = tpu.memref_squeeze %dma_start3A_281 : memref<1x80x128xf32, #tpu.memory_space<vmem>> -> memref<80x128xf32, #tpu.memory_space<vmem>>
      %dma_start3A_283 = arith.constant 0 : i32
      %dma_start3A_284 = tpu.memref_slice %arg6[%dma_start3A_276, %dma_start3A_277, %dma_start3A_283] : memref<2x25x80xi32, #tpu.memory_space<vmem>> -> memref<1x1x80xi32, #tpu.memory_space<vmem>>
      %dma_start3A_285 = tpu.memref_squeeze %dma_start3A_284 : memref<1x1x80xi32, #tpu.memory_space<vmem>> -> memref<80xi32, #tpu.memory_space<vmem>>
      %dma_start3A_286 = arith.constant 0 : i32
      %dma_start3A_287 = arith.constant 0 : i32
      %dma_start3A_288 = tpu.memref_slice %arg2[%dma_start3A_286, %dma_start3A_287] : memref<10000x128xf32, #tpu.memory_space<hbm>> -> memref<10000x128xf32, #tpu.memory_space<hbm>>
      tpu.enqueue_indirect_dma source(%dma_start3A_288 : memref<10000x128xf32, #tpu.memory_space<hbm>>) target(%dma_start3A_282 : memref<80x128xf32, #tpu.memory_space<vmem>>) offsets(%dma_start3A_285 : memref<80xi32, #tpu.memory_space<vmem>>) semaphore(%arg9 : memref<!tpu.dma_semaphore, #tpu.memory_space<semaphore_mem>>)
      %dma_wait3A_289 = arith.constant 0 : i32
      %dma_wait3A_290 = arith.constant 5 : i32
      %dma_wait3A_291 = arith.constant 2 : i32
      %dma_wait3A_292 = arith.constant 0 : i32
      %dma_wait3A_293 = arith.constant 0 : i32
      %dma_wait3A_294 = tpu.memref_slice %arg7[%dma_wait3A_291, %dma_wait3A_292, %dma_wait3A_293] : memref<3x80x128xf32, #tpu.memory_space<vmem>> -> memref<1x80x128xf32, #tpu.memory_space<vmem>>
      %dma_wait3A_295 = tpu.memref_squeeze %dma_wait3A_294 : memref<1x80x128xf32, #tpu.memory_space<vmem>> -> memref<80x128xf32, #tpu.memory_space<vmem>>
      %dma_wait3A_296 = arith.constant 0 : i32
      %dma_wait3A_297 = tpu.memref_slice %arg6[%dma_wait3A_289, %dma_wait3A_290, %dma_wait3A_296] : memref<2x25x80xi32, #tpu.memory_space<vmem>> -> memref<1x1x80xi32, #tpu.memory_space<vmem>>
      %dma_wait3A_298 = tpu.memref_squeeze %dma_wait3A_297 : memref<1x1x80xi32, #tpu.memory_space<vmem>> -> memref<80xi32, #tpu.memory_space<vmem>>
      %dma_wait3A_299 = arith.constant 0 : i32
      %dma_wait3A_300 = arith.constant 0 : i32
      %dma_wait3A_301 = tpu.memref_slice %arg2[%dma_wait3A_299, %dma_wait3A_300] : memref<10000x128xf32, #tpu.memory_space<hbm>> -> memref<10000x128xf32, #tpu.memory_space<hbm>>
      tpu.wait_indirect_dma semaphore(%arg11 : memref<!tpu.dma_semaphore, #tpu.memory_space<semaphore_mem>>) src(%dma_wait3A_301 : memref<10000x128xf32, #tpu.memory_space<hbm>>) dst(%dma_wait3A_295 : memref<80x128xf32, #tpu.memory_space<vmem>>)
      %dma_start3A_302 = arith.constant 2 : i32
      %dma_start3A_303 = arith.constant 1 : i32
      %dma_start3A_304 = arith.constant 5 : i32
      %dma_start3A_305 = arith.constant 0 : i32
      %dma_start3A_306 = arith.constant 0 : i32
      %dma_start3A_307 = tpu.memref_slice %arg7[%dma_start3A_302, %dma_start3A_305, %dma_start3A_306] : memref<3x80x128xf32, #tpu.memory_space<vmem>> -> memref<1x80x128xf32, #tpu.memory_space<vmem>>
      %dma_start3A_308 = tpu.memref_squeeze %dma_start3A_307 : memref<1x80x128xf32, #tpu.memory_space<vmem>> -> memref<80x128xf32, #tpu.memory_space<vmem>>
      %dma_start3A_309 = arith.constant 0 : i32
      %dma_start3A_310 = tpu.memref_slice %arg6[%dma_start3A_303, %dma_start3A_304, %dma_start3A_309] : memref<2x25x80xi32, #tpu.memory_space<vmem>> -> memref<1x1x80xi32, #tpu.memory_space<vmem>>
      %dma_start3A_311 = tpu.memref_squeeze %dma_start3A_310 : memref<1x1x80xi32, #tpu.memory_space<vmem>> -> memref<80xi32, #tpu.memory_space<vmem>>
      %dma_start3A_312 = arith.constant 0 : i32
      %dma_start3A_313 = arith.constant 0 : i32
      %dma_start3A_314 = tpu.memref_slice %arg8[%dma_start3A_312, %dma_start3A_313] : memref<10000x128xf32, #tpu.memory_space<vmem_shared>> -> memref<10000x128xf32, #tpu.memory_space<vmem_shared>>
      tpu.enqueue_indirect_dma source(%dma_start3A_308 : memref<80x128xf32, #tpu.memory_space<vmem>>) target(%dma_start3A_314 : memref<10000x128xf32, #tpu.memory_space<vmem_shared>>) offsets(%dma_start3A_311 : memref<80xi32, #tpu.memory_space<vmem>>) semaphore(%arg14 : memref<!tpu.dma_semaphore, #tpu.memory_space<semaphore_mem>>) {add = true}
      %dma_wait3A_315 = arith.constant 1 : i32
      %dma_wait3A_316 = arith.constant 1 : i32
      %dma_wait3A_317 = arith.constant 4 : i32
      %dma_wait3A_318 = arith.constant 0 : i32
      %dma_wait3A_319 = arith.constant 0 : i32
      %dma_wait3A_320 = tpu.memref_slice %arg7[%dma_wait3A_315, %dma_wait3A_318, %dma_wait3A_319] : memref<3x80x128xf32, #tpu.memory_space<vmem>> -> memref<1x80x128xf32, #tpu.memory_space<vmem>>
      %dma_wait3A_321 = tpu.memref_squeeze %dma_wait3A_320 : memref<1x80x128xf32, #tpu.memory_space<vmem>> -> memref<80x128xf32, #tpu.memory_space<vmem>>
      %dma_wait3A_322 = arith.constant 0 : i32
      %dma_wait3A_323 = tpu.memref_slice %arg6[%dma_wait3A_316, %dma_wait3A_317, %dma_wait3A_322] : memref<2x25x80xi32, #tpu.memory_space<vmem>> -> memref<1x1x80xi32, #tpu.memory_space<vmem>>
      %dma_wait3A_324 = tpu.memref_squeeze %dma_wait3A_323 : memref<1x1x80xi32, #tpu.memory_space<vmem>> -> memref<80xi32, #tpu.memory_space<vmem>>
      %dma_wait3A_325 = arith.constant 0 : i32
      %dma_wait3A_326 = arith.constant 0 : i32
      %dma_wait3A_327 = tpu.memref_slice %arg8[%dma_wait3A_325, %dma_wait3A_326] : memref<10000x128xf32, #tpu.memory_space<vmem_shared>> -> memref<10000x128xf32, #tpu.memory_space<vmem_shared>>
      tpu.wait_indirect_dma semaphore(%arg13 : memref<!tpu.dma_semaphore, #tpu.memory_space<semaphore_mem>>) src(%dma_wait3A_321 : memref<80x128xf32, #tpu.memory_space<vmem>>) dst(%dma_wait3A_327 : memref<10000x128xf32, #tpu.memory_space<vmem_shared>>)
      %dma_start3A_328 = arith.constant 0 : i32
      %dma_start3A_329 = arith.constant 7 : i32
      %dma_start3A_330 = arith.constant 1 : i32
      %dma_start3A_331 = arith.constant 0 : i32
      %dma_start3A_332 = arith.constant 0 : i32
      %dma_start3A_333 = tpu.memref_slice %arg7[%dma_start3A_330, %dma_start3A_331, %dma_start3A_332] : memref<3x80x128xf32, #tpu.memory_space<vmem>> -> memref<1x80x128xf32, #tpu.memory_space<vmem>>
      %dma_start3A_334 = tpu.memref_squeeze %dma_start3A_333 : memref<1x80x128xf32, #tpu.memory_space<vmem>> -> memref<80x128xf32, #tpu.memory_space<vmem>>
      %dma_start3A_335 = arith.constant 0 : i32
      %dma_start3A_336 = tpu.memref_slice %arg6[%dma_start3A_328, %dma_start3A_329, %dma_start3A_335] : memref<2x25x80xi32, #tpu.memory_space<vmem>> -> memref<1x1x80xi32, #tpu.memory_space<vmem>>
      %dma_start3A_337 = tpu.memref_squeeze %dma_start3A_336 : memref<1x1x80xi32, #tpu.memory_space<vmem>> -> memref<80xi32, #tpu.memory_space<vmem>>
      %dma_start3A_338 = arith.constant 0 : i32
      %dma_start3A_339 = arith.constant 0 : i32
      %dma_start3A_340 = tpu.memref_slice %arg2[%dma_start3A_338, %dma_start3A_339] : memref<10000x128xf32, #tpu.memory_space<hbm>> -> memref<10000x128xf32, #tpu.memory_space<hbm>>
      tpu.enqueue_indirect_dma source(%dma_start3A_340 : memref<10000x128xf32, #tpu.memory_space<hbm>>) target(%dma_start3A_334 : memref<80x128xf32, #tpu.memory_space<vmem>>) offsets(%dma_start3A_337 : memref<80xi32, #tpu.memory_space<vmem>>) semaphore(%arg10 : memref<!tpu.dma_semaphore, #tpu.memory_space<semaphore_mem>>)
      %dma_wait3A_341 = arith.constant 0 : i32
      %dma_wait3A_342 = arith.constant 6 : i32
      %dma_wait3A_343 = arith.constant 0 : i32
      %dma_wait3A_344 = arith.constant 0 : i32
      %dma_wait3A_345 = arith.constant 0 : i32
      %dma_wait3A_346 = tpu.memref_slice %arg7[%dma_wait3A_343, %dma_wait3A_344, %dma_wait3A_345] : memref<3x80x128xf32, #tpu.memory_space<vmem>> -> memref<1x80x128xf32, #tpu.memory_space<vmem>>
      %dma_wait3A_347 = tpu.memref_squeeze %dma_wait3A_346 : memref<1x80x128xf32, #tpu.memory_space<vmem>> -> memref<80x128xf32, #tpu.memory_space<vmem>>
      %dma_wait3A_348 = arith.constant 0 : i32
      %dma_wait3A_349 = tpu.memref_slice %arg6[%dma_wait3A_341, %dma_wait3A_342, %dma_wait3A_348] : memref<2x25x80xi32, #tpu.memory_space<vmem>> -> memref<1x1x80xi32, #tpu.memory_space<vmem>>
      %dma_wait3A_350 = tpu.memref_squeeze %dma_wait3A_349 : memref<1x1x80xi32, #tpu.memory_space<vmem>> -> memref<80xi32, #tpu.memory_space<vmem>>
      %dma_wait3A_351 = arith.constant 0 : i32
      %dma_wait3A_352 = arith.constant 0 : i32
      %dma_wait3A_353 = tpu.memref_slice %arg2[%dma_wait3A_351, %dma_wait3A_352] : memref<10000x128xf32, #tpu.memory_space<hbm>> -> memref<10000x128xf32, #tpu.memory_space<hbm>>
      tpu.wait_indirect_dma semaphore(%arg9 : memref<!tpu.dma_semaphore, #tpu.memory_space<semaphore_mem>>) src(%dma_wait3A_353 : memref<10000x128xf32, #tpu.memory_space<hbm>>) dst(%dma_wait3A_347 : memref<80x128xf32, #tpu.memory_space<vmem>>)
      %dma_start3A_354 = arith.constant 0 : i32
      %dma_start3A_355 = arith.constant 1 : i32
      %dma_start3A_356 = arith.constant 6 : i32
      %dma_start3A_357 = arith.constant 0 : i32
      %dma_start3A_358 = arith.constant 0 : i32
      %dma_start3A_359 = tpu.memref_slice %arg7[%dma_start3A_354, %dma_start3A_357, %dma_start3A_358] : memref<3x80x128xf32, #tpu.memory_space<vmem>> -> memref<1x80x128xf32, #tpu.memory_space<vmem>>
      %dma_start3A_360 = tpu.memref_squeeze %dma_start3A_359 : memref<1x80x128xf32, #tpu.memory_space<vmem>> -> memref<80x128xf32, #tpu.memory_space<vmem>>
      %dma_start3A_361 = arith.constant 0 : i32
      %dma_start3A_362 = tpu.memref_slice %arg6[%dma_start3A_355, %dma_start3A_356, %dma_start3A_361] : memref<2x25x80xi32, #tpu.memory_space<vmem>> -> memref<1x1x80xi32, #tpu.memory_space<vmem>>
      %dma_start3A_363 = tpu.memref_squeeze %dma_start3A_362 : memref<1x1x80xi32, #tpu.memory_space<vmem>> -> memref<80xi32, #tpu.memory_space<vmem>>
      %dma_start3A_364 = arith.constant 0 : i32
      %dma_start3A_365 = arith.constant 0 : i32
      %dma_start3A_366 = tpu.memref_slice %arg8[%dma_start3A_364, %dma_start3A_365] : memref<10000x128xf32, #tpu.memory_space<vmem_shared>> -> memref<10000x128xf32, #tpu.memory_space<vmem_shared>>
      tpu.enqueue_indirect_dma source(%dma_start3A_360 : memref<80x128xf32, #tpu.memory_space<vmem>>) target(%dma_start3A_366 : memref<10000x128xf32, #tpu.memory_space<vmem_shared>>) offsets(%dma_start3A_363 : memref<80xi32, #tpu.memory_space<vmem>>) semaphore(%arg12 : memref<!tpu.dma_semaphore, #tpu.memory_space<semaphore_mem>>) {add = true}
      %dma_wait3A_367 = arith.constant 2 : i32
      %dma_wait3A_368 = arith.constant 1 : i32
      %dma_wait3A_369 = arith.constant 5 : i32
      %dma_wait3A_370 = arith.constant 0 : i32
      %dma_wait3A_371 = arith.constant 0 : i32
      %dma_wait3A_372 = tpu.memref_slice %arg7[%dma_wait3A_367, %dma_wait3A_370, %dma_wait3A_371] : memref<3x80x128xf32, #tpu.memory_space<vmem>> -> memref<1x80x128xf32, #tpu.memory_space<vmem>>
      %dma_wait3A_373 = tpu.memref_squeeze %dma_wait3A_372 : memref<1x80x128xf32, #tpu.memory_space<vmem>> -> memref<80x128xf32, #tpu.memory_space<vmem>>
      %dma_wait3A_374 = arith.constant 0 : i32
      %dma_wait3A_375 = tpu.memref_slice %arg6[%dma_wait3A_368, %dma_wait3A_369, %dma_wait3A_374] : memref<2x25x80xi32, #tpu.memory_space<vmem>> -> memref<1x1x80xi32, #tpu.memory_space<vmem>>
      %dma_wait3A_376 = tpu.memref_squeeze %dma_wait3A_375 : memref<1x1x80xi32, #tpu.memory_space<vmem>> -> memref<80xi32, #tpu.memory_space<vmem>>
      %dma_wait3A_377 = arith.constant 0 : i32
      %dma_wait3A_378 = arith.constant 0 : i32
      %dma_wait3A_379 = tpu.memref_slice %arg8[%dma_wait3A_377, %dma_wait3A_378] : memref<10000x128xf32, #tpu.memory_space<vmem_shared>> -> memref<10000x128xf32, #tpu.memory_space<vmem_shared>>
      tpu.wait_indirect_dma semaphore(%arg14 : memref<!tpu.dma_semaphore, #tpu.memory_space<semaphore_mem>>) src(%dma_wait3A_373 : memref<80x128xf32, #tpu.memory_space<vmem>>) dst(%dma_wait3A_379 : memref<10000x128xf32, #tpu.memory_space<vmem_shared>>)
      %dma_start3A_380 = arith.constant 0 : i32
      %dma_start3A_381 = arith.constant 8 : i32
      %dma_start3A_382 = arith.constant 2 : i32
      %dma_start3A_383 = arith.constant 0 : i32
      %dma_start3A_384 = arith.constant 0 : i32
      %dma_start3A_385 = tpu.memref_slice %arg7[%dma_start3A_382, %dma_start3A_383, %dma_start3A_384] : memref<3x80x128xf32, #tpu.memory_space<vmem>> -> memref<1x80x128xf32, #tpu.memory_space<vmem>>
      %dma_start3A_386 = tpu.memref_squeeze %dma_start3A_385 : memref<1x80x128xf32, #tpu.memory_space<vmem>> -> memref<80x128xf32, #tpu.memory_space<vmem>>
      %dma_start3A_387 = arith.constant 0 : i32
      %dma_start3A_388 = tpu.memref_slice %arg6[%dma_start3A_380, %dma_start3A_381, %dma_start3A_387] : memref<2x25x80xi32, #tpu.memory_space<vmem>> -> memref<1x1x80xi32, #tpu.memory_space<vmem>>
      %dma_start3A_389 = tpu.memref_squeeze %dma_start3A_388 : memref<1x1x80xi32, #tpu.memory_space<vmem>> -> memref<80xi32, #tpu.memory_space<vmem>>
      %dma_start3A_390 = arith.constant 0 : i32
      %dma_start3A_391 = arith.constant 0 : i32
      %dma_start3A_392 = tpu.memref_slice %arg2[%dma_start3A_390, %dma_start3A_391] : memref<10000x128xf32, #tpu.memory_space<hbm>> -> memref<10000x128xf32, #tpu.memory_space<hbm>>
      tpu.enqueue_indirect_dma source(%dma_start3A_392 : memref<10000x128xf32, #tpu.memory_space<hbm>>) target(%dma_start3A_386 : memref<80x128xf32, #tpu.memory_space<vmem>>) offsets(%dma_start3A_389 : memref<80xi32, #tpu.memory_space<vmem>>) semaphore(%arg11 : memref<!tpu.dma_semaphore, #tpu.memory_space<semaphore_mem>>)
      %dma_wait3A_393 = arith.constant 0 : i32
      %dma_wait3A_394 = arith.constant 7 : i32
      %dma_wait3A_395 = arith.constant 1 : i32
      %dma_wait3A_396 = arith.constant 0 : i32
      %dma_wait3A_397 = arith.constant 0 : i32
      %dma_wait3A_398 = tpu.memref_slice %arg7[%dma_wait3A_395, %dma_wait3A_396, %dma_wait3A_397] : memref<3x80x128xf32, #tpu.memory_space<vmem>> -> memref<1x80x128xf32, #tpu.memory_space<vmem>>
      %dma_wait3A_399 = tpu.memref_squeeze %dma_wait3A_398 : memref<1x80x128xf32, #tpu.memory_space<vmem>> -> memref<80x128xf32, #tpu.memory_space<vmem>>
      %dma_wait3A_400 = arith.constant 0 : i32
      %dma_wait3A_401 = tpu.memref_slice %arg6[%dma_wait3A_393, %dma_wait3A_394, %dma_wait3A_400] : memref<2x25x80xi32, #tpu.memory_space<vmem>> -> memref<1x1x80xi32, #tpu.memory_space<vmem>>
      %dma_wait3A_402 = tpu.memref_squeeze %dma_wait3A_401 : memref<1x1x80xi32, #tpu.memory_space<vmem>> -> memref<80xi32, #tpu.memory_space<vmem>>
      %dma_wait3A_403 = arith.constant 0 : i32
      %dma_wait3A_404 = arith.constant 0 : i32
      %dma_wait3A_405 = tpu.memref_slice %arg2[%dma_wait3A_403, %dma_wait3A_404] : memref<10000x128xf32, #tpu.memory_space<hbm>> -> memref<10000x128xf32, #tpu.memory_space<hbm>>
      tpu.wait_indirect_dma semaphore(%arg10 : memref<!tpu.dma_semaphore, #tpu.memory_space<semaphore_mem>>) src(%dma_wait3A_405 : memref<10000x128xf32, #tpu.memory_space<hbm>>) dst(%dma_wait3A_399 : memref<80x128xf32, #tpu.memory_space<vmem>>)
      %dma_start3A_406 = arith.constant 1 : i32
      %dma_start3A_407 = arith.constant 1 : i32
      %dma_start3A_408 = arith.constant 7 : i32
      %dma_start3A_409 = arith.constant 0 : i32
      %dma_start3A_410 = arith.constant 0 : i32
      %dma_start3A_411 = tpu.memref_slice %arg7[%dma_start3A_406, %dma_start3A_409, %dma_start3A_410] : memref<3x80x128xf32, #tpu.memory_space<vmem>> -> memref<1x80x128xf32, #tpu.memory_space<vmem>>
      %dma_start3A_412 = tpu.memref_squeeze %dma_start3A_411 : memref<1x80x128xf32, #tpu.memory_space<vmem>> -> memref<80x128xf32, #tpu.memory_space<vmem>>
      %dma_start3A_413 = arith.constant 0 : i32
      %dma_start3A_414 = tpu.memref_slice %arg6[%dma_start3A_407, %dma_start3A_408, %dma_start3A_413] : memref<2x25x80xi32, #tpu.memory_space<vmem>> -> memref<1x1x80xi32, #tpu.memory_space<vmem>>
      %dma_start3A_415 = tpu.memref_squeeze %dma_start3A_414 : memref<1x1x80xi32, #tpu.memory_space<vmem>> -> memref<80xi32, #tpu.memory_space<vmem>>
      %dma_start3A_416 = arith.constant 0 : i32
      %dma_start3A_417 = arith.constant 0 : i32
      %dma_start3A_418 = tpu.memref_slice %arg8[%dma_start3A_416, %dma_start3A_417] : memref<10000x128xf32, #tpu.memory_space<vmem_shared>> -> memref<10000x128xf32, #tpu.memory_space<vmem_shared>>
      tpu.enqueue_indirect_dma source(%dma_start3A_412 : memref<80x128xf32, #tpu.memory_space<vmem>>) target(%dma_start3A_418 : memref<10000x128xf32, #tpu.memory_space<vmem_shared>>) offsets(%dma_start3A_415 : memref<80xi32, #tpu.memory_space<vmem>>) semaphore(%arg13 : memref<!tpu.dma_semaphore, #tpu.memory_space<semaphore_mem>>) {add = true}
      %dma_wait3A_419 = arith.constant 0 : i32
      %dma_wait3A_420 = arith.constant 1 : i32
      %dma_wait3A_421 = arith.constant 6 : i32
      %dma_wait3A_422 = arith.constant 0 : i32
      %dma_wait3A_423 = arith.constant 0 : i32
      %dma_wait3A_424 = tpu.memref_slice %arg7[%dma_wait3A_419, %dma_wait3A_422, %dma_wait3A_423] : memref<3x80x128xf32, #tpu.memory_space<vmem>> -> memref<1x80x128xf32, #tpu.memory_space<vmem>>
      %dma_wait3A_425 = tpu.memref_squeeze %dma_wait3A_424 : memref<1x80x128xf32, #tpu.memory_space<vmem>> -> memref<80x128xf32, #tpu.memory_space<vmem>>
      %dma_wait3A_426 = arith.constant 0 : i32
      %dma_wait3A_427 = tpu.memref_slice %arg6[%dma_wait3A_420, %dma_wait3A_421, %dma_wait3A_426] : memref<2x25x80xi32, #tpu.memory_space<vmem>> -> memref<1x1x80xi32, #tpu.memory_space<vmem>>
      %dma_wait3A_428 = tpu.memref_squeeze %dma_wait3A_427 : memref<1x1x80xi32, #tpu.memory_space<vmem>> -> memref<80xi32, #tpu.memory_space<vmem>>
      %dma_wait3A_429 = arith.constant 0 : i32
      %dma_wait3A_430 = arith.constant 0 : i32
      %dma_wait3A_431 = tpu.memref_slice %arg8[%dma_wait3A_429, %dma_wait3A_430] : memref<10000x128xf32, #tpu.memory_space<vmem_shared>> -> memref<10000x128xf32, #tpu.memory_space<vmem_shared>>
      tpu.wait_indirect_dma semaphore(%arg12 : memref<!tpu.dma_semaphore, #tpu.memory_space<semaphore_mem>>) src(%dma_wait3A_425 : memref<80x128xf32, #tpu.memory_space<vmem>>) dst(%dma_wait3A_431 : memref<10000x128xf32, #tpu.memory_space<vmem_shared>>)
      %dma_start3A_432 = arith.constant 0 : i32
      %dma_start3A_433 = arith.constant 9 : i32
      %dma_start3A_434 = arith.constant 0 : i32
      %dma_start3A_435 = arith.constant 0 : i32
      %dma_start3A_436 = arith.constant 0 : i32
      %dma_start3A_437 = tpu.memref_slice %arg7[%dma_start3A_434, %dma_start3A_435, %dma_start3A_436] : memref<3x80x128xf32, #tpu.memory_space<vmem>> -> memref<1x80x128xf32, #tpu.memory_space<vmem>>
      %dma_start3A_438 = tpu.memref_squeeze %dma_start3A_437 : memref<1x80x128xf32, #tpu.memory_space<vmem>> -> memref<80x128xf32, #tpu.memory_space<vmem>>
      %dma_start3A_439 = arith.constant 0 : i32
      %dma_start3A_440 = tpu.memref_slice %arg6[%dma_start3A_432, %dma_start3A_433, %dma_start3A_439] : memref<2x25x80xi32, #tpu.memory_space<vmem>> -> memref<1x1x80xi32, #tpu.memory_space<vmem>>
      %dma_start3A_441 = tpu.memref_squeeze %dma_start3A_440 : memref<1x1x80xi32, #tpu.memory_space<vmem>> -> memref<80xi32, #tpu.memory_space<vmem>>
      %dma_start3A_442 = arith.constant 0 : i32
      %dma_start3A_443 = arith.constant 0 : i32
      %dma_start3A_444 = tpu.memref_slice %arg2[%dma_start3A_442, %dma_start3A_443] : memref<10000x128xf32, #tpu.memory_space<hbm>> -> memref<10000x128xf32, #tpu.memory_space<hbm>>
      tpu.enqueue_indirect_dma source(%dma_start3A_444 : memref<10000x128xf32, #tpu.memory_space<hbm>>) target(%dma_start3A_438 : memref<80x128xf32, #tpu.memory_space<vmem>>) offsets(%dma_start3A_441 : memref<80xi32, #tpu.memory_space<vmem>>) semaphore(%arg9 : memref<!tpu.dma_semaphore, #tpu.memory_space<semaphore_mem>>)
      %dma_wait3A_445 = arith.constant 0 : i32
      %dma_wait3A_446 = arith.constant 8 : i32
      %dma_wait3A_447 = arith.constant 2 : i32
      %dma_wait3A_448 = arith.constant 0 : i32
      %dma_wait3A_449 = arith.constant 0 : i32
      %dma_wait3A_450 = tpu.memref_slice %arg7[%dma_wait3A_447, %dma_wait3A_448, %dma_wait3A_449] : memref<3x80x128xf32, #tpu.memory_space<vmem>> -> memref<1x80x128xf32, #tpu.memory_space<vmem>>
      %dma_wait3A_451 = tpu.memref_squeeze %dma_wait3A_450 : memref<1x80x128xf32, #tpu.memory_space<vmem>> -> memref<80x128xf32, #tpu.memory_space<vmem>>
      %dma_wait3A_452 = arith.constant 0 : i32
      %dma_wait3A_453 = tpu.memref_slice %arg6[%dma_wait3A_445, %dma_wait3A_446, %dma_wait3A_452] : memref<2x25x80xi32, #tpu.memory_space<vmem>> -> memref<1x1x80xi32, #tpu.memory_space<vmem>>
      %dma_wait3A_454 = tpu.memref_squeeze %dma_wait3A_453 : memref<1x1x80xi32, #tpu.memory_space<vmem>> -> memref<80xi32, #tpu.memory_space<vmem>>
      %dma_wait3A_455 = arith.constant 0 : i32
      %dma_wait3A_456 = arith.constant 0 : i32
      %dma_wait3A_457 = tpu.memref_slice %arg2[%dma_wait3A_455, %dma_wait3A_456] : memref<10000x128xf32, #tpu.memory_space<hbm>> -> memref<10000x128xf32, #tpu.memory_space<hbm>>
      tpu.wait_indirect_dma semaphore(%arg11 : memref<!tpu.dma_semaphore, #tpu.memory_space<semaphore_mem>>) src(%dma_wait3A_457 : memref<10000x128xf32, #tpu.memory_space<hbm>>) dst(%dma_wait3A_451 : memref<80x128xf32, #tpu.memory_space<vmem>>)
      %dma_start3A_458 = arith.constant 2 : i32
      %dma_start3A_459 = arith.constant 1 : i32
      %dma_start3A_460 = arith.constant 8 : i32
      %dma_start3A_461 = arith.constant 0 : i32
      %dma_start3A_462 = arith.constant 0 : i32
      %dma_start3A_463 = tpu.memref_slice %arg7[%dma_start3A_458, %dma_start3A_461, %dma_start3A_462] : memref<3x80x128xf32, #tpu.memory_space<vmem>> -> memref<1x80x128xf32, #tpu.memory_space<vmem>>
      %dma_start3A_464 = tpu.memref_squeeze %dma_start3A_463 : memref<1x80x128xf32, #tpu.memory_space<vmem>> -> memref<80x128xf32, #tpu.memory_space<vmem>>
      %dma_start3A_465 = arith.constant 0 : i32
      %dma_start3A_466 = tpu.memref_slice %arg6[%dma_start3A_459, %dma_start3A_460, %dma_start3A_465] : memref<2x25x80xi32, #tpu.memory_space<vmem>> -> memref<1x1x80xi32, #tpu.memory_space<vmem>>
      %dma_start3A_467 = tpu.memref_squeeze %dma_start3A_466 : memref<1x1x80xi32, #tpu.memory_space<vmem>> -> memref<80xi32, #tpu.memory_space<vmem>>
      %dma_start3A_468 = arith.constant 0 : i32
      %dma_start3A_469 = arith.constant 0 : i32
      %dma_start3A_470 = tpu.memref_slice %arg8[%dma_start3A_468, %dma_start3A_469] : memref<10000x128xf32, #tpu.memory_space<vmem_shared>> -> memref<10000x128xf32, #tpu.memory_space<vmem_shared>>
      tpu.enqueue_indirect_dma source(%dma_start3A_464 : memref<80x128xf32, #tpu.memory_space<vmem>>) target(%dma_start3A_470 : memref<10000x128xf32, #tpu.memory_space<vmem_shared>>) offsets(%dma_start3A_467 : memref<80xi32, #tpu.memory_space<vmem>>) semaphore(%arg14 : memref<!tpu.dma_semaphore, #tpu.memory_space<semaphore_mem>>) {add = true}
      %dma_wait3A_471 = arith.constant 1 : i32
      %dma_wait3A_472 = arith.constant 1 : i32
      %dma_wait3A_473 = arith.constant 7 : i32
      %dma_wait3A_474 = arith.constant 0 : i32
      %dma_wait3A_475 = arith.constant 0 : i32
      %dma_wait3A_476 = tpu.memref_slice %arg7[%dma_wait3A_471, %dma_wait3A_474, %dma_wait3A_475] : memref<3x80x128xf32, #tpu.memory_space<vmem>> -> memref<1x80x128xf32, #tpu.memory_space<vmem>>
      %dma_wait3A_477 = tpu.memref_squeeze %dma_wait3A_476 : memref<1x80x128xf32, #tpu.memory_space<vmem>> -> memref<80x128xf32, #tpu.memory_space<vmem>>
      %dma_wait3A_478 = arith.constant 0 : i32
      %dma_wait3A_479 = tpu.memref_slice %arg6[%dma_wait3A_472, %dma_wait3A_473, %dma_wait3A_478] : memref<2x25x80xi32, #tpu.memory_space<vmem>> -> memref<1x1x80xi32, #tpu.memory_space<vmem>>
      %dma_wait3A_480 = tpu.memref_squeeze %dma_wait3A_479 : memref<1x1x80xi32, #tpu.memory_space<vmem>> -> memref<80xi32, #tpu.memory_space<vmem>>
      %dma_wait3A_481 = arith.constant 0 : i32
      %dma_wait3A_482 = arith.constant 0 : i32
      %dma_wait3A_483 = tpu.memref_slice %arg8[%dma_wait3A_481, %dma_wait3A_482] : memref<10000x128xf32, #tpu.memory_space<vmem_shared>> -> memref<10000x128xf32, #tpu.memory_space<vmem_shared>>
      tpu.wait_indirect_dma semaphore(%arg13 : memref<!tpu.dma_semaphore, #tpu.memory_space<semaphore_mem>>) src(%dma_wait3A_477 : memref<80x128xf32, #tpu.memory_space<vmem>>) dst(%dma_wait3A_483 : memref<10000x128xf32, #tpu.memory_space<vmem_shared>>)
      %dma_start3A_484 = arith.constant 0 : i32
      %dma_start3A_485 = arith.constant 10 : i32
      %dma_start3A_486 = arith.constant 1 : i32
      %dma_start3A_487 = arith.constant 0 : i32
      %dma_start3A_488 = arith.constant 0 : i32
      %dma_start3A_489 = tpu.memref_slice %arg7[%dma_start3A_486, %dma_start3A_487, %dma_start3A_488] : memref<3x80x128xf32, #tpu.memory_space<vmem>> -> memref<1x80x128xf32, #tpu.memory_space<vmem>>
      %dma_start3A_490 = tpu.memref_squeeze %dma_start3A_489 : memref<1x80x128xf32, #tpu.memory_space<vmem>> -> memref<80x128xf32, #tpu.memory_space<vmem>>
      %dma_start3A_491 = arith.constant 0 : i32
      %dma_start3A_492 = tpu.memref_slice %arg6[%dma_start3A_484, %dma_start3A_485, %dma_start3A_491] : memref<2x25x80xi32, #tpu.memory_space<vmem>> -> memref<1x1x80xi32, #tpu.memory_space<vmem>>
      %dma_start3A_493 = tpu.memref_squeeze %dma_start3A_492 : memref<1x1x80xi32, #tpu.memory_space<vmem>> -> memref<80xi32, #tpu.memory_space<vmem>>
      %dma_start3A_494 = arith.constant 0 : i32
      %dma_start3A_495 = arith.constant 0 : i32
      %dma_start3A_496 = tpu.memref_slice %arg2[%dma_start3A_494, %dma_start3A_495] : memref<10000x128xf32, #tpu.memory_space<hbm>> -> memref<10000x128xf32, #tpu.memory_space<hbm>>
      tpu.enqueue_indirect_dma source(%dma_start3A_496 : memref<10000x128xf32, #tpu.memory_space<hbm>>) target(%dma_start3A_490 : memref<80x128xf32, #tpu.memory_space<vmem>>) offsets(%dma_start3A_493 : memref<80xi32, #tpu.memory_space<vmem>>) semaphore(%arg10 : memref<!tpu.dma_semaphore, #tpu.memory_space<semaphore_mem>>)
      %dma_wait3A_497 = arith.constant 0 : i32
      %dma_wait3A_498 = arith.constant 9 : i32
      %dma_wait3A_499 = arith.constant 0 : i32
      %dma_wait3A_500 = arith.constant 0 : i32
      %dma_wait3A_501 = arith.constant 0 : i32
      %dma_wait3A_502 = tpu.memref_slice %arg7[%dma_wait3A_499, %dma_wait3A_500, %dma_wait3A_501] : memref<3x80x128xf32, #tpu.memory_space<vmem>> -> memref<1x80x128xf32, #tpu.memory_space<vmem>>
      %dma_wait3A_503 = tpu.memref_squeeze %dma_wait3A_502 : memref<1x80x128xf32, #tpu.memory_space<vmem>> -> memref<80x128xf32, #tpu.memory_space<vmem>>
      %dma_wait3A_504 = arith.constant 0 : i32
      %dma_wait3A_505 = tpu.memref_slice %arg6[%dma_wait3A_497, %dma_wait3A_498, %dma_wait3A_504] : memref<2x25x80xi32, #tpu.memory_space<vmem>> -> memref<1x1x80xi32, #tpu.memory_space<vmem>>
      %dma_wait3A_506 = tpu.memref_squeeze %dma_wait3A_505 : memref<1x1x80xi32, #tpu.memory_space<vmem>> -> memref<80xi32, #tpu.memory_space<vmem>>
      %dma_wait3A_507 = arith.constant 0 : i32
      %dma_wait3A_508 = arith.constant 0 : i32
      %dma_wait3A_509 = tpu.memref_slice %arg2[%dma_wait3A_507, %dma_wait3A_508] : memref<10000x128xf32, #tpu.memory_space<hbm>> -> memref<10000x128xf32, #tpu.memory_space<hbm>>
      tpu.wait_indirect_dma semaphore(%arg9 : memref<!tpu.dma_semaphore, #tpu.memory_space<semaphore_mem>>) src(%dma_wait3A_509 : memref<10000x128xf32, #tpu.memory_space<hbm>>) dst(%dma_wait3A_503 : memref<80x128xf32, #tpu.memory_space<vmem>>)
      %dma_start3A_510 = arith.constant 0 : i32
      %dma_start3A_511 = arith.constant 1 : i32
      %dma_start3A_512 = arith.constant 9 : i32
      %dma_start3A_513 = arith.constant 0 : i32
      %dma_start3A_514 = arith.constant 0 : i32
      %dma_start3A_515 = tpu.memref_slice %arg7[%dma_start3A_510, %dma_start3A_513, %dma_start3A_514] : memref<3x80x128xf32, #tpu.memory_space<vmem>> -> memref<1x80x128xf32, #tpu.memory_space<vmem>>
      %dma_start3A_516 = tpu.memref_squeeze %dma_start3A_515 : memref<1x80x128xf32, #tpu.memory_space<vmem>> -> memref<80x128xf32, #tpu.memory_space<vmem>>
      %dma_start3A_517 = arith.constant 0 : i32
      %dma_start3A_518 = tpu.memref_slice %arg6[%dma_start3A_511, %dma_start3A_512, %dma_start3A_517] : memref<2x25x80xi32, #tpu.memory_space<vmem>> -> memref<1x1x80xi32, #tpu.memory_space<vmem>>
      %dma_start3A_519 = tpu.memref_squeeze %dma_start3A_518 : memref<1x1x80xi32, #tpu.memory_space<vmem>> -> memref<80xi32, #tpu.memory_space<vmem>>
      %dma_start3A_520 = arith.constant 0 : i32
      %dma_start3A_521 = arith.constant 0 : i32
      %dma_start3A_522 = tpu.memref_slice %arg8[%dma_start3A_520, %dma_start3A_521] : memref<10000x128xf32, #tpu.memory_space<vmem_shared>> -> memref<10000x128xf32, #tpu.memory_space<vmem_shared>>
      tpu.enqueue_indirect_dma source(%dma_start3A_516 : memref<80x128xf32, #tpu.memory_space<vmem>>) target(%dma_start3A_522 : memref<10000x128xf32, #tpu.memory_space<vmem_shared>>) offsets(%dma_start3A_519 : memref<80xi32, #tpu.memory_space<vmem>>) semaphore(%arg12 : memref<!tpu.dma_semaphore, #tpu.memory_space<semaphore_mem>>) {add = true}
      %dma_wait3A_523 = arith.constant 2 : i32
      %dma_wait3A_524 = arith.constant 1 : i32
      %dma_wait3A_525 = arith.constant 8 : i32
      %dma_wait3A_526 = arith.constant 0 : i32
      %dma_wait3A_527 = arith.constant 0 : i32
      %dma_wait3A_528 = tpu.memref_slice %arg7[%dma_wait3A_523, %dma_wait3A_526, %dma_wait3A_527] : memref<3x80x128xf32, #tpu.memory_space<vmem>> -> memref<1x80x128xf32, #tpu.memory_space<vmem>>
      %dma_wait3A_529 = tpu.memref_squeeze %dma_wait3A_528 : memref<1x80x128xf32, #tpu.memory_space<vmem>> -> memref<80x128xf32, #tpu.memory_space<vmem>>
      %dma_wait3A_530 = arith.constant 0 : i32
      %dma_wait3A_531 = tpu.memref_slice %arg6[%dma_wait3A_524, %dma_wait3A_525, %dma_wait3A_530] : memref<2x25x80xi32, #tpu.memory_space<vmem>> -> memref<1x1x80xi32, #tpu.memory_space<vmem>>
      %dma_wait3A_532 = tpu.memref_squeeze %dma_wait3A_531 : memref<1x1x80xi32, #tpu.memory_space<vmem>> -> memref<80xi32, #tpu.memory_space<vmem>>
      %dma_wait3A_533 = arith.constant 0 : i32
      %dma_wait3A_534 = arith.constant 0 : i32
      %dma_wait3A_535 = tpu.memref_slice %arg8[%dma_wait3A_533, %dma_wait3A_534] : memref<10000x128xf32, #tpu.memory_space<vmem_shared>> -> memref<10000x128xf32, #tpu.memory_space<vmem_shared>>
      tpu.wait_indirect_dma semaphore(%arg14 : memref<!tpu.dma_semaphore, #tpu.memory_space<semaphore_mem>>) src(%dma_wait3A_529 : memref<80x128xf32, #tpu.memory_space<vmem>>) dst(%dma_wait3A_535 : memref<10000x128xf32, #tpu.memory_space<vmem_shared>>)
      %dma_start3A_536 = arith.constant 0 : i32
      %dma_start3A_537 = arith.constant 11 : i32
      %dma_start3A_538 = arith.constant 2 : i32
      %dma_start3A_539 = arith.constant 0 : i32
      %dma_start3A_540 = arith.constant 0 : i32
      %dma_start3A_541 = tpu.memref_slice %arg7[%dma_start3A_538, %dma_start3A_539, %dma_start3A_540] : memref<3x80x128xf32, #tpu.memory_space<vmem>> -> memref<1x80x128xf32, #tpu.memory_space<vmem>>
      %dma_start3A_542 = tpu.memref_squeeze %dma_start3A_541 : memref<1x80x128xf32, #tpu.memory_space<vmem>> -> memref<80x128xf32, #tpu.memory_space<vmem>>
      %dma_start3A_543 = arith.constant 0 : i32
      %dma_start3A_544 = tpu.memref_slice %arg6[%dma_start3A_536, %dma_start3A_537, %dma_start3A_543] : memref<2x25x80xi32, #tpu.memory_space<vmem>> -> memref<1x1x80xi32, #tpu.memory_space<vmem>>
      %dma_start3A_545 = tpu.memref_squeeze %dma_start3A_544 : memref<1x1x80xi32, #tpu.memory_space<vmem>> -> memref<80xi32, #tpu.memory_space<vmem>>
      %dma_start3A_546 = arith.constant 0 : i32
      %dma_start3A_547 = arith.constant 0 : i32
      %dma_start3A_548 = tpu.memref_slice %arg2[%dma_start3A_546, %dma_start3A_547] : memref<10000x128xf32, #tpu.memory_space<hbm>> -> memref<10000x128xf32, #tpu.memory_space<hbm>>
      tpu.enqueue_indirect_dma source(%dma_start3A_548 : memref<10000x128xf32, #tpu.memory_space<hbm>>) target(%dma_start3A_542 : memref<80x128xf32, #tpu.memory_space<vmem>>) offsets(%dma_start3A_545 : memref<80xi32, #tpu.memory_space<vmem>>) semaphore(%arg11 : memref<!tpu.dma_semaphore, #tpu.memory_space<semaphore_mem>>)
      %dma_wait3A_549 = arith.constant 0 : i32
      %dma_wait3A_550 = arith.constant 10 : i32
      %dma_wait3A_551 = arith.constant 1 : i32
      %dma_wait3A_552 = arith.constant 0 : i32
      %dma_wait3A_553 = arith.constant 0 : i32
      %dma_wait3A_554 = tpu.memref_slice %arg7[%dma_wait3A_551, %dma_wait3A_552, %dma_wait3A_553] : memref<3x80x128xf32, #tpu.memory_space<vmem>> -> memref<1x80x128xf32, #tpu.memory_space<vmem>>
      %dma_wait3A_555 = tpu.memref_squeeze %dma_wait3A_554 : memref<1x80x128xf32, #tpu.memory_space<vmem>> -> memref<80x128xf32, #tpu.memory_space<vmem>>
      %dma_wait3A_556 = arith.constant 0 : i32
      %dma_wait3A_557 = tpu.memref_slice %arg6[%dma_wait3A_549, %dma_wait3A_550, %dma_wait3A_556] : memref<2x25x80xi32, #tpu.memory_space<vmem>> -> memref<1x1x80xi32, #tpu.memory_space<vmem>>
      %dma_wait3A_558 = tpu.memref_squeeze %dma_wait3A_557 : memref<1x1x80xi32, #tpu.memory_space<vmem>> -> memref<80xi32, #tpu.memory_space<vmem>>
      %dma_wait3A_559 = arith.constant 0 : i32
      %dma_wait3A_560 = arith.constant 0 : i32
      %dma_wait3A_561 = tpu.memref_slice %arg2[%dma_wait3A_559, %dma_wait3A_560] : memref<10000x128xf32, #tpu.memory_space<hbm>> -> memref<10000x128xf32, #tpu.memory_space<hbm>>
      tpu.wait_indirect_dma semaphore(%arg10 : memref<!tpu.dma_semaphore, #tpu.memory_space<semaphore_mem>>) src(%dma_wait3A_561 : memref<10000x128xf32, #tpu.memory_space<hbm>>) dst(%dma_wait3A_555 : memref<80x128xf32, #tpu.memory_space<vmem>>)
      %dma_start3A_562 = arith.constant 1 : i32
      %dma_start3A_563 = arith.constant 1 : i32
      %dma_start3A_564 = arith.constant 10 : i32
      %dma_start3A_565 = arith.constant 0 : i32
      %dma_start3A_566 = arith.constant 0 : i32
      %dma_start3A_567 = tpu.memref_slice %arg7[%dma_start3A_562, %dma_start3A_565, %dma_start3A_566] : memref<3x80x128xf32, #tpu.memory_space<vmem>> -> memref<1x80x128xf32, #tpu.memory_space<vmem>>
      %dma_start3A_568 = tpu.memref_squeeze %dma_start3A_567 : memref<1x80x128xf32, #tpu.memory_space<vmem>> -> memref<80x128xf32, #tpu.memory_space<vmem>>
      %dma_start3A_569 = arith.constant 0 : i32
      %dma_start3A_570 = tpu.memref_slice %arg6[%dma_start3A_563, %dma_start3A_564, %dma_start3A_569] : memref<2x25x80xi32, #tpu.memory_space<vmem>> -> memref<1x1x80xi32, #tpu.memory_space<vmem>>
      %dma_start3A_571 = tpu.memref_squeeze %dma_start3A_570 : memref<1x1x80xi32, #tpu.memory_space<vmem>> -> memref<80xi32, #tpu.memory_space<vmem>>
      %dma_start3A_572 = arith.constant 0 : i32
      %dma_start3A_573 = arith.constant 0 : i32
      %dma_start3A_574 = tpu.memref_slice %arg8[%dma_start3A_572, %dma_start3A_573] : memref<10000x128xf32, #tpu.memory_space<vmem_shared>> -> memref<10000x128xf32, #tpu.memory_space<vmem_shared>>
      tpu.enqueue_indirect_dma source(%dma_start3A_568 : memref<80x128xf32, #tpu.memory_space<vmem>>) target(%dma_start3A_574 : memref<10000x128xf32, #tpu.memory_space<vmem_shared>>) offsets(%dma_start3A_571 : memref<80xi32, #tpu.memory_space<vmem>>) semaphore(%arg13 : memref<!tpu.dma_semaphore, #tpu.memory_space<semaphore_mem>>) {add = true}
      %dma_wait3A_575 = arith.constant 0 : i32
      %dma_wait3A_576 = arith.constant 1 : i32
      %dma_wait3A_577 = arith.constant 9 : i32
      %dma_wait3A_578 = arith.constant 0 : i32
      %dma_wait3A_579 = arith.constant 0 : i32
      %dma_wait3A_580 = tpu.memref_slice %arg7[%dma_wait3A_575, %dma_wait3A_578, %dma_wait3A_579] : memref<3x80x128xf32, #tpu.memory_space<vmem>> -> memref<1x80x128xf32, #tpu.memory_space<vmem>>
      %dma_wait3A_581 = tpu.memref_squeeze %dma_wait3A_580 : memref<1x80x128xf32, #tpu.memory_space<vmem>> -> memref<80x128xf32, #tpu.memory_space<vmem>>
      %dma_wait3A_582 = arith.constant 0 : i32
      %dma_wait3A_583 = tpu.memref_slice %arg6[%dma_wait3A_576, %dma_wait3A_577, %dma_wait3A_582] : memref<2x25x80xi32, #tpu.memory_space<vmem>> -> memref<1x1x80xi32, #tpu.memory_space<vmem>>
      %dma_wait3A_584 = tpu.memref_squeeze %dma_wait3A_583 : memref<1x1x80xi32, #tpu.memory_space<vmem>> -> memref<80xi32, #tpu.memory_space<vmem>>
      %dma_wait3A_585 = arith.constant 0 : i32
      %dma_wait3A_586 = arith.constant 0 : i32
      %dma_wait3A_587 = tpu.memref_slice %arg8[%dma_wait3A_585, %dma_wait3A_586] : memref<10000x128xf32, #tpu.memory_space<vmem_shared>> -> memref<10000x128xf32, #tpu.memory_space<vmem_shared>>
      tpu.wait_indirect_dma semaphore(%arg12 : memref<!tpu.dma_semaphore, #tpu.memory_space<semaphore_mem>>) src(%dma_wait3A_581 : memref<80x128xf32, #tpu.memory_space<vmem>>) dst(%dma_wait3A_587 : memref<10000x128xf32, #tpu.memory_space<vmem_shared>>)
      %dma_start3A_588 = arith.constant 0 : i32
      %dma_start3A_589 = arith.constant 12 : i32
      %dma_start3A_590 = arith.constant 0 : i32
      %dma_start3A_591 = arith.constant 0 : i32
      %dma_start3A_592 = arith.constant 0 : i32
      %dma_start3A_593 = tpu.memref_slice %arg7[%dma_start3A_590, %dma_start3A_591, %dma_start3A_592] : memref<3x80x128xf32, #tpu.memory_space<vmem>> -> memref<1x80x128xf32, #tpu.memory_space<vmem>>
      %dma_start3A_594 = tpu.memref_squeeze %dma_start3A_593 : memref<1x80x128xf32, #tpu.memory_space<vmem>> -> memref<80x128xf32, #tpu.memory_space<vmem>>
      %dma_start3A_595 = arith.constant 0 : i32
      %dma_start3A_596 = tpu.memref_slice %arg6[%dma_start3A_588, %dma_start3A_589, %dma_start3A_595] : memref<2x25x80xi32, #tpu.memory_space<vmem>> -> memref<1x1x80xi32, #tpu.memory_space<vmem>>
      %dma_start3A_597 = tpu.memref_squeeze %dma_start3A_596 : memref<1x1x80xi32, #tpu.memory_space<vmem>> -> memref<80xi32, #tpu.memory_space<vmem>>
      %dma_start3A_598 = arith.constant 0 : i32
      %dma_start3A_599 = arith.constant 0 : i32
      %dma_start3A_600 = tpu.memref_slice %arg2[%dma_start3A_598, %dma_start3A_599] : memref<10000x128xf32, #tpu.memory_space<hbm>> -> memref<10000x128xf32, #tpu.memory_space<hbm>>
      tpu.enqueue_indirect_dma source(%dma_start3A_600 : memref<10000x128xf32, #tpu.memory_space<hbm>>) target(%dma_start3A_594 : memref<80x128xf32, #tpu.memory_space<vmem>>) offsets(%dma_start3A_597 : memref<80xi32, #tpu.memory_space<vmem>>) semaphore(%arg9 : memref<!tpu.dma_semaphore, #tpu.memory_space<semaphore_mem>>)
      %dma_wait3A_601 = arith.constant 0 : i32
      %dma_wait3A_602 = arith.constant 11 : i32
      %dma_wait3A_603 = arith.constant 2 : i32
      %dma_wait3A_604 = arith.constant 0 : i32
      %dma_wait3A_605 = arith.constant 0 : i32
      %dma_wait3A_606 = tpu.memref_slice %arg7[%dma_wait3A_603, %dma_wait3A_604, %dma_wait3A_605] : memref<3x80x128xf32, #tpu.memory_space<vmem>> -> memref<1x80x128xf32, #tpu.memory_space<vmem>>
      %dma_wait3A_607 = tpu.memref_squeeze %dma_wait3A_606 : memref<1x80x128xf32, #tpu.memory_space<vmem>> -> memref<80x128xf32, #tpu.memory_space<vmem>>
      %dma_wait3A_608 = arith.constant 0 : i32
      %dma_wait3A_609 = tpu.memref_slice %arg6[%dma_wait3A_601, %dma_wait3A_602, %dma_wait3A_608] : memref<2x25x80xi32, #tpu.memory_space<vmem>> -> memref<1x1x80xi32, #tpu.memory_space<vmem>>
      %dma_wait3A_610 = tpu.memref_squeeze %dma_wait3A_609 : memref<1x1x80xi32, #tpu.memory_space<vmem>> -> memref<80xi32, #tpu.memory_space<vmem>>
      %dma_wait3A_611 = arith.constant 0 : i32
      %dma_wait3A_612 = arith.constant 0 : i32
      %dma_wait3A_613 = tpu.memref_slice %arg2[%dma_wait3A_611, %dma_wait3A_612] : memref<10000x128xf32, #tpu.memory_space<hbm>> -> memref<10000x128xf32, #tpu.memory_space<hbm>>
      tpu.wait_indirect_dma semaphore(%arg11 : memref<!tpu.dma_semaphore, #tpu.memory_space<semaphore_mem>>) src(%dma_wait3A_613 : memref<10000x128xf32, #tpu.memory_space<hbm>>) dst(%dma_wait3A_607 : memref<80x128xf32, #tpu.memory_space<vmem>>)
      %dma_start3A_614 = arith.constant 2 : i32
      %dma_start3A_615 = arith.constant 1 : i32
      %dma_start3A_616 = arith.constant 11 : i32
      %dma_start3A_617 = arith.constant 0 : i32
      %dma_start3A_618 = arith.constant 0 : i32
      %dma_start3A_619 = tpu.memref_slice %arg7[%dma_start3A_614, %dma_start3A_617, %dma_start3A_618] : memref<3x80x128xf32, #tpu.memory_space<vmem>> -> memref<1x80x128xf32, #tpu.memory_space<vmem>>
      %dma_start3A_620 = tpu.memref_squeeze %dma_start3A_619 : memref<1x80x128xf32, #tpu.memory_space<vmem>> -> memref<80x128xf32, #tpu.memory_space<vmem>>
      %dma_start3A_621 = arith.constant 0 : i32
      %dma_start3A_622 = tpu.memref_slice %arg6[%dma_start3A_615, %dma_start3A_616, %dma_start3A_621] : memref<2x25x80xi32, #tpu.memory_space<vmem>> -> memref<1x1x80xi32, #tpu.memory_space<vmem>>
      %dma_start3A_623 = tpu.memref_squeeze %dma_start3A_622 : memref<1x1x80xi32, #tpu.memory_space<vmem>> -> memref<80xi32, #tpu.memory_space<vmem>>
      %dma_start3A_624 = arith.constant 0 : i32
      %dma_start3A_625 = arith.constant 0 : i32
      %dma_start3A_626 = tpu.memref_slice %arg8[%dma_start3A_624, %dma_start3A_625] : memref<10000x128xf32, #tpu.memory_space<vmem_shared>> -> memref<10000x128xf32, #tpu.memory_space<vmem_shared>>
      tpu.enqueue_indirect_dma source(%dma_start3A_620 : memref<80x128xf32, #tpu.memory_space<vmem>>) target(%dma_start3A_626 : memref<10000x128xf32, #tpu.memory_space<vmem_shared>>) offsets(%dma_start3A_623 : memref<80xi32, #tpu.memory_space<vmem>>) semaphore(%arg14 : memref<!tpu.dma_semaphore, #tpu.memory_space<semaphore_mem>>) {add = true}
      %dma_wait3A_627 = arith.constant 1 : i32
      %dma_wait3A_628 = arith.constant 1 : i32
      %dma_wait3A_629 = arith.constant 10 : i32
      %dma_wait3A_630 = arith.constant 0 : i32
      %dma_wait3A_631 = arith.constant 0 : i32
      %dma_wait3A_632 = tpu.memref_slice %arg7[%dma_wait3A_627, %dma_wait3A_630, %dma_wait3A_631] : memref<3x80x128xf32, #tpu.memory_space<vmem>> -> memref<1x80x128xf32, #tpu.memory_space<vmem>>
      %dma_wait3A_633 = tpu.memref_squeeze %dma_wait3A_632 : memref<1x80x128xf32, #tpu.memory_space<vmem>> -> memref<80x128xf32, #tpu.memory_space<vmem>>
      %dma_wait3A_634 = arith.constant 0 : i32
      %dma_wait3A_635 = tpu.memref_slice %arg6[%dma_wait3A_628, %dma_wait3A_629, %dma_wait3A_634] : memref<2x25x80xi32, #tpu.memory_space<vmem>> -> memref<1x1x80xi32, #tpu.memory_space<vmem>>
      %dma_wait3A_636 = tpu.memref_squeeze %dma_wait3A_635 : memref<1x1x80xi32, #tpu.memory_space<vmem>> -> memref<80xi32, #tpu.memory_space<vmem>>
      %dma_wait3A_637 = arith.constant 0 : i32
      %dma_wait3A_638 = arith.constant 0 : i32
      %dma_wait3A_639 = tpu.memref_slice %arg8[%dma_wait3A_637, %dma_wait3A_638] : memref<10000x128xf32, #tpu.memory_space<vmem_shared>> -> memref<10000x128xf32, #tpu.memory_space<vmem_shared>>
      tpu.wait_indirect_dma semaphore(%arg13 : memref<!tpu.dma_semaphore, #tpu.memory_space<semaphore_mem>>) src(%dma_wait3A_633 : memref<80x128xf32, #tpu.memory_space<vmem>>) dst(%dma_wait3A_639 : memref<10000x128xf32, #tpu.memory_space<vmem_shared>>)
      %dma_start3A_640 = arith.constant 0 : i32
      %dma_start3A_641 = arith.constant 13 : i32
      %dma_start3A_642 = arith.constant 1 : i32
      %dma_start3A_643 = arith.constant 0 : i32
      %dma_start3A_644 = arith.constant 0 : i32
      %dma_start3A_645 = tpu.memref_slice %arg7[%dma_start3A_642, %dma_start3A_643, %dma_start3A_644] : memref<3x80x128xf32, #tpu.memory_space<vmem>> -> memref<1x80x128xf32, #tpu.memory_space<vmem>>
      %dma_start3A_646 = tpu.memref_squeeze %dma_start3A_645 : memref<1x80x128xf32, #tpu.memory_space<vmem>> -> memref<80x128xf32, #tpu.memory_space<vmem>>
      %dma_start3A_647 = arith.constant 0 : i32
      %dma_start3A_648 = tpu.memref_slice %arg6[%dma_start3A_640, %dma_start3A_641, %dma_start3A_647] : memref<2x25x80xi32, #tpu.memory_space<vmem>> -> memref<1x1x80xi32, #tpu.memory_space<vmem>>
      %dma_start3A_649 = tpu.memref_squeeze %dma_start3A_648 : memref<1x1x80xi32, #tpu.memory_space<vmem>> -> memref<80xi32, #tpu.memory_space<vmem>>
      %dma_start3A_650 = arith.constant 0 : i32
      %dma_start3A_651 = arith.constant 0 : i32
      %dma_start3A_652 = tpu.memref_slice %arg2[%dma_start3A_650, %dma_start3A_651] : memref<10000x128xf32, #tpu.memory_space<hbm>> -> memref<10000x128xf32, #tpu.memory_space<hbm>>
      tpu.enqueue_indirect_dma source(%dma_start3A_652 : memref<10000x128xf32, #tpu.memory_space<hbm>>) target(%dma_start3A_646 : memref<80x128xf32, #tpu.memory_space<vmem>>) offsets(%dma_start3A_649 : memref<80xi32, #tpu.memory_space<vmem>>) semaphore(%arg10 : memref<!tpu.dma_semaphore, #tpu.memory_space<semaphore_mem>>)
      %dma_wait3A_653 = arith.constant 0 : i32
      %dma_wait3A_654 = arith.constant 12 : i32
      %dma_wait3A_655 = arith.constant 0 : i32
      %dma_wait3A_656 = arith.constant 0 : i32
      %dma_wait3A_657 = arith.constant 0 : i32
      %dma_wait3A_658 = tpu.memref_slice %arg7[%dma_wait3A_655, %dma_wait3A_656, %dma_wait3A_657] : memref<3x80x128xf32, #tpu.memory_space<vmem>> -> memref<1x80x128xf32, #tpu.memory_space<vmem>>
      %dma_wait3A_659 = tpu.memref_squeeze %dma_wait3A_658 : memref<1x80x128xf32, #tpu.memory_space<vmem>> -> memref<80x128xf32, #tpu.memory_space<vmem>>
      %dma_wait3A_660 = arith.constant 0 : i32
      %dma_wait3A_661 = tpu.memref_slice %arg6[%dma_wait3A_653, %dma_wait3A_654, %dma_wait3A_660] : memref<2x25x80xi32, #tpu.memory_space<vmem>> -> memref<1x1x80xi32, #tpu.memory_space<vmem>>
      %dma_wait3A_662 = tpu.memref_squeeze %dma_wait3A_661 : memref<1x1x80xi32, #tpu.memory_space<vmem>> -> memref<80xi32, #tpu.memory_space<vmem>>
      %dma_wait3A_663 = arith.constant 0 : i32
      %dma_wait3A_664 = arith.constant 0 : i32
      %dma_wait3A_665 = tpu.memref_slice %arg2[%dma_wait3A_663, %dma_wait3A_664] : memref<10000x128xf32, #tpu.memory_space<hbm>> -> memref<10000x128xf32, #tpu.memory_space<hbm>>
      tpu.wait_indirect_dma semaphore(%arg9 : memref<!tpu.dma_semaphore, #tpu.memory_space<semaphore_mem>>) src(%dma_wait3A_665 : memref<10000x128xf32, #tpu.memory_space<hbm>>) dst(%dma_wait3A_659 : memref<80x128xf32, #tpu.memory_space<vmem>>)
      %dma_start3A_666 = arith.constant 0 : i32
      %dma_start3A_667 = arith.constant 1 : i32
      %dma_start3A_668 = arith.constant 12 : i32
      %dma_start3A_669 = arith.constant 0 : i32
      %dma_start3A_670 = arith.constant 0 : i32
      %dma_start3A_671 = tpu.memref_slice %arg7[%dma_start3A_666, %dma_start3A_669, %dma_start3A_670] : memref<3x80x128xf32, #tpu.memory_space<vmem>> -> memref<1x80x128xf32, #tpu.memory_space<vmem>>
      %dma_start3A_672 = tpu.memref_squeeze %dma_start3A_671 : memref<1x80x128xf32, #tpu.memory_space<vmem>> -> memref<80x128xf32, #tpu.memory_space<vmem>>
      %dma_start3A_673 = arith.constant 0 : i32
      %dma_start3A_674 = tpu.memref_slice %arg6[%dma_start3A_667, %dma_start3A_668, %dma_start3A_673] : memref<2x25x80xi32, #tpu.memory_space<vmem>> -> memref<1x1x80xi32, #tpu.memory_space<vmem>>
      %dma_start3A_675 = tpu.memref_squeeze %dma_start3A_674 : memref<1x1x80xi32, #tpu.memory_space<vmem>> -> memref<80xi32, #tpu.memory_space<vmem>>
      %dma_start3A_676 = arith.constant 0 : i32
      %dma_start3A_677 = arith.constant 0 : i32
      %dma_start3A_678 = tpu.memref_slice %arg8[%dma_start3A_676, %dma_start3A_677] : memref<10000x128xf32, #tpu.memory_space<vmem_shared>> -> memref<10000x128xf32, #tpu.memory_space<vmem_shared>>
      tpu.enqueue_indirect_dma source(%dma_start3A_672 : memref<80x128xf32, #tpu.memory_space<vmem>>) target(%dma_start3A_678 : memref<10000x128xf32, #tpu.memory_space<vmem_shared>>) offsets(%dma_start3A_675 : memref<80xi32, #tpu.memory_space<vmem>>) semaphore(%arg12 : memref<!tpu.dma_semaphore, #tpu.memory_space<semaphore_mem>>) {add = true}
      %dma_wait3A_679 = arith.constant 2 : i32
      %dma_wait3A_680 = arith.constant 1 : i32
      %dma_wait3A_681 = arith.constant 11 : i32
      %dma_wait3A_682 = arith.constant 0 : i32
      %dma_wait3A_683 = arith.constant 0 : i32
      %dma_wait3A_684 = tpu.memref_slice %arg7[%dma_wait3A_679, %dma_wait3A_682, %dma_wait3A_683] : memref<3x80x128xf32, #tpu.memory_space<vmem>> -> memref<1x80x128xf32, #tpu.memory_space<vmem>>
      %dma_wait3A_685 = tpu.memref_squeeze %dma_wait3A_684 : memref<1x80x128xf32, #tpu.memory_space<vmem>> -> memref<80x128xf32, #tpu.memory_space<vmem>>
      %dma_wait3A_686 = arith.constant 0 : i32
      %dma_wait3A_687 = tpu.memref_slice %arg6[%dma_wait3A_680, %dma_wait3A_681, %dma_wait3A_686] : memref<2x25x80xi32, #tpu.memory_space<vmem>> -> memref<1x1x80xi32, #tpu.memory_space<vmem>>
      %dma_wait3A_688 = tpu.memref_squeeze %dma_wait3A_687 : memref<1x1x80xi32, #tpu.memory_space<vmem>> -> memref<80xi32, #tpu.memory_space<vmem>>
      %dma_wait3A_689 = arith.constant 0 : i32
      %dma_wait3A_690 = arith.constant 0 : i32
      %dma_wait3A_691 = tpu.memref_slice %arg8[%dma_wait3A_689, %dma_wait3A_690] : memref<10000x128xf32, #tpu.memory_space<vmem_shared>> -> memref<10000x128xf32, #tpu.memory_space<vmem_shared>>
      tpu.wait_indirect_dma semaphore(%arg14 : memref<!tpu.dma_semaphore, #tpu.memory_space<semaphore_mem>>) src(%dma_wait3A_685 : memref<80x128xf32, #tpu.memory_space<vmem>>) dst(%dma_wait3A_691 : memref<10000x128xf32, #tpu.memory_space<vmem_shared>>)
      %dma_start3A_692 = arith.constant 0 : i32
      %dma_start3A_693 = arith.constant 14 : i32
      %dma_start3A_694 = arith.constant 2 : i32
      %dma_start3A_695 = arith.constant 0 : i32
      %dma_start3A_696 = arith.constant 0 : i32
      %dma_start3A_697 = tpu.memref_slice %arg7[%dma_start3A_694, %dma_start3A_695, %dma_start3A_696] : memref<3x80x128xf32, #tpu.memory_space<vmem>> -> memref<1x80x128xf32, #tpu.memory_space<vmem>>
      %dma_start3A_698 = tpu.memref_squeeze %dma_start3A_697 : memref<1x80x128xf32, #tpu.memory_space<vmem>> -> memref<80x128xf32, #tpu.memory_space<vmem>>
      %dma_start3A_699 = arith.constant 0 : i32
      %dma_start3A_700 = tpu.memref_slice %arg6[%dma_start3A_692, %dma_start3A_693, %dma_start3A_699] : memref<2x25x80xi32, #tpu.memory_space<vmem>> -> memref<1x1x80xi32, #tpu.memory_space<vmem>>
      %dma_start3A_701 = tpu.memref_squeeze %dma_start3A_700 : memref<1x1x80xi32, #tpu.memory_space<vmem>> -> memref<80xi32, #tpu.memory_space<vmem>>
      %dma_start3A_702 = arith.constant 0 : i32
      %dma_start3A_703 = arith.constant 0 : i32
      %dma_start3A_704 = tpu.memref_slice %arg2[%dma_start3A_702, %dma_start3A_703] : memref<10000x128xf32, #tpu.memory_space<hbm>> -> memref<10000x128xf32, #tpu.memory_space<hbm>>
      tpu.enqueue_indirect_dma source(%dma_start3A_704 : memref<10000x128xf32, #tpu.memory_space<hbm>>) target(%dma_start3A_698 : memref<80x128xf32, #tpu.memory_space<vmem>>) offsets(%dma_start3A_701 : memref<80xi32, #tpu.memory_space<vmem>>) semaphore(%arg11 : memref<!tpu.dma_semaphore, #tpu.memory_space<semaphore_mem>>)
      %dma_wait3A_705 = arith.constant 0 : i32
      %dma_wait3A_706 = arith.constant 13 : i32
      %dma_wait3A_707 = arith.constant 1 : i32
      %dma_wait3A_708 = arith.constant 0 : i32
      %dma_wait3A_709 = arith.constant 0 : i32
      %dma_wait3A_710 = tpu.memref_slice %arg7[%dma_wait3A_707, %dma_wait3A_708, %dma_wait3A_709] : memref<3x80x128xf32, #tpu.memory_space<vmem>> -> memref<1x80x128xf32, #tpu.memory_space<vmem>>
      %dma_wait3A_711 = tpu.memref_squeeze %dma_wait3A_710 : memref<1x80x128xf32, #tpu.memory_space<vmem>> -> memref<80x128xf32, #tpu.memory_space<vmem>>
      %dma_wait3A_712 = arith.constant 0 : i32
      %dma_wait3A_713 = tpu.memref_slice %arg6[%dma_wait3A_705, %dma_wait3A_706, %dma_wait3A_712] : memref<2x25x80xi32, #tpu.memory_space<vmem>> -> memref<1x1x80xi32, #tpu.memory_space<vmem>>
      %dma_wait3A_714 = tpu.memref_squeeze %dma_wait3A_713 : memref<1x1x80xi32, #tpu.memory_space<vmem>> -> memref<80xi32, #tpu.memory_space<vmem>>
      %dma_wait3A_715 = arith.constant 0 : i32
      %dma_wait3A_716 = arith.constant 0 : i32
      %dma_wait3A_717 = tpu.memref_slice %arg2[%dma_wait3A_715, %dma_wait3A_716] : memref<10000x128xf32, #tpu.memory_space<hbm>> -> memref<10000x128xf32, #tpu.memory_space<hbm>>
      tpu.wait_indirect_dma semaphore(%arg10 : memref<!tpu.dma_semaphore, #tpu.memory_space<semaphore_mem>>) src(%dma_wait3A_717 : memref<10000x128xf32, #tpu.memory_space<hbm>>) dst(%dma_wait3A_711 : memref<80x128xf32, #tpu.memory_space<vmem>>)
      %dma_start3A_718 = arith.constant 1 : i32
      %dma_start3A_719 = arith.constant 1 : i32
      %dma_start3A_720 = arith.constant 13 : i32
      %dma_start3A_721 = arith.constant 0 : i32
      %dma_start3A_722 = arith.constant 0 : i32
      %dma_start3A_723 = tpu.memref_slice %arg7[%dma_start3A_718, %dma_start3A_721, %dma_start3A_722] : memref<3x80x128xf32, #tpu.memory_space<vmem>> -> memref<1x80x128xf32, #tpu.memory_space<vmem>>
      %dma_start3A_724 = tpu.memref_squeeze %dma_start3A_723 : memref<1x80x128xf32, #tpu.memory_space<vmem>> -> memref<80x128xf32, #tpu.memory_space<vmem>>
      %dma_start3A_725 = arith.constant 0 : i32
      %dma_start3A_726 = tpu.memref_slice %arg6[%dma_start3A_719, %dma_start3A_720, %dma_start3A_725] : memref<2x25x80xi32, #tpu.memory_space<vmem>> -> memref<1x1x80xi32, #tpu.memory_space<vmem>>
      %dma_start3A_727 = tpu.memref_squeeze %dma_start3A_726 : memref<1x1x80xi32, #tpu.memory_space<vmem>> -> memref<80xi32, #tpu.memory_space<vmem>>
      %dma_start3A_728 = arith.constant 0 : i32
      %dma_start3A_729 = arith.constant 0 : i32
      %dma_start3A_730 = tpu.memref_slice %arg8[%dma_start3A_728, %dma_start3A_729] : memref<10000x128xf32, #tpu.memory_space<vmem_shared>> -> memref<10000x128xf32, #tpu.memory_space<vmem_shared>>
      tpu.enqueue_indirect_dma source(%dma_start3A_724 : memref<80x128xf32, #tpu.memory_space<vmem>>) target(%dma_start3A_730 : memref<10000x128xf32, #tpu.memory_space<vmem_shared>>) offsets(%dma_start3A_727 : memref<80xi32, #tpu.memory_space<vmem>>) semaphore(%arg13 : memref<!tpu.dma_semaphore, #tpu.memory_space<semaphore_mem>>) {add = true}
      %dma_wait3A_731 = arith.constant 0 : i32
      %dma_wait3A_732 = arith.constant 1 : i32
      %dma_wait3A_733 = arith.constant 12 : i32
      %dma_wait3A_734 = arith.constant 0 : i32
      %dma_wait3A_735 = arith.constant 0 : i32
      %dma_wait3A_736 = tpu.memref_slice %arg7[%dma_wait3A_731, %dma_wait3A_734, %dma_wait3A_735] : memref<3x80x128xf32, #tpu.memory_space<vmem>> -> memref<1x80x128xf32, #tpu.memory_space<vmem>>
      %dma_wait3A_737 = tpu.memref_squeeze %dma_wait3A_736 : memref<1x80x128xf32, #tpu.memory_space<vmem>> -> memref<80x128xf32, #tpu.memory_space<vmem>>
      %dma_wait3A_738 = arith.constant 0 : i32
      %dma_wait3A_739 = tpu.memref_slice %arg6[%dma_wait3A_732, %dma_wait3A_733, %dma_wait3A_738] : memref<2x25x80xi32, #tpu.memory_space<vmem>> -> memref<1x1x80xi32, #tpu.memory_space<vmem>>
      %dma_wait3A_740 = tpu.memref_squeeze %dma_wait3A_739 : memref<1x1x80xi32, #tpu.memory_space<vmem>> -> memref<80xi32, #tpu.memory_space<vmem>>
      %dma_wait3A_741 = arith.constant 0 : i32
      %dma_wait3A_742 = arith.constant 0 : i32
      %dma_wait3A_743 = tpu.memref_slice %arg8[%dma_wait3A_741, %dma_wait3A_742] : memref<10000x128xf32, #tpu.memory_space<vmem_shared>> -> memref<10000x128xf32, #tpu.memory_space<vmem_shared>>
      tpu.wait_indirect_dma semaphore(%arg12 : memref<!tpu.dma_semaphore, #tpu.memory_space<semaphore_mem>>) src(%dma_wait3A_737 : memref<80x128xf32, #tpu.memory_space<vmem>>) dst(%dma_wait3A_743 : memref<10000x128xf32, #tpu.memory_space<vmem_shared>>)
      %dma_start3A_744 = arith.constant 0 : i32
      %dma_start3A_745 = arith.constant 15 : i32
      %dma_start3A_746 = arith.constant 0 : i32
      %dma_start3A_747 = arith.constant 0 : i32
      %dma_start3A_748 = arith.constant 0 : i32
      %dma_start3A_749 = tpu.memref_slice %arg7[%dma_start3A_746, %dma_start3A_747, %dma_start3A_748] : memref<3x80x128xf32, #tpu.memory_space<vmem>> -> memref<1x80x128xf32, #tpu.memory_space<vmem>>
      %dma_start3A_750 = tpu.memref_squeeze %dma_start3A_749 : memref<1x80x128xf32, #tpu.memory_space<vmem>> -> memref<80x128xf32, #tpu.memory_space<vmem>>
      %dma_start3A_751 = arith.constant 0 : i32
      %dma_start3A_752 = tpu.memref_slice %arg6[%dma_start3A_744, %dma_start3A_745, %dma_start3A_751] : memref<2x25x80xi32, #tpu.memory_space<vmem>> -> memref<1x1x80xi32, #tpu.memory_space<vmem>>
      %dma_start3A_753 = tpu.memref_squeeze %dma_start3A_752 : memref<1x1x80xi32, #tpu.memory_space<vmem>> -> memref<80xi32, #tpu.memory_space<vmem>>
      %dma_start3A_754 = arith.constant 0 : i32
      %dma_start3A_755 = arith.constant 0 : i32
      %dma_start3A_756 = tpu.memref_slice %arg2[%dma_start3A_754, %dma_start3A_755] : memref<10000x128xf32, #tpu.memory_space<hbm>> -> memref<10000x128xf32, #tpu.memory_space<hbm>>
      tpu.enqueue_indirect_dma source(%dma_start3A_756 : memref<10000x128xf32, #tpu.memory_space<hbm>>) target(%dma_start3A_750 : memref<80x128xf32, #tpu.memory_space<vmem>>) offsets(%dma_start3A_753 : memref<80xi32, #tpu.memory_space<vmem>>) semaphore(%arg9 : memref<!tpu.dma_semaphore, #tpu.memory_space<semaphore_mem>>)
      %dma_wait3A_757 = arith.constant 0 : i32
      %dma_wait3A_758 = arith.constant 14 : i32
      %dma_wait3A_759 = arith.constant 2 : i32
      %dma_wait3A_760 = arith.constant 0 : i32
      %dma_wait3A_761 = arith.constant 0 : i32
      %dma_wait3A_762 = tpu.memref_slice %arg7[%dma_wait3A_759, %dma_wait3A_760, %dma_wait3A_761] : memref<3x80x128xf32, #tpu.memory_space<vmem>> -> memref<1x80x128xf32, #tpu.memory_space<vmem>>
      %dma_wait3A_763 = tpu.memref_squeeze %dma_wait3A_762 : memref<1x80x128xf32, #tpu.memory_space<vmem>> -> memref<80x128xf32, #tpu.memory_space<vmem>>
      %dma_wait3A_764 = arith.constant 0 : i32
      %dma_wait3A_765 = tpu.memref_slice %arg6[%dma_wait3A_757, %dma_wait3A_758, %dma_wait3A_764] : memref<2x25x80xi32, #tpu.memory_space<vmem>> -> memref<1x1x80xi32, #tpu.memory_space<vmem>>
      %dma_wait3A_766 = tpu.memref_squeeze %dma_wait3A_765 : memref<1x1x80xi32, #tpu.memory_space<vmem>> -> memref<80xi32, #tpu.memory_space<vmem>>
      %dma_wait3A_767 = arith.constant 0 : i32
      %dma_wait3A_768 = arith.constant 0 : i32
      %dma_wait3A_769 = tpu.memref_slice %arg2[%dma_wait3A_767, %dma_wait3A_768] : memref<10000x128xf32, #tpu.memory_space<hbm>> -> memref<10000x128xf32, #tpu.memory_space<hbm>>
      tpu.wait_indirect_dma semaphore(%arg11 : memref<!tpu.dma_semaphore, #tpu.memory_space<semaphore_mem>>) src(%dma_wait3A_769 : memref<10000x128xf32, #tpu.memory_space<hbm>>) dst(%dma_wait3A_763 : memref<80x128xf32, #tpu.memory_space<vmem>>)
      %dma_start3A_770 = arith.constant 2 : i32
      %dma_start3A_771 = arith.constant 1 : i32
      %dma_start3A_772 = arith.constant 14 : i32
      %dma_start3A_773 = arith.constant 0 : i32
      %dma_start3A_774 = arith.constant 0 : i32
      %dma_start3A_775 = tpu.memref_slice %arg7[%dma_start3A_770, %dma_start3A_773, %dma_start3A_774] : memref<3x80x128xf32, #tpu.memory_space<vmem>> -> memref<1x80x128xf32, #tpu.memory_space<vmem>>
      %dma_start3A_776 = tpu.memref_squeeze %dma_start3A_775 : memref<1x80x128xf32, #tpu.memory_space<vmem>> -> memref<80x128xf32, #tpu.memory_space<vmem>>
      %dma_start3A_777 = arith.constant 0 : i32
      %dma_start3A_778 = tpu.memref_slice %arg6[%dma_start3A_771, %dma_start3A_772, %dma_start3A_777] : memref<2x25x80xi32, #tpu.memory_space<vmem>> -> memref<1x1x80xi32, #tpu.memory_space<vmem>>
      %dma_start3A_779 = tpu.memref_squeeze %dma_start3A_778 : memref<1x1x80xi32, #tpu.memory_space<vmem>> -> memref<80xi32, #tpu.memory_space<vmem>>
      %dma_start3A_780 = arith.constant 0 : i32
      %dma_start3A_781 = arith.constant 0 : i32
      %dma_start3A_782 = tpu.memref_slice %arg8[%dma_start3A_780, %dma_start3A_781] : memref<10000x128xf32, #tpu.memory_space<vmem_shared>> -> memref<10000x128xf32, #tpu.memory_space<vmem_shared>>
      tpu.enqueue_indirect_dma source(%dma_start3A_776 : memref<80x128xf32, #tpu.memory_space<vmem>>) target(%dma_start3A_782 : memref<10000x128xf32, #tpu.memory_space<vmem_shared>>) offsets(%dma_start3A_779 : memref<80xi32, #tpu.memory_space<vmem>>) semaphore(%arg14 : memref<!tpu.dma_semaphore, #tpu.memory_space<semaphore_mem>>) {add = true}
      %dma_wait3A_783 = arith.constant 1 : i32
      %dma_wait3A_784 = arith.constant 1 : i32
      %dma_wait3A_785 = arith.constant 13 : i32
      %dma_wait3A_786 = arith.constant 0 : i32
      %dma_wait3A_787 = arith.constant 0 : i32
      %dma_wait3A_788 = tpu.memref_slice %arg7[%dma_wait3A_783, %dma_wait3A_786, %dma_wait3A_787] : memref<3x80x128xf32, #tpu.memory_space<vmem>> -> memref<1x80x128xf32, #tpu.memory_space<vmem>>
      %dma_wait3A_789 = tpu.memref_squeeze %dma_wait3A_788 : memref<1x80x128xf32, #tpu.memory_space<vmem>> -> memref<80x128xf32, #tpu.memory_space<vmem>>
      %dma_wait3A_790 = arith.constant 0 : i32
      %dma_wait3A_791 = tpu.memref_slice %arg6[%dma_wait3A_784, %dma_wait3A_785, %dma_wait3A_790] : memref<2x25x80xi32, #tpu.memory_space<vmem>> -> memref<1x1x80xi32, #tpu.memory_space<vmem>>
      %dma_wait3A_792 = tpu.memref_squeeze %dma_wait3A_791 : memref<1x1x80xi32, #tpu.memory_space<vmem>> -> memref<80xi32, #tpu.memory_space<vmem>>
      %dma_wait3A_793 = arith.constant 0 : i32
      %dma_wait3A_794 = arith.constant 0 : i32
      %dma_wait3A_795 = tpu.memref_slice %arg8[%dma_wait3A_793, %dma_wait3A_794] : memref<10000x128xf32, #tpu.memory_space<vmem_shared>> -> memref<10000x128xf32, #tpu.memory_space<vmem_shared>>
      tpu.wait_indirect_dma semaphore(%arg13 : memref<!tpu.dma_semaphore, #tpu.memory_space<semaphore_mem>>) src(%dma_wait3A_789 : memref<80x128xf32, #tpu.memory_space<vmem>>) dst(%dma_wait3A_795 : memref<10000x128xf32, #tpu.memory_space<vmem_shared>>)
      %dma_start3A_796 = arith.constant 0 : i32
      %dma_start3A_797 = arith.constant 16 : i32
      %dma_start3A_798 = arith.constant 1 : i32
      %dma_start3A_799 = arith.constant 0 : i32
      %dma_start3A_800 = arith.constant 0 : i32
      %dma_start3A_801 = tpu.memref_slice %arg7[%dma_start3A_798, %dma_start3A_799, %dma_start3A_800] : memref<3x80x128xf32, #tpu.memory_space<vmem>> -> memref<1x80x128xf32, #tpu.memory_space<vmem>>
      %dma_start3A_802 = tpu.memref_squeeze %dma_start3A_801 : memref<1x80x128xf32, #tpu.memory_space<vmem>> -> memref<80x128xf32, #tpu.memory_space<vmem>>
      %dma_start3A_803 = arith.constant 0 : i32
      %dma_start3A_804 = tpu.memref_slice %arg6[%dma_start3A_796, %dma_start3A_797, %dma_start3A_803] : memref<2x25x80xi32, #tpu.memory_space<vmem>> -> memref<1x1x80xi32, #tpu.memory_space<vmem>>
      %dma_start3A_805 = tpu.memref_squeeze %dma_start3A_804 : memref<1x1x80xi32, #tpu.memory_space<vmem>> -> memref<80xi32, #tpu.memory_space<vmem>>
      %dma_start3A_806 = arith.constant 0 : i32
      %dma_start3A_807 = arith.constant 0 : i32
      %dma_start3A_808 = tpu.memref_slice %arg2[%dma_start3A_806, %dma_start3A_807] : memref<10000x128xf32, #tpu.memory_space<hbm>> -> memref<10000x128xf32, #tpu.memory_space<hbm>>
      tpu.enqueue_indirect_dma source(%dma_start3A_808 : memref<10000x128xf32, #tpu.memory_space<hbm>>) target(%dma_start3A_802 : memref<80x128xf32, #tpu.memory_space<vmem>>) offsets(%dma_start3A_805 : memref<80xi32, #tpu.memory_space<vmem>>) semaphore(%arg10 : memref<!tpu.dma_semaphore, #tpu.memory_space<semaphore_mem>>)
      %dma_wait3A_809 = arith.constant 0 : i32
      %dma_wait3A_810 = arith.constant 15 : i32
      %dma_wait3A_811 = arith.constant 0 : i32
      %dma_wait3A_812 = arith.constant 0 : i32
      %dma_wait3A_813 = arith.constant 0 : i32
      %dma_wait3A_814 = tpu.memref_slice %arg7[%dma_wait3A_811, %dma_wait3A_812, %dma_wait3A_813] : memref<3x80x128xf32, #tpu.memory_space<vmem>> -> memref<1x80x128xf32, #tpu.memory_space<vmem>>
      %dma_wait3A_815 = tpu.memref_squeeze %dma_wait3A_814 : memref<1x80x128xf32, #tpu.memory_space<vmem>> -> memref<80x128xf32, #tpu.memory_space<vmem>>
      %dma_wait3A_816 = arith.constant 0 : i32
      %dma_wait3A_817 = tpu.memref_slice %arg6[%dma_wait3A_809, %dma_wait3A_810, %dma_wait3A_816] : memref<2x25x80xi32, #tpu.memory_space<vmem>> -> memref<1x1x80xi32, #tpu.memory_space<vmem>>
      %dma_wait3A_818 = tpu.memref_squeeze %dma_wait3A_817 : memref<1x1x80xi32, #tpu.memory_space<vmem>> -> memref<80xi32, #tpu.memory_space<vmem>>
      %dma_wait3A_819 = arith.constant 0 : i32
      %dma_wait3A_820 = arith.constant 0 : i32
      %dma_wait3A_821 = tpu.memref_slice %arg2[%dma_wait3A_819, %dma_wait3A_820] : memref<10000x128xf32, #tpu.memory_space<hbm>> -> memref<10000x128xf32, #tpu.memory_space<hbm>>
      tpu.wait_indirect_dma semaphore(%arg9 : memref<!tpu.dma_semaphore, #tpu.memory_space<semaphore_mem>>) src(%dma_wait3A_821 : memref<10000x128xf32, #tpu.memory_space<hbm>>) dst(%dma_wait3A_815 : memref<80x128xf32, #tpu.memory_space<vmem>>)
      %dma_start3A_822 = arith.constant 0 : i32
      %dma_start3A_823 = arith.constant 1 : i32
      %dma_start3A_824 = arith.constant 15 : i32
      %dma_start3A_825 = arith.constant 0 : i32
      %dma_start3A_826 = arith.constant 0 : i32
      %dma_start3A_827 = tpu.memref_slice %arg7[%dma_start3A_822, %dma_start3A_825, %dma_start3A_826] : memref<3x80x128xf32, #tpu.memory_space<vmem>> -> memref<1x80x128xf32, #tpu.memory_space<vmem>>
      %dma_start3A_828 = tpu.memref_squeeze %dma_start3A_827 : memref<1x80x128xf32, #tpu.memory_space<vmem>> -> memref<80x128xf32, #tpu.memory_space<vmem>>
      %dma_start3A_829 = arith.constant 0 : i32
      %dma_start3A_830 = tpu.memref_slice %arg6[%dma_start3A_823, %dma_start3A_824, %dma_start3A_829] : memref<2x25x80xi32, #tpu.memory_space<vmem>> -> memref<1x1x80xi32, #tpu.memory_space<vmem>>
      %dma_start3A_831 = tpu.memref_squeeze %dma_start3A_830 : memref<1x1x80xi32, #tpu.memory_space<vmem>> -> memref<80xi32, #tpu.memory_space<vmem>>
      %dma_start3A_832 = arith.constant 0 : i32
      %dma_start3A_833 = arith.constant 0 : i32
      %dma_start3A_834 = tpu.memref_slice %arg8[%dma_start3A_832, %dma_start3A_833] : memref<10000x128xf32, #tpu.memory_space<vmem_shared>> -> memref<10000x128xf32, #tpu.memory_space<vmem_shared>>
      tpu.enqueue_indirect_dma source(%dma_start3A_828 : memref<80x128xf32, #tpu.memory_space<vmem>>) target(%dma_start3A_834 : memref<10000x128xf32, #tpu.memory_space<vmem_shared>>) offsets(%dma_start3A_831 : memref<80xi32, #tpu.memory_space<vmem>>) semaphore(%arg12 : memref<!tpu.dma_semaphore, #tpu.memory_space<semaphore_mem>>) {add = true}
      %dma_wait3A_835 = arith.constant 2 : i32
      %dma_wait3A_836 = arith.constant 1 : i32
      %dma_wait3A_837 = arith.constant 14 : i32
      %dma_wait3A_838 = arith.constant 0 : i32
      %dma_wait3A_839 = arith.constant 0 : i32
      %dma_wait3A_840 = tpu.memref_slice %arg7[%dma_wait3A_835, %dma_wait3A_838, %dma_wait3A_839] : memref<3x80x128xf32, #tpu.memory_space<vmem>> -> memref<1x80x128xf32, #tpu.memory_space<vmem>>
      %dma_wait3A_841 = tpu.memref_squeeze %dma_wait3A_840 : memref<1x80x128xf32, #tpu.memory_space<vmem>> -> memref<80x128xf32, #tpu.memory_space<vmem>>
      %dma_wait3A_842 = arith.constant 0 : i32
      %dma_wait3A_843 = tpu.memref_slice %arg6[%dma_wait3A_836, %dma_wait3A_837, %dma_wait3A_842] : memref<2x25x80xi32, #tpu.memory_space<vmem>> -> memref<1x1x80xi32, #tpu.memory_space<vmem>>
      %dma_wait3A_844 = tpu.memref_squeeze %dma_wait3A_843 : memref<1x1x80xi32, #tpu.memory_space<vmem>> -> memref<80xi32, #tpu.memory_space<vmem>>
      %dma_wait3A_845 = arith.constant 0 : i32
      %dma_wait3A_846 = arith.constant 0 : i32
      %dma_wait3A_847 = tpu.memref_slice %arg8[%dma_wait3A_845, %dma_wait3A_846] : memref<10000x128xf32, #tpu.memory_space<vmem_shared>> -> memref<10000x128xf32, #tpu.memory_space<vmem_shared>>
      tpu.wait_indirect_dma semaphore(%arg14 : memref<!tpu.dma_semaphore, #tpu.memory_space<semaphore_mem>>) src(%dma_wait3A_841 : memref<80x128xf32, #tpu.memory_space<vmem>>) dst(%dma_wait3A_847 : memref<10000x128xf32, #tpu.memory_space<vmem_shared>>)
      %dma_start3A_848 = arith.constant 0 : i32
      %dma_start3A_849 = arith.constant 17 : i32
      %dma_start3A_850 = arith.constant 2 : i32
      %dma_start3A_851 = arith.constant 0 : i32
      %dma_start3A_852 = arith.constant 0 : i32
      %dma_start3A_853 = tpu.memref_slice %arg7[%dma_start3A_850, %dma_start3A_851, %dma_start3A_852] : memref<3x80x128xf32, #tpu.memory_space<vmem>> -> memref<1x80x128xf32, #tpu.memory_space<vmem>>
      %dma_start3A_854 = tpu.memref_squeeze %dma_start3A_853 : memref<1x80x128xf32, #tpu.memory_space<vmem>> -> memref<80x128xf32, #tpu.memory_space<vmem>>
      %dma_start3A_855 = arith.constant 0 : i32
      %dma_start3A_856 = tpu.memref_slice %arg6[%dma_start3A_848, %dma_start3A_849, %dma_start3A_855] : memref<2x25x80xi32, #tpu.memory_space<vmem>> -> memref<1x1x80xi32, #tpu.memory_space<vmem>>
      %dma_start3A_857 = tpu.memref_squeeze %dma_start3A_856 : memref<1x1x80xi32, #tpu.memory_space<vmem>> -> memref<80xi32, #tpu.memory_space<vmem>>
      %dma_start3A_858 = arith.constant 0 : i32
      %dma_start3A_859 = arith.constant 0 : i32
      %dma_start3A_860 = tpu.memref_slice %arg2[%dma_start3A_858, %dma_start3A_859] : memref<10000x128xf32, #tpu.memory_space<hbm>> -> memref<10000x128xf32, #tpu.memory_space<hbm>>
      tpu.enqueue_indirect_dma source(%dma_start3A_860 : memref<10000x128xf32, #tpu.memory_space<hbm>>) target(%dma_start3A_854 : memref<80x128xf32, #tpu.memory_space<vmem>>) offsets(%dma_start3A_857 : memref<80xi32, #tpu.memory_space<vmem>>) semaphore(%arg11 : memref<!tpu.dma_semaphore, #tpu.memory_space<semaphore_mem>>)
      %dma_wait3A_861 = arith.constant 0 : i32
      %dma_wait3A_862 = arith.constant 16 : i32
      %dma_wait3A_863 = arith.constant 1 : i32
      %dma_wait3A_864 = arith.constant 0 : i32
      %dma_wait3A_865 = arith.constant 0 : i32
      %dma_wait3A_866 = tpu.memref_slice %arg7[%dma_wait3A_863, %dma_wait3A_864, %dma_wait3A_865] : memref<3x80x128xf32, #tpu.memory_space<vmem>> -> memref<1x80x128xf32, #tpu.memory_space<vmem>>
      %dma_wait3A_867 = tpu.memref_squeeze %dma_wait3A_866 : memref<1x80x128xf32, #tpu.memory_space<vmem>> -> memref<80x128xf32, #tpu.memory_space<vmem>>
      %dma_wait3A_868 = arith.constant 0 : i32
      %dma_wait3A_869 = tpu.memref_slice %arg6[%dma_wait3A_861, %dma_wait3A_862, %dma_wait3A_868] : memref<2x25x80xi32, #tpu.memory_space<vmem>> -> memref<1x1x80xi32, #tpu.memory_space<vmem>>
      %dma_wait3A_870 = tpu.memref_squeeze %dma_wait3A_869 : memref<1x1x80xi32, #tpu.memory_space<vmem>> -> memref<80xi32, #tpu.memory_space<vmem>>
      %dma_wait3A_871 = arith.constant 0 : i32
      %dma_wait3A_872 = arith.constant 0 : i32
      %dma_wait3A_873 = tpu.memref_slice %arg2[%dma_wait3A_871, %dma_wait3A_872] : memref<10000x128xf32, #tpu.memory_space<hbm>> -> memref<10000x128xf32, #tpu.memory_space<hbm>>
      tpu.wait_indirect_dma semaphore(%arg10 : memref<!tpu.dma_semaphore, #tpu.memory_space<semaphore_mem>>) src(%dma_wait3A_873 : memref<10000x128xf32, #tpu.memory_space<hbm>>) dst(%dma_wait3A_867 : memref<80x128xf32, #tpu.memory_space<vmem>>)
      %dma_start3A_874 = arith.constant 1 : i32
      %dma_start3A_875 = arith.constant 1 : i32
      %dma_start3A_876 = arith.constant 16 : i32
      %dma_start3A_877 = arith.constant 0 : i32
      %dma_start3A_878 = arith.constant 0 : i32
      %dma_start3A_879 = tpu.memref_slice %arg7[%dma_start3A_874, %dma_start3A_877, %dma_start3A_878] : memref<3x80x128xf32, #tpu.memory_space<vmem>> -> memref<1x80x128xf32, #tpu.memory_space<vmem>>
      %dma_start3A_880 = tpu.memref_squeeze %dma_start3A_879 : memref<1x80x128xf32, #tpu.memory_space<vmem>> -> memref<80x128xf32, #tpu.memory_space<vmem>>
      %dma_start3A_881 = arith.constant 0 : i32
      %dma_start3A_882 = tpu.memref_slice %arg6[%dma_start3A_875, %dma_start3A_876, %dma_start3A_881] : memref<2x25x80xi32, #tpu.memory_space<vmem>> -> memref<1x1x80xi32, #tpu.memory_space<vmem>>
      %dma_start3A_883 = tpu.memref_squeeze %dma_start3A_882 : memref<1x1x80xi32, #tpu.memory_space<vmem>> -> memref<80xi32, #tpu.memory_space<vmem>>
      %dma_start3A_884 = arith.constant 0 : i32
      %dma_start3A_885 = arith.constant 0 : i32
      %dma_start3A_886 = tpu.memref_slice %arg8[%dma_start3A_884, %dma_start3A_885] : memref<10000x128xf32, #tpu.memory_space<vmem_shared>> -> memref<10000x128xf32, #tpu.memory_space<vmem_shared>>
      tpu.enqueue_indirect_dma source(%dma_start3A_880 : memref<80x128xf32, #tpu.memory_space<vmem>>) target(%dma_start3A_886 : memref<10000x128xf32, #tpu.memory_space<vmem_shared>>) offsets(%dma_start3A_883 : memref<80xi32, #tpu.memory_space<vmem>>) semaphore(%arg13 : memref<!tpu.dma_semaphore, #tpu.memory_space<semaphore_mem>>) {add = true}
      %dma_wait3A_887 = arith.constant 0 : i32
      %dma_wait3A_888 = arith.constant 1 : i32
      %dma_wait3A_889 = arith.constant 15 : i32
      %dma_wait3A_890 = arith.constant 0 : i32
      %dma_wait3A_891 = arith.constant 0 : i32
      %dma_wait3A_892 = tpu.memref_slice %arg7[%dma_wait3A_887, %dma_wait3A_890, %dma_wait3A_891] : memref<3x80x128xf32, #tpu.memory_space<vmem>> -> memref<1x80x128xf32, #tpu.memory_space<vmem>>
      %dma_wait3A_893 = tpu.memref_squeeze %dma_wait3A_892 : memref<1x80x128xf32, #tpu.memory_space<vmem>> -> memref<80x128xf32, #tpu.memory_space<vmem>>
      %dma_wait3A_894 = arith.constant 0 : i32
      %dma_wait3A_895 = tpu.memref_slice %arg6[%dma_wait3A_888, %dma_wait3A_889, %dma_wait3A_894] : memref<2x25x80xi32, #tpu.memory_space<vmem>> -> memref<1x1x80xi32, #tpu.memory_space<vmem>>
      %dma_wait3A_896 = tpu.memref_squeeze %dma_wait3A_895 : memref<1x1x80xi32, #tpu.memory_space<vmem>> -> memref<80xi32, #tpu.memory_space<vmem>>
      %dma_wait3A_897 = arith.constant 0 : i32
      %dma_wait3A_898 = arith.constant 0 : i32
      %dma_wait3A_899 = tpu.memref_slice %arg8[%dma_wait3A_897, %dma_wait3A_898] : memref<10000x128xf32, #tpu.memory_space<vmem_shared>> -> memref<10000x128xf32, #tpu.memory_space<vmem_shared>>
      tpu.wait_indirect_dma semaphore(%arg12 : memref<!tpu.dma_semaphore, #tpu.memory_space<semaphore_mem>>) src(%dma_wait3A_893 : memref<80x128xf32, #tpu.memory_space<vmem>>) dst(%dma_wait3A_899 : memref<10000x128xf32, #tpu.memory_space<vmem_shared>>)
      %dma_start3A_900 = arith.constant 0 : i32
      %dma_start3A_901 = arith.constant 18 : i32
      %dma_start3A_902 = arith.constant 0 : i32
      %dma_start3A_903 = arith.constant 0 : i32
      %dma_start3A_904 = arith.constant 0 : i32
      %dma_start3A_905 = tpu.memref_slice %arg7[%dma_start3A_902, %dma_start3A_903, %dma_start3A_904] : memref<3x80x128xf32, #tpu.memory_space<vmem>> -> memref<1x80x128xf32, #tpu.memory_space<vmem>>
      %dma_start3A_906 = tpu.memref_squeeze %dma_start3A_905 : memref<1x80x128xf32, #tpu.memory_space<vmem>> -> memref<80x128xf32, #tpu.memory_space<vmem>>
      %dma_start3A_907 = arith.constant 0 : i32
      %dma_start3A_908 = tpu.memref_slice %arg6[%dma_start3A_900, %dma_start3A_901, %dma_start3A_907] : memref<2x25x80xi32, #tpu.memory_space<vmem>> -> memref<1x1x80xi32, #tpu.memory_space<vmem>>
      %dma_start3A_909 = tpu.memref_squeeze %dma_start3A_908 : memref<1x1x80xi32, #tpu.memory_space<vmem>> -> memref<80xi32, #tpu.memory_space<vmem>>
      %dma_start3A_910 = arith.constant 0 : i32
      %dma_start3A_911 = arith.constant 0 : i32
      %dma_start3A_912 = tpu.memref_slice %arg2[%dma_start3A_910, %dma_start3A_911] : memref<10000x128xf32, #tpu.memory_space<hbm>> -> memref<10000x128xf32, #tpu.memory_space<hbm>>
      tpu.enqueue_indirect_dma source(%dma_start3A_912 : memref<10000x128xf32, #tpu.memory_space<hbm>>) target(%dma_start3A_906 : memref<80x128xf32, #tpu.memory_space<vmem>>) offsets(%dma_start3A_909 : memref<80xi32, #tpu.memory_space<vmem>>) semaphore(%arg9 : memref<!tpu.dma_semaphore, #tpu.memory_space<semaphore_mem>>)
      %dma_wait3A_913 = arith.constant 0 : i32
      %dma_wait3A_914 = arith.constant 17 : i32
      %dma_wait3A_915 = arith.constant 2 : i32
      %dma_wait3A_916 = arith.constant 0 : i32
      %dma_wait3A_917 = arith.constant 0 : i32
      %dma_wait3A_918 = tpu.memref_slice %arg7[%dma_wait3A_915, %dma_wait3A_916, %dma_wait3A_917] : memref<3x80x128xf32, #tpu.memory_space<vmem>> -> memref<1x80x128xf32, #tpu.memory_space<vmem>>
      %dma_wait3A_919 = tpu.memref_squeeze %dma_wait3A_918 : memref<1x80x128xf32, #tpu.memory_space<vmem>> -> memref<80x128xf32, #tpu.memory_space<vmem>>
      %dma_wait3A_920 = arith.constant 0 : i32
      %dma_wait3A_921 = tpu.memref_slice %arg6[%dma_wait3A_913, %dma_wait3A_914, %dma_wait3A_920] : memref<2x25x80xi32, #tpu.memory_space<vmem>> -> memref<1x1x80xi32, #tpu.memory_space<vmem>>
      %dma_wait3A_922 = tpu.memref_squeeze %dma_wait3A_921 : memref<1x1x80xi32, #tpu.memory_space<vmem>> -> memref<80xi32, #tpu.memory_space<vmem>>
      %dma_wait3A_923 = arith.constant 0 : i32
      %dma_wait3A_924 = arith.constant 0 : i32
      %dma_wait3A_925 = tpu.memref_slice %arg2[%dma_wait3A_923, %dma_wait3A_924] : memref<10000x128xf32, #tpu.memory_space<hbm>> -> memref<10000x128xf32, #tpu.memory_space<hbm>>
      tpu.wait_indirect_dma semaphore(%arg11 : memref<!tpu.dma_semaphore, #tpu.memory_space<semaphore_mem>>) src(%dma_wait3A_925 : memref<10000x128xf32, #tpu.memory_space<hbm>>) dst(%dma_wait3A_919 : memref<80x128xf32, #tpu.memory_space<vmem>>)
      %dma_start3A_926 = arith.constant 2 : i32
      %dma_start3A_927 = arith.constant 1 : i32
      %dma_start3A_928 = arith.constant 17 : i32
      %dma_start3A_929 = arith.constant 0 : i32
      %dma_start3A_930 = arith.constant 0 : i32
      %dma_start3A_931 = tpu.memref_slice %arg7[%dma_start3A_926, %dma_start3A_929, %dma_start3A_930] : memref<3x80x128xf32, #tpu.memory_space<vmem>> -> memref<1x80x128xf32, #tpu.memory_space<vmem>>
      %dma_start3A_932 = tpu.memref_squeeze %dma_start3A_931 : memref<1x80x128xf32, #tpu.memory_space<vmem>> -> memref<80x128xf32, #tpu.memory_space<vmem>>
      %dma_start3A_933 = arith.constant 0 : i32
      %dma_start3A_934 = tpu.memref_slice %arg6[%dma_start3A_927, %dma_start3A_928, %dma_start3A_933] : memref<2x25x80xi32, #tpu.memory_space<vmem>> -> memref<1x1x80xi32, #tpu.memory_space<vmem>>
      %dma_start3A_935 = tpu.memref_squeeze %dma_start3A_934 : memref<1x1x80xi32, #tpu.memory_space<vmem>> -> memref<80xi32, #tpu.memory_space<vmem>>
      %dma_start3A_936 = arith.constant 0 : i32
      %dma_start3A_937 = arith.constant 0 : i32
      %dma_start3A_938 = tpu.memref_slice %arg8[%dma_start3A_936, %dma_start3A_937] : memref<10000x128xf32, #tpu.memory_space<vmem_shared>> -> memref<10000x128xf32, #tpu.memory_space<vmem_shared>>
      tpu.enqueue_indirect_dma source(%dma_start3A_932 : memref<80x128xf32, #tpu.memory_space<vmem>>) target(%dma_start3A_938 : memref<10000x128xf32, #tpu.memory_space<vmem_shared>>) offsets(%dma_start3A_935 : memref<80xi32, #tpu.memory_space<vmem>>) semaphore(%arg14 : memref<!tpu.dma_semaphore, #tpu.memory_space<semaphore_mem>>) {add = true}
      %dma_wait3A_939 = arith.constant 1 : i32
      %dma_wait3A_940 = arith.constant 1 : i32
      %dma_wait3A_941 = arith.constant 16 : i32
      %dma_wait3A_942 = arith.constant 0 : i32
      %dma_wait3A_943 = arith.constant 0 : i32
      %dma_wait3A_944 = tpu.memref_slice %arg7[%dma_wait3A_939, %dma_wait3A_942, %dma_wait3A_943] : memref<3x80x128xf32, #tpu.memory_space<vmem>> -> memref<1x80x128xf32, #tpu.memory_space<vmem>>
      %dma_wait3A_945 = tpu.memref_squeeze %dma_wait3A_944 : memref<1x80x128xf32, #tpu.memory_space<vmem>> -> memref<80x128xf32, #tpu.memory_space<vmem>>
      %dma_wait3A_946 = arith.constant 0 : i32
      %dma_wait3A_947 = tpu.memref_slice %arg6[%dma_wait3A_940, %dma_wait3A_941, %dma_wait3A_946] : memref<2x25x80xi32, #tpu.memory_space<vmem>> -> memref<1x1x80xi32, #tpu.memory_space<vmem>>
      %dma_wait3A_948 = tpu.memref_squeeze %dma_wait3A_947 : memref<1x1x80xi32, #tpu.memory_space<vmem>> -> memref<80xi32, #tpu.memory_space<vmem>>
      %dma_wait3A_949 = arith.constant 0 : i32
      %dma_wait3A_950 = arith.constant 0 : i32
      %dma_wait3A_951 = tpu.memref_slice %arg8[%dma_wait3A_949, %dma_wait3A_950] : memref<10000x128xf32, #tpu.memory_space<vmem_shared>> -> memref<10000x128xf32, #tpu.memory_space<vmem_shared>>
      tpu.wait_indirect_dma semaphore(%arg13 : memref<!tpu.dma_semaphore, #tpu.memory_space<semaphore_mem>>) src(%dma_wait3A_945 : memref<80x128xf32, #tpu.memory_space<vmem>>) dst(%dma_wait3A_951 : memref<10000x128xf32, #tpu.memory_space<vmem_shared>>)
      %dma_start3A_952 = arith.constant 0 : i32
      %dma_start3A_953 = arith.constant 19 : i32
      %dma_start3A_954 = arith.constant 1 : i32
      %dma_start3A_955 = arith.constant 0 : i32
      %dma_start3A_956 = arith.constant 0 : i32
      %dma_start3A_957 = tpu.memref_slice %arg7[%dma_start3A_954, %dma_start3A_955, %dma_start3A_956] : memref<3x80x128xf32, #tpu.memory_space<vmem>> -> memref<1x80x128xf32, #tpu.memory_space<vmem>>
      %dma_start3A_958 = tpu.memref_squeeze %dma_start3A_957 : memref<1x80x128xf32, #tpu.memory_space<vmem>> -> memref<80x128xf32, #tpu.memory_space<vmem>>
      %dma_start3A_959 = arith.constant 0 : i32
      %dma_start3A_960 = tpu.memref_slice %arg6[%dma_start3A_952, %dma_start3A_953, %dma_start3A_959] : memref<2x25x80xi32, #tpu.memory_space<vmem>> -> memref<1x1x80xi32, #tpu.memory_space<vmem>>
      %dma_start3A_961 = tpu.memref_squeeze %dma_start3A_960 : memref<1x1x80xi32, #tpu.memory_space<vmem>> -> memref<80xi32, #tpu.memory_space<vmem>>
      %dma_start3A_962 = arith.constant 0 : i32
      %dma_start3A_963 = arith.constant 0 : i32
      %dma_start3A_964 = tpu.memref_slice %arg2[%dma_start3A_962, %dma_start3A_963] : memref<10000x128xf32, #tpu.memory_space<hbm>> -> memref<10000x128xf32, #tpu.memory_space<hbm>>
      tpu.enqueue_indirect_dma source(%dma_start3A_964 : memref<10000x128xf32, #tpu.memory_space<hbm>>) target(%dma_start3A_958 : memref<80x128xf32, #tpu.memory_space<vmem>>) offsets(%dma_start3A_961 : memref<80xi32, #tpu.memory_space<vmem>>) semaphore(%arg10 : memref<!tpu.dma_semaphore, #tpu.memory_space<semaphore_mem>>)
      %dma_wait3A_965 = arith.constant 0 : i32
      %dma_wait3A_966 = arith.constant 18 : i32
      %dma_wait3A_967 = arith.constant 0 : i32
      %dma_wait3A_968 = arith.constant 0 : i32
      %dma_wait3A_969 = arith.constant 0 : i32
      %dma_wait3A_970 = tpu.memref_slice %arg7[%dma_wait3A_967, %dma_wait3A_968, %dma_wait3A_969] : memref<3x80x128xf32, #tpu.memory_space<vmem>> -> memref<1x80x128xf32, #tpu.memory_space<vmem>>
      %dma_wait3A_971 = tpu.memref_squeeze %dma_wait3A_970 : memref<1x80x128xf32, #tpu.memory_space<vmem>> -> memref<80x128xf32, #tpu.memory_space<vmem>>
      %dma_wait3A_972 = arith.constant 0 : i32
      %dma_wait3A_973 = tpu.memref_slice %arg6[%dma_wait3A_965, %dma_wait3A_966, %dma_wait3A_972] : memref<2x25x80xi32, #tpu.memory_space<vmem>> -> memref<1x1x80xi32, #tpu.memory_space<vmem>>
      %dma_wait3A_974 = tpu.memref_squeeze %dma_wait3A_973 : memref<1x1x80xi32, #tpu.memory_space<vmem>> -> memref<80xi32, #tpu.memory_space<vmem>>
      %dma_wait3A_975 = arith.constant 0 : i32
      %dma_wait3A_976 = arith.constant 0 : i32
      %dma_wait3A_977 = tpu.memref_slice %arg2[%dma_wait3A_975, %dma_wait3A_976] : memref<10000x128xf32, #tpu.memory_space<hbm>> -> memref<10000x128xf32, #tpu.memory_space<hbm>>
      tpu.wait_indirect_dma semaphore(%arg9 : memref<!tpu.dma_semaphore, #tpu.memory_space<semaphore_mem>>) src(%dma_wait3A_977 : memref<10000x128xf32, #tpu.memory_space<hbm>>) dst(%dma_wait3A_971 : memref<80x128xf32, #tpu.memory_space<vmem>>)
      %dma_start3A_978 = arith.constant 0 : i32
      %dma_start3A_979 = arith.constant 1 : i32
      %dma_start3A_980 = arith.constant 18 : i32
      %dma_start3A_981 = arith.constant 0 : i32
      %dma_start3A_982 = arith.constant 0 : i32
      %dma_start3A_983 = tpu.memref_slice %arg7[%dma_start3A_978, %dma_start3A_981, %dma_start3A_982] : memref<3x80x128xf32, #tpu.memory_space<vmem>> -> memref<1x80x128xf32, #tpu.memory_space<vmem>>
      %dma_start3A_984 = tpu.memref_squeeze %dma_start3A_983 : memref<1x80x128xf32, #tpu.memory_space<vmem>> -> memref<80x128xf32, #tpu.memory_space<vmem>>
      %dma_start3A_985 = arith.constant 0 : i32
      %dma_start3A_986 = tpu.memref_slice %arg6[%dma_start3A_979, %dma_start3A_980, %dma_start3A_985] : memref<2x25x80xi32, #tpu.memory_space<vmem>> -> memref<1x1x80xi32, #tpu.memory_space<vmem>>
      %dma_start3A_987 = tpu.memref_squeeze %dma_start3A_986 : memref<1x1x80xi32, #tpu.memory_space<vmem>> -> memref<80xi32, #tpu.memory_space<vmem>>
      %dma_start3A_988 = arith.constant 0 : i32
      %dma_start3A_989 = arith.constant 0 : i32
      %dma_start3A_990 = tpu.memref_slice %arg8[%dma_start3A_988, %dma_start3A_989] : memref<10000x128xf32, #tpu.memory_space<vmem_shared>> -> memref<10000x128xf32, #tpu.memory_space<vmem_shared>>
      tpu.enqueue_indirect_dma source(%dma_start3A_984 : memref<80x128xf32, #tpu.memory_space<vmem>>) target(%dma_start3A_990 : memref<10000x128xf32, #tpu.memory_space<vmem_shared>>) offsets(%dma_start3A_987 : memref<80xi32, #tpu.memory_space<vmem>>) semaphore(%arg12 : memref<!tpu.dma_semaphore, #tpu.memory_space<semaphore_mem>>) {add = true}
      %dma_wait3A_991 = arith.constant 2 : i32
      %dma_wait3A_992 = arith.constant 1 : i32
      %dma_wait3A_993 = arith.constant 17 : i32
      %dma_wait3A_994 = arith.constant 0 : i32
      %dma_wait3A_995 = arith.constant 0 : i32
      %dma_wait3A_996 = tpu.memref_slice %arg7[%dma_wait3A_991, %dma_wait3A_994, %dma_wait3A_995] : memref<3x80x128xf32, #tpu.memory_space<vmem>> -> memref<1x80x128xf32, #tpu.memory_space<vmem>>
      %dma_wait3A_997 = tpu.memref_squeeze %dma_wait3A_996 : memref<1x80x128xf32, #tpu.memory_space<vmem>> -> memref<80x128xf32, #tpu.memory_space<vmem>>
      %dma_wait3A_998 = arith.constant 0 : i32
      %dma_wait3A_999 = tpu.memref_slice %arg6[%dma_wait3A_992, %dma_wait3A_993, %dma_wait3A_998] : memref<2x25x80xi32, #tpu.memory_space<vmem>> -> memref<1x1x80xi32, #tpu.memory_space<vmem>>
      %dma_wait3A_1000 = tpu.memref_squeeze %dma_wait3A_999 : memref<1x1x80xi32, #tpu.memory_space<vmem>> -> memref<80xi32, #tpu.memory_space<vmem>>
      %dma_wait3A_1001 = arith.constant 0 : i32
      %dma_wait3A_1002 = arith.constant 0 : i32
      %dma_wait3A_1003 = tpu.memref_slice %arg8[%dma_wait3A_1001, %dma_wait3A_1002] : memref<10000x128xf32, #tpu.memory_space<vmem_shared>> -> memref<10000x128xf32, #tpu.memory_space<vmem_shared>>
      tpu.wait_indirect_dma semaphore(%arg14 : memref<!tpu.dma_semaphore, #tpu.memory_space<semaphore_mem>>) src(%dma_wait3A_997 : memref<80x128xf32, #tpu.memory_space<vmem>>) dst(%dma_wait3A_1003 : memref<10000x128xf32, #tpu.memory_space<vmem_shared>>)
      %dma_start3A_1004 = arith.constant 0 : i32
      %dma_start3A_1005 = arith.constant 20 : i32
      %dma_start3A_1006 = arith.constant 2 : i32
      %dma_start3A_1007 = arith.constant 0 : i32
      %dma_start3A_1008 = arith.constant 0 : i32
      %dma_start3A_1009 = tpu.memref_slice %arg7[%dma_start3A_1006, %dma_start3A_1007, %dma_start3A_1008] : memref<3x80x128xf32, #tpu.memory_space<vmem>> -> memref<1x80x128xf32, #tpu.memory_space<vmem>>
      %dma_start3A_1010 = tpu.memref_squeeze %dma_start3A_1009 : memref<1x80x128xf32, #tpu.memory_space<vmem>> -> memref<80x128xf32, #tpu.memory_space<vmem>>
      %dma_start3A_1011 = arith.constant 0 : i32
      %dma_start3A_1012 = tpu.memref_slice %arg6[%dma_start3A_1004, %dma_start3A_1005, %dma_start3A_1011] : memref<2x25x80xi32, #tpu.memory_space<vmem>> -> memref<1x1x80xi32, #tpu.memory_space<vmem>>
      %dma_start3A_1013 = tpu.memref_squeeze %dma_start3A_1012 : memref<1x1x80xi32, #tpu.memory_space<vmem>> -> memref<80xi32, #tpu.memory_space<vmem>>
      %dma_start3A_1014 = arith.constant 0 : i32
      %dma_start3A_1015 = arith.constant 0 : i32
      %dma_start3A_1016 = tpu.memref_slice %arg2[%dma_start3A_1014, %dma_start3A_1015] : memref<10000x128xf32, #tpu.memory_space<hbm>> -> memref<10000x128xf32, #tpu.memory_space<hbm>>
      tpu.enqueue_indirect_dma source(%dma_start3A_1016 : memref<10000x128xf32, #tpu.memory_space<hbm>>) target(%dma_start3A_1010 : memref<80x128xf32, #tpu.memory_space<vmem>>) offsets(%dma_start3A_1013 : memref<80xi32, #tpu.memory_space<vmem>>) semaphore(%arg11 : memref<!tpu.dma_semaphore, #tpu.memory_space<semaphore_mem>>)
      %dma_wait3A_1017 = arith.constant 0 : i32
      %dma_wait3A_1018 = arith.constant 19 : i32
      %dma_wait3A_1019 = arith.constant 1 : i32
      %dma_wait3A_1020 = arith.constant 0 : i32
      %dma_wait3A_1021 = arith.constant 0 : i32
      %dma_wait3A_1022 = tpu.memref_slice %arg7[%dma_wait3A_1019, %dma_wait3A_1020, %dma_wait3A_1021] : memref<3x80x128xf32, #tpu.memory_space<vmem>> -> memref<1x80x128xf32, #tpu.memory_space<vmem>>
      %dma_wait3A_1023 = tpu.memref_squeeze %dma_wait3A_1022 : memref<1x80x128xf32, #tpu.memory_space<vmem>> -> memref<80x128xf32, #tpu.memory_space<vmem>>
      %dma_wait3A_1024 = arith.constant 0 : i32
      %dma_wait3A_1025 = tpu.memref_slice %arg6[%dma_wait3A_1017, %dma_wait3A_1018, %dma_wait3A_1024] : memref<2x25x80xi32, #tpu.memory_space<vmem>> -> memref<1x1x80xi32, #tpu.memory_space<vmem>>
      %dma_wait3A_1026 = tpu.memref_squeeze %dma_wait3A_1025 : memref<1x1x80xi32, #tpu.memory_space<vmem>> -> memref<80xi32, #tpu.memory_space<vmem>>
      %dma_wait3A_1027 = arith.constant 0 : i32
      %dma_wait3A_1028 = arith.constant 0 : i32
      %dma_wait3A_1029 = tpu.memref_slice %arg2[%dma_wait3A_1027, %dma_wait3A_1028] : memref<10000x128xf32, #tpu.memory_space<hbm>> -> memref<10000x128xf32, #tpu.memory_space<hbm>>
      tpu.wait_indirect_dma semaphore(%arg10 : memref<!tpu.dma_semaphore, #tpu.memory_space<semaphore_mem>>) src(%dma_wait3A_1029 : memref<10000x128xf32, #tpu.memory_space<hbm>>) dst(%dma_wait3A_1023 : memref<80x128xf32, #tpu.memory_space<vmem>>)
      %dma_start3A_1030 = arith.constant 1 : i32
      %dma_start3A_1031 = arith.constant 1 : i32
      %dma_start3A_1032 = arith.constant 19 : i32
      %dma_start3A_1033 = arith.constant 0 : i32
      %dma_start3A_1034 = arith.constant 0 : i32
      %dma_start3A_1035 = tpu.memref_slice %arg7[%dma_start3A_1030, %dma_start3A_1033, %dma_start3A_1034] : memref<3x80x128xf32, #tpu.memory_space<vmem>> -> memref<1x80x128xf32, #tpu.memory_space<vmem>>
      %dma_start3A_1036 = tpu.memref_squeeze %dma_start3A_1035 : memref<1x80x128xf32, #tpu.memory_space<vmem>> -> memref<80x128xf32, #tpu.memory_space<vmem>>
      %dma_start3A_1037 = arith.constant 0 : i32
      %dma_start3A_1038 = tpu.memref_slice %arg6[%dma_start3A_1031, %dma_start3A_1032, %dma_start3A_1037] : memref<2x25x80xi32, #tpu.memory_space<vmem>> -> memref<1x1x80xi32, #tpu.memory_space<vmem>>
      %dma_start3A_1039 = tpu.memref_squeeze %dma_start3A_1038 : memref<1x1x80xi32, #tpu.memory_space<vmem>> -> memref<80xi32, #tpu.memory_space<vmem>>
      %dma_start3A_1040 = arith.constant 0 : i32
      %dma_start3A_1041 = arith.constant 0 : i32
      %dma_start3A_1042 = tpu.memref_slice %arg8[%dma_start3A_1040, %dma_start3A_1041] : memref<10000x128xf32, #tpu.memory_space<vmem_shared>> -> memref<10000x128xf32, #tpu.memory_space<vmem_shared>>
      tpu.enqueue_indirect_dma source(%dma_start3A_1036 : memref<80x128xf32, #tpu.memory_space<vmem>>) target(%dma_start3A_1042 : memref<10000x128xf32, #tpu.memory_space<vmem_shared>>) offsets(%dma_start3A_1039 : memref<80xi32, #tpu.memory_space<vmem>>) semaphore(%arg13 : memref<!tpu.dma_semaphore, #tpu.memory_space<semaphore_mem>>) {add = true}
      %dma_wait3A_1043 = arith.constant 0 : i32
      %dma_wait3A_1044 = arith.constant 1 : i32
      %dma_wait3A_1045 = arith.constant 18 : i32
      %dma_wait3A_1046 = arith.constant 0 : i32
      %dma_wait3A_1047 = arith.constant 0 : i32
      %dma_wait3A_1048 = tpu.memref_slice %arg7[%dma_wait3A_1043, %dma_wait3A_1046, %dma_wait3A_1047] : memref<3x80x128xf32, #tpu.memory_space<vmem>> -> memref<1x80x128xf32, #tpu.memory_space<vmem>>
      %dma_wait3A_1049 = tpu.memref_squeeze %dma_wait3A_1048 : memref<1x80x128xf32, #tpu.memory_space<vmem>> -> memref<80x128xf32, #tpu.memory_space<vmem>>
      %dma_wait3A_1050 = arith.constant 0 : i32
      %dma_wait3A_1051 = tpu.memref_slice %arg6[%dma_wait3A_1044, %dma_wait3A_1045, %dma_wait3A_1050] : memref<2x25x80xi32, #tpu.memory_space<vmem>> -> memref<1x1x80xi32, #tpu.memory_space<vmem>>
      %dma_wait3A_1052 = tpu.memref_squeeze %dma_wait3A_1051 : memref<1x1x80xi32, #tpu.memory_space<vmem>> -> memref<80xi32, #tpu.memory_space<vmem>>
      %dma_wait3A_1053 = arith.constant 0 : i32
      %dma_wait3A_1054 = arith.constant 0 : i32
      %dma_wait3A_1055 = tpu.memref_slice %arg8[%dma_wait3A_1053, %dma_wait3A_1054] : memref<10000x128xf32, #tpu.memory_space<vmem_shared>> -> memref<10000x128xf32, #tpu.memory_space<vmem_shared>>
      tpu.wait_indirect_dma semaphore(%arg12 : memref<!tpu.dma_semaphore, #tpu.memory_space<semaphore_mem>>) src(%dma_wait3A_1049 : memref<80x128xf32, #tpu.memory_space<vmem>>) dst(%dma_wait3A_1055 : memref<10000x128xf32, #tpu.memory_space<vmem_shared>>)
      %dma_start3A_1056 = arith.constant 0 : i32
      %dma_start3A_1057 = arith.constant 21 : i32
      %dma_start3A_1058 = arith.constant 0 : i32
      %dma_start3A_1059 = arith.constant 0 : i32
      %dma_start3A_1060 = arith.constant 0 : i32
      %dma_start3A_1061 = tpu.memref_slice %arg7[%dma_start3A_1058, %dma_start3A_1059, %dma_start3A_1060] : memref<3x80x128xf32, #tpu.memory_space<vmem>> -> memref<1x80x128xf32, #tpu.memory_space<vmem>>
      %dma_start3A_1062 = tpu.memref_squeeze %dma_start3A_1061 : memref<1x80x128xf32, #tpu.memory_space<vmem>> -> memref<80x128xf32, #tpu.memory_space<vmem>>
      %dma_start3A_1063 = arith.constant 0 : i32
      %dma_start3A_1064 = tpu.memref_slice %arg6[%dma_start3A_1056, %dma_start3A_1057, %dma_start3A_1063] : memref<2x25x80xi32, #tpu.memory_space<vmem>> -> memref<1x1x80xi32, #tpu.memory_space<vmem>>
      %dma_start3A_1065 = tpu.memref_squeeze %dma_start3A_1064 : memref<1x1x80xi32, #tpu.memory_space<vmem>> -> memref<80xi32, #tpu.memory_space<vmem>>
      %dma_start3A_1066 = arith.constant 0 : i32
      %dma_start3A_1067 = arith.constant 0 : i32
      %dma_start3A_1068 = tpu.memref_slice %arg2[%dma_start3A_1066, %dma_start3A_1067] : memref<10000x128xf32, #tpu.memory_space<hbm>> -> memref<10000x128xf32, #tpu.memory_space<hbm>>
      tpu.enqueue_indirect_dma source(%dma_start3A_1068 : memref<10000x128xf32, #tpu.memory_space<hbm>>) target(%dma_start3A_1062 : memref<80x128xf32, #tpu.memory_space<vmem>>) offsets(%dma_start3A_1065 : memref<80xi32, #tpu.memory_space<vmem>>) semaphore(%arg9 : memref<!tpu.dma_semaphore, #tpu.memory_space<semaphore_mem>>)
      %dma_wait3A_1069 = arith.constant 0 : i32
      %dma_wait3A_1070 = arith.constant 20 : i32
      %dma_wait3A_1071 = arith.constant 2 : i32
      %dma_wait3A_1072 = arith.constant 0 : i32
      %dma_wait3A_1073 = arith.constant 0 : i32
      %dma_wait3A_1074 = tpu.memref_slice %arg7[%dma_wait3A_1071, %dma_wait3A_1072, %dma_wait3A_1073] : memref<3x80x128xf32, #tpu.memory_space<vmem>> -> memref<1x80x128xf32, #tpu.memory_space<vmem>>
      %dma_wait3A_1075 = tpu.memref_squeeze %dma_wait3A_1074 : memref<1x80x128xf32, #tpu.memory_space<vmem>> -> memref<80x128xf32, #tpu.memory_space<vmem>>
      %dma_wait3A_1076 = arith.constant 0 : i32
      %dma_wait3A_1077 = tpu.memref_slice %arg6[%dma_wait3A_1069, %dma_wait3A_1070, %dma_wait3A_1076] : memref<2x25x80xi32, #tpu.memory_space<vmem>> -> memref<1x1x80xi32, #tpu.memory_space<vmem>>
      %dma_wait3A_1078 = tpu.memref_squeeze %dma_wait3A_1077 : memref<1x1x80xi32, #tpu.memory_space<vmem>> -> memref<80xi32, #tpu.memory_space<vmem>>
      %dma_wait3A_1079 = arith.constant 0 : i32
      %dma_wait3A_1080 = arith.constant 0 : i32
      %dma_wait3A_1081 = tpu.memref_slice %arg2[%dma_wait3A_1079, %dma_wait3A_1080] : memref<10000x128xf32, #tpu.memory_space<hbm>> -> memref<10000x128xf32, #tpu.memory_space<hbm>>
      tpu.wait_indirect_dma semaphore(%arg11 : memref<!tpu.dma_semaphore, #tpu.memory_space<semaphore_mem>>) src(%dma_wait3A_1081 : memref<10000x128xf32, #tpu.memory_space<hbm>>) dst(%dma_wait3A_1075 : memref<80x128xf32, #tpu.memory_space<vmem>>)
      %dma_start3A_1082 = arith.constant 2 : i32
      %dma_start3A_1083 = arith.constant 1 : i32
      %dma_start3A_1084 = arith.constant 20 : i32
      %dma_start3A_1085 = arith.constant 0 : i32
      %dma_start3A_1086 = arith.constant 0 : i32
      %dma_start3A_1087 = tpu.memref_slice %arg7[%dma_start3A_1082, %dma_start3A_1085, %dma_start3A_1086] : memref<3x80x128xf32, #tpu.memory_space<vmem>> -> memref<1x80x128xf32, #tpu.memory_space<vmem>>
      %dma_start3A_1088 = tpu.memref_squeeze %dma_start3A_1087 : memref<1x80x128xf32, #tpu.memory_space<vmem>> -> memref<80x128xf32, #tpu.memory_space<vmem>>
      %dma_start3A_1089 = arith.constant 0 : i32
      %dma_start3A_1090 = tpu.memref_slice %arg6[%dma_start3A_1083, %dma_start3A_1084, %dma_start3A_1089] : memref<2x25x80xi32, #tpu.memory_space<vmem>> -> memref<1x1x80xi32, #tpu.memory_space<vmem>>
      %dma_start3A_1091 = tpu.memref_squeeze %dma_start3A_1090 : memref<1x1x80xi32, #tpu.memory_space<vmem>> -> memref<80xi32, #tpu.memory_space<vmem>>
      %dma_start3A_1092 = arith.constant 0 : i32
      %dma_start3A_1093 = arith.constant 0 : i32
      %dma_start3A_1094 = tpu.memref_slice %arg8[%dma_start3A_1092, %dma_start3A_1093] : memref<10000x128xf32, #tpu.memory_space<vmem_shared>> -> memref<10000x128xf32, #tpu.memory_space<vmem_shared>>
      tpu.enqueue_indirect_dma source(%dma_start3A_1088 : memref<80x128xf32, #tpu.memory_space<vmem>>) target(%dma_start3A_1094 : memref<10000x128xf32, #tpu.memory_space<vmem_shared>>) offsets(%dma_start3A_1091 : memref<80xi32, #tpu.memory_space<vmem>>) semaphore(%arg14 : memref<!tpu.dma_semaphore, #tpu.memory_space<semaphore_mem>>) {add = true}
      %dma_wait3A_1095 = arith.constant 1 : i32
      %dma_wait3A_1096 = arith.constant 1 : i32
      %dma_wait3A_1097 = arith.constant 19 : i32
      %dma_wait3A_1098 = arith.constant 0 : i32
      %dma_wait3A_1099 = arith.constant 0 : i32
      %dma_wait3A_1100 = tpu.memref_slice %arg7[%dma_wait3A_1095, %dma_wait3A_1098, %dma_wait3A_1099] : memref<3x80x128xf32, #tpu.memory_space<vmem>> -> memref<1x80x128xf32, #tpu.memory_space<vmem>>
      %dma_wait3A_1101 = tpu.memref_squeeze %dma_wait3A_1100 : memref<1x80x128xf32, #tpu.memory_space<vmem>> -> memref<80x128xf32, #tpu.memory_space<vmem>>
      %dma_wait3A_1102 = arith.constant 0 : i32
      %dma_wait3A_1103 = tpu.memref_slice %arg6[%dma_wait3A_1096, %dma_wait3A_1097, %dma_wait3A_1102] : memref<2x25x80xi32, #tpu.memory_space<vmem>> -> memref<1x1x80xi32, #tpu.memory_space<vmem>>
      %dma_wait3A_1104 = tpu.memref_squeeze %dma_wait3A_1103 : memref<1x1x80xi32, #tpu.memory_space<vmem>> -> memref<80xi32, #tpu.memory_space<vmem>>
      %dma_wait3A_1105 = arith.constant 0 : i32
      %dma_wait3A_1106 = arith.constant 0 : i32
      %dma_wait3A_1107 = tpu.memref_slice %arg8[%dma_wait3A_1105, %dma_wait3A_1106] : memref<10000x128xf32, #tpu.memory_space<vmem_shared>> -> memref<10000x128xf32, #tpu.memory_space<vmem_shared>>
      tpu.wait_indirect_dma semaphore(%arg13 : memref<!tpu.dma_semaphore, #tpu.memory_space<semaphore_mem>>) src(%dma_wait3A_1101 : memref<80x128xf32, #tpu.memory_space<vmem>>) dst(%dma_wait3A_1107 : memref<10000x128xf32, #tpu.memory_space<vmem_shared>>)
      %dma_start3A_1108 = arith.constant 0 : i32
      %dma_start3A_1109 = arith.constant 22 : i32
      %dma_start3A_1110 = arith.constant 1 : i32
      %dma_start3A_1111 = arith.constant 0 : i32
      %dma_start3A_1112 = arith.constant 0 : i32
      %dma_start3A_1113 = tpu.memref_slice %arg7[%dma_start3A_1110, %dma_start3A_1111, %dma_start3A_1112] : memref<3x80x128xf32, #tpu.memory_space<vmem>> -> memref<1x80x128xf32, #tpu.memory_space<vmem>>
      %dma_start3A_1114 = tpu.memref_squeeze %dma_start3A_1113 : memref<1x80x128xf32, #tpu.memory_space<vmem>> -> memref<80x128xf32, #tpu.memory_space<vmem>>
      %dma_start3A_1115 = arith.constant 0 : i32
      %dma_start3A_1116 = tpu.memref_slice %arg6[%dma_start3A_1108, %dma_start3A_1109, %dma_start3A_1115] : memref<2x25x80xi32, #tpu.memory_space<vmem>> -> memref<1x1x80xi32, #tpu.memory_space<vmem>>
      %dma_start3A_1117 = tpu.memref_squeeze %dma_start3A_1116 : memref<1x1x80xi32, #tpu.memory_space<vmem>> -> memref<80xi32, #tpu.memory_space<vmem>>
      %dma_start3A_1118 = arith.constant 0 : i32
      %dma_start3A_1119 = arith.constant 0 : i32
      %dma_start3A_1120 = tpu.memref_slice %arg2[%dma_start3A_1118, %dma_start3A_1119] : memref<10000x128xf32, #tpu.memory_space<hbm>> -> memref<10000x128xf32, #tpu.memory_space<hbm>>
      tpu.enqueue_indirect_dma source(%dma_start3A_1120 : memref<10000x128xf32, #tpu.memory_space<hbm>>) target(%dma_start3A_1114 : memref<80x128xf32, #tpu.memory_space<vmem>>) offsets(%dma_start3A_1117 : memref<80xi32, #tpu.memory_space<vmem>>) semaphore(%arg10 : memref<!tpu.dma_semaphore, #tpu.memory_space<semaphore_mem>>)
      %dma_wait3A_1121 = arith.constant 0 : i32
      %dma_wait3A_1122 = arith.constant 21 : i32
      %dma_wait3A_1123 = arith.constant 0 : i32
      %dma_wait3A_1124 = arith.constant 0 : i32
      %dma_wait3A_1125 = arith.constant 0 : i32
      %dma_wait3A_1126 = tpu.memref_slice %arg7[%dma_wait3A_1123, %dma_wait3A_1124, %dma_wait3A_1125] : memref<3x80x128xf32, #tpu.memory_space<vmem>> -> memref<1x80x128xf32, #tpu.memory_space<vmem>>
      %dma_wait3A_1127 = tpu.memref_squeeze %dma_wait3A_1126 : memref<1x80x128xf32, #tpu.memory_space<vmem>> -> memref<80x128xf32, #tpu.memory_space<vmem>>
      %dma_wait3A_1128 = arith.constant 0 : i32
      %dma_wait3A_1129 = tpu.memref_slice %arg6[%dma_wait3A_1121, %dma_wait3A_1122, %dma_wait3A_1128] : memref<2x25x80xi32, #tpu.memory_space<vmem>> -> memref<1x1x80xi32, #tpu.memory_space<vmem>>
      %dma_wait3A_1130 = tpu.memref_squeeze %dma_wait3A_1129 : memref<1x1x80xi32, #tpu.memory_space<vmem>> -> memref<80xi32, #tpu.memory_space<vmem>>
      %dma_wait3A_1131 = arith.constant 0 : i32
      %dma_wait3A_1132 = arith.constant 0 : i32
      %dma_wait3A_1133 = tpu.memref_slice %arg2[%dma_wait3A_1131, %dma_wait3A_1132] : memref<10000x128xf32, #tpu.memory_space<hbm>> -> memref<10000x128xf32, #tpu.memory_space<hbm>>
      tpu.wait_indirect_dma semaphore(%arg9 : memref<!tpu.dma_semaphore, #tpu.memory_space<semaphore_mem>>) src(%dma_wait3A_1133 : memref<10000x128xf32, #tpu.memory_space<hbm>>) dst(%dma_wait3A_1127 : memref<80x128xf32, #tpu.memory_space<vmem>>)
      %dma_start3A_1134 = arith.constant 0 : i32
      %dma_start3A_1135 = arith.constant 1 : i32
      %dma_start3A_1136 = arith.constant 21 : i32
      %dma_start3A_1137 = arith.constant 0 : i32
      %dma_start3A_1138 = arith.constant 0 : i32
      %dma_start3A_1139 = tpu.memref_slice %arg7[%dma_start3A_1134, %dma_start3A_1137, %dma_start3A_1138] : memref<3x80x128xf32, #tpu.memory_space<vmem>> -> memref<1x80x128xf32, #tpu.memory_space<vmem>>
      %dma_start3A_1140 = tpu.memref_squeeze %dma_start3A_1139 : memref<1x80x128xf32, #tpu.memory_space<vmem>> -> memref<80x128xf32, #tpu.memory_space<vmem>>
      %dma_start3A_1141 = arith.constant 0 : i32
      %dma_start3A_1142 = tpu.memref_slice %arg6[%dma_start3A_1135, %dma_start3A_1136, %dma_start3A_1141] : memref<2x25x80xi32, #tpu.memory_space<vmem>> -> memref<1x1x80xi32, #tpu.memory_space<vmem>>
      %dma_start3A_1143 = tpu.memref_squeeze %dma_start3A_1142 : memref<1x1x80xi32, #tpu.memory_space<vmem>> -> memref<80xi32, #tpu.memory_space<vmem>>
      %dma_start3A_1144 = arith.constant 0 : i32
      %dma_start3A_1145 = arith.constant 0 : i32
      %dma_start3A_1146 = tpu.memref_slice %arg8[%dma_start3A_1144, %dma_start3A_1145] : memref<10000x128xf32, #tpu.memory_space<vmem_shared>> -> memref<10000x128xf32, #tpu.memory_space<vmem_shared>>
      tpu.enqueue_indirect_dma source(%dma_start3A_1140 : memref<80x128xf32, #tpu.memory_space<vmem>>) target(%dma_start3A_1146 : memref<10000x128xf32, #tpu.memory_space<vmem_shared>>) offsets(%dma_start3A_1143 : memref<80xi32, #tpu.memory_space<vmem>>) semaphore(%arg12 : memref<!tpu.dma_semaphore, #tpu.memory_space<semaphore_mem>>) {add = true}
      %dma_wait3A_1147 = arith.constant 2 : i32
      %dma_wait3A_1148 = arith.constant 1 : i32
      %dma_wait3A_1149 = arith.constant 20 : i32
      %dma_wait3A_1150 = arith.constant 0 : i32
      %dma_wait3A_1151 = arith.constant 0 : i32
      %dma_wait3A_1152 = tpu.memref_slice %arg7[%dma_wait3A_1147, %dma_wait3A_1150, %dma_wait3A_1151] : memref<3x80x128xf32, #tpu.memory_space<vmem>> -> memref<1x80x128xf32, #tpu.memory_space<vmem>>
      %dma_wait3A_1153 = tpu.memref_squeeze %dma_wait3A_1152 : memref<1x80x128xf32, #tpu.memory_space<vmem>> -> memref<80x128xf32, #tpu.memory_space<vmem>>
      %dma_wait3A_1154 = arith.constant 0 : i32
      %dma_wait3A_1155 = tpu.memref_slice %arg6[%dma_wait3A_1148, %dma_wait3A_1149, %dma_wait3A_1154] : memref<2x25x80xi32, #tpu.memory_space<vmem>> -> memref<1x1x80xi32, #tpu.memory_space<vmem>>
      %dma_wait3A_1156 = tpu.memref_squeeze %dma_wait3A_1155 : memref<1x1x80xi32, #tpu.memory_space<vmem>> -> memref<80xi32, #tpu.memory_space<vmem>>
      %dma_wait3A_1157 = arith.constant 0 : i32
      %dma_wait3A_1158 = arith.constant 0 : i32
      %dma_wait3A_1159 = tpu.memref_slice %arg8[%dma_wait3A_1157, %dma_wait3A_1158] : memref<10000x128xf32, #tpu.memory_space<vmem_shared>> -> memref<10000x128xf32, #tpu.memory_space<vmem_shared>>
      tpu.wait_indirect_dma semaphore(%arg14 : memref<!tpu.dma_semaphore, #tpu.memory_space<semaphore_mem>>) src(%dma_wait3A_1153 : memref<80x128xf32, #tpu.memory_space<vmem>>) dst(%dma_wait3A_1159 : memref<10000x128xf32, #tpu.memory_space<vmem_shared>>)
      %dma_start3A_1160 = arith.constant 0 : i32
      %dma_start3A_1161 = arith.constant 23 : i32
      %dma_start3A_1162 = arith.constant 2 : i32
      %dma_start3A_1163 = arith.constant 0 : i32
      %dma_start3A_1164 = arith.constant 0 : i32
      %dma_start3A_1165 = tpu.memref_slice %arg7[%dma_start3A_1162, %dma_start3A_1163, %dma_start3A_1164] : memref<3x80x128xf32, #tpu.memory_space<vmem>> -> memref<1x80x128xf32, #tpu.memory_space<vmem>>
      %dma_start3A_1166 = tpu.memref_squeeze %dma_start3A_1165 : memref<1x80x128xf32, #tpu.memory_space<vmem>> -> memref<80x128xf32, #tpu.memory_space<vmem>>
      %dma_start3A_1167 = arith.constant 0 : i32
      %dma_start3A_1168 = tpu.memref_slice %arg6[%dma_start3A_1160, %dma_start3A_1161, %dma_start3A_1167] : memref<2x25x80xi32, #tpu.memory_space<vmem>> -> memref<1x1x80xi32, #tpu.memory_space<vmem>>
      %dma_start3A_1169 = tpu.memref_squeeze %dma_start3A_1168 : memref<1x1x80xi32, #tpu.memory_space<vmem>> -> memref<80xi32, #tpu.memory_space<vmem>>
      %dma_start3A_1170 = arith.constant 0 : i32
      %dma_start3A_1171 = arith.constant 0 : i32
      %dma_start3A_1172 = tpu.memref_slice %arg2[%dma_start3A_1170, %dma_start3A_1171] : memref<10000x128xf32, #tpu.memory_space<hbm>> -> memref<10000x128xf32, #tpu.memory_space<hbm>>
      tpu.enqueue_indirect_dma source(%dma_start3A_1172 : memref<10000x128xf32, #tpu.memory_space<hbm>>) target(%dma_start3A_1166 : memref<80x128xf32, #tpu.memory_space<vmem>>) offsets(%dma_start3A_1169 : memref<80xi32, #tpu.memory_space<vmem>>) semaphore(%arg11 : memref<!tpu.dma_semaphore, #tpu.memory_space<semaphore_mem>>)
      %dma_wait3A_1173 = arith.constant 0 : i32
      %dma_wait3A_1174 = arith.constant 22 : i32
      %dma_wait3A_1175 = arith.constant 1 : i32
      %dma_wait3A_1176 = arith.constant 0 : i32
      %dma_wait3A_1177 = arith.constant 0 : i32
      %dma_wait3A_1178 = tpu.memref_slice %arg7[%dma_wait3A_1175, %dma_wait3A_1176, %dma_wait3A_1177] : memref<3x80x128xf32, #tpu.memory_space<vmem>> -> memref<1x80x128xf32, #tpu.memory_space<vmem>>
      %dma_wait3A_1179 = tpu.memref_squeeze %dma_wait3A_1178 : memref<1x80x128xf32, #tpu.memory_space<vmem>> -> memref<80x128xf32, #tpu.memory_space<vmem>>
      %dma_wait3A_1180 = arith.constant 0 : i32
      %dma_wait3A_1181 = tpu.memref_slice %arg6[%dma_wait3A_1173, %dma_wait3A_1174, %dma_wait3A_1180] : memref<2x25x80xi32, #tpu.memory_space<vmem>> -> memref<1x1x80xi32, #tpu.memory_space<vmem>>
      %dma_wait3A_1182 = tpu.memref_squeeze %dma_wait3A_1181 : memref<1x1x80xi32, #tpu.memory_space<vmem>> -> memref<80xi32, #tpu.memory_space<vmem>>
      %dma_wait3A_1183 = arith.constant 0 : i32
      %dma_wait3A_1184 = arith.constant 0 : i32
      %dma_wait3A_1185 = tpu.memref_slice %arg2[%dma_wait3A_1183, %dma_wait3A_1184] : memref<10000x128xf32, #tpu.memory_space<hbm>> -> memref<10000x128xf32, #tpu.memory_space<hbm>>
      tpu.wait_indirect_dma semaphore(%arg10 : memref<!tpu.dma_semaphore, #tpu.memory_space<semaphore_mem>>) src(%dma_wait3A_1185 : memref<10000x128xf32, #tpu.memory_space<hbm>>) dst(%dma_wait3A_1179 : memref<80x128xf32, #tpu.memory_space<vmem>>)
      %dma_start3A_1186 = arith.constant 1 : i32
      %dma_start3A_1187 = arith.constant 1 : i32
      %dma_start3A_1188 = arith.constant 22 : i32
      %dma_start3A_1189 = arith.constant 0 : i32
      %dma_start3A_1190 = arith.constant 0 : i32
      %dma_start3A_1191 = tpu.memref_slice %arg7[%dma_start3A_1186, %dma_start3A_1189, %dma_start3A_1190] : memref<3x80x128xf32, #tpu.memory_space<vmem>> -> memref<1x80x128xf32, #tpu.memory_space<vmem>>
      %dma_start3A_1192 = tpu.memref_squeeze %dma_start3A_1191 : memref<1x80x128xf32, #tpu.memory_space<vmem>> -> memref<80x128xf32, #tpu.memory_space<vmem>>
      %dma_start3A_1193 = arith.constant 0 : i32
      %dma_start3A_1194 = tpu.memref_slice %arg6[%dma_start3A_1187, %dma_start3A_1188, %dma_start3A_1193] : memref<2x25x80xi32, #tpu.memory_space<vmem>> -> memref<1x1x80xi32, #tpu.memory_space<vmem>>
      %dma_start3A_1195 = tpu.memref_squeeze %dma_start3A_1194 : memref<1x1x80xi32, #tpu.memory_space<vmem>> -> memref<80xi32, #tpu.memory_space<vmem>>
      %dma_start3A_1196 = arith.constant 0 : i32
      %dma_start3A_1197 = arith.constant 0 : i32
      %dma_start3A_1198 = tpu.memref_slice %arg8[%dma_start3A_1196, %dma_start3A_1197] : memref<10000x128xf32, #tpu.memory_space<vmem_shared>> -> memref<10000x128xf32, #tpu.memory_space<vmem_shared>>
      tpu.enqueue_indirect_dma source(%dma_start3A_1192 : memref<80x128xf32, #tpu.memory_space<vmem>>) target(%dma_start3A_1198 : memref<10000x128xf32, #tpu.memory_space<vmem_shared>>) offsets(%dma_start3A_1195 : memref<80xi32, #tpu.memory_space<vmem>>) semaphore(%arg13 : memref<!tpu.dma_semaphore, #tpu.memory_space<semaphore_mem>>) {add = true}
      %dma_wait3A_1199 = arith.constant 0 : i32
      %dma_wait3A_1200 = arith.constant 1 : i32
      %dma_wait3A_1201 = arith.constant 21 : i32
      %dma_wait3A_1202 = arith.constant 0 : i32
      %dma_wait3A_1203 = arith.constant 0 : i32
      %dma_wait3A_1204 = tpu.memref_slice %arg7[%dma_wait3A_1199, %dma_wait3A_1202, %dma_wait3A_1203] : memref<3x80x128xf32, #tpu.memory_space<vmem>> -> memref<1x80x128xf32, #tpu.memory_space<vmem>>
      %dma_wait3A_1205 = tpu.memref_squeeze %dma_wait3A_1204 : memref<1x80x128xf32, #tpu.memory_space<vmem>> -> memref<80x128xf32, #tpu.memory_space<vmem>>
      %dma_wait3A_1206 = arith.constant 0 : i32
      %dma_wait3A_1207 = tpu.memref_slice %arg6[%dma_wait3A_1200, %dma_wait3A_1201, %dma_wait3A_1206] : memref<2x25x80xi32, #tpu.memory_space<vmem>> -> memref<1x1x80xi32, #tpu.memory_space<vmem>>
      %dma_wait3A_1208 = tpu.memref_squeeze %dma_wait3A_1207 : memref<1x1x80xi32, #tpu.memory_space<vmem>> -> memref<80xi32, #tpu.memory_space<vmem>>
      %dma_wait3A_1209 = arith.constant 0 : i32
      %dma_wait3A_1210 = arith.constant 0 : i32
      %dma_wait3A_1211 = tpu.memref_slice %arg8[%dma_wait3A_1209, %dma_wait3A_1210] : memref<10000x128xf32, #tpu.memory_space<vmem_shared>> -> memref<10000x128xf32, #tpu.memory_space<vmem_shared>>
      tpu.wait_indirect_dma semaphore(%arg12 : memref<!tpu.dma_semaphore, #tpu.memory_space<semaphore_mem>>) src(%dma_wait3A_1205 : memref<80x128xf32, #tpu.memory_space<vmem>>) dst(%dma_wait3A_1211 : memref<10000x128xf32, #tpu.memory_space<vmem_shared>>)
      %dma_start3A_1212 = arith.constant 0 : i32
      %dma_start3A_1213 = arith.constant 24 : i32
      %dma_start3A_1214 = arith.constant 0 : i32
      %dma_start3A_1215 = arith.constant 0 : i32
      %dma_start3A_1216 = arith.constant 0 : i32
      %dma_start3A_1217 = tpu.memref_slice %arg7[%dma_start3A_1214, %dma_start3A_1215, %dma_start3A_1216] : memref<3x80x128xf32, #tpu.memory_space<vmem>> -> memref<1x80x128xf32, #tpu.memory_space<vmem>>
      %dma_start3A_1218 = tpu.memref_squeeze %dma_start3A_1217 : memref<1x80x128xf32, #tpu.memory_space<vmem>> -> memref<80x128xf32, #tpu.memory_space<vmem>>
      %dma_start3A_1219 = arith.constant 0 : i32
      %dma_start3A_1220 = tpu.memref_slice %arg6[%dma_start3A_1212, %dma_start3A_1213, %dma_start3A_1219] : memref<2x25x80xi32, #tpu.memory_space<vmem>> -> memref<1x1x80xi32, #tpu.memory_space<vmem>>
      %dma_start3A_1221 = tpu.memref_squeeze %dma_start3A_1220 : memref<1x1x80xi32, #tpu.memory_space<vmem>> -> memref<80xi32, #tpu.memory_space<vmem>>
      %dma_start3A_1222 = arith.constant 0 : i32
      %dma_start3A_1223 = arith.constant 0 : i32
      %dma_start3A_1224 = tpu.memref_slice %arg2[%dma_start3A_1222, %dma_start3A_1223] : memref<10000x128xf32, #tpu.memory_space<hbm>> -> memref<10000x128xf32, #tpu.memory_space<hbm>>
      tpu.enqueue_indirect_dma source(%dma_start3A_1224 : memref<10000x128xf32, #tpu.memory_space<hbm>>) target(%dma_start3A_1218 : memref<80x128xf32, #tpu.memory_space<vmem>>) offsets(%dma_start3A_1221 : memref<80xi32, #tpu.memory_space<vmem>>) semaphore(%arg9 : memref<!tpu.dma_semaphore, #tpu.memory_space<semaphore_mem>>)
      %dma_wait3A_1225 = arith.constant 0 : i32
      %dma_wait3A_1226 = arith.constant 23 : i32
      %dma_wait3A_1227 = arith.constant 2 : i32
      %dma_wait3A_1228 = arith.constant 0 : i32
      %dma_wait3A_1229 = arith.constant 0 : i32
      %dma_wait3A_1230 = tpu.memref_slice %arg7[%dma_wait3A_1227, %dma_wait3A_1228, %dma_wait3A_1229] : memref<3x80x128xf32, #tpu.memory_space<vmem>> -> memref<1x80x128xf32, #tpu.memory_space<vmem>>
      %dma_wait3A_1231 = tpu.memref_squeeze %dma_wait3A_1230 : memref<1x80x128xf32, #tpu.memory_space<vmem>> -> memref<80x128xf32, #tpu.memory_space<vmem>>
      %dma_wait3A_1232 = arith.constant 0 : i32
      %dma_wait3A_1233 = tpu.memref_slice %arg6[%dma_wait3A_1225, %dma_wait3A_1226, %dma_wait3A_1232] : memref<2x25x80xi32, #tpu.memory_space<vmem>> -> memref<1x1x80xi32, #tpu.memory_space<vmem>>
      %dma_wait3A_1234 = tpu.memref_squeeze %dma_wait3A_1233 : memref<1x1x80xi32, #tpu.memory_space<vmem>> -> memref<80xi32, #tpu.memory_space<vmem>>
      %dma_wait3A_1235 = arith.constant 0 : i32
      %dma_wait3A_1236 = arith.constant 0 : i32
      %dma_wait3A_1237 = tpu.memref_slice %arg2[%dma_wait3A_1235, %dma_wait3A_1236] : memref<10000x128xf32, #tpu.memory_space<hbm>> -> memref<10000x128xf32, #tpu.memory_space<hbm>>
      tpu.wait_indirect_dma semaphore(%arg11 : memref<!tpu.dma_semaphore, #tpu.memory_space<semaphore_mem>>) src(%dma_wait3A_1237 : memref<10000x128xf32, #tpu.memory_space<hbm>>) dst(%dma_wait3A_1231 : memref<80x128xf32, #tpu.memory_space<vmem>>)
      %dma_start3A_1238 = arith.constant 2 : i32
      %dma_start3A_1239 = arith.constant 1 : i32
      %dma_start3A_1240 = arith.constant 23 : i32
      %dma_start3A_1241 = arith.constant 0 : i32
      %dma_start3A_1242 = arith.constant 0 : i32
      %dma_start3A_1243 = tpu.memref_slice %arg7[%dma_start3A_1238, %dma_start3A_1241, %dma_start3A_1242] : memref<3x80x128xf32, #tpu.memory_space<vmem>> -> memref<1x80x128xf32, #tpu.memory_space<vmem>>
      %dma_start3A_1244 = tpu.memref_squeeze %dma_start3A_1243 : memref<1x80x128xf32, #tpu.memory_space<vmem>> -> memref<80x128xf32, #tpu.memory_space<vmem>>
      %dma_start3A_1245 = arith.constant 0 : i32
      %dma_start3A_1246 = tpu.memref_slice %arg6[%dma_start3A_1239, %dma_start3A_1240, %dma_start3A_1245] : memref<2x25x80xi32, #tpu.memory_space<vmem>> -> memref<1x1x80xi32, #tpu.memory_space<vmem>>
      %dma_start3A_1247 = tpu.memref_squeeze %dma_start3A_1246 : memref<1x1x80xi32, #tpu.memory_space<vmem>> -> memref<80xi32, #tpu.memory_space<vmem>>
      %dma_start3A_1248 = arith.constant 0 : i32
      %dma_start3A_1249 = arith.constant 0 : i32
      %dma_start3A_1250 = tpu.memref_slice %arg8[%dma_start3A_1248, %dma_start3A_1249] : memref<10000x128xf32, #tpu.memory_space<vmem_shared>> -> memref<10000x128xf32, #tpu.memory_space<vmem_shared>>
      tpu.enqueue_indirect_dma source(%dma_start3A_1244 : memref<80x128xf32, #tpu.memory_space<vmem>>) target(%dma_start3A_1250 : memref<10000x128xf32, #tpu.memory_space<vmem_shared>>) offsets(%dma_start3A_1247 : memref<80xi32, #tpu.memory_space<vmem>>) semaphore(%arg14 : memref<!tpu.dma_semaphore, #tpu.memory_space<semaphore_mem>>) {add = true}
      %dma_wait3A_1251 = arith.constant 0 : i32
      %dma_wait3A_1252 = arith.constant 24 : i32
      %dma_wait3A_1253 = arith.constant 0 : i32
      %dma_wait3A_1254 = arith.constant 0 : i32
      %dma_wait3A_1255 = arith.constant 0 : i32
      %dma_wait3A_1256 = tpu.memref_slice %arg7[%dma_wait3A_1253, %dma_wait3A_1254, %dma_wait3A_1255] : memref<3x80x128xf32, #tpu.memory_space<vmem>> -> memref<1x80x128xf32, #tpu.memory_space<vmem>>
      %dma_wait3A_1257 = tpu.memref_squeeze %dma_wait3A_1256 : memref<1x80x128xf32, #tpu.memory_space<vmem>> -> memref<80x128xf32, #tpu.memory_space<vmem>>
      %dma_wait3A_1258 = arith.constant 0 : i32
      %dma_wait3A_1259 = tpu.memref_slice %arg6[%dma_wait3A_1251, %dma_wait3A_1252, %dma_wait3A_1258] : memref<2x25x80xi32, #tpu.memory_space<vmem>> -> memref<1x1x80xi32, #tpu.memory_space<vmem>>
      %dma_wait3A_1260 = tpu.memref_squeeze %dma_wait3A_1259 : memref<1x1x80xi32, #tpu.memory_space<vmem>> -> memref<80xi32, #tpu.memory_space<vmem>>
      %dma_wait3A_1261 = arith.constant 0 : i32
      %dma_wait3A_1262 = arith.constant 0 : i32
      %dma_wait3A_1263 = tpu.memref_slice %arg2[%dma_wait3A_1261, %dma_wait3A_1262] : memref<10000x128xf32, #tpu.memory_space<hbm>> -> memref<10000x128xf32, #tpu.memory_space<hbm>>
      tpu.wait_indirect_dma semaphore(%arg9 : memref<!tpu.dma_semaphore, #tpu.memory_space<semaphore_mem>>) src(%dma_wait3A_1263 : memref<10000x128xf32, #tpu.memory_space<hbm>>) dst(%dma_wait3A_1257 : memref<80x128xf32, #tpu.memory_space<vmem>>)
      %dma_start3A_1264 = arith.constant 0 : i32
      %dma_start3A_1265 = arith.constant 1 : i32
      %dma_start3A_1266 = arith.constant 24 : i32
      %dma_start3A_1267 = arith.constant 0 : i32
      %dma_start3A_1268 = arith.constant 0 : i32
      %dma_start3A_1269 = tpu.memref_slice %arg7[%dma_start3A_1264, %dma_start3A_1267, %dma_start3A_1268] : memref<3x80x128xf32, #tpu.memory_space<vmem>> -> memref<1x80x128xf32, #tpu.memory_space<vmem>>
      %dma_start3A_1270 = tpu.memref_squeeze %dma_start3A_1269 : memref<1x80x128xf32, #tpu.memory_space<vmem>> -> memref<80x128xf32, #tpu.memory_space<vmem>>
      %dma_start3A_1271 = arith.constant 0 : i32
      %dma_start3A_1272 = tpu.memref_slice %arg6[%dma_start3A_1265, %dma_start3A_1266, %dma_start3A_1271] : memref<2x25x80xi32, #tpu.memory_space<vmem>> -> memref<1x1x80xi32, #tpu.memory_space<vmem>>
      %dma_start3A_1273 = tpu.memref_squeeze %dma_start3A_1272 : memref<1x1x80xi32, #tpu.memory_space<vmem>> -> memref<80xi32, #tpu.memory_space<vmem>>
      %dma_start3A_1274 = arith.constant 0 : i32
      %dma_start3A_1275 = arith.constant 0 : i32
      %dma_start3A_1276 = tpu.memref_slice %arg8[%dma_start3A_1274, %dma_start3A_1275] : memref<10000x128xf32, #tpu.memory_space<vmem_shared>> -> memref<10000x128xf32, #tpu.memory_space<vmem_shared>>
      tpu.enqueue_indirect_dma source(%dma_start3A_1270 : memref<80x128xf32, #tpu.memory_space<vmem>>) target(%dma_start3A_1276 : memref<10000x128xf32, #tpu.memory_space<vmem_shared>>) offsets(%dma_start3A_1273 : memref<80xi32, #tpu.memory_space<vmem>>) semaphore(%arg12 : memref<!tpu.dma_semaphore, #tpu.memory_space<semaphore_mem>>) {add = true}
      %dma_wait3A_1277 = arith.constant 1 : i32
      %dma_wait3A_1278 = arith.constant 1 : i32
      %dma_wait3A_1279 = arith.constant 22 : i32
      %dma_wait3A_1280 = arith.constant 0 : i32
      %dma_wait3A_1281 = arith.constant 0 : i32
      %dma_wait3A_1282 = tpu.memref_slice %arg7[%dma_wait3A_1277, %dma_wait3A_1280, %dma_wait3A_1281] : memref<3x80x128xf32, #tpu.memory_space<vmem>> -> memref<1x80x128xf32, #tpu.memory_space<vmem>>
      %dma_wait3A_1283 = tpu.memref_squeeze %dma_wait3A_1282 : memref<1x80x128xf32, #tpu.memory_space<vmem>> -> memref<80x128xf32, #tpu.memory_space<vmem>>
      %dma_wait3A_1284 = arith.constant 0 : i32
      %dma_wait3A_1285 = tpu.memref_slice %arg6[%dma_wait3A_1278, %dma_wait3A_1279, %dma_wait3A_1284] : memref<2x25x80xi32, #tpu.memory_space<vmem>> -> memref<1x1x80xi32, #tpu.memory_space<vmem>>
      %dma_wait3A_1286 = tpu.memref_squeeze %dma_wait3A_1285 : memref<1x1x80xi32, #tpu.memory_space<vmem>> -> memref<80xi32, #tpu.memory_space<vmem>>
      %dma_wait3A_1287 = arith.constant 0 : i32
      %dma_wait3A_1288 = arith.constant 0 : i32
      %dma_wait3A_1289 = tpu.memref_slice %arg8[%dma_wait3A_1287, %dma_wait3A_1288] : memref<10000x128xf32, #tpu.memory_space<vmem_shared>> -> memref<10000x128xf32, #tpu.memory_space<vmem_shared>>
      tpu.wait_indirect_dma semaphore(%arg13 : memref<!tpu.dma_semaphore, #tpu.memory_space<semaphore_mem>>) src(%dma_wait3A_1283 : memref<80x128xf32, #tpu.memory_space<vmem>>) dst(%dma_wait3A_1289 : memref<10000x128xf32, #tpu.memory_space<vmem_shared>>)
      %dma_wait3A_1290 = arith.constant 2 : i32
      %dma_wait3A_1291 = arith.constant 1 : i32
      %dma_wait3A_1292 = arith.constant 23 : i32
      %dma_wait3A_1293 = arith.constant 0 : i32
      %dma_wait3A_1294 = arith.constant 0 : i32
      %dma_wait3A_1295 = tpu.memref_slice %arg7[%dma_wait3A_1290, %dma_wait3A_1293, %dma_wait3A_1294] : memref<3x80x128xf32, #tpu.memory_space<vmem>> -> memref<1x80x128xf32, #tpu.memory_space<vmem>>
      %dma_wait3A_1296 = tpu.memref_squeeze %dma_wait3A_1295 : memref<1x80x128xf32, #tpu.memory_space<vmem>> -> memref<80x128xf32, #tpu.memory_space<vmem>>
      %dma_wait3A_1297 = arith.constant 0 : i32
      %dma_wait3A_1298 = tpu.memref_slice %arg6[%dma_wait3A_1291, %dma_wait3A_1292, %dma_wait3A_1297] : memref<2x25x80xi32, #tpu.memory_space<vmem>> -> memref<1x1x80xi32, #tpu.memory_space<vmem>>
      %dma_wait3A_1299 = tpu.memref_squeeze %dma_wait3A_1298 : memref<1x1x80xi32, #tpu.memory_space<vmem>> -> memref<80xi32, #tpu.memory_space<vmem>>
      %dma_wait3A_1300 = arith.constant 0 : i32
      %dma_wait3A_1301 = arith.constant 0 : i32
      %dma_wait3A_1302 = tpu.memref_slice %arg8[%dma_wait3A_1300, %dma_wait3A_1301] : memref<10000x128xf32, #tpu.memory_space<vmem_shared>> -> memref<10000x128xf32, #tpu.memory_space<vmem_shared>>
      tpu.wait_indirect_dma semaphore(%arg14 : memref<!tpu.dma_semaphore, #tpu.memory_space<semaphore_mem>>) src(%dma_wait3A_1296 : memref<80x128xf32, #tpu.memory_space<vmem>>) dst(%dma_wait3A_1302 : memref<10000x128xf32, #tpu.memory_space<vmem_shared>>)
      %dma_wait3A_1303 = arith.constant 0 : i32
      %dma_wait3A_1304 = arith.constant 1 : i32
      %dma_wait3A_1305 = arith.constant 24 : i32
      %dma_wait3A_1306 = arith.constant 0 : i32
      %dma_wait3A_1307 = arith.constant 0 : i32
      %dma_wait3A_1308 = tpu.memref_slice %arg7[%dma_wait3A_1303, %dma_wait3A_1306, %dma_wait3A_1307] : memref<3x80x128xf32, #tpu.memory_space<vmem>> -> memref<1x80x128xf32, #tpu.memory_space<vmem>>
      %dma_wait3A_1309 = tpu.memref_squeeze %dma_wait3A_1308 : memref<1x80x128xf32, #tpu.memory_space<vmem>> -> memref<80x128xf32, #tpu.memory_space<vmem>>
      %dma_wait3A_1310 = arith.constant 0 : i32
      %dma_wait3A_1311 = tpu.memref_slice %arg6[%dma_wait3A_1304, %dma_wait3A_1305, %dma_wait3A_1310] : memref<2x25x80xi32, #tpu.memory_space<vmem>> -> memref<1x1x80xi32, #tpu.memory_space<vmem>>
      %dma_wait3A_1312 = tpu.memref_squeeze %dma_wait3A_1311 : memref<1x1x80xi32, #tpu.memory_space<vmem>> -> memref<80xi32, #tpu.memory_space<vmem>>
      %dma_wait3A_1313 = arith.constant 0 : i32
      %dma_wait3A_1314 = arith.constant 0 : i32
      %dma_wait3A_1315 = tpu.memref_slice %arg8[%dma_wait3A_1313, %dma_wait3A_1314] : memref<10000x128xf32, #tpu.memory_space<vmem_shared>> -> memref<10000x128xf32, #tpu.memory_space<vmem_shared>>
      tpu.wait_indirect_dma semaphore(%arg12 : memref<!tpu.dma_semaphore, #tpu.memory_space<semaphore_mem>>) src(%dma_wait3A_1309 : memref<80x128xf32, #tpu.memory_space<vmem>>) dst(%dma_wait3A_1315 : memref<10000x128xf32, #tpu.memory_space<vmem_shared>>)
    }
    %scan3A_8 = arith.constant 5 : i32
    %barrier3A_9 = arith.constant 0 : index
    tpu.barrier barrier_id(%barrier3A_9)
    %mul3A_10 = arith.constant 624 : i32
    %mul3A_11 = arith.muli %arg1, %mul3A_10 : i32
    "tpu.region"() ({
      %run_scoped3A = tpu.sem_alloc : memref<!tpu.dma_semaphore, #tpu.memory_space<semaphore_mem>>
      %dma_start3A = arith.constant 0 : i32
      %dma_start3A_17 = tpu.memref_slice %arg5[%arg0, %mul3A_11, %dma_start3A] : memref<2x10000x128xf32, #tpu.memory_space<hbm>> -> memref<1x624x128xf32, #tpu.memory_space<hbm>>
      %dma_start3A_18 = tpu.memref_squeeze %dma_start3A_17 : memref<1x624x128xf32, #tpu.memory_space<hbm>> -> memref<624x128xf32, #tpu.memory_space<hbm>>
      %dma_start3A_19 = arith.constant 0 : i32
      %dma_start3A_20 = tpu.memref_slice %arg8[%mul3A_11, %dma_start3A_19] : memref<10000x128xf32, #tpu.memory_space<vmem_shared>> -> memref<624x128xf32, #tpu.memory_space<vmem_shared>>
      tpu.enqueue_dma source(%dma_start3A_20 : memref<624x128xf32, #tpu.memory_space<vmem_shared>>) target(%dma_start3A_18 : memref<624x128xf32, #tpu.memory_space<hbm>>) target_semaphore(%run_scoped3A : memref<!tpu.dma_semaphore, #tpu.memory_space<semaphore_mem>>)
      %dma_wait3A = arith.constant 0 : i32
      %dma_wait3A_21 = tpu.memref_slice %arg5[%arg0, %mul3A_11, %dma_wait3A] : memref<2x10000x128xf32, #tpu.memory_space<hbm>> -> memref<1x624x128xf32, #tpu.memory_space<hbm>>
      %dma_wait3A_22 = tpu.memref_squeeze %dma_wait3A_21 : memref<1x624x128xf32, #tpu.memory_space<hbm>> -> memref<624x128xf32, #tpu.memory_space<hbm>>
      %dma_wait3A_23 = arith.constant 0 : i32
      %dma_wait3A_24 = tpu.memref_slice %arg8[%mul3A_11, %dma_wait3A_23] : memref<10000x128xf32, #tpu.memory_space<vmem_shared>> -> memref<624x128xf32, #tpu.memory_space<vmem_shared>>
      tpu.wait_dma2 semaphore(%run_scoped3A : memref<!tpu.dma_semaphore, #tpu.memory_space<semaphore_mem>>) src(%dma_wait3A_24 : memref<624x128xf32, #tpu.memory_space<vmem_shared>>) dst(%dma_wait3A_22 : memref<624x128xf32, #tpu.memory_space<hbm>>)
      tpu.yield
    }) : () -> ()
    %eq3A_12 = arith.constant 15 : i32
    %eq3A_13 = arith.cmpi eq, %arg1, %eq3A_12 : i32
    %convert_element_type3A_14 = arith.extui %eq3A_13 : i1 to i32
    %cond3A_15 = arith.constant 0 : i32
    %cond3A_16 = arith.cmpi ne, %convert_element_type3A_14, %cond3A_15 : i32
    scf.if %cond3A_16 {
      "tpu.region"() ({
        %run_scoped3A = tpu.sem_alloc : memref<!tpu.dma_semaphore, #tpu.memory_space<semaphore_mem>>
        %dma_start3A = arith.constant 9984 : i32
        %dma_start3A_17 = arith.constant 0 : i32
        %dma_start3A_18 = tpu.memref_slice %arg5[%arg0, %dma_start3A, %dma_start3A_17] : memref<2x10000x128xf32, #tpu.memory_space<hbm>> -> memref<1x16x128xf32, #tpu.memory_space<hbm>>
        %dma_start3A_19 = tpu.memref_squeeze %dma_start3A_18 : memref<1x16x128xf32, #tpu.memory_space<hbm>> -> memref<16x128xf32, #tpu.memory_space<hbm>>
        %dma_start3A_20 = arith.constant 9984 : i32
        %dma_start3A_21 = arith.constant 0 : i32
        %dma_start3A_22 = tpu.memref_slice %arg8[%dma_start3A_20, %dma_start3A_21] : memref<10000x128xf32, #tpu.memory_space<vmem_shared>> -> memref<16x128xf32, #tpu.memory_space<vmem_shared>>
        tpu.enqueue_dma source(%dma_start3A_22 : memref<16x128xf32, #tpu.memory_space<vmem_shared>>) target(%dma_start3A_19 : memref<16x128xf32, #tpu.memory_space<hbm>>) target_semaphore(%run_scoped3A : memref<!tpu.dma_semaphore, #tpu.memory_space<semaphore_mem>>)
        %dma_wait3A = arith.constant 9984 : i32
        %dma_wait3A_23 = arith.constant 0 : i32
        %dma_wait3A_24 = tpu.memref_slice %arg5[%arg0, %dma_wait3A, %dma_wait3A_23] : memref<2x10000x128xf32, #tpu.memory_space<hbm>> -> memref<1x16x128xf32, #tpu.memory_space<hbm>>
        %dma_wait3A_25 = tpu.memref_squeeze %dma_wait3A_24 : memref<1x16x128xf32, #tpu.memory_space<hbm>> -> memref<16x128xf32, #tpu.memory_space<hbm>>
        %dma_wait3A_26 = arith.constant 9984 : i32
        %dma_wait3A_27 = arith.constant 0 : i32
        %dma_wait3A_28 = tpu.memref_slice %arg8[%dma_wait3A_26, %dma_wait3A_27] : memref<10000x128xf32, #tpu.memory_space<vmem_shared>> -> memref<16x128xf32, #tpu.memory_space<vmem_shared>>
        tpu.wait_dma2 semaphore(%run_scoped3A : memref<!tpu.dma_semaphore, #tpu.memory_space<semaphore_mem>>) src(%dma_wait3A_28 : memref<16x128xf32, #tpu.memory_space<vmem_shared>>) dst(%dma_wait3A_25 : memref<16x128xf32, #tpu.memory_space<hbm>>)
        tpu.yield
      }) : () -> ()
    } else {
    }
    return
  }
}

#map = affine_map<(d0, d1) -> (0, 0)>
#map1 = affine_map<(d0, d1) -> (0, 0, 0, 0, 0)>
#map2 = affine_map<(d0, d1) -> (0, 0, 0)>
module attributes {stable_mosaic.version = 14 : i64} {
  func.func @_sc_agg(%arg0: i32, %arg1: i32, %arg2: memref<10000x128xf32, #tpu.memory_space<hbm>>, %arg3: memref<32x5x2x25x80xi32, #tpu.memory_space<hbm>>, %arg4: memref<624x128xf32, #tpu.memory_space<hbm>>, %arg5: memref<2x10000x128xf32, #tpu.memory_space<hbm>>, %arg6: memref<2x25x80xi32, #tpu.memory_space<vmem>>, %arg7: memref<3x80x128xf32, #tpu.memory_space<vmem>>, %arg8: memref<10000x128xf32, #tpu.memory_space<vmem_shared>>, %arg9: memref<!tpu.dma_semaphore, #tpu.memory_space<semaphore_mem>>, %arg10: memref<!tpu.dma_semaphore, #tpu.memory_space<semaphore_mem>>, %arg11: memref<!tpu.dma_semaphore, #tpu.memory_space<semaphore_mem>>, %arg12: memref<!tpu.dma_semaphore, #tpu.memory_space<semaphore_mem>>, %arg13: memref<!tpu.dma_semaphore, #tpu.memory_space<semaphore_mem>>, %arg14: memref<!tpu.dma_semaphore, #tpu.memory_space<semaphore_mem>>) attributes {dimension_semantics = [#tpu.dimension_semantics<core_parallel>, #tpu.dimension_semantics<subcore_parallel>], iteration_bounds = array<i64: 2, 16>, scalar_prefetch = 0 : i64, scratch_operands = 9 : i64, tpu.core_type = #tpu.core_type<sc_vector_subcore>, window_params = [{transform_indices = #map}, {transform_indices = #map1}, {transform_indices = #map}, {transform_indices = #map2}]} {
    %mul3A = arith.constant 16 : i32
    %mul3A_0 = arith.muli %arg0, %mul3A : i32
    %add3A = arith.addi %mul3A_0, %arg1 : i32
    %mul3A_1 = arith.constant 624 : i32
    %mul3A_2 = arith.muli %arg1, %mul3A_1 : i32
    "tpu.region"() ({
      %run_scoped3A = tpu.sem_alloc : memref<!tpu.dma_semaphore, #tpu.memory_space<semaphore_mem>>
      %dma_start3A = arith.constant 0 : i32
      %dma_start3A_17 = tpu.memref_slice %arg8[%mul3A_2, %dma_start3A] : memref<10000x128xf32, #tpu.memory_space<vmem_shared>> -> memref<624x128xf32, #tpu.memory_space<vmem_shared>>
      %dma_start3A_18 = arith.constant 0 : i32
      %dma_start3A_19 = arith.constant 0 : i32
      %dma_start3A_20 = tpu.memref_slice %arg4[%dma_start3A_18, %dma_start3A_19] : memref<624x128xf32, #tpu.memory_space<hbm>> -> memref<624x128xf32, #tpu.memory_space<hbm>>
      tpu.enqueue_dma source(%dma_start3A_20 : memref<624x128xf32, #tpu.memory_space<hbm>>) target(%dma_start3A_17 : memref<624x128xf32, #tpu.memory_space<vmem_shared>>) target_semaphore(%run_scoped3A : memref<!tpu.dma_semaphore, #tpu.memory_space<semaphore_mem>>)
      %dma_wait3A = arith.constant 0 : i32
      %dma_wait3A_21 = tpu.memref_slice %arg8[%mul3A_2, %dma_wait3A] : memref<10000x128xf32, #tpu.memory_space<vmem_shared>> -> memref<624x128xf32, #tpu.memory_space<vmem_shared>>
      %dma_wait3A_22 = arith.constant 0 : i32
      %dma_wait3A_23 = arith.constant 0 : i32
      %dma_wait3A_24 = tpu.memref_slice %arg4[%dma_wait3A_22, %dma_wait3A_23] : memref<624x128xf32, #tpu.memory_space<hbm>> -> memref<624x128xf32, #tpu.memory_space<hbm>>
      tpu.wait_dma2 semaphore(%run_scoped3A : memref<!tpu.dma_semaphore, #tpu.memory_space<semaphore_mem>>) src(%dma_wait3A_24 : memref<624x128xf32, #tpu.memory_space<hbm>>) dst(%dma_wait3A_21 : memref<624x128xf32, #tpu.memory_space<vmem_shared>>)
      tpu.yield
    }) : () -> ()
    %eq3A = arith.constant 15 : i32
    %eq3A_3 = arith.cmpi eq, %arg1, %eq3A : i32
    %convert_element_type3A = arith.extui %eq3A_3 : i1 to i32
    %cond3A = arith.constant 0 : i32
    %cond3A_4 = arith.cmpi ne, %convert_element_type3A, %cond3A : i32
    scf.if %cond3A_4 {
      "tpu.region"() ({
        %run_scoped3A = tpu.sem_alloc : memref<!tpu.dma_semaphore, #tpu.memory_space<semaphore_mem>>
        %dma_start3A = arith.constant 9984 : i32
        %dma_start3A_17 = arith.constant 0 : i32
        %dma_start3A_18 = tpu.memref_slice %arg8[%dma_start3A, %dma_start3A_17] : memref<10000x128xf32, #tpu.memory_space<vmem_shared>> -> memref<16x128xf32, #tpu.memory_space<vmem_shared>>
        %dma_start3A_19 = arith.constant 0 : i32
        %dma_start3A_20 = arith.constant 0 : i32
        %dma_start3A_21 = tpu.memref_slice %arg4[%dma_start3A_19, %dma_start3A_20] : memref<624x128xf32, #tpu.memory_space<hbm>> -> memref<16x128xf32, #tpu.memory_space<hbm>>
        tpu.enqueue_dma source(%dma_start3A_21 : memref<16x128xf32, #tpu.memory_space<hbm>>) target(%dma_start3A_18 : memref<16x128xf32, #tpu.memory_space<vmem_shared>>) target_semaphore(%run_scoped3A : memref<!tpu.dma_semaphore, #tpu.memory_space<semaphore_mem>>)
        %dma_wait3A = arith.constant 9984 : i32
        %dma_wait3A_22 = arith.constant 0 : i32
        %dma_wait3A_23 = tpu.memref_slice %arg8[%dma_wait3A, %dma_wait3A_22] : memref<10000x128xf32, #tpu.memory_space<vmem_shared>> -> memref<16x128xf32, #tpu.memory_space<vmem_shared>>
        %dma_wait3A_24 = arith.constant 0 : i32
        %dma_wait3A_25 = arith.constant 0 : i32
        %dma_wait3A_26 = tpu.memref_slice %arg4[%dma_wait3A_24, %dma_wait3A_25] : memref<624x128xf32, #tpu.memory_space<hbm>> -> memref<16x128xf32, #tpu.memory_space<hbm>>
        tpu.wait_dma2 semaphore(%run_scoped3A : memref<!tpu.dma_semaphore, #tpu.memory_space<semaphore_mem>>) src(%dma_wait3A_26 : memref<16x128xf32, #tpu.memory_space<hbm>>) dst(%dma_wait3A_23 : memref<16x128xf32, #tpu.memory_space<vmem_shared>>)
        tpu.yield
      }) : () -> ()
    } else {
    }
    %barrier3A = arith.constant 0 : index
    tpu.barrier barrier_id(%barrier3A)
    %scan3A = arith.constant 0 : i32
    %scan3A_5 = arith.constant 5 : i32
    %scan3A_6 = arith.addi %scan3A, %scan3A_5 : i32
    %scan3A_7 = arith.constant 1 : i32
    scf.for %scan3A_17 = %scan3A to %scan3A_6 step %scan3A_7  : i32 {
      "tpu.region"() ({
        %run_scoped3A = tpu.sem_alloc : memref<!tpu.dma_semaphore, #tpu.memory_space<semaphore_mem>>
        %dma_start3A_1316 = arith.constant 0 : i32
        %dma_start3A_1317 = arith.constant 0 : i32
        %dma_start3A_1318 = arith.constant 0 : i32
        %dma_start3A_1319 = tpu.memref_slice %arg3[%add3A, %scan3A_17, %dma_start3A_1316, %dma_start3A_1317, %dma_start3A_1318] : memref<32x5x2x25x80xi32, #tpu.memory_space<hbm>> -> memref<1x1x2x25x80xi32, #tpu.memory_space<hbm>>
        %dma_start3A_1320 = tpu.memref_squeeze %dma_start3A_1319 : memref<1x1x2x25x80xi32, #tpu.memory_space<hbm>> -> memref<2x25x80xi32, #tpu.memory_space<hbm>>
        %dma_start3A_1321 = arith.constant 0 : i32
        %dma_start3A_1322 = arith.constant 0 : i32
        %dma_start3A_1323 = arith.constant 0 : i32
        %dma_start3A_1324 = tpu.memref_slice %arg3[%add3A, %scan3A_17, %dma_start3A_1321, %dma_start3A_1322, %dma_start3A_1323] : memref<32x5x2x25x80xi32, #tpu.memory_space<hbm>> -> memref<1x1x2x25x80xi32, #tpu.memory_space<hbm>>
        %dma_start3A_1325 = tpu.memref_squeeze %dma_start3A_1324 : memref<1x1x2x25x80xi32, #tpu.memory_space<hbm>> -> memref<2x25x80xi32, #tpu.memory_space<hbm>>
        tpu.enqueue_dma source(%dma_start3A_1325 : memref<2x25x80xi32, #tpu.memory_space<hbm>>) target(%arg6 : memref<2x25x80xi32, #tpu.memory_space<vmem>>) target_semaphore(%run_scoped3A : memref<!tpu.dma_semaphore, #tpu.memory_space<semaphore_mem>>)
        %dma_wait3A_1326 = arith.constant 0 : i32
        %dma_wait3A_1327 = arith.constant 0 : i32
        %dma_wait3A_1328 = arith.constant 0 : i32
        %dma_wait3A_1329 = tpu.memref_slice %arg3[%add3A, %scan3A_17, %dma_wait3A_1326, %dma_wait3A_1327, %dma_wait3A_1328] : memref<32x5x2x25x80xi32, #tpu.memory_space<hbm>> -> memref<1x1x2x25x80xi32, #tpu.memory_space<hbm>>
        %dma_wait3A_1330 = tpu.memref_squeeze %dma_wait3A_1329 : memref<1x1x2x25x80xi32, #tpu.memory_space<hbm>> -> memref<2x25x80xi32, #tpu.memory_space<hbm>>
        %dma_wait3A_1331 = arith.constant 0 : i32
        %dma_wait3A_1332 = arith.constant 0 : i32
        %dma_wait3A_1333 = arith.constant 0 : i32
        %dma_wait3A_1334 = tpu.memref_slice %arg3[%add3A, %scan3A_17, %dma_wait3A_1331, %dma_wait3A_1332, %dma_wait3A_1333] : memref<32x5x2x25x80xi32, #tpu.memory_space<hbm>> -> memref<1x1x2x25x80xi32, #tpu.memory_space<hbm>>
        %dma_wait3A_1335 = tpu.memref_squeeze %dma_wait3A_1334 : memref<1x1x2x25x80xi32, #tpu.memory_space<hbm>> -> memref<2x25x80xi32, #tpu.memory_space<hbm>>
        tpu.wait_dma2 semaphore(%run_scoped3A : memref<!tpu.dma_semaphore, #tpu.memory_space<semaphore_mem>>) src(%dma_wait3A_1335 : memref<2x25x80xi32, #tpu.memory_space<hbm>>) dst(%arg6 : memref<2x25x80xi32, #tpu.memory_space<vmem>>)
        tpu.yield
      }) : () -> ()
      %dma_start3A = arith.constant 0 : i32
      %dma_start3A_18 = arith.constant 0 : i32
      %dma_start3A_19 = arith.constant 0 : i32
      %dma_start3A_20 = arith.constant 0 : i32
      %dma_start3A_21 = arith.constant 0 : i32
      %dma_start3A_22 = tpu.memref_slice %arg7[%dma_start3A_19, %dma_start3A_20, %dma_start3A_21] : memref<3x80x128xf32, #tpu.memory_space<vmem>> -> memref<1x80x128xf32, #tpu.memory_space<vmem>>
      %dma_start3A_23 = tpu.memref_squeeze %dma_start3A_22 : memref<1x80x128xf32, #tpu.memory_space<vmem>> -> memref<80x128xf32, #tpu.memory_space<vmem>>
      %dma_start3A_24 = arith.constant 0 : i32
      %dma_start3A_25 = tpu.memref_slice %arg6[%dma_start3A, %dma_start3A_18, %dma_start3A_24] : memref<2x25x80xi32, #tpu.memory_space<vmem>> -> memref<1x1x80xi32, #tpu.memory_space<vmem>>
      %dma_start3A_26 = tpu.memref_squeeze %dma_start3A_25 : memref<1x1x80xi32, #tpu.memory_space<vmem>> -> memref<80xi32, #tpu.memory_space<vmem>>
      %dma_start3A_27 = arith.constant 0 : i32
      %dma_start3A_28 = arith.constant 0 : i32
      %dma_start3A_29 = tpu.memref_slice %arg2[%dma_start3A_27, %dma_start3A_28] : memref<10000x128xf32, #tpu.memory_space<hbm>> -> memref<10000x128xf32, #tpu.memory_space<hbm>>
      tpu.enqueue_indirect_dma source(%dma_start3A_29 : memref<10000x128xf32, #tpu.memory_space<hbm>>) target(%dma_start3A_23 : memref<80x128xf32, #tpu.memory_space<vmem>>) offsets(%dma_start3A_26 : memref<80xi32, #tpu.memory_space<vmem>>) semaphore(%arg9 : memref<!tpu.dma_semaphore, #tpu.memory_space<semaphore_mem>>)
      %dma_start3A_30 = arith.constant 0 : i32
      %dma_start3A_31 = arith.constant 1 : i32
      %dma_start3A_32 = arith.constant 1 : i32
      %dma_start3A_33 = arith.constant 0 : i32
      %dma_start3A_34 = arith.constant 0 : i32
      %dma_start3A_35 = tpu.memref_slice %arg7[%dma_start3A_32, %dma_start3A_33, %dma_start3A_34] : memref<3x80x128xf32, #tpu.memory_space<vmem>> -> memref<1x80x128xf32, #tpu.memory_space<vmem>>
      %dma_start3A_36 = tpu.memref_squeeze %dma_start3A_35 : memref<1x80x128xf32, #tpu.memory_space<vmem>> -> memref<80x128xf32, #tpu.memory_space<vmem>>
      %dma_start3A_37 = arith.constant 0 : i32
      %dma_start3A_38 = tpu.memref_slice %arg6[%dma_start3A_30, %dma_start3A_31, %dma_start3A_37] : memref<2x25x80xi32, #tpu.memory_space<vmem>> -> memref<1x1x80xi32, #tpu.memory_space<vmem>>
      %dma_start3A_39 = tpu.memref_squeeze %dma_start3A_38 : memref<1x1x80xi32, #tpu.memory_space<vmem>> -> memref<80xi32, #tpu.memory_space<vmem>>
      %dma_start3A_40 = arith.constant 0 : i32
      %dma_start3A_41 = arith.constant 0 : i32
      %dma_start3A_42 = tpu.memref_slice %arg2[%dma_start3A_40, %dma_start3A_41] : memref<10000x128xf32, #tpu.memory_space<hbm>> -> memref<10000x128xf32, #tpu.memory_space<hbm>>
      tpu.enqueue_indirect_dma source(%dma_start3A_42 : memref<10000x128xf32, #tpu.memory_space<hbm>>) target(%dma_start3A_36 : memref<80x128xf32, #tpu.memory_space<vmem>>) offsets(%dma_start3A_39 : memref<80xi32, #tpu.memory_space<vmem>>) semaphore(%arg10 : memref<!tpu.dma_semaphore, #tpu.memory_space<semaphore_mem>>)
      %dma_wait3A = arith.constant 0 : i32
      %dma_wait3A_43 = arith.constant 0 : i32
      %dma_wait3A_44 = arith.constant 0 : i32
      %dma_wait3A_45 = arith.constant 0 : i32
      %dma_wait3A_46 = arith.constant 0 : i32
      %dma_wait3A_47 = tpu.memref_slice %arg7[%dma_wait3A_44, %dma_wait3A_45, %dma_wait3A_46] : memref<3x80x128xf32, #tpu.memory_space<vmem>> -> memref<1x80x128xf32, #tpu.memory_space<vmem>>
      %dma_wait3A_48 = tpu.memref_squeeze %dma_wait3A_47 : memref<1x80x128xf32, #tpu.memory_space<vmem>> -> memref<80x128xf32, #tpu.memory_space<vmem>>
      %dma_wait3A_49 = arith.constant 0 : i32
      %dma_wait3A_50 = tpu.memref_slice %arg6[%dma_wait3A, %dma_wait3A_43, %dma_wait3A_49] : memref<2x25x80xi32, #tpu.memory_space<vmem>> -> memref<1x1x80xi32, #tpu.memory_space<vmem>>
      %dma_wait3A_51 = tpu.memref_squeeze %dma_wait3A_50 : memref<1x1x80xi32, #tpu.memory_space<vmem>> -> memref<80xi32, #tpu.memory_space<vmem>>
      %dma_wait3A_52 = arith.constant 0 : i32
      %dma_wait3A_53 = arith.constant 0 : i32
      %dma_wait3A_54 = tpu.memref_slice %arg2[%dma_wait3A_52, %dma_wait3A_53] : memref<10000x128xf32, #tpu.memory_space<hbm>> -> memref<10000x128xf32, #tpu.memory_space<hbm>>
      tpu.wait_indirect_dma semaphore(%arg9 : memref<!tpu.dma_semaphore, #tpu.memory_space<semaphore_mem>>) src(%dma_wait3A_54 : memref<10000x128xf32, #tpu.memory_space<hbm>>) dst(%dma_wait3A_48 : memref<80x128xf32, #tpu.memory_space<vmem>>)
      %dma_start3A_55 = arith.constant 0 : i32
      %dma_start3A_56 = arith.constant 1 : i32
      %dma_start3A_57 = arith.constant 0 : i32
      %dma_start3A_58 = arith.constant 0 : i32
      %dma_start3A_59 = arith.constant 0 : i32
      %dma_start3A_60 = tpu.memref_slice %arg7[%dma_start3A_55, %dma_start3A_58, %dma_start3A_59] : memref<3x80x128xf32, #tpu.memory_space<vmem>> -> memref<1x80x128xf32, #tpu.memory_space<vmem>>
      %dma_start3A_61 = tpu.memref_squeeze %dma_start3A_60 : memref<1x80x128xf32, #tpu.memory_space<vmem>> -> memref<80x128xf32, #tpu.memory_space<vmem>>
      %dma_start3A_62 = arith.constant 0 : i32
      %dma_start3A_63 = tpu.memref_slice %arg6[%dma_start3A_56, %dma_start3A_57, %dma_start3A_62] : memref<2x25x80xi32, #tpu.memory_space<vmem>> -> memref<1x1x80xi32, #tpu.memory_space<vmem>>
      %dma_start3A_64 = tpu.memref_squeeze %dma_start3A_63 : memref<1x1x80xi32, #tpu.memory_space<vmem>> -> memref<80xi32, #tpu.memory_space<vmem>>
      %dma_start3A_65 = arith.constant 0 : i32
      %dma_start3A_66 = arith.constant 0 : i32
      %dma_start3A_67 = tpu.memref_slice %arg8[%dma_start3A_65, %dma_start3A_66] : memref<10000x128xf32, #tpu.memory_space<vmem_shared>> -> memref<10000x128xf32, #tpu.memory_space<vmem_shared>>
      tpu.enqueue_indirect_dma source(%dma_start3A_61 : memref<80x128xf32, #tpu.memory_space<vmem>>) target(%dma_start3A_67 : memref<10000x128xf32, #tpu.memory_space<vmem_shared>>) offsets(%dma_start3A_64 : memref<80xi32, #tpu.memory_space<vmem>>) semaphore(%arg12 : memref<!tpu.dma_semaphore, #tpu.memory_space<semaphore_mem>>) {add = true}
      %dma_start3A_68 = arith.constant 0 : i32
      %dma_start3A_69 = arith.constant 2 : i32
      %dma_start3A_70 = arith.constant 2 : i32
      %dma_start3A_71 = arith.constant 0 : i32
      %dma_start3A_72 = arith.constant 0 : i32
      %dma_start3A_73 = tpu.memref_slice %arg7[%dma_start3A_70, %dma_start3A_71, %dma_start3A_72] : memref<3x80x128xf32, #tpu.memory_space<vmem>> -> memref<1x80x128xf32, #tpu.memory_space<vmem>>
      %dma_start3A_74 = tpu.memref_squeeze %dma_start3A_73 : memref<1x80x128xf32, #tpu.memory_space<vmem>> -> memref<80x128xf32, #tpu.memory_space<vmem>>
      %dma_start3A_75 = arith.constant 0 : i32
      %dma_start3A_76 = tpu.memref_slice %arg6[%dma_start3A_68, %dma_start3A_69, %dma_start3A_75] : memref<2x25x80xi32, #tpu.memory_space<vmem>> -> memref<1x1x80xi32, #tpu.memory_space<vmem>>
      %dma_start3A_77 = tpu.memref_squeeze %dma_start3A_76 : memref<1x1x80xi32, #tpu.memory_space<vmem>> -> memref<80xi32, #tpu.memory_space<vmem>>
      %dma_start3A_78 = arith.constant 0 : i32
      %dma_start3A_79 = arith.constant 0 : i32
      %dma_start3A_80 = tpu.memref_slice %arg2[%dma_start3A_78, %dma_start3A_79] : memref<10000x128xf32, #tpu.memory_space<hbm>> -> memref<10000x128xf32, #tpu.memory_space<hbm>>
      tpu.enqueue_indirect_dma source(%dma_start3A_80 : memref<10000x128xf32, #tpu.memory_space<hbm>>) target(%dma_start3A_74 : memref<80x128xf32, #tpu.memory_space<vmem>>) offsets(%dma_start3A_77 : memref<80xi32, #tpu.memory_space<vmem>>) semaphore(%arg11 : memref<!tpu.dma_semaphore, #tpu.memory_space<semaphore_mem>>)
      %dma_wait3A_81 = arith.constant 0 : i32
      %dma_wait3A_82 = arith.constant 1 : i32
      %dma_wait3A_83 = arith.constant 1 : i32
      %dma_wait3A_84 = arith.constant 0 : i32
      %dma_wait3A_85 = arith.constant 0 : i32
      %dma_wait3A_86 = tpu.memref_slice %arg7[%dma_wait3A_83, %dma_wait3A_84, %dma_wait3A_85] : memref<3x80x128xf32, #tpu.memory_space<vmem>> -> memref<1x80x128xf32, #tpu.memory_space<vmem>>
      %dma_wait3A_87 = tpu.memref_squeeze %dma_wait3A_86 : memref<1x80x128xf32, #tpu.memory_space<vmem>> -> memref<80x128xf32, #tpu.memory_space<vmem>>
      %dma_wait3A_88 = arith.constant 0 : i32
      %dma_wait3A_89 = tpu.memref_slice %arg6[%dma_wait3A_81, %dma_wait3A_82, %dma_wait3A_88] : memref<2x25x80xi32, #tpu.memory_space<vmem>> -> memref<1x1x80xi32, #tpu.memory_space<vmem>>
      %dma_wait3A_90 = tpu.memref_squeeze %dma_wait3A_89 : memref<1x1x80xi32, #tpu.memory_space<vmem>> -> memref<80xi32, #tpu.memory_space<vmem>>
      %dma_wait3A_91 = arith.constant 0 : i32
      %dma_wait3A_92 = arith.constant 0 : i32
      %dma_wait3A_93 = tpu.memref_slice %arg2[%dma_wait3A_91, %dma_wait3A_92] : memref<10000x128xf32, #tpu.memory_space<hbm>> -> memref<10000x128xf32, #tpu.memory_space<hbm>>
      tpu.wait_indirect_dma semaphore(%arg10 : memref<!tpu.dma_semaphore, #tpu.memory_space<semaphore_mem>>) src(%dma_wait3A_93 : memref<10000x128xf32, #tpu.memory_space<hbm>>) dst(%dma_wait3A_87 : memref<80x128xf32, #tpu.memory_space<vmem>>)
      %dma_start3A_94 = arith.constant 1 : i32
      %dma_start3A_95 = arith.constant 1 : i32
      %dma_start3A_96 = arith.constant 1 : i32
      %dma_start3A_97 = arith.constant 0 : i32
      %dma_start3A_98 = arith.constant 0 : i32
      %dma_start3A_99 = tpu.memref_slice %arg7[%dma_start3A_94, %dma_start3A_97, %dma_start3A_98] : memref<3x80x128xf32, #tpu.memory_space<vmem>> -> memref<1x80x128xf32, #tpu.memory_space<vmem>>
      %dma_start3A_100 = tpu.memref_squeeze %dma_start3A_99 : memref<1x80x128xf32, #tpu.memory_space<vmem>> -> memref<80x128xf32, #tpu.memory_space<vmem>>
      %dma_start3A_101 = arith.constant 0 : i32
      %dma_start3A_102 = tpu.memref_slice %arg6[%dma_start3A_95, %dma_start3A_96, %dma_start3A_101] : memref<2x25x80xi32, #tpu.memory_space<vmem>> -> memref<1x1x80xi32, #tpu.memory_space<vmem>>
      %dma_start3A_103 = tpu.memref_squeeze %dma_start3A_102 : memref<1x1x80xi32, #tpu.memory_space<vmem>> -> memref<80xi32, #tpu.memory_space<vmem>>
      %dma_start3A_104 = arith.constant 0 : i32
      %dma_start3A_105 = arith.constant 0 : i32
      %dma_start3A_106 = tpu.memref_slice %arg8[%dma_start3A_104, %dma_start3A_105] : memref<10000x128xf32, #tpu.memory_space<vmem_shared>> -> memref<10000x128xf32, #tpu.memory_space<vmem_shared>>
      tpu.enqueue_indirect_dma source(%dma_start3A_100 : memref<80x128xf32, #tpu.memory_space<vmem>>) target(%dma_start3A_106 : memref<10000x128xf32, #tpu.memory_space<vmem_shared>>) offsets(%dma_start3A_103 : memref<80xi32, #tpu.memory_space<vmem>>) semaphore(%arg13 : memref<!tpu.dma_semaphore, #tpu.memory_space<semaphore_mem>>) {add = true}
      %dma_wait3A_107 = arith.constant 0 : i32
      %dma_wait3A_108 = arith.constant 1 : i32
      %dma_wait3A_109 = arith.constant 0 : i32
      %dma_wait3A_110 = arith.constant 0 : i32
      %dma_wait3A_111 = arith.constant 0 : i32
      %dma_wait3A_112 = tpu.memref_slice %arg7[%dma_wait3A_107, %dma_wait3A_110, %dma_wait3A_111] : memref<3x80x128xf32, #tpu.memory_space<vmem>> -> memref<1x80x128xf32, #tpu.memory_space<vmem>>
      %dma_wait3A_113 = tpu.memref_squeeze %dma_wait3A_112 : memref<1x80x128xf32, #tpu.memory_space<vmem>> -> memref<80x128xf32, #tpu.memory_space<vmem>>
      %dma_wait3A_114 = arith.constant 0 : i32
      %dma_wait3A_115 = tpu.memref_slice %arg6[%dma_wait3A_108, %dma_wait3A_109, %dma_wait3A_114] : memref<2x25x80xi32, #tpu.memory_space<vmem>> -> memref<1x1x80xi32, #tpu.memory_space<vmem>>
      %dma_wait3A_116 = tpu.memref_squeeze %dma_wait3A_115 : memref<1x1x80xi32, #tpu.memory_space<vmem>> -> memref<80xi32, #tpu.memory_space<vmem>>
      %dma_wait3A_117 = arith.constant 0 : i32
      %dma_wait3A_118 = arith.constant 0 : i32
      %dma_wait3A_119 = tpu.memref_slice %arg8[%dma_wait3A_117, %dma_wait3A_118] : memref<10000x128xf32, #tpu.memory_space<vmem_shared>> -> memref<10000x128xf32, #tpu.memory_space<vmem_shared>>
      tpu.wait_indirect_dma semaphore(%arg12 : memref<!tpu.dma_semaphore, #tpu.memory_space<semaphore_mem>>) src(%dma_wait3A_113 : memref<80x128xf32, #tpu.memory_space<vmem>>) dst(%dma_wait3A_119 : memref<10000x128xf32, #tpu.memory_space<vmem_shared>>)
      %dma_start3A_120 = arith.constant 0 : i32
      %dma_start3A_121 = arith.constant 3 : i32
      %dma_start3A_122 = arith.constant 0 : i32
      %dma_start3A_123 = arith.constant 0 : i32
      %dma_start3A_124 = arith.constant 0 : i32
      %dma_start3A_125 = tpu.memref_slice %arg7[%dma_start3A_122, %dma_start3A_123, %dma_start3A_124] : memref<3x80x128xf32, #tpu.memory_space<vmem>> -> memref<1x80x128xf32, #tpu.memory_space<vmem>>
      %dma_start3A_126 = tpu.memref_squeeze %dma_start3A_125 : memref<1x80x128xf32, #tpu.memory_space<vmem>> -> memref<80x128xf32, #tpu.memory_space<vmem>>
      %dma_start3A_127 = arith.constant 0 : i32
      %dma_start3A_128 = tpu.memref_slice %arg6[%dma_start3A_120, %dma_start3A_121, %dma_start3A_127] : memref<2x25x80xi32, #tpu.memory_space<vmem>> -> memref<1x1x80xi32, #tpu.memory_space<vmem>>
      %dma_start3A_129 = tpu.memref_squeeze %dma_start3A_128 : memref<1x1x80xi32, #tpu.memory_space<vmem>> -> memref<80xi32, #tpu.memory_space<vmem>>
      %dma_start3A_130 = arith.constant 0 : i32
      %dma_start3A_131 = arith.constant 0 : i32
      %dma_start3A_132 = tpu.memref_slice %arg2[%dma_start3A_130, %dma_start3A_131] : memref<10000x128xf32, #tpu.memory_space<hbm>> -> memref<10000x128xf32, #tpu.memory_space<hbm>>
      tpu.enqueue_indirect_dma source(%dma_start3A_132 : memref<10000x128xf32, #tpu.memory_space<hbm>>) target(%dma_start3A_126 : memref<80x128xf32, #tpu.memory_space<vmem>>) offsets(%dma_start3A_129 : memref<80xi32, #tpu.memory_space<vmem>>) semaphore(%arg9 : memref<!tpu.dma_semaphore, #tpu.memory_space<semaphore_mem>>)
      %dma_wait3A_133 = arith.constant 0 : i32
      %dma_wait3A_134 = arith.constant 2 : i32
      %dma_wait3A_135 = arith.constant 2 : i32
      %dma_wait3A_136 = arith.constant 0 : i32
      %dma_wait3A_137 = arith.constant 0 : i32
      %dma_wait3A_138 = tpu.memref_slice %arg7[%dma_wait3A_135, %dma_wait3A_136, %dma_wait3A_137] : memref<3x80x128xf32, #tpu.memory_space<vmem>> -> memref<1x80x128xf32, #tpu.memory_space<vmem>>
      %dma_wait3A_139 = tpu.memref_squeeze %dma_wait3A_138 : memref<1x80x128xf32, #tpu.memory_space<vmem>> -> memref<80x128xf32, #tpu.memory_space<vmem>>
      %dma_wait3A_140 = arith.constant 0 : i32
      %dma_wait3A_141 = tpu.memref_slice %arg6[%dma_wait3A_133, %dma_wait3A_134, %dma_wait3A_140] : memref<2x25x80xi32, #tpu.memory_space<vmem>> -> memref<1x1x80xi32, #tpu.memory_space<vmem>>
      %dma_wait3A_142 = tpu.memref_squeeze %dma_wait3A_141 : memref<1x1x80xi32, #tpu.memory_space<vmem>> -> memref<80xi32, #tpu.memory_space<vmem>>
      %dma_wait3A_143 = arith.constant 0 : i32
      %dma_wait3A_144 = arith.constant 0 : i32
      %dma_wait3A_145 = tpu.memref_slice %arg2[%dma_wait3A_143, %dma_wait3A_144] : memref<10000x128xf32, #tpu.memory_space<hbm>> -> memref<10000x128xf32, #tpu.memory_space<hbm>>
      tpu.wait_indirect_dma semaphore(%arg11 : memref<!tpu.dma_semaphore, #tpu.memory_space<semaphore_mem>>) src(%dma_wait3A_145 : memref<10000x128xf32, #tpu.memory_space<hbm>>) dst(%dma_wait3A_139 : memref<80x128xf32, #tpu.memory_space<vmem>>)
      %dma_start3A_146 = arith.constant 2 : i32
      %dma_start3A_147 = arith.constant 1 : i32
      %dma_start3A_148 = arith.constant 2 : i32
      %dma_start3A_149 = arith.constant 0 : i32
      %dma_start3A_150 = arith.constant 0 : i32
      %dma_start3A_151 = tpu.memref_slice %arg7[%dma_start3A_146, %dma_start3A_149, %dma_start3A_150] : memref<3x80x128xf32, #tpu.memory_space<vmem>> -> memref<1x80x128xf32, #tpu.memory_space<vmem>>
      %dma_start3A_152 = tpu.memref_squeeze %dma_start3A_151 : memref<1x80x128xf32, #tpu.memory_space<vmem>> -> memref<80x128xf32, #tpu.memory_space<vmem>>
      %dma_start3A_153 = arith.constant 0 : i32
      %dma_start3A_154 = tpu.memref_slice %arg6[%dma_start3A_147, %dma_start3A_148, %dma_start3A_153] : memref<2x25x80xi32, #tpu.memory_space<vmem>> -> memref<1x1x80xi32, #tpu.memory_space<vmem>>
      %dma_start3A_155 = tpu.memref_squeeze %dma_start3A_154 : memref<1x1x80xi32, #tpu.memory_space<vmem>> -> memref<80xi32, #tpu.memory_space<vmem>>
      %dma_start3A_156 = arith.constant 0 : i32
      %dma_start3A_157 = arith.constant 0 : i32
      %dma_start3A_158 = tpu.memref_slice %arg8[%dma_start3A_156, %dma_start3A_157] : memref<10000x128xf32, #tpu.memory_space<vmem_shared>> -> memref<10000x128xf32, #tpu.memory_space<vmem_shared>>
      tpu.enqueue_indirect_dma source(%dma_start3A_152 : memref<80x128xf32, #tpu.memory_space<vmem>>) target(%dma_start3A_158 : memref<10000x128xf32, #tpu.memory_space<vmem_shared>>) offsets(%dma_start3A_155 : memref<80xi32, #tpu.memory_space<vmem>>) semaphore(%arg14 : memref<!tpu.dma_semaphore, #tpu.memory_space<semaphore_mem>>) {add = true}
      %dma_wait3A_159 = arith.constant 1 : i32
      %dma_wait3A_160 = arith.constant 1 : i32
      %dma_wait3A_161 = arith.constant 1 : i32
      %dma_wait3A_162 = arith.constant 0 : i32
      %dma_wait3A_163 = arith.constant 0 : i32
      %dma_wait3A_164 = tpu.memref_slice %arg7[%dma_wait3A_159, %dma_wait3A_162, %dma_wait3A_163] : memref<3x80x128xf32, #tpu.memory_space<vmem>> -> memref<1x80x128xf32, #tpu.memory_space<vmem>>
      %dma_wait3A_165 = tpu.memref_squeeze %dma_wait3A_164 : memref<1x80x128xf32, #tpu.memory_space<vmem>> -> memref<80x128xf32, #tpu.memory_space<vmem>>
      %dma_wait3A_166 = arith.constant 0 : i32
      %dma_wait3A_167 = tpu.memref_slice %arg6[%dma_wait3A_160, %dma_wait3A_161, %dma_wait3A_166] : memref<2x25x80xi32, #tpu.memory_space<vmem>> -> memref<1x1x80xi32, #tpu.memory_space<vmem>>
      %dma_wait3A_168 = tpu.memref_squeeze %dma_wait3A_167 : memref<1x1x80xi32, #tpu.memory_space<vmem>> -> memref<80xi32, #tpu.memory_space<vmem>>
      %dma_wait3A_169 = arith.constant 0 : i32
      %dma_wait3A_170 = arith.constant 0 : i32
      %dma_wait3A_171 = tpu.memref_slice %arg8[%dma_wait3A_169, %dma_wait3A_170] : memref<10000x128xf32, #tpu.memory_space<vmem_shared>> -> memref<10000x128xf32, #tpu.memory_space<vmem_shared>>
      tpu.wait_indirect_dma semaphore(%arg13 : memref<!tpu.dma_semaphore, #tpu.memory_space<semaphore_mem>>) src(%dma_wait3A_165 : memref<80x128xf32, #tpu.memory_space<vmem>>) dst(%dma_wait3A_171 : memref<10000x128xf32, #tpu.memory_space<vmem_shared>>)
      %dma_start3A_172 = arith.constant 0 : i32
      %dma_start3A_173 = arith.constant 4 : i32
      %dma_start3A_174 = arith.constant 1 : i32
      %dma_start3A_175 = arith.constant 0 : i32
      %dma_start3A_176 = arith.constant 0 : i32
      %dma_start3A_177 = tpu.memref_slice %arg7[%dma_start3A_174, %dma_start3A_175, %dma_start3A_176] : memref<3x80x128xf32, #tpu.memory_space<vmem>> -> memref<1x80x128xf32, #tpu.memory_space<vmem>>
      %dma_start3A_178 = tpu.memref_squeeze %dma_start3A_177 : memref<1x80x128xf32, #tpu.memory_space<vmem>> -> memref<80x128xf32, #tpu.memory_space<vmem>>
      %dma_start3A_179 = arith.constant 0 : i32
      %dma_start3A_180 = tpu.memref_slice %arg6[%dma_start3A_172, %dma_start3A_173, %dma_start3A_179] : memref<2x25x80xi32, #tpu.memory_space<vmem>> -> memref<1x1x80xi32, #tpu.memory_space<vmem>>
      %dma_start3A_181 = tpu.memref_squeeze %dma_start3A_180 : memref<1x1x80xi32, #tpu.memory_space<vmem>> -> memref<80xi32, #tpu.memory_space<vmem>>
      %dma_start3A_182 = arith.constant 0 : i32
      %dma_start3A_183 = arith.constant 0 : i32
      %dma_start3A_184 = tpu.memref_slice %arg2[%dma_start3A_182, %dma_start3A_183] : memref<10000x128xf32, #tpu.memory_space<hbm>> -> memref<10000x128xf32, #tpu.memory_space<hbm>>
      tpu.enqueue_indirect_dma source(%dma_start3A_184 : memref<10000x128xf32, #tpu.memory_space<hbm>>) target(%dma_start3A_178 : memref<80x128xf32, #tpu.memory_space<vmem>>) offsets(%dma_start3A_181 : memref<80xi32, #tpu.memory_space<vmem>>) semaphore(%arg10 : memref<!tpu.dma_semaphore, #tpu.memory_space<semaphore_mem>>)
      %dma_wait3A_185 = arith.constant 0 : i32
      %dma_wait3A_186 = arith.constant 3 : i32
      %dma_wait3A_187 = arith.constant 0 : i32
      %dma_wait3A_188 = arith.constant 0 : i32
      %dma_wait3A_189 = arith.constant 0 : i32
      %dma_wait3A_190 = tpu.memref_slice %arg7[%dma_wait3A_187, %dma_wait3A_188, %dma_wait3A_189] : memref<3x80x128xf32, #tpu.memory_space<vmem>> -> memref<1x80x128xf32, #tpu.memory_space<vmem>>
      %dma_wait3A_191 = tpu.memref_squeeze %dma_wait3A_190 : memref<1x80x128xf32, #tpu.memory_space<vmem>> -> memref<80x128xf32, #tpu.memory_space<vmem>>
      %dma_wait3A_192 = arith.constant 0 : i32
      %dma_wait3A_193 = tpu.memref_slice %arg6[%dma_wait3A_185, %dma_wait3A_186, %dma_wait3A_192] : memref<2x25x80xi32, #tpu.memory_space<vmem>> -> memref<1x1x80xi32, #tpu.memory_space<vmem>>
      %dma_wait3A_194 = tpu.memref_squeeze %dma_wait3A_193 : memref<1x1x80xi32, #tpu.memory_space<vmem>> -> memref<80xi32, #tpu.memory_space<vmem>>
      %dma_wait3A_195 = arith.constant 0 : i32
      %dma_wait3A_196 = arith.constant 0 : i32
      %dma_wait3A_197 = tpu.memref_slice %arg2[%dma_wait3A_195, %dma_wait3A_196] : memref<10000x128xf32, #tpu.memory_space<hbm>> -> memref<10000x128xf32, #tpu.memory_space<hbm>>
      tpu.wait_indirect_dma semaphore(%arg9 : memref<!tpu.dma_semaphore, #tpu.memory_space<semaphore_mem>>) src(%dma_wait3A_197 : memref<10000x128xf32, #tpu.memory_space<hbm>>) dst(%dma_wait3A_191 : memref<80x128xf32, #tpu.memory_space<vmem>>)
      %dma_start3A_198 = arith.constant 0 : i32
      %dma_start3A_199 = arith.constant 1 : i32
      %dma_start3A_200 = arith.constant 3 : i32
      %dma_start3A_201 = arith.constant 0 : i32
      %dma_start3A_202 = arith.constant 0 : i32
      %dma_start3A_203 = tpu.memref_slice %arg7[%dma_start3A_198, %dma_start3A_201, %dma_start3A_202] : memref<3x80x128xf32, #tpu.memory_space<vmem>> -> memref<1x80x128xf32, #tpu.memory_space<vmem>>
      %dma_start3A_204 = tpu.memref_squeeze %dma_start3A_203 : memref<1x80x128xf32, #tpu.memory_space<vmem>> -> memref<80x128xf32, #tpu.memory_space<vmem>>
      %dma_start3A_205 = arith.constant 0 : i32
      %dma_start3A_206 = tpu.memref_slice %arg6[%dma_start3A_199, %dma_start3A_200, %dma_start3A_205] : memref<2x25x80xi32, #tpu.memory_space<vmem>> -> memref<1x1x80xi32, #tpu.memory_space<vmem>>
      %dma_start3A_207 = tpu.memref_squeeze %dma_start3A_206 : memref<1x1x80xi32, #tpu.memory_space<vmem>> -> memref<80xi32, #tpu.memory_space<vmem>>
      %dma_start3A_208 = arith.constant 0 : i32
      %dma_start3A_209 = arith.constant 0 : i32
      %dma_start3A_210 = tpu.memref_slice %arg8[%dma_start3A_208, %dma_start3A_209] : memref<10000x128xf32, #tpu.memory_space<vmem_shared>> -> memref<10000x128xf32, #tpu.memory_space<vmem_shared>>
      tpu.enqueue_indirect_dma source(%dma_start3A_204 : memref<80x128xf32, #tpu.memory_space<vmem>>) target(%dma_start3A_210 : memref<10000x128xf32, #tpu.memory_space<vmem_shared>>) offsets(%dma_start3A_207 : memref<80xi32, #tpu.memory_space<vmem>>) semaphore(%arg12 : memref<!tpu.dma_semaphore, #tpu.memory_space<semaphore_mem>>) {add = true}
      %dma_wait3A_211 = arith.constant 2 : i32
      %dma_wait3A_212 = arith.constant 1 : i32
      %dma_wait3A_213 = arith.constant 2 : i32
      %dma_wait3A_214 = arith.constant 0 : i32
      %dma_wait3A_215 = arith.constant 0 : i32
      %dma_wait3A_216 = tpu.memref_slice %arg7[%dma_wait3A_211, %dma_wait3A_214, %dma_wait3A_215] : memref<3x80x128xf32, #tpu.memory_space<vmem>> -> memref<1x80x128xf32, #tpu.memory_space<vmem>>
      %dma_wait3A_217 = tpu.memref_squeeze %dma_wait3A_216 : memref<1x80x128xf32, #tpu.memory_space<vmem>> -> memref<80x128xf32, #tpu.memory_space<vmem>>
      %dma_wait3A_218 = arith.constant 0 : i32
      %dma_wait3A_219 = tpu.memref_slice %arg6[%dma_wait3A_212, %dma_wait3A_213, %dma_wait3A_218] : memref<2x25x80xi32, #tpu.memory_space<vmem>> -> memref<1x1x80xi32, #tpu.memory_space<vmem>>
      %dma_wait3A_220 = tpu.memref_squeeze %dma_wait3A_219 : memref<1x1x80xi32, #tpu.memory_space<vmem>> -> memref<80xi32, #tpu.memory_space<vmem>>
      %dma_wait3A_221 = arith.constant 0 : i32
      %dma_wait3A_222 = arith.constant 0 : i32
      %dma_wait3A_223 = tpu.memref_slice %arg8[%dma_wait3A_221, %dma_wait3A_222] : memref<10000x128xf32, #tpu.memory_space<vmem_shared>> -> memref<10000x128xf32, #tpu.memory_space<vmem_shared>>
      tpu.wait_indirect_dma semaphore(%arg14 : memref<!tpu.dma_semaphore, #tpu.memory_space<semaphore_mem>>) src(%dma_wait3A_217 : memref<80x128xf32, #tpu.memory_space<vmem>>) dst(%dma_wait3A_223 : memref<10000x128xf32, #tpu.memory_space<vmem_shared>>)
      %dma_start3A_224 = arith.constant 0 : i32
      %dma_start3A_225 = arith.constant 5 : i32
      %dma_start3A_226 = arith.constant 2 : i32
      %dma_start3A_227 = arith.constant 0 : i32
      %dma_start3A_228 = arith.constant 0 : i32
      %dma_start3A_229 = tpu.memref_slice %arg7[%dma_start3A_226, %dma_start3A_227, %dma_start3A_228] : memref<3x80x128xf32, #tpu.memory_space<vmem>> -> memref<1x80x128xf32, #tpu.memory_space<vmem>>
      %dma_start3A_230 = tpu.memref_squeeze %dma_start3A_229 : memref<1x80x128xf32, #tpu.memory_space<vmem>> -> memref<80x128xf32, #tpu.memory_space<vmem>>
      %dma_start3A_231 = arith.constant 0 : i32
      %dma_start3A_232 = tpu.memref_slice %arg6[%dma_start3A_224, %dma_start3A_225, %dma_start3A_231] : memref<2x25x80xi32, #tpu.memory_space<vmem>> -> memref<1x1x80xi32, #tpu.memory_space<vmem>>
      %dma_start3A_233 = tpu.memref_squeeze %dma_start3A_232 : memref<1x1x80xi32, #tpu.memory_space<vmem>> -> memref<80xi32, #tpu.memory_space<vmem>>
      %dma_start3A_234 = arith.constant 0 : i32
      %dma_start3A_235 = arith.constant 0 : i32
      %dma_start3A_236 = tpu.memref_slice %arg2[%dma_start3A_234, %dma_start3A_235] : memref<10000x128xf32, #tpu.memory_space<hbm>> -> memref<10000x128xf32, #tpu.memory_space<hbm>>
      tpu.enqueue_indirect_dma source(%dma_start3A_236 : memref<10000x128xf32, #tpu.memory_space<hbm>>) target(%dma_start3A_230 : memref<80x128xf32, #tpu.memory_space<vmem>>) offsets(%dma_start3A_233 : memref<80xi32, #tpu.memory_space<vmem>>) semaphore(%arg11 : memref<!tpu.dma_semaphore, #tpu.memory_space<semaphore_mem>>)
      %dma_wait3A_237 = arith.constant 0 : i32
      %dma_wait3A_238 = arith.constant 4 : i32
      %dma_wait3A_239 = arith.constant 1 : i32
      %dma_wait3A_240 = arith.constant 0 : i32
      %dma_wait3A_241 = arith.constant 0 : i32
      %dma_wait3A_242 = tpu.memref_slice %arg7[%dma_wait3A_239, %dma_wait3A_240, %dma_wait3A_241] : memref<3x80x128xf32, #tpu.memory_space<vmem>> -> memref<1x80x128xf32, #tpu.memory_space<vmem>>
      %dma_wait3A_243 = tpu.memref_squeeze %dma_wait3A_242 : memref<1x80x128xf32, #tpu.memory_space<vmem>> -> memref<80x128xf32, #tpu.memory_space<vmem>>
      %dma_wait3A_244 = arith.constant 0 : i32
      %dma_wait3A_245 = tpu.memref_slice %arg6[%dma_wait3A_237, %dma_wait3A_238, %dma_wait3A_244] : memref<2x25x80xi32, #tpu.memory_space<vmem>> -> memref<1x1x80xi32, #tpu.memory_space<vmem>>
      %dma_wait3A_246 = tpu.memref_squeeze %dma_wait3A_245 : memref<1x1x80xi32, #tpu.memory_space<vmem>> -> memref<80xi32, #tpu.memory_space<vmem>>
      %dma_wait3A_247 = arith.constant 0 : i32
      %dma_wait3A_248 = arith.constant 0 : i32
      %dma_wait3A_249 = tpu.memref_slice %arg2[%dma_wait3A_247, %dma_wait3A_248] : memref<10000x128xf32, #tpu.memory_space<hbm>> -> memref<10000x128xf32, #tpu.memory_space<hbm>>
      tpu.wait_indirect_dma semaphore(%arg10 : memref<!tpu.dma_semaphore, #tpu.memory_space<semaphore_mem>>) src(%dma_wait3A_249 : memref<10000x128xf32, #tpu.memory_space<hbm>>) dst(%dma_wait3A_243 : memref<80x128xf32, #tpu.memory_space<vmem>>)
      %dma_start3A_250 = arith.constant 1 : i32
      %dma_start3A_251 = arith.constant 1 : i32
      %dma_start3A_252 = arith.constant 4 : i32
      %dma_start3A_253 = arith.constant 0 : i32
      %dma_start3A_254 = arith.constant 0 : i32
      %dma_start3A_255 = tpu.memref_slice %arg7[%dma_start3A_250, %dma_start3A_253, %dma_start3A_254] : memref<3x80x128xf32, #tpu.memory_space<vmem>> -> memref<1x80x128xf32, #tpu.memory_space<vmem>>
      %dma_start3A_256 = tpu.memref_squeeze %dma_start3A_255 : memref<1x80x128xf32, #tpu.memory_space<vmem>> -> memref<80x128xf32, #tpu.memory_space<vmem>>
      %dma_start3A_257 = arith.constant 0 : i32
      %dma_start3A_258 = tpu.memref_slice %arg6[%dma_start3A_251, %dma_start3A_252, %dma_start3A_257] : memref<2x25x80xi32, #tpu.memory_space<vmem>> -> memref<1x1x80xi32, #tpu.memory_space<vmem>>
      %dma_start3A_259 = tpu.memref_squeeze %dma_start3A_258 : memref<1x1x80xi32, #tpu.memory_space<vmem>> -> memref<80xi32, #tpu.memory_space<vmem>>
      %dma_start3A_260 = arith.constant 0 : i32
      %dma_start3A_261 = arith.constant 0 : i32
      %dma_start3A_262 = tpu.memref_slice %arg8[%dma_start3A_260, %dma_start3A_261] : memref<10000x128xf32, #tpu.memory_space<vmem_shared>> -> memref<10000x128xf32, #tpu.memory_space<vmem_shared>>
      tpu.enqueue_indirect_dma source(%dma_start3A_256 : memref<80x128xf32, #tpu.memory_space<vmem>>) target(%dma_start3A_262 : memref<10000x128xf32, #tpu.memory_space<vmem_shared>>) offsets(%dma_start3A_259 : memref<80xi32, #tpu.memory_space<vmem>>) semaphore(%arg13 : memref<!tpu.dma_semaphore, #tpu.memory_space<semaphore_mem>>) {add = true}
      %dma_wait3A_263 = arith.constant 0 : i32
      %dma_wait3A_264 = arith.constant 1 : i32
      %dma_wait3A_265 = arith.constant 3 : i32
      %dma_wait3A_266 = arith.constant 0 : i32
      %dma_wait3A_267 = arith.constant 0 : i32
      %dma_wait3A_268 = tpu.memref_slice %arg7[%dma_wait3A_263, %dma_wait3A_266, %dma_wait3A_267] : memref<3x80x128xf32, #tpu.memory_space<vmem>> -> memref<1x80x128xf32, #tpu.memory_space<vmem>>
      %dma_wait3A_269 = tpu.memref_squeeze %dma_wait3A_268 : memref<1x80x128xf32, #tpu.memory_space<vmem>> -> memref<80x128xf32, #tpu.memory_space<vmem>>
      %dma_wait3A_270 = arith.constant 0 : i32
      %dma_wait3A_271 = tpu.memref_slice %arg6[%dma_wait3A_264, %dma_wait3A_265, %dma_wait3A_270] : memref<2x25x80xi32, #tpu.memory_space<vmem>> -> memref<1x1x80xi32, #tpu.memory_space<vmem>>
      %dma_wait3A_272 = tpu.memref_squeeze %dma_wait3A_271 : memref<1x1x80xi32, #tpu.memory_space<vmem>> -> memref<80xi32, #tpu.memory_space<vmem>>
      %dma_wait3A_273 = arith.constant 0 : i32
      %dma_wait3A_274 = arith.constant 0 : i32
      %dma_wait3A_275 = tpu.memref_slice %arg8[%dma_wait3A_273, %dma_wait3A_274] : memref<10000x128xf32, #tpu.memory_space<vmem_shared>> -> memref<10000x128xf32, #tpu.memory_space<vmem_shared>>
      tpu.wait_indirect_dma semaphore(%arg12 : memref<!tpu.dma_semaphore, #tpu.memory_space<semaphore_mem>>) src(%dma_wait3A_269 : memref<80x128xf32, #tpu.memory_space<vmem>>) dst(%dma_wait3A_275 : memref<10000x128xf32, #tpu.memory_space<vmem_shared>>)
      %dma_start3A_276 = arith.constant 0 : i32
      %dma_start3A_277 = arith.constant 6 : i32
      %dma_start3A_278 = arith.constant 0 : i32
      %dma_start3A_279 = arith.constant 0 : i32
      %dma_start3A_280 = arith.constant 0 : i32
      %dma_start3A_281 = tpu.memref_slice %arg7[%dma_start3A_278, %dma_start3A_279, %dma_start3A_280] : memref<3x80x128xf32, #tpu.memory_space<vmem>> -> memref<1x80x128xf32, #tpu.memory_space<vmem>>
      %dma_start3A_282 = tpu.memref_squeeze %dma_start3A_281 : memref<1x80x128xf32, #tpu.memory_space<vmem>> -> memref<80x128xf32, #tpu.memory_space<vmem>>
      %dma_start3A_283 = arith.constant 0 : i32
      %dma_start3A_284 = tpu.memref_slice %arg6[%dma_start3A_276, %dma_start3A_277, %dma_start3A_283] : memref<2x25x80xi32, #tpu.memory_space<vmem>> -> memref<1x1x80xi32, #tpu.memory_space<vmem>>
      %dma_start3A_285 = tpu.memref_squeeze %dma_start3A_284 : memref<1x1x80xi32, #tpu.memory_space<vmem>> -> memref<80xi32, #tpu.memory_space<vmem>>
      %dma_start3A_286 = arith.constant 0 : i32
      %dma_start3A_287 = arith.constant 0 : i32
      %dma_start3A_288 = tpu.memref_slice %arg2[%dma_start3A_286, %dma_start3A_287] : memref<10000x128xf32, #tpu.memory_space<hbm>> -> memref<10000x128xf32, #tpu.memory_space<hbm>>
      tpu.enqueue_indirect_dma source(%dma_start3A_288 : memref<10000x128xf32, #tpu.memory_space<hbm>>) target(%dma_start3A_282 : memref<80x128xf32, #tpu.memory_space<vmem>>) offsets(%dma_start3A_285 : memref<80xi32, #tpu.memory_space<vmem>>) semaphore(%arg9 : memref<!tpu.dma_semaphore, #tpu.memory_space<semaphore_mem>>)
      %dma_wait3A_289 = arith.constant 0 : i32
      %dma_wait3A_290 = arith.constant 5 : i32
      %dma_wait3A_291 = arith.constant 2 : i32
      %dma_wait3A_292 = arith.constant 0 : i32
      %dma_wait3A_293 = arith.constant 0 : i32
      %dma_wait3A_294 = tpu.memref_slice %arg7[%dma_wait3A_291, %dma_wait3A_292, %dma_wait3A_293] : memref<3x80x128xf32, #tpu.memory_space<vmem>> -> memref<1x80x128xf32, #tpu.memory_space<vmem>>
      %dma_wait3A_295 = tpu.memref_squeeze %dma_wait3A_294 : memref<1x80x128xf32, #tpu.memory_space<vmem>> -> memref<80x128xf32, #tpu.memory_space<vmem>>
      %dma_wait3A_296 = arith.constant 0 : i32
      %dma_wait3A_297 = tpu.memref_slice %arg6[%dma_wait3A_289, %dma_wait3A_290, %dma_wait3A_296] : memref<2x25x80xi32, #tpu.memory_space<vmem>> -> memref<1x1x80xi32, #tpu.memory_space<vmem>>
      %dma_wait3A_298 = tpu.memref_squeeze %dma_wait3A_297 : memref<1x1x80xi32, #tpu.memory_space<vmem>> -> memref<80xi32, #tpu.memory_space<vmem>>
      %dma_wait3A_299 = arith.constant 0 : i32
      %dma_wait3A_300 = arith.constant 0 : i32
      %dma_wait3A_301 = tpu.memref_slice %arg2[%dma_wait3A_299, %dma_wait3A_300] : memref<10000x128xf32, #tpu.memory_space<hbm>> -> memref<10000x128xf32, #tpu.memory_space<hbm>>
      tpu.wait_indirect_dma semaphore(%arg11 : memref<!tpu.dma_semaphore, #tpu.memory_space<semaphore_mem>>) src(%dma_wait3A_301 : memref<10000x128xf32, #tpu.memory_space<hbm>>) dst(%dma_wait3A_295 : memref<80x128xf32, #tpu.memory_space<vmem>>)
      %dma_start3A_302 = arith.constant 2 : i32
      %dma_start3A_303 = arith.constant 1 : i32
      %dma_start3A_304 = arith.constant 5 : i32
      %dma_start3A_305 = arith.constant 0 : i32
      %dma_start3A_306 = arith.constant 0 : i32
      %dma_start3A_307 = tpu.memref_slice %arg7[%dma_start3A_302, %dma_start3A_305, %dma_start3A_306] : memref<3x80x128xf32, #tpu.memory_space<vmem>> -> memref<1x80x128xf32, #tpu.memory_space<vmem>>
      %dma_start3A_308 = tpu.memref_squeeze %dma_start3A_307 : memref<1x80x128xf32, #tpu.memory_space<vmem>> -> memref<80x128xf32, #tpu.memory_space<vmem>>
      %dma_start3A_309 = arith.constant 0 : i32
      %dma_start3A_310 = tpu.memref_slice %arg6[%dma_start3A_303, %dma_start3A_304, %dma_start3A_309] : memref<2x25x80xi32, #tpu.memory_space<vmem>> -> memref<1x1x80xi32, #tpu.memory_space<vmem>>
      %dma_start3A_311 = tpu.memref_squeeze %dma_start3A_310 : memref<1x1x80xi32, #tpu.memory_space<vmem>> -> memref<80xi32, #tpu.memory_space<vmem>>
      %dma_start3A_312 = arith.constant 0 : i32
      %dma_start3A_313 = arith.constant 0 : i32
      %dma_start3A_314 = tpu.memref_slice %arg8[%dma_start3A_312, %dma_start3A_313] : memref<10000x128xf32, #tpu.memory_space<vmem_shared>> -> memref<10000x128xf32, #tpu.memory_space<vmem_shared>>
      tpu.enqueue_indirect_dma source(%dma_start3A_308 : memref<80x128xf32, #tpu.memory_space<vmem>>) target(%dma_start3A_314 : memref<10000x128xf32, #tpu.memory_space<vmem_shared>>) offsets(%dma_start3A_311 : memref<80xi32, #tpu.memory_space<vmem>>) semaphore(%arg14 : memref<!tpu.dma_semaphore, #tpu.memory_space<semaphore_mem>>) {add = true}
      %dma_wait3A_315 = arith.constant 1 : i32
      %dma_wait3A_316 = arith.constant 1 : i32
      %dma_wait3A_317 = arith.constant 4 : i32
      %dma_wait3A_318 = arith.constant 0 : i32
      %dma_wait3A_319 = arith.constant 0 : i32
      %dma_wait3A_320 = tpu.memref_slice %arg7[%dma_wait3A_315, %dma_wait3A_318, %dma_wait3A_319] : memref<3x80x128xf32, #tpu.memory_space<vmem>> -> memref<1x80x128xf32, #tpu.memory_space<vmem>>
      %dma_wait3A_321 = tpu.memref_squeeze %dma_wait3A_320 : memref<1x80x128xf32, #tpu.memory_space<vmem>> -> memref<80x128xf32, #tpu.memory_space<vmem>>
      %dma_wait3A_322 = arith.constant 0 : i32
      %dma_wait3A_323 = tpu.memref_slice %arg6[%dma_wait3A_316, %dma_wait3A_317, %dma_wait3A_322] : memref<2x25x80xi32, #tpu.memory_space<vmem>> -> memref<1x1x80xi32, #tpu.memory_space<vmem>>
      %dma_wait3A_324 = tpu.memref_squeeze %dma_wait3A_323 : memref<1x1x80xi32, #tpu.memory_space<vmem>> -> memref<80xi32, #tpu.memory_space<vmem>>
      %dma_wait3A_325 = arith.constant 0 : i32
      %dma_wait3A_326 = arith.constant 0 : i32
      %dma_wait3A_327 = tpu.memref_slice %arg8[%dma_wait3A_325, %dma_wait3A_326] : memref<10000x128xf32, #tpu.memory_space<vmem_shared>> -> memref<10000x128xf32, #tpu.memory_space<vmem_shared>>
      tpu.wait_indirect_dma semaphore(%arg13 : memref<!tpu.dma_semaphore, #tpu.memory_space<semaphore_mem>>) src(%dma_wait3A_321 : memref<80x128xf32, #tpu.memory_space<vmem>>) dst(%dma_wait3A_327 : memref<10000x128xf32, #tpu.memory_space<vmem_shared>>)
      %dma_start3A_328 = arith.constant 0 : i32
      %dma_start3A_329 = arith.constant 7 : i32
      %dma_start3A_330 = arith.constant 1 : i32
      %dma_start3A_331 = arith.constant 0 : i32
      %dma_start3A_332 = arith.constant 0 : i32
      %dma_start3A_333 = tpu.memref_slice %arg7[%dma_start3A_330, %dma_start3A_331, %dma_start3A_332] : memref<3x80x128xf32, #tpu.memory_space<vmem>> -> memref<1x80x128xf32, #tpu.memory_space<vmem>>
      %dma_start3A_334 = tpu.memref_squeeze %dma_start3A_333 : memref<1x80x128xf32, #tpu.memory_space<vmem>> -> memref<80x128xf32, #tpu.memory_space<vmem>>
      %dma_start3A_335 = arith.constant 0 : i32
      %dma_start3A_336 = tpu.memref_slice %arg6[%dma_start3A_328, %dma_start3A_329, %dma_start3A_335] : memref<2x25x80xi32, #tpu.memory_space<vmem>> -> memref<1x1x80xi32, #tpu.memory_space<vmem>>
      %dma_start3A_337 = tpu.memref_squeeze %dma_start3A_336 : memref<1x1x80xi32, #tpu.memory_space<vmem>> -> memref<80xi32, #tpu.memory_space<vmem>>
      %dma_start3A_338 = arith.constant 0 : i32
      %dma_start3A_339 = arith.constant 0 : i32
      %dma_start3A_340 = tpu.memref_slice %arg2[%dma_start3A_338, %dma_start3A_339] : memref<10000x128xf32, #tpu.memory_space<hbm>> -> memref<10000x128xf32, #tpu.memory_space<hbm>>
      tpu.enqueue_indirect_dma source(%dma_start3A_340 : memref<10000x128xf32, #tpu.memory_space<hbm>>) target(%dma_start3A_334 : memref<80x128xf32, #tpu.memory_space<vmem>>) offsets(%dma_start3A_337 : memref<80xi32, #tpu.memory_space<vmem>>) semaphore(%arg10 : memref<!tpu.dma_semaphore, #tpu.memory_space<semaphore_mem>>)
      %dma_wait3A_341 = arith.constant 0 : i32
      %dma_wait3A_342 = arith.constant 6 : i32
      %dma_wait3A_343 = arith.constant 0 : i32
      %dma_wait3A_344 = arith.constant 0 : i32
      %dma_wait3A_345 = arith.constant 0 : i32
      %dma_wait3A_346 = tpu.memref_slice %arg7[%dma_wait3A_343, %dma_wait3A_344, %dma_wait3A_345] : memref<3x80x128xf32, #tpu.memory_space<vmem>> -> memref<1x80x128xf32, #tpu.memory_space<vmem>>
      %dma_wait3A_347 = tpu.memref_squeeze %dma_wait3A_346 : memref<1x80x128xf32, #tpu.memory_space<vmem>> -> memref<80x128xf32, #tpu.memory_space<vmem>>
      %dma_wait3A_348 = arith.constant 0 : i32
      %dma_wait3A_349 = tpu.memref_slice %arg6[%dma_wait3A_341, %dma_wait3A_342, %dma_wait3A_348] : memref<2x25x80xi32, #tpu.memory_space<vmem>> -> memref<1x1x80xi32, #tpu.memory_space<vmem>>
      %dma_wait3A_350 = tpu.memref_squeeze %dma_wait3A_349 : memref<1x1x80xi32, #tpu.memory_space<vmem>> -> memref<80xi32, #tpu.memory_space<vmem>>
      %dma_wait3A_351 = arith.constant 0 : i32
      %dma_wait3A_352 = arith.constant 0 : i32
      %dma_wait3A_353 = tpu.memref_slice %arg2[%dma_wait3A_351, %dma_wait3A_352] : memref<10000x128xf32, #tpu.memory_space<hbm>> -> memref<10000x128xf32, #tpu.memory_space<hbm>>
      tpu.wait_indirect_dma semaphore(%arg9 : memref<!tpu.dma_semaphore, #tpu.memory_space<semaphore_mem>>) src(%dma_wait3A_353 : memref<10000x128xf32, #tpu.memory_space<hbm>>) dst(%dma_wait3A_347 : memref<80x128xf32, #tpu.memory_space<vmem>>)
      %dma_start3A_354 = arith.constant 0 : i32
      %dma_start3A_355 = arith.constant 1 : i32
      %dma_start3A_356 = arith.constant 6 : i32
      %dma_start3A_357 = arith.constant 0 : i32
      %dma_start3A_358 = arith.constant 0 : i32
      %dma_start3A_359 = tpu.memref_slice %arg7[%dma_start3A_354, %dma_start3A_357, %dma_start3A_358] : memref<3x80x128xf32, #tpu.memory_space<vmem>> -> memref<1x80x128xf32, #tpu.memory_space<vmem>>
      %dma_start3A_360 = tpu.memref_squeeze %dma_start3A_359 : memref<1x80x128xf32, #tpu.memory_space<vmem>> -> memref<80x128xf32, #tpu.memory_space<vmem>>
      %dma_start3A_361 = arith.constant 0 : i32
      %dma_start3A_362 = tpu.memref_slice %arg6[%dma_start3A_355, %dma_start3A_356, %dma_start3A_361] : memref<2x25x80xi32, #tpu.memory_space<vmem>> -> memref<1x1x80xi32, #tpu.memory_space<vmem>>
      %dma_start3A_363 = tpu.memref_squeeze %dma_start3A_362 : memref<1x1x80xi32, #tpu.memory_space<vmem>> -> memref<80xi32, #tpu.memory_space<vmem>>
      %dma_start3A_364 = arith.constant 0 : i32
      %dma_start3A_365 = arith.constant 0 : i32
      %dma_start3A_366 = tpu.memref_slice %arg8[%dma_start3A_364, %dma_start3A_365] : memref<10000x128xf32, #tpu.memory_space<vmem_shared>> -> memref<10000x128xf32, #tpu.memory_space<vmem_shared>>
      tpu.enqueue_indirect_dma source(%dma_start3A_360 : memref<80x128xf32, #tpu.memory_space<vmem>>) target(%dma_start3A_366 : memref<10000x128xf32, #tpu.memory_space<vmem_shared>>) offsets(%dma_start3A_363 : memref<80xi32, #tpu.memory_space<vmem>>) semaphore(%arg12 : memref<!tpu.dma_semaphore, #tpu.memory_space<semaphore_mem>>) {add = true}
      %dma_wait3A_367 = arith.constant 2 : i32
      %dma_wait3A_368 = arith.constant 1 : i32
      %dma_wait3A_369 = arith.constant 5 : i32
      %dma_wait3A_370 = arith.constant 0 : i32
      %dma_wait3A_371 = arith.constant 0 : i32
      %dma_wait3A_372 = tpu.memref_slice %arg7[%dma_wait3A_367, %dma_wait3A_370, %dma_wait3A_371] : memref<3x80x128xf32, #tpu.memory_space<vmem>> -> memref<1x80x128xf32, #tpu.memory_space<vmem>>
      %dma_wait3A_373 = tpu.memref_squeeze %dma_wait3A_372 : memref<1x80x128xf32, #tpu.memory_space<vmem>> -> memref<80x128xf32, #tpu.memory_space<vmem>>
      %dma_wait3A_374 = arith.constant 0 : i32
      %dma_wait3A_375 = tpu.memref_slice %arg6[%dma_wait3A_368, %dma_wait3A_369, %dma_wait3A_374] : memref<2x25x80xi32, #tpu.memory_space<vmem>> -> memref<1x1x80xi32, #tpu.memory_space<vmem>>
      %dma_wait3A_376 = tpu.memref_squeeze %dma_wait3A_375 : memref<1x1x80xi32, #tpu.memory_space<vmem>> -> memref<80xi32, #tpu.memory_space<vmem>>
      %dma_wait3A_377 = arith.constant 0 : i32
      %dma_wait3A_378 = arith.constant 0 : i32
      %dma_wait3A_379 = tpu.memref_slice %arg8[%dma_wait3A_377, %dma_wait3A_378] : memref<10000x128xf32, #tpu.memory_space<vmem_shared>> -> memref<10000x128xf32, #tpu.memory_space<vmem_shared>>
      tpu.wait_indirect_dma semaphore(%arg14 : memref<!tpu.dma_semaphore, #tpu.memory_space<semaphore_mem>>) src(%dma_wait3A_373 : memref<80x128xf32, #tpu.memory_space<vmem>>) dst(%dma_wait3A_379 : memref<10000x128xf32, #tpu.memory_space<vmem_shared>>)
      %dma_start3A_380 = arith.constant 0 : i32
      %dma_start3A_381 = arith.constant 8 : i32
      %dma_start3A_382 = arith.constant 2 : i32
      %dma_start3A_383 = arith.constant 0 : i32
      %dma_start3A_384 = arith.constant 0 : i32
      %dma_start3A_385 = tpu.memref_slice %arg7[%dma_start3A_382, %dma_start3A_383, %dma_start3A_384] : memref<3x80x128xf32, #tpu.memory_space<vmem>> -> memref<1x80x128xf32, #tpu.memory_space<vmem>>
      %dma_start3A_386 = tpu.memref_squeeze %dma_start3A_385 : memref<1x80x128xf32, #tpu.memory_space<vmem>> -> memref<80x128xf32, #tpu.memory_space<vmem>>
      %dma_start3A_387 = arith.constant 0 : i32
      %dma_start3A_388 = tpu.memref_slice %arg6[%dma_start3A_380, %dma_start3A_381, %dma_start3A_387] : memref<2x25x80xi32, #tpu.memory_space<vmem>> -> memref<1x1x80xi32, #tpu.memory_space<vmem>>
      %dma_start3A_389 = tpu.memref_squeeze %dma_start3A_388 : memref<1x1x80xi32, #tpu.memory_space<vmem>> -> memref<80xi32, #tpu.memory_space<vmem>>
      %dma_start3A_390 = arith.constant 0 : i32
      %dma_start3A_391 = arith.constant 0 : i32
      %dma_start3A_392 = tpu.memref_slice %arg2[%dma_start3A_390, %dma_start3A_391] : memref<10000x128xf32, #tpu.memory_space<hbm>> -> memref<10000x128xf32, #tpu.memory_space<hbm>>
      tpu.enqueue_indirect_dma source(%dma_start3A_392 : memref<10000x128xf32, #tpu.memory_space<hbm>>) target(%dma_start3A_386 : memref<80x128xf32, #tpu.memory_space<vmem>>) offsets(%dma_start3A_389 : memref<80xi32, #tpu.memory_space<vmem>>) semaphore(%arg11 : memref<!tpu.dma_semaphore, #tpu.memory_space<semaphore_mem>>)
      %dma_wait3A_393 = arith.constant 0 : i32
      %dma_wait3A_394 = arith.constant 7 : i32
      %dma_wait3A_395 = arith.constant 1 : i32
      %dma_wait3A_396 = arith.constant 0 : i32
      %dma_wait3A_397 = arith.constant 0 : i32
      %dma_wait3A_398 = tpu.memref_slice %arg7[%dma_wait3A_395, %dma_wait3A_396, %dma_wait3A_397] : memref<3x80x128xf32, #tpu.memory_space<vmem>> -> memref<1x80x128xf32, #tpu.memory_space<vmem>>
      %dma_wait3A_399 = tpu.memref_squeeze %dma_wait3A_398 : memref<1x80x128xf32, #tpu.memory_space<vmem>> -> memref<80x128xf32, #tpu.memory_space<vmem>>
      %dma_wait3A_400 = arith.constant 0 : i32
      %dma_wait3A_401 = tpu.memref_slice %arg6[%dma_wait3A_393, %dma_wait3A_394, %dma_wait3A_400] : memref<2x25x80xi32, #tpu.memory_space<vmem>> -> memref<1x1x80xi32, #tpu.memory_space<vmem>>
      %dma_wait3A_402 = tpu.memref_squeeze %dma_wait3A_401 : memref<1x1x80xi32, #tpu.memory_space<vmem>> -> memref<80xi32, #tpu.memory_space<vmem>>
      %dma_wait3A_403 = arith.constant 0 : i32
      %dma_wait3A_404 = arith.constant 0 : i32
      %dma_wait3A_405 = tpu.memref_slice %arg2[%dma_wait3A_403, %dma_wait3A_404] : memref<10000x128xf32, #tpu.memory_space<hbm>> -> memref<10000x128xf32, #tpu.memory_space<hbm>>
      tpu.wait_indirect_dma semaphore(%arg10 : memref<!tpu.dma_semaphore, #tpu.memory_space<semaphore_mem>>) src(%dma_wait3A_405 : memref<10000x128xf32, #tpu.memory_space<hbm>>) dst(%dma_wait3A_399 : memref<80x128xf32, #tpu.memory_space<vmem>>)
      %dma_start3A_406 = arith.constant 1 : i32
      %dma_start3A_407 = arith.constant 1 : i32
      %dma_start3A_408 = arith.constant 7 : i32
      %dma_start3A_409 = arith.constant 0 : i32
      %dma_start3A_410 = arith.constant 0 : i32
      %dma_start3A_411 = tpu.memref_slice %arg7[%dma_start3A_406, %dma_start3A_409, %dma_start3A_410] : memref<3x80x128xf32, #tpu.memory_space<vmem>> -> memref<1x80x128xf32, #tpu.memory_space<vmem>>
      %dma_start3A_412 = tpu.memref_squeeze %dma_start3A_411 : memref<1x80x128xf32, #tpu.memory_space<vmem>> -> memref<80x128xf32, #tpu.memory_space<vmem>>
      %dma_start3A_413 = arith.constant 0 : i32
      %dma_start3A_414 = tpu.memref_slice %arg6[%dma_start3A_407, %dma_start3A_408, %dma_start3A_413] : memref<2x25x80xi32, #tpu.memory_space<vmem>> -> memref<1x1x80xi32, #tpu.memory_space<vmem>>
      %dma_start3A_415 = tpu.memref_squeeze %dma_start3A_414 : memref<1x1x80xi32, #tpu.memory_space<vmem>> -> memref<80xi32, #tpu.memory_space<vmem>>
      %dma_start3A_416 = arith.constant 0 : i32
      %dma_start3A_417 = arith.constant 0 : i32
      %dma_start3A_418 = tpu.memref_slice %arg8[%dma_start3A_416, %dma_start3A_417] : memref<10000x128xf32, #tpu.memory_space<vmem_shared>> -> memref<10000x128xf32, #tpu.memory_space<vmem_shared>>
      tpu.enqueue_indirect_dma source(%dma_start3A_412 : memref<80x128xf32, #tpu.memory_space<vmem>>) target(%dma_start3A_418 : memref<10000x128xf32, #tpu.memory_space<vmem_shared>>) offsets(%dma_start3A_415 : memref<80xi32, #tpu.memory_space<vmem>>) semaphore(%arg13 : memref<!tpu.dma_semaphore, #tpu.memory_space<semaphore_mem>>) {add = true}
      %dma_wait3A_419 = arith.constant 0 : i32
      %dma_wait3A_420 = arith.constant 1 : i32
      %dma_wait3A_421 = arith.constant 6 : i32
      %dma_wait3A_422 = arith.constant 0 : i32
      %dma_wait3A_423 = arith.constant 0 : i32
      %dma_wait3A_424 = tpu.memref_slice %arg7[%dma_wait3A_419, %dma_wait3A_422, %dma_wait3A_423] : memref<3x80x128xf32, #tpu.memory_space<vmem>> -> memref<1x80x128xf32, #tpu.memory_space<vmem>>
      %dma_wait3A_425 = tpu.memref_squeeze %dma_wait3A_424 : memref<1x80x128xf32, #tpu.memory_space<vmem>> -> memref<80x128xf32, #tpu.memory_space<vmem>>
      %dma_wait3A_426 = arith.constant 0 : i32
      %dma_wait3A_427 = tpu.memref_slice %arg6[%dma_wait3A_420, %dma_wait3A_421, %dma_wait3A_426] : memref<2x25x80xi32, #tpu.memory_space<vmem>> -> memref<1x1x80xi32, #tpu.memory_space<vmem>>
      %dma_wait3A_428 = tpu.memref_squeeze %dma_wait3A_427 : memref<1x1x80xi32, #tpu.memory_space<vmem>> -> memref<80xi32, #tpu.memory_space<vmem>>
      %dma_wait3A_429 = arith.constant 0 : i32
      %dma_wait3A_430 = arith.constant 0 : i32
      %dma_wait3A_431 = tpu.memref_slice %arg8[%dma_wait3A_429, %dma_wait3A_430] : memref<10000x128xf32, #tpu.memory_space<vmem_shared>> -> memref<10000x128xf32, #tpu.memory_space<vmem_shared>>
      tpu.wait_indirect_dma semaphore(%arg12 : memref<!tpu.dma_semaphore, #tpu.memory_space<semaphore_mem>>) src(%dma_wait3A_425 : memref<80x128xf32, #tpu.memory_space<vmem>>) dst(%dma_wait3A_431 : memref<10000x128xf32, #tpu.memory_space<vmem_shared>>)
      %dma_start3A_432 = arith.constant 0 : i32
      %dma_start3A_433 = arith.constant 9 : i32
      %dma_start3A_434 = arith.constant 0 : i32
      %dma_start3A_435 = arith.constant 0 : i32
      %dma_start3A_436 = arith.constant 0 : i32
      %dma_start3A_437 = tpu.memref_slice %arg7[%dma_start3A_434, %dma_start3A_435, %dma_start3A_436] : memref<3x80x128xf32, #tpu.memory_space<vmem>> -> memref<1x80x128xf32, #tpu.memory_space<vmem>>
      %dma_start3A_438 = tpu.memref_squeeze %dma_start3A_437 : memref<1x80x128xf32, #tpu.memory_space<vmem>> -> memref<80x128xf32, #tpu.memory_space<vmem>>
      %dma_start3A_439 = arith.constant 0 : i32
      %dma_start3A_440 = tpu.memref_slice %arg6[%dma_start3A_432, %dma_start3A_433, %dma_start3A_439] : memref<2x25x80xi32, #tpu.memory_space<vmem>> -> memref<1x1x80xi32, #tpu.memory_space<vmem>>
      %dma_start3A_441 = tpu.memref_squeeze %dma_start3A_440 : memref<1x1x80xi32, #tpu.memory_space<vmem>> -> memref<80xi32, #tpu.memory_space<vmem>>
      %dma_start3A_442 = arith.constant 0 : i32
      %dma_start3A_443 = arith.constant 0 : i32
      %dma_start3A_444 = tpu.memref_slice %arg2[%dma_start3A_442, %dma_start3A_443] : memref<10000x128xf32, #tpu.memory_space<hbm>> -> memref<10000x128xf32, #tpu.memory_space<hbm>>
      tpu.enqueue_indirect_dma source(%dma_start3A_444 : memref<10000x128xf32, #tpu.memory_space<hbm>>) target(%dma_start3A_438 : memref<80x128xf32, #tpu.memory_space<vmem>>) offsets(%dma_start3A_441 : memref<80xi32, #tpu.memory_space<vmem>>) semaphore(%arg9 : memref<!tpu.dma_semaphore, #tpu.memory_space<semaphore_mem>>)
      %dma_wait3A_445 = arith.constant 0 : i32
      %dma_wait3A_446 = arith.constant 8 : i32
      %dma_wait3A_447 = arith.constant 2 : i32
      %dma_wait3A_448 = arith.constant 0 : i32
      %dma_wait3A_449 = arith.constant 0 : i32
      %dma_wait3A_450 = tpu.memref_slice %arg7[%dma_wait3A_447, %dma_wait3A_448, %dma_wait3A_449] : memref<3x80x128xf32, #tpu.memory_space<vmem>> -> memref<1x80x128xf32, #tpu.memory_space<vmem>>
      %dma_wait3A_451 = tpu.memref_squeeze %dma_wait3A_450 : memref<1x80x128xf32, #tpu.memory_space<vmem>> -> memref<80x128xf32, #tpu.memory_space<vmem>>
      %dma_wait3A_452 = arith.constant 0 : i32
      %dma_wait3A_453 = tpu.memref_slice %arg6[%dma_wait3A_445, %dma_wait3A_446, %dma_wait3A_452] : memref<2x25x80xi32, #tpu.memory_space<vmem>> -> memref<1x1x80xi32, #tpu.memory_space<vmem>>
      %dma_wait3A_454 = tpu.memref_squeeze %dma_wait3A_453 : memref<1x1x80xi32, #tpu.memory_space<vmem>> -> memref<80xi32, #tpu.memory_space<vmem>>
      %dma_wait3A_455 = arith.constant 0 : i32
      %dma_wait3A_456 = arith.constant 0 : i32
      %dma_wait3A_457 = tpu.memref_slice %arg2[%dma_wait3A_455, %dma_wait3A_456] : memref<10000x128xf32, #tpu.memory_space<hbm>> -> memref<10000x128xf32, #tpu.memory_space<hbm>>
      tpu.wait_indirect_dma semaphore(%arg11 : memref<!tpu.dma_semaphore, #tpu.memory_space<semaphore_mem>>) src(%dma_wait3A_457 : memref<10000x128xf32, #tpu.memory_space<hbm>>) dst(%dma_wait3A_451 : memref<80x128xf32, #tpu.memory_space<vmem>>)
      %dma_start3A_458 = arith.constant 2 : i32
      %dma_start3A_459 = arith.constant 1 : i32
      %dma_start3A_460 = arith.constant 8 : i32
      %dma_start3A_461 = arith.constant 0 : i32
      %dma_start3A_462 = arith.constant 0 : i32
      %dma_start3A_463 = tpu.memref_slice %arg7[%dma_start3A_458, %dma_start3A_461, %dma_start3A_462] : memref<3x80x128xf32, #tpu.memory_space<vmem>> -> memref<1x80x128xf32, #tpu.memory_space<vmem>>
      %dma_start3A_464 = tpu.memref_squeeze %dma_start3A_463 : memref<1x80x128xf32, #tpu.memory_space<vmem>> -> memref<80x128xf32, #tpu.memory_space<vmem>>
      %dma_start3A_465 = arith.constant 0 : i32
      %dma_start3A_466 = tpu.memref_slice %arg6[%dma_start3A_459, %dma_start3A_460, %dma_start3A_465] : memref<2x25x80xi32, #tpu.memory_space<vmem>> -> memref<1x1x80xi32, #tpu.memory_space<vmem>>
      %dma_start3A_467 = tpu.memref_squeeze %dma_start3A_466 : memref<1x1x80xi32, #tpu.memory_space<vmem>> -> memref<80xi32, #tpu.memory_space<vmem>>
      %dma_start3A_468 = arith.constant 0 : i32
      %dma_start3A_469 = arith.constant 0 : i32
      %dma_start3A_470 = tpu.memref_slice %arg8[%dma_start3A_468, %dma_start3A_469] : memref<10000x128xf32, #tpu.memory_space<vmem_shared>> -> memref<10000x128xf32, #tpu.memory_space<vmem_shared>>
      tpu.enqueue_indirect_dma source(%dma_start3A_464 : memref<80x128xf32, #tpu.memory_space<vmem>>) target(%dma_start3A_470 : memref<10000x128xf32, #tpu.memory_space<vmem_shared>>) offsets(%dma_start3A_467 : memref<80xi32, #tpu.memory_space<vmem>>) semaphore(%arg14 : memref<!tpu.dma_semaphore, #tpu.memory_space<semaphore_mem>>) {add = true}
      %dma_wait3A_471 = arith.constant 1 : i32
      %dma_wait3A_472 = arith.constant 1 : i32
      %dma_wait3A_473 = arith.constant 7 : i32
      %dma_wait3A_474 = arith.constant 0 : i32
      %dma_wait3A_475 = arith.constant 0 : i32
      %dma_wait3A_476 = tpu.memref_slice %arg7[%dma_wait3A_471, %dma_wait3A_474, %dma_wait3A_475] : memref<3x80x128xf32, #tpu.memory_space<vmem>> -> memref<1x80x128xf32, #tpu.memory_space<vmem>>
      %dma_wait3A_477 = tpu.memref_squeeze %dma_wait3A_476 : memref<1x80x128xf32, #tpu.memory_space<vmem>> -> memref<80x128xf32, #tpu.memory_space<vmem>>
      %dma_wait3A_478 = arith.constant 0 : i32
      %dma_wait3A_479 = tpu.memref_slice %arg6[%dma_wait3A_472, %dma_wait3A_473, %dma_wait3A_478] : memref<2x25x80xi32, #tpu.memory_space<vmem>> -> memref<1x1x80xi32, #tpu.memory_space<vmem>>
      %dma_wait3A_480 = tpu.memref_squeeze %dma_wait3A_479 : memref<1x1x80xi32, #tpu.memory_space<vmem>> -> memref<80xi32, #tpu.memory_space<vmem>>
      %dma_wait3A_481 = arith.constant 0 : i32
      %dma_wait3A_482 = arith.constant 0 : i32
      %dma_wait3A_483 = tpu.memref_slice %arg8[%dma_wait3A_481, %dma_wait3A_482] : memref<10000x128xf32, #tpu.memory_space<vmem_shared>> -> memref<10000x128xf32, #tpu.memory_space<vmem_shared>>
      tpu.wait_indirect_dma semaphore(%arg13 : memref<!tpu.dma_semaphore, #tpu.memory_space<semaphore_mem>>) src(%dma_wait3A_477 : memref<80x128xf32, #tpu.memory_space<vmem>>) dst(%dma_wait3A_483 : memref<10000x128xf32, #tpu.memory_space<vmem_shared>>)
      %dma_start3A_484 = arith.constant 0 : i32
      %dma_start3A_485 = arith.constant 10 : i32
      %dma_start3A_486 = arith.constant 1 : i32
      %dma_start3A_487 = arith.constant 0 : i32
      %dma_start3A_488 = arith.constant 0 : i32
      %dma_start3A_489 = tpu.memref_slice %arg7[%dma_start3A_486, %dma_start3A_487, %dma_start3A_488] : memref<3x80x128xf32, #tpu.memory_space<vmem>> -> memref<1x80x128xf32, #tpu.memory_space<vmem>>
      %dma_start3A_490 = tpu.memref_squeeze %dma_start3A_489 : memref<1x80x128xf32, #tpu.memory_space<vmem>> -> memref<80x128xf32, #tpu.memory_space<vmem>>
      %dma_start3A_491 = arith.constant 0 : i32
      %dma_start3A_492 = tpu.memref_slice %arg6[%dma_start3A_484, %dma_start3A_485, %dma_start3A_491] : memref<2x25x80xi32, #tpu.memory_space<vmem>> -> memref<1x1x80xi32, #tpu.memory_space<vmem>>
      %dma_start3A_493 = tpu.memref_squeeze %dma_start3A_492 : memref<1x1x80xi32, #tpu.memory_space<vmem>> -> memref<80xi32, #tpu.memory_space<vmem>>
      %dma_start3A_494 = arith.constant 0 : i32
      %dma_start3A_495 = arith.constant 0 : i32
      %dma_start3A_496 = tpu.memref_slice %arg2[%dma_start3A_494, %dma_start3A_495] : memref<10000x128xf32, #tpu.memory_space<hbm>> -> memref<10000x128xf32, #tpu.memory_space<hbm>>
      tpu.enqueue_indirect_dma source(%dma_start3A_496 : memref<10000x128xf32, #tpu.memory_space<hbm>>) target(%dma_start3A_490 : memref<80x128xf32, #tpu.memory_space<vmem>>) offsets(%dma_start3A_493 : memref<80xi32, #tpu.memory_space<vmem>>) semaphore(%arg10 : memref<!tpu.dma_semaphore, #tpu.memory_space<semaphore_mem>>)
      %dma_wait3A_497 = arith.constant 0 : i32
      %dma_wait3A_498 = arith.constant 9 : i32
      %dma_wait3A_499 = arith.constant 0 : i32
      %dma_wait3A_500 = arith.constant 0 : i32
      %dma_wait3A_501 = arith.constant 0 : i32
      %dma_wait3A_502 = tpu.memref_slice %arg7[%dma_wait3A_499, %dma_wait3A_500, %dma_wait3A_501] : memref<3x80x128xf32, #tpu.memory_space<vmem>> -> memref<1x80x128xf32, #tpu.memory_space<vmem>>
      %dma_wait3A_503 = tpu.memref_squeeze %dma_wait3A_502 : memref<1x80x128xf32, #tpu.memory_space<vmem>> -> memref<80x128xf32, #tpu.memory_space<vmem>>
      %dma_wait3A_504 = arith.constant 0 : i32
      %dma_wait3A_505 = tpu.memref_slice %arg6[%dma_wait3A_497, %dma_wait3A_498, %dma_wait3A_504] : memref<2x25x80xi32, #tpu.memory_space<vmem>> -> memref<1x1x80xi32, #tpu.memory_space<vmem>>
      %dma_wait3A_506 = tpu.memref_squeeze %dma_wait3A_505 : memref<1x1x80xi32, #tpu.memory_space<vmem>> -> memref<80xi32, #tpu.memory_space<vmem>>
      %dma_wait3A_507 = arith.constant 0 : i32
      %dma_wait3A_508 = arith.constant 0 : i32
      %dma_wait3A_509 = tpu.memref_slice %arg2[%dma_wait3A_507, %dma_wait3A_508] : memref<10000x128xf32, #tpu.memory_space<hbm>> -> memref<10000x128xf32, #tpu.memory_space<hbm>>
      tpu.wait_indirect_dma semaphore(%arg9 : memref<!tpu.dma_semaphore, #tpu.memory_space<semaphore_mem>>) src(%dma_wait3A_509 : memref<10000x128xf32, #tpu.memory_space<hbm>>) dst(%dma_wait3A_503 : memref<80x128xf32, #tpu.memory_space<vmem>>)
      %dma_start3A_510 = arith.constant 0 : i32
      %dma_start3A_511 = arith.constant 1 : i32
      %dma_start3A_512 = arith.constant 9 : i32
      %dma_start3A_513 = arith.constant 0 : i32
      %dma_start3A_514 = arith.constant 0 : i32
      %dma_start3A_515 = tpu.memref_slice %arg7[%dma_start3A_510, %dma_start3A_513, %dma_start3A_514] : memref<3x80x128xf32, #tpu.memory_space<vmem>> -> memref<1x80x128xf32, #tpu.memory_space<vmem>>
      %dma_start3A_516 = tpu.memref_squeeze %dma_start3A_515 : memref<1x80x128xf32, #tpu.memory_space<vmem>> -> memref<80x128xf32, #tpu.memory_space<vmem>>
      %dma_start3A_517 = arith.constant 0 : i32
      %dma_start3A_518 = tpu.memref_slice %arg6[%dma_start3A_511, %dma_start3A_512, %dma_start3A_517] : memref<2x25x80xi32, #tpu.memory_space<vmem>> -> memref<1x1x80xi32, #tpu.memory_space<vmem>>
      %dma_start3A_519 = tpu.memref_squeeze %dma_start3A_518 : memref<1x1x80xi32, #tpu.memory_space<vmem>> -> memref<80xi32, #tpu.memory_space<vmem>>
      %dma_start3A_520 = arith.constant 0 : i32
      %dma_start3A_521 = arith.constant 0 : i32
      %dma_start3A_522 = tpu.memref_slice %arg8[%dma_start3A_520, %dma_start3A_521] : memref<10000x128xf32, #tpu.memory_space<vmem_shared>> -> memref<10000x128xf32, #tpu.memory_space<vmem_shared>>
      tpu.enqueue_indirect_dma source(%dma_start3A_516 : memref<80x128xf32, #tpu.memory_space<vmem>>) target(%dma_start3A_522 : memref<10000x128xf32, #tpu.memory_space<vmem_shared>>) offsets(%dma_start3A_519 : memref<80xi32, #tpu.memory_space<vmem>>) semaphore(%arg12 : memref<!tpu.dma_semaphore, #tpu.memory_space<semaphore_mem>>) {add = true}
      %dma_wait3A_523 = arith.constant 2 : i32
      %dma_wait3A_524 = arith.constant 1 : i32
      %dma_wait3A_525 = arith.constant 8 : i32
      %dma_wait3A_526 = arith.constant 0 : i32
      %dma_wait3A_527 = arith.constant 0 : i32
      %dma_wait3A_528 = tpu.memref_slice %arg7[%dma_wait3A_523, %dma_wait3A_526, %dma_wait3A_527] : memref<3x80x128xf32, #tpu.memory_space<vmem>> -> memref<1x80x128xf32, #tpu.memory_space<vmem>>
      %dma_wait3A_529 = tpu.memref_squeeze %dma_wait3A_528 : memref<1x80x128xf32, #tpu.memory_space<vmem>> -> memref<80x128xf32, #tpu.memory_space<vmem>>
      %dma_wait3A_530 = arith.constant 0 : i32
      %dma_wait3A_531 = tpu.memref_slice %arg6[%dma_wait3A_524, %dma_wait3A_525, %dma_wait3A_530] : memref<2x25x80xi32, #tpu.memory_space<vmem>> -> memref<1x1x80xi32, #tpu.memory_space<vmem>>
      %dma_wait3A_532 = tpu.memref_squeeze %dma_wait3A_531 : memref<1x1x80xi32, #tpu.memory_space<vmem>> -> memref<80xi32, #tpu.memory_space<vmem>>
      %dma_wait3A_533 = arith.constant 0 : i32
      %dma_wait3A_534 = arith.constant 0 : i32
      %dma_wait3A_535 = tpu.memref_slice %arg8[%dma_wait3A_533, %dma_wait3A_534] : memref<10000x128xf32, #tpu.memory_space<vmem_shared>> -> memref<10000x128xf32, #tpu.memory_space<vmem_shared>>
      tpu.wait_indirect_dma semaphore(%arg14 : memref<!tpu.dma_semaphore, #tpu.memory_space<semaphore_mem>>) src(%dma_wait3A_529 : memref<80x128xf32, #tpu.memory_space<vmem>>) dst(%dma_wait3A_535 : memref<10000x128xf32, #tpu.memory_space<vmem_shared>>)
      %dma_start3A_536 = arith.constant 0 : i32
      %dma_start3A_537 = arith.constant 11 : i32
      %dma_start3A_538 = arith.constant 2 : i32
      %dma_start3A_539 = arith.constant 0 : i32
      %dma_start3A_540 = arith.constant 0 : i32
      %dma_start3A_541 = tpu.memref_slice %arg7[%dma_start3A_538, %dma_start3A_539, %dma_start3A_540] : memref<3x80x128xf32, #tpu.memory_space<vmem>> -> memref<1x80x128xf32, #tpu.memory_space<vmem>>
      %dma_start3A_542 = tpu.memref_squeeze %dma_start3A_541 : memref<1x80x128xf32, #tpu.memory_space<vmem>> -> memref<80x128xf32, #tpu.memory_space<vmem>>
      %dma_start3A_543 = arith.constant 0 : i32
      %dma_start3A_544 = tpu.memref_slice %arg6[%dma_start3A_536, %dma_start3A_537, %dma_start3A_543] : memref<2x25x80xi32, #tpu.memory_space<vmem>> -> memref<1x1x80xi32, #tpu.memory_space<vmem>>
      %dma_start3A_545 = tpu.memref_squeeze %dma_start3A_544 : memref<1x1x80xi32, #tpu.memory_space<vmem>> -> memref<80xi32, #tpu.memory_space<vmem>>
      %dma_start3A_546 = arith.constant 0 : i32
      %dma_start3A_547 = arith.constant 0 : i32
      %dma_start3A_548 = tpu.memref_slice %arg2[%dma_start3A_546, %dma_start3A_547] : memref<10000x128xf32, #tpu.memory_space<hbm>> -> memref<10000x128xf32, #tpu.memory_space<hbm>>
      tpu.enqueue_indirect_dma source(%dma_start3A_548 : memref<10000x128xf32, #tpu.memory_space<hbm>>) target(%dma_start3A_542 : memref<80x128xf32, #tpu.memory_space<vmem>>) offsets(%dma_start3A_545 : memref<80xi32, #tpu.memory_space<vmem>>) semaphore(%arg11 : memref<!tpu.dma_semaphore, #tpu.memory_space<semaphore_mem>>)
      %dma_wait3A_549 = arith.constant 0 : i32
      %dma_wait3A_550 = arith.constant 10 : i32
      %dma_wait3A_551 = arith.constant 1 : i32
      %dma_wait3A_552 = arith.constant 0 : i32
      %dma_wait3A_553 = arith.constant 0 : i32
      %dma_wait3A_554 = tpu.memref_slice %arg7[%dma_wait3A_551, %dma_wait3A_552, %dma_wait3A_553] : memref<3x80x128xf32, #tpu.memory_space<vmem>> -> memref<1x80x128xf32, #tpu.memory_space<vmem>>
      %dma_wait3A_555 = tpu.memref_squeeze %dma_wait3A_554 : memref<1x80x128xf32, #tpu.memory_space<vmem>> -> memref<80x128xf32, #tpu.memory_space<vmem>>
      %dma_wait3A_556 = arith.constant 0 : i32
      %dma_wait3A_557 = tpu.memref_slice %arg6[%dma_wait3A_549, %dma_wait3A_550, %dma_wait3A_556] : memref<2x25x80xi32, #tpu.memory_space<vmem>> -> memref<1x1x80xi32, #tpu.memory_space<vmem>>
      %dma_wait3A_558 = tpu.memref_squeeze %dma_wait3A_557 : memref<1x1x80xi32, #tpu.memory_space<vmem>> -> memref<80xi32, #tpu.memory_space<vmem>>
      %dma_wait3A_559 = arith.constant 0 : i32
      %dma_wait3A_560 = arith.constant 0 : i32
      %dma_wait3A_561 = tpu.memref_slice %arg2[%dma_wait3A_559, %dma_wait3A_560] : memref<10000x128xf32, #tpu.memory_space<hbm>> -> memref<10000x128xf32, #tpu.memory_space<hbm>>
      tpu.wait_indirect_dma semaphore(%arg10 : memref<!tpu.dma_semaphore, #tpu.memory_space<semaphore_mem>>) src(%dma_wait3A_561 : memref<10000x128xf32, #tpu.memory_space<hbm>>) dst(%dma_wait3A_555 : memref<80x128xf32, #tpu.memory_space<vmem>>)
      %dma_start3A_562 = arith.constant 1 : i32
      %dma_start3A_563 = arith.constant 1 : i32
      %dma_start3A_564 = arith.constant 10 : i32
      %dma_start3A_565 = arith.constant 0 : i32
      %dma_start3A_566 = arith.constant 0 : i32
      %dma_start3A_567 = tpu.memref_slice %arg7[%dma_start3A_562, %dma_start3A_565, %dma_start3A_566] : memref<3x80x128xf32, #tpu.memory_space<vmem>> -> memref<1x80x128xf32, #tpu.memory_space<vmem>>
      %dma_start3A_568 = tpu.memref_squeeze %dma_start3A_567 : memref<1x80x128xf32, #tpu.memory_space<vmem>> -> memref<80x128xf32, #tpu.memory_space<vmem>>
      %dma_start3A_569 = arith.constant 0 : i32
      %dma_start3A_570 = tpu.memref_slice %arg6[%dma_start3A_563, %dma_start3A_564, %dma_start3A_569] : memref<2x25x80xi32, #tpu.memory_space<vmem>> -> memref<1x1x80xi32, #tpu.memory_space<vmem>>
      %dma_start3A_571 = tpu.memref_squeeze %dma_start3A_570 : memref<1x1x80xi32, #tpu.memory_space<vmem>> -> memref<80xi32, #tpu.memory_space<vmem>>
      %dma_start3A_572 = arith.constant 0 : i32
      %dma_start3A_573 = arith.constant 0 : i32
      %dma_start3A_574 = tpu.memref_slice %arg8[%dma_start3A_572, %dma_start3A_573] : memref<10000x128xf32, #tpu.memory_space<vmem_shared>> -> memref<10000x128xf32, #tpu.memory_space<vmem_shared>>
      tpu.enqueue_indirect_dma source(%dma_start3A_568 : memref<80x128xf32, #tpu.memory_space<vmem>>) target(%dma_start3A_574 : memref<10000x128xf32, #tpu.memory_space<vmem_shared>>) offsets(%dma_start3A_571 : memref<80xi32, #tpu.memory_space<vmem>>) semaphore(%arg13 : memref<!tpu.dma_semaphore, #tpu.memory_space<semaphore_mem>>) {add = true}
      %dma_wait3A_575 = arith.constant 0 : i32
      %dma_wait3A_576 = arith.constant 1 : i32
      %dma_wait3A_577 = arith.constant 9 : i32
      %dma_wait3A_578 = arith.constant 0 : i32
      %dma_wait3A_579 = arith.constant 0 : i32
      %dma_wait3A_580 = tpu.memref_slice %arg7[%dma_wait3A_575, %dma_wait3A_578, %dma_wait3A_579] : memref<3x80x128xf32, #tpu.memory_space<vmem>> -> memref<1x80x128xf32, #tpu.memory_space<vmem>>
      %dma_wait3A_581 = tpu.memref_squeeze %dma_wait3A_580 : memref<1x80x128xf32, #tpu.memory_space<vmem>> -> memref<80x128xf32, #tpu.memory_space<vmem>>
      %dma_wait3A_582 = arith.constant 0 : i32
      %dma_wait3A_583 = tpu.memref_slice %arg6[%dma_wait3A_576, %dma_wait3A_577, %dma_wait3A_582] : memref<2x25x80xi32, #tpu.memory_space<vmem>> -> memref<1x1x80xi32, #tpu.memory_space<vmem>>
      %dma_wait3A_584 = tpu.memref_squeeze %dma_wait3A_583 : memref<1x1x80xi32, #tpu.memory_space<vmem>> -> memref<80xi32, #tpu.memory_space<vmem>>
      %dma_wait3A_585 = arith.constant 0 : i32
      %dma_wait3A_586 = arith.constant 0 : i32
      %dma_wait3A_587 = tpu.memref_slice %arg8[%dma_wait3A_585, %dma_wait3A_586] : memref<10000x128xf32, #tpu.memory_space<vmem_shared>> -> memref<10000x128xf32, #tpu.memory_space<vmem_shared>>
      tpu.wait_indirect_dma semaphore(%arg12 : memref<!tpu.dma_semaphore, #tpu.memory_space<semaphore_mem>>) src(%dma_wait3A_581 : memref<80x128xf32, #tpu.memory_space<vmem>>) dst(%dma_wait3A_587 : memref<10000x128xf32, #tpu.memory_space<vmem_shared>>)
      %dma_start3A_588 = arith.constant 0 : i32
      %dma_start3A_589 = arith.constant 12 : i32
      %dma_start3A_590 = arith.constant 0 : i32
      %dma_start3A_591 = arith.constant 0 : i32
      %dma_start3A_592 = arith.constant 0 : i32
      %dma_start3A_593 = tpu.memref_slice %arg7[%dma_start3A_590, %dma_start3A_591, %dma_start3A_592] : memref<3x80x128xf32, #tpu.memory_space<vmem>> -> memref<1x80x128xf32, #tpu.memory_space<vmem>>
      %dma_start3A_594 = tpu.memref_squeeze %dma_start3A_593 : memref<1x80x128xf32, #tpu.memory_space<vmem>> -> memref<80x128xf32, #tpu.memory_space<vmem>>
      %dma_start3A_595 = arith.constant 0 : i32
      %dma_start3A_596 = tpu.memref_slice %arg6[%dma_start3A_588, %dma_start3A_589, %dma_start3A_595] : memref<2x25x80xi32, #tpu.memory_space<vmem>> -> memref<1x1x80xi32, #tpu.memory_space<vmem>>
      %dma_start3A_597 = tpu.memref_squeeze %dma_start3A_596 : memref<1x1x80xi32, #tpu.memory_space<vmem>> -> memref<80xi32, #tpu.memory_space<vmem>>
      %dma_start3A_598 = arith.constant 0 : i32
      %dma_start3A_599 = arith.constant 0 : i32
      %dma_start3A_600 = tpu.memref_slice %arg2[%dma_start3A_598, %dma_start3A_599] : memref<10000x128xf32, #tpu.memory_space<hbm>> -> memref<10000x128xf32, #tpu.memory_space<hbm>>
      tpu.enqueue_indirect_dma source(%dma_start3A_600 : memref<10000x128xf32, #tpu.memory_space<hbm>>) target(%dma_start3A_594 : memref<80x128xf32, #tpu.memory_space<vmem>>) offsets(%dma_start3A_597 : memref<80xi32, #tpu.memory_space<vmem>>) semaphore(%arg9 : memref<!tpu.dma_semaphore, #tpu.memory_space<semaphore_mem>>)
      %dma_wait3A_601 = arith.constant 0 : i32
      %dma_wait3A_602 = arith.constant 11 : i32
      %dma_wait3A_603 = arith.constant 2 : i32
      %dma_wait3A_604 = arith.constant 0 : i32
      %dma_wait3A_605 = arith.constant 0 : i32
      %dma_wait3A_606 = tpu.memref_slice %arg7[%dma_wait3A_603, %dma_wait3A_604, %dma_wait3A_605] : memref<3x80x128xf32, #tpu.memory_space<vmem>> -> memref<1x80x128xf32, #tpu.memory_space<vmem>>
      %dma_wait3A_607 = tpu.memref_squeeze %dma_wait3A_606 : memref<1x80x128xf32, #tpu.memory_space<vmem>> -> memref<80x128xf32, #tpu.memory_space<vmem>>
      %dma_wait3A_608 = arith.constant 0 : i32
      %dma_wait3A_609 = tpu.memref_slice %arg6[%dma_wait3A_601, %dma_wait3A_602, %dma_wait3A_608] : memref<2x25x80xi32, #tpu.memory_space<vmem>> -> memref<1x1x80xi32, #tpu.memory_space<vmem>>
      %dma_wait3A_610 = tpu.memref_squeeze %dma_wait3A_609 : memref<1x1x80xi32, #tpu.memory_space<vmem>> -> memref<80xi32, #tpu.memory_space<vmem>>
      %dma_wait3A_611 = arith.constant 0 : i32
      %dma_wait3A_612 = arith.constant 0 : i32
      %dma_wait3A_613 = tpu.memref_slice %arg2[%dma_wait3A_611, %dma_wait3A_612] : memref<10000x128xf32, #tpu.memory_space<hbm>> -> memref<10000x128xf32, #tpu.memory_space<hbm>>
      tpu.wait_indirect_dma semaphore(%arg11 : memref<!tpu.dma_semaphore, #tpu.memory_space<semaphore_mem>>) src(%dma_wait3A_613 : memref<10000x128xf32, #tpu.memory_space<hbm>>) dst(%dma_wait3A_607 : memref<80x128xf32, #tpu.memory_space<vmem>>)
      %dma_start3A_614 = arith.constant 2 : i32
      %dma_start3A_615 = arith.constant 1 : i32
      %dma_start3A_616 = arith.constant 11 : i32
      %dma_start3A_617 = arith.constant 0 : i32
      %dma_start3A_618 = arith.constant 0 : i32
      %dma_start3A_619 = tpu.memref_slice %arg7[%dma_start3A_614, %dma_start3A_617, %dma_start3A_618] : memref<3x80x128xf32, #tpu.memory_space<vmem>> -> memref<1x80x128xf32, #tpu.memory_space<vmem>>
      %dma_start3A_620 = tpu.memref_squeeze %dma_start3A_619 : memref<1x80x128xf32, #tpu.memory_space<vmem>> -> memref<80x128xf32, #tpu.memory_space<vmem>>
      %dma_start3A_621 = arith.constant 0 : i32
      %dma_start3A_622 = tpu.memref_slice %arg6[%dma_start3A_615, %dma_start3A_616, %dma_start3A_621] : memref<2x25x80xi32, #tpu.memory_space<vmem>> -> memref<1x1x80xi32, #tpu.memory_space<vmem>>
      %dma_start3A_623 = tpu.memref_squeeze %dma_start3A_622 : memref<1x1x80xi32, #tpu.memory_space<vmem>> -> memref<80xi32, #tpu.memory_space<vmem>>
      %dma_start3A_624 = arith.constant 0 : i32
      %dma_start3A_625 = arith.constant 0 : i32
      %dma_start3A_626 = tpu.memref_slice %arg8[%dma_start3A_624, %dma_start3A_625] : memref<10000x128xf32, #tpu.memory_space<vmem_shared>> -> memref<10000x128xf32, #tpu.memory_space<vmem_shared>>
      tpu.enqueue_indirect_dma source(%dma_start3A_620 : memref<80x128xf32, #tpu.memory_space<vmem>>) target(%dma_start3A_626 : memref<10000x128xf32, #tpu.memory_space<vmem_shared>>) offsets(%dma_start3A_623 : memref<80xi32, #tpu.memory_space<vmem>>) semaphore(%arg14 : memref<!tpu.dma_semaphore, #tpu.memory_space<semaphore_mem>>) {add = true}
      %dma_wait3A_627 = arith.constant 1 : i32
      %dma_wait3A_628 = arith.constant 1 : i32
      %dma_wait3A_629 = arith.constant 10 : i32
      %dma_wait3A_630 = arith.constant 0 : i32
      %dma_wait3A_631 = arith.constant 0 : i32
      %dma_wait3A_632 = tpu.memref_slice %arg7[%dma_wait3A_627, %dma_wait3A_630, %dma_wait3A_631] : memref<3x80x128xf32, #tpu.memory_space<vmem>> -> memref<1x80x128xf32, #tpu.memory_space<vmem>>
      %dma_wait3A_633 = tpu.memref_squeeze %dma_wait3A_632 : memref<1x80x128xf32, #tpu.memory_space<vmem>> -> memref<80x128xf32, #tpu.memory_space<vmem>>
      %dma_wait3A_634 = arith.constant 0 : i32
      %dma_wait3A_635 = tpu.memref_slice %arg6[%dma_wait3A_628, %dma_wait3A_629, %dma_wait3A_634] : memref<2x25x80xi32, #tpu.memory_space<vmem>> -> memref<1x1x80xi32, #tpu.memory_space<vmem>>
      %dma_wait3A_636 = tpu.memref_squeeze %dma_wait3A_635 : memref<1x1x80xi32, #tpu.memory_space<vmem>> -> memref<80xi32, #tpu.memory_space<vmem>>
      %dma_wait3A_637 = arith.constant 0 : i32
      %dma_wait3A_638 = arith.constant 0 : i32
      %dma_wait3A_639 = tpu.memref_slice %arg8[%dma_wait3A_637, %dma_wait3A_638] : memref<10000x128xf32, #tpu.memory_space<vmem_shared>> -> memref<10000x128xf32, #tpu.memory_space<vmem_shared>>
      tpu.wait_indirect_dma semaphore(%arg13 : memref<!tpu.dma_semaphore, #tpu.memory_space<semaphore_mem>>) src(%dma_wait3A_633 : memref<80x128xf32, #tpu.memory_space<vmem>>) dst(%dma_wait3A_639 : memref<10000x128xf32, #tpu.memory_space<vmem_shared>>)
      %dma_start3A_640 = arith.constant 0 : i32
      %dma_start3A_641 = arith.constant 13 : i32
      %dma_start3A_642 = arith.constant 1 : i32
      %dma_start3A_643 = arith.constant 0 : i32
      %dma_start3A_644 = arith.constant 0 : i32
      %dma_start3A_645 = tpu.memref_slice %arg7[%dma_start3A_642, %dma_start3A_643, %dma_start3A_644] : memref<3x80x128xf32, #tpu.memory_space<vmem>> -> memref<1x80x128xf32, #tpu.memory_space<vmem>>
      %dma_start3A_646 = tpu.memref_squeeze %dma_start3A_645 : memref<1x80x128xf32, #tpu.memory_space<vmem>> -> memref<80x128xf32, #tpu.memory_space<vmem>>
      %dma_start3A_647 = arith.constant 0 : i32
      %dma_start3A_648 = tpu.memref_slice %arg6[%dma_start3A_640, %dma_start3A_641, %dma_start3A_647] : memref<2x25x80xi32, #tpu.memory_space<vmem>> -> memref<1x1x80xi32, #tpu.memory_space<vmem>>
      %dma_start3A_649 = tpu.memref_squeeze %dma_start3A_648 : memref<1x1x80xi32, #tpu.memory_space<vmem>> -> memref<80xi32, #tpu.memory_space<vmem>>
      %dma_start3A_650 = arith.constant 0 : i32
      %dma_start3A_651 = arith.constant 0 : i32
      %dma_start3A_652 = tpu.memref_slice %arg2[%dma_start3A_650, %dma_start3A_651] : memref<10000x128xf32, #tpu.memory_space<hbm>> -> memref<10000x128xf32, #tpu.memory_space<hbm>>
      tpu.enqueue_indirect_dma source(%dma_start3A_652 : memref<10000x128xf32, #tpu.memory_space<hbm>>) target(%dma_start3A_646 : memref<80x128xf32, #tpu.memory_space<vmem>>) offsets(%dma_start3A_649 : memref<80xi32, #tpu.memory_space<vmem>>) semaphore(%arg10 : memref<!tpu.dma_semaphore, #tpu.memory_space<semaphore_mem>>)
      %dma_wait3A_653 = arith.constant 0 : i32
      %dma_wait3A_654 = arith.constant 12 : i32
      %dma_wait3A_655 = arith.constant 0 : i32
      %dma_wait3A_656 = arith.constant 0 : i32
      %dma_wait3A_657 = arith.constant 0 : i32
      %dma_wait3A_658 = tpu.memref_slice %arg7[%dma_wait3A_655, %dma_wait3A_656, %dma_wait3A_657] : memref<3x80x128xf32, #tpu.memory_space<vmem>> -> memref<1x80x128xf32, #tpu.memory_space<vmem>>
      %dma_wait3A_659 = tpu.memref_squeeze %dma_wait3A_658 : memref<1x80x128xf32, #tpu.memory_space<vmem>> -> memref<80x128xf32, #tpu.memory_space<vmem>>
      %dma_wait3A_660 = arith.constant 0 : i32
      %dma_wait3A_661 = tpu.memref_slice %arg6[%dma_wait3A_653, %dma_wait3A_654, %dma_wait3A_660] : memref<2x25x80xi32, #tpu.memory_space<vmem>> -> memref<1x1x80xi32, #tpu.memory_space<vmem>>
      %dma_wait3A_662 = tpu.memref_squeeze %dma_wait3A_661 : memref<1x1x80xi32, #tpu.memory_space<vmem>> -> memref<80xi32, #tpu.memory_space<vmem>>
      %dma_wait3A_663 = arith.constant 0 : i32
      %dma_wait3A_664 = arith.constant 0 : i32
      %dma_wait3A_665 = tpu.memref_slice %arg2[%dma_wait3A_663, %dma_wait3A_664] : memref<10000x128xf32, #tpu.memory_space<hbm>> -> memref<10000x128xf32, #tpu.memory_space<hbm>>
      tpu.wait_indirect_dma semaphore(%arg9 : memref<!tpu.dma_semaphore, #tpu.memory_space<semaphore_mem>>) src(%dma_wait3A_665 : memref<10000x128xf32, #tpu.memory_space<hbm>>) dst(%dma_wait3A_659 : memref<80x128xf32, #tpu.memory_space<vmem>>)
      %dma_start3A_666 = arith.constant 0 : i32
      %dma_start3A_667 = arith.constant 1 : i32
      %dma_start3A_668 = arith.constant 12 : i32
      %dma_start3A_669 = arith.constant 0 : i32
      %dma_start3A_670 = arith.constant 0 : i32
      %dma_start3A_671 = tpu.memref_slice %arg7[%dma_start3A_666, %dma_start3A_669, %dma_start3A_670] : memref<3x80x128xf32, #tpu.memory_space<vmem>> -> memref<1x80x128xf32, #tpu.memory_space<vmem>>
      %dma_start3A_672 = tpu.memref_squeeze %dma_start3A_671 : memref<1x80x128xf32, #tpu.memory_space<vmem>> -> memref<80x128xf32, #tpu.memory_space<vmem>>
      %dma_start3A_673 = arith.constant 0 : i32
      %dma_start3A_674 = tpu.memref_slice %arg6[%dma_start3A_667, %dma_start3A_668, %dma_start3A_673] : memref<2x25x80xi32, #tpu.memory_space<vmem>> -> memref<1x1x80xi32, #tpu.memory_space<vmem>>
      %dma_start3A_675 = tpu.memref_squeeze %dma_start3A_674 : memref<1x1x80xi32, #tpu.memory_space<vmem>> -> memref<80xi32, #tpu.memory_space<vmem>>
      %dma_start3A_676 = arith.constant 0 : i32
      %dma_start3A_677 = arith.constant 0 : i32
      %dma_start3A_678 = tpu.memref_slice %arg8[%dma_start3A_676, %dma_start3A_677] : memref<10000x128xf32, #tpu.memory_space<vmem_shared>> -> memref<10000x128xf32, #tpu.memory_space<vmem_shared>>
      tpu.enqueue_indirect_dma source(%dma_start3A_672 : memref<80x128xf32, #tpu.memory_space<vmem>>) target(%dma_start3A_678 : memref<10000x128xf32, #tpu.memory_space<vmem_shared>>) offsets(%dma_start3A_675 : memref<80xi32, #tpu.memory_space<vmem>>) semaphore(%arg12 : memref<!tpu.dma_semaphore, #tpu.memory_space<semaphore_mem>>) {add = true}
      %dma_wait3A_679 = arith.constant 2 : i32
      %dma_wait3A_680 = arith.constant 1 : i32
      %dma_wait3A_681 = arith.constant 11 : i32
      %dma_wait3A_682 = arith.constant 0 : i32
      %dma_wait3A_683 = arith.constant 0 : i32
      %dma_wait3A_684 = tpu.memref_slice %arg7[%dma_wait3A_679, %dma_wait3A_682, %dma_wait3A_683] : memref<3x80x128xf32, #tpu.memory_space<vmem>> -> memref<1x80x128xf32, #tpu.memory_space<vmem>>
      %dma_wait3A_685 = tpu.memref_squeeze %dma_wait3A_684 : memref<1x80x128xf32, #tpu.memory_space<vmem>> -> memref<80x128xf32, #tpu.memory_space<vmem>>
      %dma_wait3A_686 = arith.constant 0 : i32
      %dma_wait3A_687 = tpu.memref_slice %arg6[%dma_wait3A_680, %dma_wait3A_681, %dma_wait3A_686] : memref<2x25x80xi32, #tpu.memory_space<vmem>> -> memref<1x1x80xi32, #tpu.memory_space<vmem>>
      %dma_wait3A_688 = tpu.memref_squeeze %dma_wait3A_687 : memref<1x1x80xi32, #tpu.memory_space<vmem>> -> memref<80xi32, #tpu.memory_space<vmem>>
      %dma_wait3A_689 = arith.constant 0 : i32
      %dma_wait3A_690 = arith.constant 0 : i32
      %dma_wait3A_691 = tpu.memref_slice %arg8[%dma_wait3A_689, %dma_wait3A_690] : memref<10000x128xf32, #tpu.memory_space<vmem_shared>> -> memref<10000x128xf32, #tpu.memory_space<vmem_shared>>
      tpu.wait_indirect_dma semaphore(%arg14 : memref<!tpu.dma_semaphore, #tpu.memory_space<semaphore_mem>>) src(%dma_wait3A_685 : memref<80x128xf32, #tpu.memory_space<vmem>>) dst(%dma_wait3A_691 : memref<10000x128xf32, #tpu.memory_space<vmem_shared>>)
      %dma_start3A_692 = arith.constant 0 : i32
      %dma_start3A_693 = arith.constant 14 : i32
      %dma_start3A_694 = arith.constant 2 : i32
      %dma_start3A_695 = arith.constant 0 : i32
      %dma_start3A_696 = arith.constant 0 : i32
      %dma_start3A_697 = tpu.memref_slice %arg7[%dma_start3A_694, %dma_start3A_695, %dma_start3A_696] : memref<3x80x128xf32, #tpu.memory_space<vmem>> -> memref<1x80x128xf32, #tpu.memory_space<vmem>>
      %dma_start3A_698 = tpu.memref_squeeze %dma_start3A_697 : memref<1x80x128xf32, #tpu.memory_space<vmem>> -> memref<80x128xf32, #tpu.memory_space<vmem>>
      %dma_start3A_699 = arith.constant 0 : i32
      %dma_start3A_700 = tpu.memref_slice %arg6[%dma_start3A_692, %dma_start3A_693, %dma_start3A_699] : memref<2x25x80xi32, #tpu.memory_space<vmem>> -> memref<1x1x80xi32, #tpu.memory_space<vmem>>
      %dma_start3A_701 = tpu.memref_squeeze %dma_start3A_700 : memref<1x1x80xi32, #tpu.memory_space<vmem>> -> memref<80xi32, #tpu.memory_space<vmem>>
      %dma_start3A_702 = arith.constant 0 : i32
      %dma_start3A_703 = arith.constant 0 : i32
      %dma_start3A_704 = tpu.memref_slice %arg2[%dma_start3A_702, %dma_start3A_703] : memref<10000x128xf32, #tpu.memory_space<hbm>> -> memref<10000x128xf32, #tpu.memory_space<hbm>>
      tpu.enqueue_indirect_dma source(%dma_start3A_704 : memref<10000x128xf32, #tpu.memory_space<hbm>>) target(%dma_start3A_698 : memref<80x128xf32, #tpu.memory_space<vmem>>) offsets(%dma_start3A_701 : memref<80xi32, #tpu.memory_space<vmem>>) semaphore(%arg11 : memref<!tpu.dma_semaphore, #tpu.memory_space<semaphore_mem>>)
      %dma_wait3A_705 = arith.constant 0 : i32
      %dma_wait3A_706 = arith.constant 13 : i32
      %dma_wait3A_707 = arith.constant 1 : i32
      %dma_wait3A_708 = arith.constant 0 : i32
      %dma_wait3A_709 = arith.constant 0 : i32
      %dma_wait3A_710 = tpu.memref_slice %arg7[%dma_wait3A_707, %dma_wait3A_708, %dma_wait3A_709] : memref<3x80x128xf32, #tpu.memory_space<vmem>> -> memref<1x80x128xf32, #tpu.memory_space<vmem>>
      %dma_wait3A_711 = tpu.memref_squeeze %dma_wait3A_710 : memref<1x80x128xf32, #tpu.memory_space<vmem>> -> memref<80x128xf32, #tpu.memory_space<vmem>>
      %dma_wait3A_712 = arith.constant 0 : i32
      %dma_wait3A_713 = tpu.memref_slice %arg6[%dma_wait3A_705, %dma_wait3A_706, %dma_wait3A_712] : memref<2x25x80xi32, #tpu.memory_space<vmem>> -> memref<1x1x80xi32, #tpu.memory_space<vmem>>
      %dma_wait3A_714 = tpu.memref_squeeze %dma_wait3A_713 : memref<1x1x80xi32, #tpu.memory_space<vmem>> -> memref<80xi32, #tpu.memory_space<vmem>>
      %dma_wait3A_715 = arith.constant 0 : i32
      %dma_wait3A_716 = arith.constant 0 : i32
      %dma_wait3A_717 = tpu.memref_slice %arg2[%dma_wait3A_715, %dma_wait3A_716] : memref<10000x128xf32, #tpu.memory_space<hbm>> -> memref<10000x128xf32, #tpu.memory_space<hbm>>
      tpu.wait_indirect_dma semaphore(%arg10 : memref<!tpu.dma_semaphore, #tpu.memory_space<semaphore_mem>>) src(%dma_wait3A_717 : memref<10000x128xf32, #tpu.memory_space<hbm>>) dst(%dma_wait3A_711 : memref<80x128xf32, #tpu.memory_space<vmem>>)
      %dma_start3A_718 = arith.constant 1 : i32
      %dma_start3A_719 = arith.constant 1 : i32
      %dma_start3A_720 = arith.constant 13 : i32
      %dma_start3A_721 = arith.constant 0 : i32
      %dma_start3A_722 = arith.constant 0 : i32
      %dma_start3A_723 = tpu.memref_slice %arg7[%dma_start3A_718, %dma_start3A_721, %dma_start3A_722] : memref<3x80x128xf32, #tpu.memory_space<vmem>> -> memref<1x80x128xf32, #tpu.memory_space<vmem>>
      %dma_start3A_724 = tpu.memref_squeeze %dma_start3A_723 : memref<1x80x128xf32, #tpu.memory_space<vmem>> -> memref<80x128xf32, #tpu.memory_space<vmem>>
      %dma_start3A_725 = arith.constant 0 : i32
      %dma_start3A_726 = tpu.memref_slice %arg6[%dma_start3A_719, %dma_start3A_720, %dma_start3A_725] : memref<2x25x80xi32, #tpu.memory_space<vmem>> -> memref<1x1x80xi32, #tpu.memory_space<vmem>>
      %dma_start3A_727 = tpu.memref_squeeze %dma_start3A_726 : memref<1x1x80xi32, #tpu.memory_space<vmem>> -> memref<80xi32, #tpu.memory_space<vmem>>
      %dma_start3A_728 = arith.constant 0 : i32
      %dma_start3A_729 = arith.constant 0 : i32
      %dma_start3A_730 = tpu.memref_slice %arg8[%dma_start3A_728, %dma_start3A_729] : memref<10000x128xf32, #tpu.memory_space<vmem_shared>> -> memref<10000x128xf32, #tpu.memory_space<vmem_shared>>
      tpu.enqueue_indirect_dma source(%dma_start3A_724 : memref<80x128xf32, #tpu.memory_space<vmem>>) target(%dma_start3A_730 : memref<10000x128xf32, #tpu.memory_space<vmem_shared>>) offsets(%dma_start3A_727 : memref<80xi32, #tpu.memory_space<vmem>>) semaphore(%arg13 : memref<!tpu.dma_semaphore, #tpu.memory_space<semaphore_mem>>) {add = true}
      %dma_wait3A_731 = arith.constant 0 : i32
      %dma_wait3A_732 = arith.constant 1 : i32
      %dma_wait3A_733 = arith.constant 12 : i32
      %dma_wait3A_734 = arith.constant 0 : i32
      %dma_wait3A_735 = arith.constant 0 : i32
      %dma_wait3A_736 = tpu.memref_slice %arg7[%dma_wait3A_731, %dma_wait3A_734, %dma_wait3A_735] : memref<3x80x128xf32, #tpu.memory_space<vmem>> -> memref<1x80x128xf32, #tpu.memory_space<vmem>>
      %dma_wait3A_737 = tpu.memref_squeeze %dma_wait3A_736 : memref<1x80x128xf32, #tpu.memory_space<vmem>> -> memref<80x128xf32, #tpu.memory_space<vmem>>
      %dma_wait3A_738 = arith.constant 0 : i32
      %dma_wait3A_739 = tpu.memref_slice %arg6[%dma_wait3A_732, %dma_wait3A_733, %dma_wait3A_738] : memref<2x25x80xi32, #tpu.memory_space<vmem>> -> memref<1x1x80xi32, #tpu.memory_space<vmem>>
      %dma_wait3A_740 = tpu.memref_squeeze %dma_wait3A_739 : memref<1x1x80xi32, #tpu.memory_space<vmem>> -> memref<80xi32, #tpu.memory_space<vmem>>
      %dma_wait3A_741 = arith.constant 0 : i32
      %dma_wait3A_742 = arith.constant 0 : i32
      %dma_wait3A_743 = tpu.memref_slice %arg8[%dma_wait3A_741, %dma_wait3A_742] : memref<10000x128xf32, #tpu.memory_space<vmem_shared>> -> memref<10000x128xf32, #tpu.memory_space<vmem_shared>>
      tpu.wait_indirect_dma semaphore(%arg12 : memref<!tpu.dma_semaphore, #tpu.memory_space<semaphore_mem>>) src(%dma_wait3A_737 : memref<80x128xf32, #tpu.memory_space<vmem>>) dst(%dma_wait3A_743 : memref<10000x128xf32, #tpu.memory_space<vmem_shared>>)
      %dma_start3A_744 = arith.constant 0 : i32
      %dma_start3A_745 = arith.constant 15 : i32
      %dma_start3A_746 = arith.constant 0 : i32
      %dma_start3A_747 = arith.constant 0 : i32
      %dma_start3A_748 = arith.constant 0 : i32
      %dma_start3A_749 = tpu.memref_slice %arg7[%dma_start3A_746, %dma_start3A_747, %dma_start3A_748] : memref<3x80x128xf32, #tpu.memory_space<vmem>> -> memref<1x80x128xf32, #tpu.memory_space<vmem>>
      %dma_start3A_750 = tpu.memref_squeeze %dma_start3A_749 : memref<1x80x128xf32, #tpu.memory_space<vmem>> -> memref<80x128xf32, #tpu.memory_space<vmem>>
      %dma_start3A_751 = arith.constant 0 : i32
      %dma_start3A_752 = tpu.memref_slice %arg6[%dma_start3A_744, %dma_start3A_745, %dma_start3A_751] : memref<2x25x80xi32, #tpu.memory_space<vmem>> -> memref<1x1x80xi32, #tpu.memory_space<vmem>>
      %dma_start3A_753 = tpu.memref_squeeze %dma_start3A_752 : memref<1x1x80xi32, #tpu.memory_space<vmem>> -> memref<80xi32, #tpu.memory_space<vmem>>
      %dma_start3A_754 = arith.constant 0 : i32
      %dma_start3A_755 = arith.constant 0 : i32
      %dma_start3A_756 = tpu.memref_slice %arg2[%dma_start3A_754, %dma_start3A_755] : memref<10000x128xf32, #tpu.memory_space<hbm>> -> memref<10000x128xf32, #tpu.memory_space<hbm>>
      tpu.enqueue_indirect_dma source(%dma_start3A_756 : memref<10000x128xf32, #tpu.memory_space<hbm>>) target(%dma_start3A_750 : memref<80x128xf32, #tpu.memory_space<vmem>>) offsets(%dma_start3A_753 : memref<80xi32, #tpu.memory_space<vmem>>) semaphore(%arg9 : memref<!tpu.dma_semaphore, #tpu.memory_space<semaphore_mem>>)
      %dma_wait3A_757 = arith.constant 0 : i32
      %dma_wait3A_758 = arith.constant 14 : i32
      %dma_wait3A_759 = arith.constant 2 : i32
      %dma_wait3A_760 = arith.constant 0 : i32
      %dma_wait3A_761 = arith.constant 0 : i32
      %dma_wait3A_762 = tpu.memref_slice %arg7[%dma_wait3A_759, %dma_wait3A_760, %dma_wait3A_761] : memref<3x80x128xf32, #tpu.memory_space<vmem>> -> memref<1x80x128xf32, #tpu.memory_space<vmem>>
      %dma_wait3A_763 = tpu.memref_squeeze %dma_wait3A_762 : memref<1x80x128xf32, #tpu.memory_space<vmem>> -> memref<80x128xf32, #tpu.memory_space<vmem>>
      %dma_wait3A_764 = arith.constant 0 : i32
      %dma_wait3A_765 = tpu.memref_slice %arg6[%dma_wait3A_757, %dma_wait3A_758, %dma_wait3A_764] : memref<2x25x80xi32, #tpu.memory_space<vmem>> -> memref<1x1x80xi32, #tpu.memory_space<vmem>>
      %dma_wait3A_766 = tpu.memref_squeeze %dma_wait3A_765 : memref<1x1x80xi32, #tpu.memory_space<vmem>> -> memref<80xi32, #tpu.memory_space<vmem>>
      %dma_wait3A_767 = arith.constant 0 : i32
      %dma_wait3A_768 = arith.constant 0 : i32
      %dma_wait3A_769 = tpu.memref_slice %arg2[%dma_wait3A_767, %dma_wait3A_768] : memref<10000x128xf32, #tpu.memory_space<hbm>> -> memref<10000x128xf32, #tpu.memory_space<hbm>>
      tpu.wait_indirect_dma semaphore(%arg11 : memref<!tpu.dma_semaphore, #tpu.memory_space<semaphore_mem>>) src(%dma_wait3A_769 : memref<10000x128xf32, #tpu.memory_space<hbm>>) dst(%dma_wait3A_763 : memref<80x128xf32, #tpu.memory_space<vmem>>)
      %dma_start3A_770 = arith.constant 2 : i32
      %dma_start3A_771 = arith.constant 1 : i32
      %dma_start3A_772 = arith.constant 14 : i32
      %dma_start3A_773 = arith.constant 0 : i32
      %dma_start3A_774 = arith.constant 0 : i32
      %dma_start3A_775 = tpu.memref_slice %arg7[%dma_start3A_770, %dma_start3A_773, %dma_start3A_774] : memref<3x80x128xf32, #tpu.memory_space<vmem>> -> memref<1x80x128xf32, #tpu.memory_space<vmem>>
      %dma_start3A_776 = tpu.memref_squeeze %dma_start3A_775 : memref<1x80x128xf32, #tpu.memory_space<vmem>> -> memref<80x128xf32, #tpu.memory_space<vmem>>
      %dma_start3A_777 = arith.constant 0 : i32
      %dma_start3A_778 = tpu.memref_slice %arg6[%dma_start3A_771, %dma_start3A_772, %dma_start3A_777] : memref<2x25x80xi32, #tpu.memory_space<vmem>> -> memref<1x1x80xi32, #tpu.memory_space<vmem>>
      %dma_start3A_779 = tpu.memref_squeeze %dma_start3A_778 : memref<1x1x80xi32, #tpu.memory_space<vmem>> -> memref<80xi32, #tpu.memory_space<vmem>>
      %dma_start3A_780 = arith.constant 0 : i32
      %dma_start3A_781 = arith.constant 0 : i32
      %dma_start3A_782 = tpu.memref_slice %arg8[%dma_start3A_780, %dma_start3A_781] : memref<10000x128xf32, #tpu.memory_space<vmem_shared>> -> memref<10000x128xf32, #tpu.memory_space<vmem_shared>>
      tpu.enqueue_indirect_dma source(%dma_start3A_776 : memref<80x128xf32, #tpu.memory_space<vmem>>) target(%dma_start3A_782 : memref<10000x128xf32, #tpu.memory_space<vmem_shared>>) offsets(%dma_start3A_779 : memref<80xi32, #tpu.memory_space<vmem>>) semaphore(%arg14 : memref<!tpu.dma_semaphore, #tpu.memory_space<semaphore_mem>>) {add = true}
      %dma_wait3A_783 = arith.constant 1 : i32
      %dma_wait3A_784 = arith.constant 1 : i32
      %dma_wait3A_785 = arith.constant 13 : i32
      %dma_wait3A_786 = arith.constant 0 : i32
      %dma_wait3A_787 = arith.constant 0 : i32
      %dma_wait3A_788 = tpu.memref_slice %arg7[%dma_wait3A_783, %dma_wait3A_786, %dma_wait3A_787] : memref<3x80x128xf32, #tpu.memory_space<vmem>> -> memref<1x80x128xf32, #tpu.memory_space<vmem>>
      %dma_wait3A_789 = tpu.memref_squeeze %dma_wait3A_788 : memref<1x80x128xf32, #tpu.memory_space<vmem>> -> memref<80x128xf32, #tpu.memory_space<vmem>>
      %dma_wait3A_790 = arith.constant 0 : i32
      %dma_wait3A_791 = tpu.memref_slice %arg6[%dma_wait3A_784, %dma_wait3A_785, %dma_wait3A_790] : memref<2x25x80xi32, #tpu.memory_space<vmem>> -> memref<1x1x80xi32, #tpu.memory_space<vmem>>
      %dma_wait3A_792 = tpu.memref_squeeze %dma_wait3A_791 : memref<1x1x80xi32, #tpu.memory_space<vmem>> -> memref<80xi32, #tpu.memory_space<vmem>>
      %dma_wait3A_793 = arith.constant 0 : i32
      %dma_wait3A_794 = arith.constant 0 : i32
      %dma_wait3A_795 = tpu.memref_slice %arg8[%dma_wait3A_793, %dma_wait3A_794] : memref<10000x128xf32, #tpu.memory_space<vmem_shared>> -> memref<10000x128xf32, #tpu.memory_space<vmem_shared>>
      tpu.wait_indirect_dma semaphore(%arg13 : memref<!tpu.dma_semaphore, #tpu.memory_space<semaphore_mem>>) src(%dma_wait3A_789 : memref<80x128xf32, #tpu.memory_space<vmem>>) dst(%dma_wait3A_795 : memref<10000x128xf32, #tpu.memory_space<vmem_shared>>)
      %dma_start3A_796 = arith.constant 0 : i32
      %dma_start3A_797 = arith.constant 16 : i32
      %dma_start3A_798 = arith.constant 1 : i32
      %dma_start3A_799 = arith.constant 0 : i32
      %dma_start3A_800 = arith.constant 0 : i32
      %dma_start3A_801 = tpu.memref_slice %arg7[%dma_start3A_798, %dma_start3A_799, %dma_start3A_800] : memref<3x80x128xf32, #tpu.memory_space<vmem>> -> memref<1x80x128xf32, #tpu.memory_space<vmem>>
      %dma_start3A_802 = tpu.memref_squeeze %dma_start3A_801 : memref<1x80x128xf32, #tpu.memory_space<vmem>> -> memref<80x128xf32, #tpu.memory_space<vmem>>
      %dma_start3A_803 = arith.constant 0 : i32
      %dma_start3A_804 = tpu.memref_slice %arg6[%dma_start3A_796, %dma_start3A_797, %dma_start3A_803] : memref<2x25x80xi32, #tpu.memory_space<vmem>> -> memref<1x1x80xi32, #tpu.memory_space<vmem>>
      %dma_start3A_805 = tpu.memref_squeeze %dma_start3A_804 : memref<1x1x80xi32, #tpu.memory_space<vmem>> -> memref<80xi32, #tpu.memory_space<vmem>>
      %dma_start3A_806 = arith.constant 0 : i32
      %dma_start3A_807 = arith.constant 0 : i32
      %dma_start3A_808 = tpu.memref_slice %arg2[%dma_start3A_806, %dma_start3A_807] : memref<10000x128xf32, #tpu.memory_space<hbm>> -> memref<10000x128xf32, #tpu.memory_space<hbm>>
      tpu.enqueue_indirect_dma source(%dma_start3A_808 : memref<10000x128xf32, #tpu.memory_space<hbm>>) target(%dma_start3A_802 : memref<80x128xf32, #tpu.memory_space<vmem>>) offsets(%dma_start3A_805 : memref<80xi32, #tpu.memory_space<vmem>>) semaphore(%arg10 : memref<!tpu.dma_semaphore, #tpu.memory_space<semaphore_mem>>)
      %dma_wait3A_809 = arith.constant 0 : i32
      %dma_wait3A_810 = arith.constant 15 : i32
      %dma_wait3A_811 = arith.constant 0 : i32
      %dma_wait3A_812 = arith.constant 0 : i32
      %dma_wait3A_813 = arith.constant 0 : i32
      %dma_wait3A_814 = tpu.memref_slice %arg7[%dma_wait3A_811, %dma_wait3A_812, %dma_wait3A_813] : memref<3x80x128xf32, #tpu.memory_space<vmem>> -> memref<1x80x128xf32, #tpu.memory_space<vmem>>
      %dma_wait3A_815 = tpu.memref_squeeze %dma_wait3A_814 : memref<1x80x128xf32, #tpu.memory_space<vmem>> -> memref<80x128xf32, #tpu.memory_space<vmem>>
      %dma_wait3A_816 = arith.constant 0 : i32
      %dma_wait3A_817 = tpu.memref_slice %arg6[%dma_wait3A_809, %dma_wait3A_810, %dma_wait3A_816] : memref<2x25x80xi32, #tpu.memory_space<vmem>> -> memref<1x1x80xi32, #tpu.memory_space<vmem>>
      %dma_wait3A_818 = tpu.memref_squeeze %dma_wait3A_817 : memref<1x1x80xi32, #tpu.memory_space<vmem>> -> memref<80xi32, #tpu.memory_space<vmem>>
      %dma_wait3A_819 = arith.constant 0 : i32
      %dma_wait3A_820 = arith.constant 0 : i32
      %dma_wait3A_821 = tpu.memref_slice %arg2[%dma_wait3A_819, %dma_wait3A_820] : memref<10000x128xf32, #tpu.memory_space<hbm>> -> memref<10000x128xf32, #tpu.memory_space<hbm>>
      tpu.wait_indirect_dma semaphore(%arg9 : memref<!tpu.dma_semaphore, #tpu.memory_space<semaphore_mem>>) src(%dma_wait3A_821 : memref<10000x128xf32, #tpu.memory_space<hbm>>) dst(%dma_wait3A_815 : memref<80x128xf32, #tpu.memory_space<vmem>>)
      %dma_start3A_822 = arith.constant 0 : i32
      %dma_start3A_823 = arith.constant 1 : i32
      %dma_start3A_824 = arith.constant 15 : i32
      %dma_start3A_825 = arith.constant 0 : i32
      %dma_start3A_826 = arith.constant 0 : i32
      %dma_start3A_827 = tpu.memref_slice %arg7[%dma_start3A_822, %dma_start3A_825, %dma_start3A_826] : memref<3x80x128xf32, #tpu.memory_space<vmem>> -> memref<1x80x128xf32, #tpu.memory_space<vmem>>
      %dma_start3A_828 = tpu.memref_squeeze %dma_start3A_827 : memref<1x80x128xf32, #tpu.memory_space<vmem>> -> memref<80x128xf32, #tpu.memory_space<vmem>>
      %dma_start3A_829 = arith.constant 0 : i32
      %dma_start3A_830 = tpu.memref_slice %arg6[%dma_start3A_823, %dma_start3A_824, %dma_start3A_829] : memref<2x25x80xi32, #tpu.memory_space<vmem>> -> memref<1x1x80xi32, #tpu.memory_space<vmem>>
      %dma_start3A_831 = tpu.memref_squeeze %dma_start3A_830 : memref<1x1x80xi32, #tpu.memory_space<vmem>> -> memref<80xi32, #tpu.memory_space<vmem>>
      %dma_start3A_832 = arith.constant 0 : i32
      %dma_start3A_833 = arith.constant 0 : i32
      %dma_start3A_834 = tpu.memref_slice %arg8[%dma_start3A_832, %dma_start3A_833] : memref<10000x128xf32, #tpu.memory_space<vmem_shared>> -> memref<10000x128xf32, #tpu.memory_space<vmem_shared>>
      tpu.enqueue_indirect_dma source(%dma_start3A_828 : memref<80x128xf32, #tpu.memory_space<vmem>>) target(%dma_start3A_834 : memref<10000x128xf32, #tpu.memory_space<vmem_shared>>) offsets(%dma_start3A_831 : memref<80xi32, #tpu.memory_space<vmem>>) semaphore(%arg12 : memref<!tpu.dma_semaphore, #tpu.memory_space<semaphore_mem>>) {add = true}
      %dma_wait3A_835 = arith.constant 2 : i32
      %dma_wait3A_836 = arith.constant 1 : i32
      %dma_wait3A_837 = arith.constant 14 : i32
      %dma_wait3A_838 = arith.constant 0 : i32
      %dma_wait3A_839 = arith.constant 0 : i32
      %dma_wait3A_840 = tpu.memref_slice %arg7[%dma_wait3A_835, %dma_wait3A_838, %dma_wait3A_839] : memref<3x80x128xf32, #tpu.memory_space<vmem>> -> memref<1x80x128xf32, #tpu.memory_space<vmem>>
      %dma_wait3A_841 = tpu.memref_squeeze %dma_wait3A_840 : memref<1x80x128xf32, #tpu.memory_space<vmem>> -> memref<80x128xf32, #tpu.memory_space<vmem>>
      %dma_wait3A_842 = arith.constant 0 : i32
      %dma_wait3A_843 = tpu.memref_slice %arg6[%dma_wait3A_836, %dma_wait3A_837, %dma_wait3A_842] : memref<2x25x80xi32, #tpu.memory_space<vmem>> -> memref<1x1x80xi32, #tpu.memory_space<vmem>>
      %dma_wait3A_844 = tpu.memref_squeeze %dma_wait3A_843 : memref<1x1x80xi32, #tpu.memory_space<vmem>> -> memref<80xi32, #tpu.memory_space<vmem>>
      %dma_wait3A_845 = arith.constant 0 : i32
      %dma_wait3A_846 = arith.constant 0 : i32
      %dma_wait3A_847 = tpu.memref_slice %arg8[%dma_wait3A_845, %dma_wait3A_846] : memref<10000x128xf32, #tpu.memory_space<vmem_shared>> -> memref<10000x128xf32, #tpu.memory_space<vmem_shared>>
      tpu.wait_indirect_dma semaphore(%arg14 : memref<!tpu.dma_semaphore, #tpu.memory_space<semaphore_mem>>) src(%dma_wait3A_841 : memref<80x128xf32, #tpu.memory_space<vmem>>) dst(%dma_wait3A_847 : memref<10000x128xf32, #tpu.memory_space<vmem_shared>>)
      %dma_start3A_848 = arith.constant 0 : i32
      %dma_start3A_849 = arith.constant 17 : i32
      %dma_start3A_850 = arith.constant 2 : i32
      %dma_start3A_851 = arith.constant 0 : i32
      %dma_start3A_852 = arith.constant 0 : i32
      %dma_start3A_853 = tpu.memref_slice %arg7[%dma_start3A_850, %dma_start3A_851, %dma_start3A_852] : memref<3x80x128xf32, #tpu.memory_space<vmem>> -> memref<1x80x128xf32, #tpu.memory_space<vmem>>
      %dma_start3A_854 = tpu.memref_squeeze %dma_start3A_853 : memref<1x80x128xf32, #tpu.memory_space<vmem>> -> memref<80x128xf32, #tpu.memory_space<vmem>>
      %dma_start3A_855 = arith.constant 0 : i32
      %dma_start3A_856 = tpu.memref_slice %arg6[%dma_start3A_848, %dma_start3A_849, %dma_start3A_855] : memref<2x25x80xi32, #tpu.memory_space<vmem>> -> memref<1x1x80xi32, #tpu.memory_space<vmem>>
      %dma_start3A_857 = tpu.memref_squeeze %dma_start3A_856 : memref<1x1x80xi32, #tpu.memory_space<vmem>> -> memref<80xi32, #tpu.memory_space<vmem>>
      %dma_start3A_858 = arith.constant 0 : i32
      %dma_start3A_859 = arith.constant 0 : i32
      %dma_start3A_860 = tpu.memref_slice %arg2[%dma_start3A_858, %dma_start3A_859] : memref<10000x128xf32, #tpu.memory_space<hbm>> -> memref<10000x128xf32, #tpu.memory_space<hbm>>
      tpu.enqueue_indirect_dma source(%dma_start3A_860 : memref<10000x128xf32, #tpu.memory_space<hbm>>) target(%dma_start3A_854 : memref<80x128xf32, #tpu.memory_space<vmem>>) offsets(%dma_start3A_857 : memref<80xi32, #tpu.memory_space<vmem>>) semaphore(%arg11 : memref<!tpu.dma_semaphore, #tpu.memory_space<semaphore_mem>>)
      %dma_wait3A_861 = arith.constant 0 : i32
      %dma_wait3A_862 = arith.constant 16 : i32
      %dma_wait3A_863 = arith.constant 1 : i32
      %dma_wait3A_864 = arith.constant 0 : i32
      %dma_wait3A_865 = arith.constant 0 : i32
      %dma_wait3A_866 = tpu.memref_slice %arg7[%dma_wait3A_863, %dma_wait3A_864, %dma_wait3A_865] : memref<3x80x128xf32, #tpu.memory_space<vmem>> -> memref<1x80x128xf32, #tpu.memory_space<vmem>>
      %dma_wait3A_867 = tpu.memref_squeeze %dma_wait3A_866 : memref<1x80x128xf32, #tpu.memory_space<vmem>> -> memref<80x128xf32, #tpu.memory_space<vmem>>
      %dma_wait3A_868 = arith.constant 0 : i32
      %dma_wait3A_869 = tpu.memref_slice %arg6[%dma_wait3A_861, %dma_wait3A_862, %dma_wait3A_868] : memref<2x25x80xi32, #tpu.memory_space<vmem>> -> memref<1x1x80xi32, #tpu.memory_space<vmem>>
      %dma_wait3A_870 = tpu.memref_squeeze %dma_wait3A_869 : memref<1x1x80xi32, #tpu.memory_space<vmem>> -> memref<80xi32, #tpu.memory_space<vmem>>
      %dma_wait3A_871 = arith.constant 0 : i32
      %dma_wait3A_872 = arith.constant 0 : i32
      %dma_wait3A_873 = tpu.memref_slice %arg2[%dma_wait3A_871, %dma_wait3A_872] : memref<10000x128xf32, #tpu.memory_space<hbm>> -> memref<10000x128xf32, #tpu.memory_space<hbm>>
      tpu.wait_indirect_dma semaphore(%arg10 : memref<!tpu.dma_semaphore, #tpu.memory_space<semaphore_mem>>) src(%dma_wait3A_873 : memref<10000x128xf32, #tpu.memory_space<hbm>>) dst(%dma_wait3A_867 : memref<80x128xf32, #tpu.memory_space<vmem>>)
      %dma_start3A_874 = arith.constant 1 : i32
      %dma_start3A_875 = arith.constant 1 : i32
      %dma_start3A_876 = arith.constant 16 : i32
      %dma_start3A_877 = arith.constant 0 : i32
      %dma_start3A_878 = arith.constant 0 : i32
      %dma_start3A_879 = tpu.memref_slice %arg7[%dma_start3A_874, %dma_start3A_877, %dma_start3A_878] : memref<3x80x128xf32, #tpu.memory_space<vmem>> -> memref<1x80x128xf32, #tpu.memory_space<vmem>>
      %dma_start3A_880 = tpu.memref_squeeze %dma_start3A_879 : memref<1x80x128xf32, #tpu.memory_space<vmem>> -> memref<80x128xf32, #tpu.memory_space<vmem>>
      %dma_start3A_881 = arith.constant 0 : i32
      %dma_start3A_882 = tpu.memref_slice %arg6[%dma_start3A_875, %dma_start3A_876, %dma_start3A_881] : memref<2x25x80xi32, #tpu.memory_space<vmem>> -> memref<1x1x80xi32, #tpu.memory_space<vmem>>
      %dma_start3A_883 = tpu.memref_squeeze %dma_start3A_882 : memref<1x1x80xi32, #tpu.memory_space<vmem>> -> memref<80xi32, #tpu.memory_space<vmem>>
      %dma_start3A_884 = arith.constant 0 : i32
      %dma_start3A_885 = arith.constant 0 : i32
      %dma_start3A_886 = tpu.memref_slice %arg8[%dma_start3A_884, %dma_start3A_885] : memref<10000x128xf32, #tpu.memory_space<vmem_shared>> -> memref<10000x128xf32, #tpu.memory_space<vmem_shared>>
      tpu.enqueue_indirect_dma source(%dma_start3A_880 : memref<80x128xf32, #tpu.memory_space<vmem>>) target(%dma_start3A_886 : memref<10000x128xf32, #tpu.memory_space<vmem_shared>>) offsets(%dma_start3A_883 : memref<80xi32, #tpu.memory_space<vmem>>) semaphore(%arg13 : memref<!tpu.dma_semaphore, #tpu.memory_space<semaphore_mem>>) {add = true}
      %dma_wait3A_887 = arith.constant 0 : i32
      %dma_wait3A_888 = arith.constant 1 : i32
      %dma_wait3A_889 = arith.constant 15 : i32
      %dma_wait3A_890 = arith.constant 0 : i32
      %dma_wait3A_891 = arith.constant 0 : i32
      %dma_wait3A_892 = tpu.memref_slice %arg7[%dma_wait3A_887, %dma_wait3A_890, %dma_wait3A_891] : memref<3x80x128xf32, #tpu.memory_space<vmem>> -> memref<1x80x128xf32, #tpu.memory_space<vmem>>
      %dma_wait3A_893 = tpu.memref_squeeze %dma_wait3A_892 : memref<1x80x128xf32, #tpu.memory_space<vmem>> -> memref<80x128xf32, #tpu.memory_space<vmem>>
      %dma_wait3A_894 = arith.constant 0 : i32
      %dma_wait3A_895 = tpu.memref_slice %arg6[%dma_wait3A_888, %dma_wait3A_889, %dma_wait3A_894] : memref<2x25x80xi32, #tpu.memory_space<vmem>> -> memref<1x1x80xi32, #tpu.memory_space<vmem>>
      %dma_wait3A_896 = tpu.memref_squeeze %dma_wait3A_895 : memref<1x1x80xi32, #tpu.memory_space<vmem>> -> memref<80xi32, #tpu.memory_space<vmem>>
      %dma_wait3A_897 = arith.constant 0 : i32
      %dma_wait3A_898 = arith.constant 0 : i32
      %dma_wait3A_899 = tpu.memref_slice %arg8[%dma_wait3A_897, %dma_wait3A_898] : memref<10000x128xf32, #tpu.memory_space<vmem_shared>> -> memref<10000x128xf32, #tpu.memory_space<vmem_shared>>
      tpu.wait_indirect_dma semaphore(%arg12 : memref<!tpu.dma_semaphore, #tpu.memory_space<semaphore_mem>>) src(%dma_wait3A_893 : memref<80x128xf32, #tpu.memory_space<vmem>>) dst(%dma_wait3A_899 : memref<10000x128xf32, #tpu.memory_space<vmem_shared>>)
      %dma_start3A_900 = arith.constant 0 : i32
      %dma_start3A_901 = arith.constant 18 : i32
      %dma_start3A_902 = arith.constant 0 : i32
      %dma_start3A_903 = arith.constant 0 : i32
      %dma_start3A_904 = arith.constant 0 : i32
      %dma_start3A_905 = tpu.memref_slice %arg7[%dma_start3A_902, %dma_start3A_903, %dma_start3A_904] : memref<3x80x128xf32, #tpu.memory_space<vmem>> -> memref<1x80x128xf32, #tpu.memory_space<vmem>>
      %dma_start3A_906 = tpu.memref_squeeze %dma_start3A_905 : memref<1x80x128xf32, #tpu.memory_space<vmem>> -> memref<80x128xf32, #tpu.memory_space<vmem>>
      %dma_start3A_907 = arith.constant 0 : i32
      %dma_start3A_908 = tpu.memref_slice %arg6[%dma_start3A_900, %dma_start3A_901, %dma_start3A_907] : memref<2x25x80xi32, #tpu.memory_space<vmem>> -> memref<1x1x80xi32, #tpu.memory_space<vmem>>
      %dma_start3A_909 = tpu.memref_squeeze %dma_start3A_908 : memref<1x1x80xi32, #tpu.memory_space<vmem>> -> memref<80xi32, #tpu.memory_space<vmem>>
      %dma_start3A_910 = arith.constant 0 : i32
      %dma_start3A_911 = arith.constant 0 : i32
      %dma_start3A_912 = tpu.memref_slice %arg2[%dma_start3A_910, %dma_start3A_911] : memref<10000x128xf32, #tpu.memory_space<hbm>> -> memref<10000x128xf32, #tpu.memory_space<hbm>>
      tpu.enqueue_indirect_dma source(%dma_start3A_912 : memref<10000x128xf32, #tpu.memory_space<hbm>>) target(%dma_start3A_906 : memref<80x128xf32, #tpu.memory_space<vmem>>) offsets(%dma_start3A_909 : memref<80xi32, #tpu.memory_space<vmem>>) semaphore(%arg9 : memref<!tpu.dma_semaphore, #tpu.memory_space<semaphore_mem>>)
      %dma_wait3A_913 = arith.constant 0 : i32
      %dma_wait3A_914 = arith.constant 17 : i32
      %dma_wait3A_915 = arith.constant 2 : i32
      %dma_wait3A_916 = arith.constant 0 : i32
      %dma_wait3A_917 = arith.constant 0 : i32
      %dma_wait3A_918 = tpu.memref_slice %arg7[%dma_wait3A_915, %dma_wait3A_916, %dma_wait3A_917] : memref<3x80x128xf32, #tpu.memory_space<vmem>> -> memref<1x80x128xf32, #tpu.memory_space<vmem>>
      %dma_wait3A_919 = tpu.memref_squeeze %dma_wait3A_918 : memref<1x80x128xf32, #tpu.memory_space<vmem>> -> memref<80x128xf32, #tpu.memory_space<vmem>>
      %dma_wait3A_920 = arith.constant 0 : i32
      %dma_wait3A_921 = tpu.memref_slice %arg6[%dma_wait3A_913, %dma_wait3A_914, %dma_wait3A_920] : memref<2x25x80xi32, #tpu.memory_space<vmem>> -> memref<1x1x80xi32, #tpu.memory_space<vmem>>
      %dma_wait3A_922 = tpu.memref_squeeze %dma_wait3A_921 : memref<1x1x80xi32, #tpu.memory_space<vmem>> -> memref<80xi32, #tpu.memory_space<vmem>>
      %dma_wait3A_923 = arith.constant 0 : i32
      %dma_wait3A_924 = arith.constant 0 : i32
      %dma_wait3A_925 = tpu.memref_slice %arg2[%dma_wait3A_923, %dma_wait3A_924] : memref<10000x128xf32, #tpu.memory_space<hbm>> -> memref<10000x128xf32, #tpu.memory_space<hbm>>
      tpu.wait_indirect_dma semaphore(%arg11 : memref<!tpu.dma_semaphore, #tpu.memory_space<semaphore_mem>>) src(%dma_wait3A_925 : memref<10000x128xf32, #tpu.memory_space<hbm>>) dst(%dma_wait3A_919 : memref<80x128xf32, #tpu.memory_space<vmem>>)
      %dma_start3A_926 = arith.constant 2 : i32
      %dma_start3A_927 = arith.constant 1 : i32
      %dma_start3A_928 = arith.constant 17 : i32
      %dma_start3A_929 = arith.constant 0 : i32
      %dma_start3A_930 = arith.constant 0 : i32
      %dma_start3A_931 = tpu.memref_slice %arg7[%dma_start3A_926, %dma_start3A_929, %dma_start3A_930] : memref<3x80x128xf32, #tpu.memory_space<vmem>> -> memref<1x80x128xf32, #tpu.memory_space<vmem>>
      %dma_start3A_932 = tpu.memref_squeeze %dma_start3A_931 : memref<1x80x128xf32, #tpu.memory_space<vmem>> -> memref<80x128xf32, #tpu.memory_space<vmem>>
      %dma_start3A_933 = arith.constant 0 : i32
      %dma_start3A_934 = tpu.memref_slice %arg6[%dma_start3A_927, %dma_start3A_928, %dma_start3A_933] : memref<2x25x80xi32, #tpu.memory_space<vmem>> -> memref<1x1x80xi32, #tpu.memory_space<vmem>>
      %dma_start3A_935 = tpu.memref_squeeze %dma_start3A_934 : memref<1x1x80xi32, #tpu.memory_space<vmem>> -> memref<80xi32, #tpu.memory_space<vmem>>
      %dma_start3A_936 = arith.constant 0 : i32
      %dma_start3A_937 = arith.constant 0 : i32
      %dma_start3A_938 = tpu.memref_slice %arg8[%dma_start3A_936, %dma_start3A_937] : memref<10000x128xf32, #tpu.memory_space<vmem_shared>> -> memref<10000x128xf32, #tpu.memory_space<vmem_shared>>
      tpu.enqueue_indirect_dma source(%dma_start3A_932 : memref<80x128xf32, #tpu.memory_space<vmem>>) target(%dma_start3A_938 : memref<10000x128xf32, #tpu.memory_space<vmem_shared>>) offsets(%dma_start3A_935 : memref<80xi32, #tpu.memory_space<vmem>>) semaphore(%arg14 : memref<!tpu.dma_semaphore, #tpu.memory_space<semaphore_mem>>) {add = true}
      %dma_wait3A_939 = arith.constant 1 : i32
      %dma_wait3A_940 = arith.constant 1 : i32
      %dma_wait3A_941 = arith.constant 16 : i32
      %dma_wait3A_942 = arith.constant 0 : i32
      %dma_wait3A_943 = arith.constant 0 : i32
      %dma_wait3A_944 = tpu.memref_slice %arg7[%dma_wait3A_939, %dma_wait3A_942, %dma_wait3A_943] : memref<3x80x128xf32, #tpu.memory_space<vmem>> -> memref<1x80x128xf32, #tpu.memory_space<vmem>>
      %dma_wait3A_945 = tpu.memref_squeeze %dma_wait3A_944 : memref<1x80x128xf32, #tpu.memory_space<vmem>> -> memref<80x128xf32, #tpu.memory_space<vmem>>
      %dma_wait3A_946 = arith.constant 0 : i32
      %dma_wait3A_947 = tpu.memref_slice %arg6[%dma_wait3A_940, %dma_wait3A_941, %dma_wait3A_946] : memref<2x25x80xi32, #tpu.memory_space<vmem>> -> memref<1x1x80xi32, #tpu.memory_space<vmem>>
      %dma_wait3A_948 = tpu.memref_squeeze %dma_wait3A_947 : memref<1x1x80xi32, #tpu.memory_space<vmem>> -> memref<80xi32, #tpu.memory_space<vmem>>
      %dma_wait3A_949 = arith.constant 0 : i32
      %dma_wait3A_950 = arith.constant 0 : i32
      %dma_wait3A_951 = tpu.memref_slice %arg8[%dma_wait3A_949, %dma_wait3A_950] : memref<10000x128xf32, #tpu.memory_space<vmem_shared>> -> memref<10000x128xf32, #tpu.memory_space<vmem_shared>>
      tpu.wait_indirect_dma semaphore(%arg13 : memref<!tpu.dma_semaphore, #tpu.memory_space<semaphore_mem>>) src(%dma_wait3A_945 : memref<80x128xf32, #tpu.memory_space<vmem>>) dst(%dma_wait3A_951 : memref<10000x128xf32, #tpu.memory_space<vmem_shared>>)
      %dma_start3A_952 = arith.constant 0 : i32
      %dma_start3A_953 = arith.constant 19 : i32
      %dma_start3A_954 = arith.constant 1 : i32
      %dma_start3A_955 = arith.constant 0 : i32
      %dma_start3A_956 = arith.constant 0 : i32
      %dma_start3A_957 = tpu.memref_slice %arg7[%dma_start3A_954, %dma_start3A_955, %dma_start3A_956] : memref<3x80x128xf32, #tpu.memory_space<vmem>> -> memref<1x80x128xf32, #tpu.memory_space<vmem>>
      %dma_start3A_958 = tpu.memref_squeeze %dma_start3A_957 : memref<1x80x128xf32, #tpu.memory_space<vmem>> -> memref<80x128xf32, #tpu.memory_space<vmem>>
      %dma_start3A_959 = arith.constant 0 : i32
      %dma_start3A_960 = tpu.memref_slice %arg6[%dma_start3A_952, %dma_start3A_953, %dma_start3A_959] : memref<2x25x80xi32, #tpu.memory_space<vmem>> -> memref<1x1x80xi32, #tpu.memory_space<vmem>>
      %dma_start3A_961 = tpu.memref_squeeze %dma_start3A_960 : memref<1x1x80xi32, #tpu.memory_space<vmem>> -> memref<80xi32, #tpu.memory_space<vmem>>
      %dma_start3A_962 = arith.constant 0 : i32
      %dma_start3A_963 = arith.constant 0 : i32
      %dma_start3A_964 = tpu.memref_slice %arg2[%dma_start3A_962, %dma_start3A_963] : memref<10000x128xf32, #tpu.memory_space<hbm>> -> memref<10000x128xf32, #tpu.memory_space<hbm>>
      tpu.enqueue_indirect_dma source(%dma_start3A_964 : memref<10000x128xf32, #tpu.memory_space<hbm>>) target(%dma_start3A_958 : memref<80x128xf32, #tpu.memory_space<vmem>>) offsets(%dma_start3A_961 : memref<80xi32, #tpu.memory_space<vmem>>) semaphore(%arg10 : memref<!tpu.dma_semaphore, #tpu.memory_space<semaphore_mem>>)
      %dma_wait3A_965 = arith.constant 0 : i32
      %dma_wait3A_966 = arith.constant 18 : i32
      %dma_wait3A_967 = arith.constant 0 : i32
      %dma_wait3A_968 = arith.constant 0 : i32
      %dma_wait3A_969 = arith.constant 0 : i32
      %dma_wait3A_970 = tpu.memref_slice %arg7[%dma_wait3A_967, %dma_wait3A_968, %dma_wait3A_969] : memref<3x80x128xf32, #tpu.memory_space<vmem>> -> memref<1x80x128xf32, #tpu.memory_space<vmem>>
      %dma_wait3A_971 = tpu.memref_squeeze %dma_wait3A_970 : memref<1x80x128xf32, #tpu.memory_space<vmem>> -> memref<80x128xf32, #tpu.memory_space<vmem>>
      %dma_wait3A_972 = arith.constant 0 : i32
      %dma_wait3A_973 = tpu.memref_slice %arg6[%dma_wait3A_965, %dma_wait3A_966, %dma_wait3A_972] : memref<2x25x80xi32, #tpu.memory_space<vmem>> -> memref<1x1x80xi32, #tpu.memory_space<vmem>>
      %dma_wait3A_974 = tpu.memref_squeeze %dma_wait3A_973 : memref<1x1x80xi32, #tpu.memory_space<vmem>> -> memref<80xi32, #tpu.memory_space<vmem>>
      %dma_wait3A_975 = arith.constant 0 : i32
      %dma_wait3A_976 = arith.constant 0 : i32
      %dma_wait3A_977 = tpu.memref_slice %arg2[%dma_wait3A_975, %dma_wait3A_976] : memref<10000x128xf32, #tpu.memory_space<hbm>> -> memref<10000x128xf32, #tpu.memory_space<hbm>>
      tpu.wait_indirect_dma semaphore(%arg9 : memref<!tpu.dma_semaphore, #tpu.memory_space<semaphore_mem>>) src(%dma_wait3A_977 : memref<10000x128xf32, #tpu.memory_space<hbm>>) dst(%dma_wait3A_971 : memref<80x128xf32, #tpu.memory_space<vmem>>)
      %dma_start3A_978 = arith.constant 0 : i32
      %dma_start3A_979 = arith.constant 1 : i32
      %dma_start3A_980 = arith.constant 18 : i32
      %dma_start3A_981 = arith.constant 0 : i32
      %dma_start3A_982 = arith.constant 0 : i32
      %dma_start3A_983 = tpu.memref_slice %arg7[%dma_start3A_978, %dma_start3A_981, %dma_start3A_982] : memref<3x80x128xf32, #tpu.memory_space<vmem>> -> memref<1x80x128xf32, #tpu.memory_space<vmem>>
      %dma_start3A_984 = tpu.memref_squeeze %dma_start3A_983 : memref<1x80x128xf32, #tpu.memory_space<vmem>> -> memref<80x128xf32, #tpu.memory_space<vmem>>
      %dma_start3A_985 = arith.constant 0 : i32
      %dma_start3A_986 = tpu.memref_slice %arg6[%dma_start3A_979, %dma_start3A_980, %dma_start3A_985] : memref<2x25x80xi32, #tpu.memory_space<vmem>> -> memref<1x1x80xi32, #tpu.memory_space<vmem>>
      %dma_start3A_987 = tpu.memref_squeeze %dma_start3A_986 : memref<1x1x80xi32, #tpu.memory_space<vmem>> -> memref<80xi32, #tpu.memory_space<vmem>>
      %dma_start3A_988 = arith.constant 0 : i32
      %dma_start3A_989 = arith.constant 0 : i32
      %dma_start3A_990 = tpu.memref_slice %arg8[%dma_start3A_988, %dma_start3A_989] : memref<10000x128xf32, #tpu.memory_space<vmem_shared>> -> memref<10000x128xf32, #tpu.memory_space<vmem_shared>>
      tpu.enqueue_indirect_dma source(%dma_start3A_984 : memref<80x128xf32, #tpu.memory_space<vmem>>) target(%dma_start3A_990 : memref<10000x128xf32, #tpu.memory_space<vmem_shared>>) offsets(%dma_start3A_987 : memref<80xi32, #tpu.memory_space<vmem>>) semaphore(%arg12 : memref<!tpu.dma_semaphore, #tpu.memory_space<semaphore_mem>>) {add = true}
      %dma_wait3A_991 = arith.constant 2 : i32
      %dma_wait3A_992 = arith.constant 1 : i32
      %dma_wait3A_993 = arith.constant 17 : i32
      %dma_wait3A_994 = arith.constant 0 : i32
      %dma_wait3A_995 = arith.constant 0 : i32
      %dma_wait3A_996 = tpu.memref_slice %arg7[%dma_wait3A_991, %dma_wait3A_994, %dma_wait3A_995] : memref<3x80x128xf32, #tpu.memory_space<vmem>> -> memref<1x80x128xf32, #tpu.memory_space<vmem>>
      %dma_wait3A_997 = tpu.memref_squeeze %dma_wait3A_996 : memref<1x80x128xf32, #tpu.memory_space<vmem>> -> memref<80x128xf32, #tpu.memory_space<vmem>>
      %dma_wait3A_998 = arith.constant 0 : i32
      %dma_wait3A_999 = tpu.memref_slice %arg6[%dma_wait3A_992, %dma_wait3A_993, %dma_wait3A_998] : memref<2x25x80xi32, #tpu.memory_space<vmem>> -> memref<1x1x80xi32, #tpu.memory_space<vmem>>
      %dma_wait3A_1000 = tpu.memref_squeeze %dma_wait3A_999 : memref<1x1x80xi32, #tpu.memory_space<vmem>> -> memref<80xi32, #tpu.memory_space<vmem>>
      %dma_wait3A_1001 = arith.constant 0 : i32
      %dma_wait3A_1002 = arith.constant 0 : i32
      %dma_wait3A_1003 = tpu.memref_slice %arg8[%dma_wait3A_1001, %dma_wait3A_1002] : memref<10000x128xf32, #tpu.memory_space<vmem_shared>> -> memref<10000x128xf32, #tpu.memory_space<vmem_shared>>
      tpu.wait_indirect_dma semaphore(%arg14 : memref<!tpu.dma_semaphore, #tpu.memory_space<semaphore_mem>>) src(%dma_wait3A_997 : memref<80x128xf32, #tpu.memory_space<vmem>>) dst(%dma_wait3A_1003 : memref<10000x128xf32, #tpu.memory_space<vmem_shared>>)
      %dma_start3A_1004 = arith.constant 0 : i32
      %dma_start3A_1005 = arith.constant 20 : i32
      %dma_start3A_1006 = arith.constant 2 : i32
      %dma_start3A_1007 = arith.constant 0 : i32
      %dma_start3A_1008 = arith.constant 0 : i32
      %dma_start3A_1009 = tpu.memref_slice %arg7[%dma_start3A_1006, %dma_start3A_1007, %dma_start3A_1008] : memref<3x80x128xf32, #tpu.memory_space<vmem>> -> memref<1x80x128xf32, #tpu.memory_space<vmem>>
      %dma_start3A_1010 = tpu.memref_squeeze %dma_start3A_1009 : memref<1x80x128xf32, #tpu.memory_space<vmem>> -> memref<80x128xf32, #tpu.memory_space<vmem>>
      %dma_start3A_1011 = arith.constant 0 : i32
      %dma_start3A_1012 = tpu.memref_slice %arg6[%dma_start3A_1004, %dma_start3A_1005, %dma_start3A_1011] : memref<2x25x80xi32, #tpu.memory_space<vmem>> -> memref<1x1x80xi32, #tpu.memory_space<vmem>>
      %dma_start3A_1013 = tpu.memref_squeeze %dma_start3A_1012 : memref<1x1x80xi32, #tpu.memory_space<vmem>> -> memref<80xi32, #tpu.memory_space<vmem>>
      %dma_start3A_1014 = arith.constant 0 : i32
      %dma_start3A_1015 = arith.constant 0 : i32
      %dma_start3A_1016 = tpu.memref_slice %arg2[%dma_start3A_1014, %dma_start3A_1015] : memref<10000x128xf32, #tpu.memory_space<hbm>> -> memref<10000x128xf32, #tpu.memory_space<hbm>>
      tpu.enqueue_indirect_dma source(%dma_start3A_1016 : memref<10000x128xf32, #tpu.memory_space<hbm>>) target(%dma_start3A_1010 : memref<80x128xf32, #tpu.memory_space<vmem>>) offsets(%dma_start3A_1013 : memref<80xi32, #tpu.memory_space<vmem>>) semaphore(%arg11 : memref<!tpu.dma_semaphore, #tpu.memory_space<semaphore_mem>>)
      %dma_wait3A_1017 = arith.constant 0 : i32
      %dma_wait3A_1018 = arith.constant 19 : i32
      %dma_wait3A_1019 = arith.constant 1 : i32
      %dma_wait3A_1020 = arith.constant 0 : i32
      %dma_wait3A_1021 = arith.constant 0 : i32
      %dma_wait3A_1022 = tpu.memref_slice %arg7[%dma_wait3A_1019, %dma_wait3A_1020, %dma_wait3A_1021] : memref<3x80x128xf32, #tpu.memory_space<vmem>> -> memref<1x80x128xf32, #tpu.memory_space<vmem>>
      %dma_wait3A_1023 = tpu.memref_squeeze %dma_wait3A_1022 : memref<1x80x128xf32, #tpu.memory_space<vmem>> -> memref<80x128xf32, #tpu.memory_space<vmem>>
      %dma_wait3A_1024 = arith.constant 0 : i32
      %dma_wait3A_1025 = tpu.memref_slice %arg6[%dma_wait3A_1017, %dma_wait3A_1018, %dma_wait3A_1024] : memref<2x25x80xi32, #tpu.memory_space<vmem>> -> memref<1x1x80xi32, #tpu.memory_space<vmem>>
      %dma_wait3A_1026 = tpu.memref_squeeze %dma_wait3A_1025 : memref<1x1x80xi32, #tpu.memory_space<vmem>> -> memref<80xi32, #tpu.memory_space<vmem>>
      %dma_wait3A_1027 = arith.constant 0 : i32
      %dma_wait3A_1028 = arith.constant 0 : i32
      %dma_wait3A_1029 = tpu.memref_slice %arg2[%dma_wait3A_1027, %dma_wait3A_1028] : memref<10000x128xf32, #tpu.memory_space<hbm>> -> memref<10000x128xf32, #tpu.memory_space<hbm>>
      tpu.wait_indirect_dma semaphore(%arg10 : memref<!tpu.dma_semaphore, #tpu.memory_space<semaphore_mem>>) src(%dma_wait3A_1029 : memref<10000x128xf32, #tpu.memory_space<hbm>>) dst(%dma_wait3A_1023 : memref<80x128xf32, #tpu.memory_space<vmem>>)
      %dma_start3A_1030 = arith.constant 1 : i32
      %dma_start3A_1031 = arith.constant 1 : i32
      %dma_start3A_1032 = arith.constant 19 : i32
      %dma_start3A_1033 = arith.constant 0 : i32
      %dma_start3A_1034 = arith.constant 0 : i32
      %dma_start3A_1035 = tpu.memref_slice %arg7[%dma_start3A_1030, %dma_start3A_1033, %dma_start3A_1034] : memref<3x80x128xf32, #tpu.memory_space<vmem>> -> memref<1x80x128xf32, #tpu.memory_space<vmem>>
      %dma_start3A_1036 = tpu.memref_squeeze %dma_start3A_1035 : memref<1x80x128xf32, #tpu.memory_space<vmem>> -> memref<80x128xf32, #tpu.memory_space<vmem>>
      %dma_start3A_1037 = arith.constant 0 : i32
      %dma_start3A_1038 = tpu.memref_slice %arg6[%dma_start3A_1031, %dma_start3A_1032, %dma_start3A_1037] : memref<2x25x80xi32, #tpu.memory_space<vmem>> -> memref<1x1x80xi32, #tpu.memory_space<vmem>>
      %dma_start3A_1039 = tpu.memref_squeeze %dma_start3A_1038 : memref<1x1x80xi32, #tpu.memory_space<vmem>> -> memref<80xi32, #tpu.memory_space<vmem>>
      %dma_start3A_1040 = arith.constant 0 : i32
      %dma_start3A_1041 = arith.constant 0 : i32
      %dma_start3A_1042 = tpu.memref_slice %arg8[%dma_start3A_1040, %dma_start3A_1041] : memref<10000x128xf32, #tpu.memory_space<vmem_shared>> -> memref<10000x128xf32, #tpu.memory_space<vmem_shared>>
      tpu.enqueue_indirect_dma source(%dma_start3A_1036 : memref<80x128xf32, #tpu.memory_space<vmem>>) target(%dma_start3A_1042 : memref<10000x128xf32, #tpu.memory_space<vmem_shared>>) offsets(%dma_start3A_1039 : memref<80xi32, #tpu.memory_space<vmem>>) semaphore(%arg13 : memref<!tpu.dma_semaphore, #tpu.memory_space<semaphore_mem>>) {add = true}
      %dma_wait3A_1043 = arith.constant 0 : i32
      %dma_wait3A_1044 = arith.constant 1 : i32
      %dma_wait3A_1045 = arith.constant 18 : i32
      %dma_wait3A_1046 = arith.constant 0 : i32
      %dma_wait3A_1047 = arith.constant 0 : i32
      %dma_wait3A_1048 = tpu.memref_slice %arg7[%dma_wait3A_1043, %dma_wait3A_1046, %dma_wait3A_1047] : memref<3x80x128xf32, #tpu.memory_space<vmem>> -> memref<1x80x128xf32, #tpu.memory_space<vmem>>
      %dma_wait3A_1049 = tpu.memref_squeeze %dma_wait3A_1048 : memref<1x80x128xf32, #tpu.memory_space<vmem>> -> memref<80x128xf32, #tpu.memory_space<vmem>>
      %dma_wait3A_1050 = arith.constant 0 : i32
      %dma_wait3A_1051 = tpu.memref_slice %arg6[%dma_wait3A_1044, %dma_wait3A_1045, %dma_wait3A_1050] : memref<2x25x80xi32, #tpu.memory_space<vmem>> -> memref<1x1x80xi32, #tpu.memory_space<vmem>>
      %dma_wait3A_1052 = tpu.memref_squeeze %dma_wait3A_1051 : memref<1x1x80xi32, #tpu.memory_space<vmem>> -> memref<80xi32, #tpu.memory_space<vmem>>
      %dma_wait3A_1053 = arith.constant 0 : i32
      %dma_wait3A_1054 = arith.constant 0 : i32
      %dma_wait3A_1055 = tpu.memref_slice %arg8[%dma_wait3A_1053, %dma_wait3A_1054] : memref<10000x128xf32, #tpu.memory_space<vmem_shared>> -> memref<10000x128xf32, #tpu.memory_space<vmem_shared>>
      tpu.wait_indirect_dma semaphore(%arg12 : memref<!tpu.dma_semaphore, #tpu.memory_space<semaphore_mem>>) src(%dma_wait3A_1049 : memref<80x128xf32, #tpu.memory_space<vmem>>) dst(%dma_wait3A_1055 : memref<10000x128xf32, #tpu.memory_space<vmem_shared>>)
      %dma_start3A_1056 = arith.constant 0 : i32
      %dma_start3A_1057 = arith.constant 21 : i32
      %dma_start3A_1058 = arith.constant 0 : i32
      %dma_start3A_1059 = arith.constant 0 : i32
      %dma_start3A_1060 = arith.constant 0 : i32
      %dma_start3A_1061 = tpu.memref_slice %arg7[%dma_start3A_1058, %dma_start3A_1059, %dma_start3A_1060] : memref<3x80x128xf32, #tpu.memory_space<vmem>> -> memref<1x80x128xf32, #tpu.memory_space<vmem>>
      %dma_start3A_1062 = tpu.memref_squeeze %dma_start3A_1061 : memref<1x80x128xf32, #tpu.memory_space<vmem>> -> memref<80x128xf32, #tpu.memory_space<vmem>>
      %dma_start3A_1063 = arith.constant 0 : i32
      %dma_start3A_1064 = tpu.memref_slice %arg6[%dma_start3A_1056, %dma_start3A_1057, %dma_start3A_1063] : memref<2x25x80xi32, #tpu.memory_space<vmem>> -> memref<1x1x80xi32, #tpu.memory_space<vmem>>
      %dma_start3A_1065 = tpu.memref_squeeze %dma_start3A_1064 : memref<1x1x80xi32, #tpu.memory_space<vmem>> -> memref<80xi32, #tpu.memory_space<vmem>>
      %dma_start3A_1066 = arith.constant 0 : i32
      %dma_start3A_1067 = arith.constant 0 : i32
      %dma_start3A_1068 = tpu.memref_slice %arg2[%dma_start3A_1066, %dma_start3A_1067] : memref<10000x128xf32, #tpu.memory_space<hbm>> -> memref<10000x128xf32, #tpu.memory_space<hbm>>
      tpu.enqueue_indirect_dma source(%dma_start3A_1068 : memref<10000x128xf32, #tpu.memory_space<hbm>>) target(%dma_start3A_1062 : memref<80x128xf32, #tpu.memory_space<vmem>>) offsets(%dma_start3A_1065 : memref<80xi32, #tpu.memory_space<vmem>>) semaphore(%arg9 : memref<!tpu.dma_semaphore, #tpu.memory_space<semaphore_mem>>)
      %dma_wait3A_1069 = arith.constant 0 : i32
      %dma_wait3A_1070 = arith.constant 20 : i32
      %dma_wait3A_1071 = arith.constant 2 : i32
      %dma_wait3A_1072 = arith.constant 0 : i32
      %dma_wait3A_1073 = arith.constant 0 : i32
      %dma_wait3A_1074 = tpu.memref_slice %arg7[%dma_wait3A_1071, %dma_wait3A_1072, %dma_wait3A_1073] : memref<3x80x128xf32, #tpu.memory_space<vmem>> -> memref<1x80x128xf32, #tpu.memory_space<vmem>>
      %dma_wait3A_1075 = tpu.memref_squeeze %dma_wait3A_1074 : memref<1x80x128xf32, #tpu.memory_space<vmem>> -> memref<80x128xf32, #tpu.memory_space<vmem>>
      %dma_wait3A_1076 = arith.constant 0 : i32
      %dma_wait3A_1077 = tpu.memref_slice %arg6[%dma_wait3A_1069, %dma_wait3A_1070, %dma_wait3A_1076] : memref<2x25x80xi32, #tpu.memory_space<vmem>> -> memref<1x1x80xi32, #tpu.memory_space<vmem>>
      %dma_wait3A_1078 = tpu.memref_squeeze %dma_wait3A_1077 : memref<1x1x80xi32, #tpu.memory_space<vmem>> -> memref<80xi32, #tpu.memory_space<vmem>>
      %dma_wait3A_1079 = arith.constant 0 : i32
      %dma_wait3A_1080 = arith.constant 0 : i32
      %dma_wait3A_1081 = tpu.memref_slice %arg2[%dma_wait3A_1079, %dma_wait3A_1080] : memref<10000x128xf32, #tpu.memory_space<hbm>> -> memref<10000x128xf32, #tpu.memory_space<hbm>>
      tpu.wait_indirect_dma semaphore(%arg11 : memref<!tpu.dma_semaphore, #tpu.memory_space<semaphore_mem>>) src(%dma_wait3A_1081 : memref<10000x128xf32, #tpu.memory_space<hbm>>) dst(%dma_wait3A_1075 : memref<80x128xf32, #tpu.memory_space<vmem>>)
      %dma_start3A_1082 = arith.constant 2 : i32
      %dma_start3A_1083 = arith.constant 1 : i32
      %dma_start3A_1084 = arith.constant 20 : i32
      %dma_start3A_1085 = arith.constant 0 : i32
      %dma_start3A_1086 = arith.constant 0 : i32
      %dma_start3A_1087 = tpu.memref_slice %arg7[%dma_start3A_1082, %dma_start3A_1085, %dma_start3A_1086] : memref<3x80x128xf32, #tpu.memory_space<vmem>> -> memref<1x80x128xf32, #tpu.memory_space<vmem>>
      %dma_start3A_1088 = tpu.memref_squeeze %dma_start3A_1087 : memref<1x80x128xf32, #tpu.memory_space<vmem>> -> memref<80x128xf32, #tpu.memory_space<vmem>>
      %dma_start3A_1089 = arith.constant 0 : i32
      %dma_start3A_1090 = tpu.memref_slice %arg6[%dma_start3A_1083, %dma_start3A_1084, %dma_start3A_1089] : memref<2x25x80xi32, #tpu.memory_space<vmem>> -> memref<1x1x80xi32, #tpu.memory_space<vmem>>
      %dma_start3A_1091 = tpu.memref_squeeze %dma_start3A_1090 : memref<1x1x80xi32, #tpu.memory_space<vmem>> -> memref<80xi32, #tpu.memory_space<vmem>>
      %dma_start3A_1092 = arith.constant 0 : i32
      %dma_start3A_1093 = arith.constant 0 : i32
      %dma_start3A_1094 = tpu.memref_slice %arg8[%dma_start3A_1092, %dma_start3A_1093] : memref<10000x128xf32, #tpu.memory_space<vmem_shared>> -> memref<10000x128xf32, #tpu.memory_space<vmem_shared>>
      tpu.enqueue_indirect_dma source(%dma_start3A_1088 : memref<80x128xf32, #tpu.memory_space<vmem>>) target(%dma_start3A_1094 : memref<10000x128xf32, #tpu.memory_space<vmem_shared>>) offsets(%dma_start3A_1091 : memref<80xi32, #tpu.memory_space<vmem>>) semaphore(%arg14 : memref<!tpu.dma_semaphore, #tpu.memory_space<semaphore_mem>>) {add = true}
      %dma_wait3A_1095 = arith.constant 1 : i32
      %dma_wait3A_1096 = arith.constant 1 : i32
      %dma_wait3A_1097 = arith.constant 19 : i32
      %dma_wait3A_1098 = arith.constant 0 : i32
      %dma_wait3A_1099 = arith.constant 0 : i32
      %dma_wait3A_1100 = tpu.memref_slice %arg7[%dma_wait3A_1095, %dma_wait3A_1098, %dma_wait3A_1099] : memref<3x80x128xf32, #tpu.memory_space<vmem>> -> memref<1x80x128xf32, #tpu.memory_space<vmem>>
      %dma_wait3A_1101 = tpu.memref_squeeze %dma_wait3A_1100 : memref<1x80x128xf32, #tpu.memory_space<vmem>> -> memref<80x128xf32, #tpu.memory_space<vmem>>
      %dma_wait3A_1102 = arith.constant 0 : i32
      %dma_wait3A_1103 = tpu.memref_slice %arg6[%dma_wait3A_1096, %dma_wait3A_1097, %dma_wait3A_1102] : memref<2x25x80xi32, #tpu.memory_space<vmem>> -> memref<1x1x80xi32, #tpu.memory_space<vmem>>
      %dma_wait3A_1104 = tpu.memref_squeeze %dma_wait3A_1103 : memref<1x1x80xi32, #tpu.memory_space<vmem>> -> memref<80xi32, #tpu.memory_space<vmem>>
      %dma_wait3A_1105 = arith.constant 0 : i32
      %dma_wait3A_1106 = arith.constant 0 : i32
      %dma_wait3A_1107 = tpu.memref_slice %arg8[%dma_wait3A_1105, %dma_wait3A_1106] : memref<10000x128xf32, #tpu.memory_space<vmem_shared>> -> memref<10000x128xf32, #tpu.memory_space<vmem_shared>>
      tpu.wait_indirect_dma semaphore(%arg13 : memref<!tpu.dma_semaphore, #tpu.memory_space<semaphore_mem>>) src(%dma_wait3A_1101 : memref<80x128xf32, #tpu.memory_space<vmem>>) dst(%dma_wait3A_1107 : memref<10000x128xf32, #tpu.memory_space<vmem_shared>>)
      %dma_start3A_1108 = arith.constant 0 : i32
      %dma_start3A_1109 = arith.constant 22 : i32
      %dma_start3A_1110 = arith.constant 1 : i32
      %dma_start3A_1111 = arith.constant 0 : i32
      %dma_start3A_1112 = arith.constant 0 : i32
      %dma_start3A_1113 = tpu.memref_slice %arg7[%dma_start3A_1110, %dma_start3A_1111, %dma_start3A_1112] : memref<3x80x128xf32, #tpu.memory_space<vmem>> -> memref<1x80x128xf32, #tpu.memory_space<vmem>>
      %dma_start3A_1114 = tpu.memref_squeeze %dma_start3A_1113 : memref<1x80x128xf32, #tpu.memory_space<vmem>> -> memref<80x128xf32, #tpu.memory_space<vmem>>
      %dma_start3A_1115 = arith.constant 0 : i32
      %dma_start3A_1116 = tpu.memref_slice %arg6[%dma_start3A_1108, %dma_start3A_1109, %dma_start3A_1115] : memref<2x25x80xi32, #tpu.memory_space<vmem>> -> memref<1x1x80xi32, #tpu.memory_space<vmem>>
      %dma_start3A_1117 = tpu.memref_squeeze %dma_start3A_1116 : memref<1x1x80xi32, #tpu.memory_space<vmem>> -> memref<80xi32, #tpu.memory_space<vmem>>
      %dma_start3A_1118 = arith.constant 0 : i32
      %dma_start3A_1119 = arith.constant 0 : i32
      %dma_start3A_1120 = tpu.memref_slice %arg2[%dma_start3A_1118, %dma_start3A_1119] : memref<10000x128xf32, #tpu.memory_space<hbm>> -> memref<10000x128xf32, #tpu.memory_space<hbm>>
      tpu.enqueue_indirect_dma source(%dma_start3A_1120 : memref<10000x128xf32, #tpu.memory_space<hbm>>) target(%dma_start3A_1114 : memref<80x128xf32, #tpu.memory_space<vmem>>) offsets(%dma_start3A_1117 : memref<80xi32, #tpu.memory_space<vmem>>) semaphore(%arg10 : memref<!tpu.dma_semaphore, #tpu.memory_space<semaphore_mem>>)
      %dma_wait3A_1121 = arith.constant 0 : i32
      %dma_wait3A_1122 = arith.constant 21 : i32
      %dma_wait3A_1123 = arith.constant 0 : i32
      %dma_wait3A_1124 = arith.constant 0 : i32
      %dma_wait3A_1125 = arith.constant 0 : i32
      %dma_wait3A_1126 = tpu.memref_slice %arg7[%dma_wait3A_1123, %dma_wait3A_1124, %dma_wait3A_1125] : memref<3x80x128xf32, #tpu.memory_space<vmem>> -> memref<1x80x128xf32, #tpu.memory_space<vmem>>
      %dma_wait3A_1127 = tpu.memref_squeeze %dma_wait3A_1126 : memref<1x80x128xf32, #tpu.memory_space<vmem>> -> memref<80x128xf32, #tpu.memory_space<vmem>>
      %dma_wait3A_1128 = arith.constant 0 : i32
      %dma_wait3A_1129 = tpu.memref_slice %arg6[%dma_wait3A_1121, %dma_wait3A_1122, %dma_wait3A_1128] : memref<2x25x80xi32, #tpu.memory_space<vmem>> -> memref<1x1x80xi32, #tpu.memory_space<vmem>>
      %dma_wait3A_1130 = tpu.memref_squeeze %dma_wait3A_1129 : memref<1x1x80xi32, #tpu.memory_space<vmem>> -> memref<80xi32, #tpu.memory_space<vmem>>
      %dma_wait3A_1131 = arith.constant 0 : i32
      %dma_wait3A_1132 = arith.constant 0 : i32
      %dma_wait3A_1133 = tpu.memref_slice %arg2[%dma_wait3A_1131, %dma_wait3A_1132] : memref<10000x128xf32, #tpu.memory_space<hbm>> -> memref<10000x128xf32, #tpu.memory_space<hbm>>
      tpu.wait_indirect_dma semaphore(%arg9 : memref<!tpu.dma_semaphore, #tpu.memory_space<semaphore_mem>>) src(%dma_wait3A_1133 : memref<10000x128xf32, #tpu.memory_space<hbm>>) dst(%dma_wait3A_1127 : memref<80x128xf32, #tpu.memory_space<vmem>>)
      %dma_start3A_1134 = arith.constant 0 : i32
      %dma_start3A_1135 = arith.constant 1 : i32
      %dma_start3A_1136 = arith.constant 21 : i32
      %dma_start3A_1137 = arith.constant 0 : i32
      %dma_start3A_1138 = arith.constant 0 : i32
      %dma_start3A_1139 = tpu.memref_slice %arg7[%dma_start3A_1134, %dma_start3A_1137, %dma_start3A_1138] : memref<3x80x128xf32, #tpu.memory_space<vmem>> -> memref<1x80x128xf32, #tpu.memory_space<vmem>>
      %dma_start3A_1140 = tpu.memref_squeeze %dma_start3A_1139 : memref<1x80x128xf32, #tpu.memory_space<vmem>> -> memref<80x128xf32, #tpu.memory_space<vmem>>
      %dma_start3A_1141 = arith.constant 0 : i32
      %dma_start3A_1142 = tpu.memref_slice %arg6[%dma_start3A_1135, %dma_start3A_1136, %dma_start3A_1141] : memref<2x25x80xi32, #tpu.memory_space<vmem>> -> memref<1x1x80xi32, #tpu.memory_space<vmem>>
      %dma_start3A_1143 = tpu.memref_squeeze %dma_start3A_1142 : memref<1x1x80xi32, #tpu.memory_space<vmem>> -> memref<80xi32, #tpu.memory_space<vmem>>
      %dma_start3A_1144 = arith.constant 0 : i32
      %dma_start3A_1145 = arith.constant 0 : i32
      %dma_start3A_1146 = tpu.memref_slice %arg8[%dma_start3A_1144, %dma_start3A_1145] : memref<10000x128xf32, #tpu.memory_space<vmem_shared>> -> memref<10000x128xf32, #tpu.memory_space<vmem_shared>>
      tpu.enqueue_indirect_dma source(%dma_start3A_1140 : memref<80x128xf32, #tpu.memory_space<vmem>>) target(%dma_start3A_1146 : memref<10000x128xf32, #tpu.memory_space<vmem_shared>>) offsets(%dma_start3A_1143 : memref<80xi32, #tpu.memory_space<vmem>>) semaphore(%arg12 : memref<!tpu.dma_semaphore, #tpu.memory_space<semaphore_mem>>) {add = true}
      %dma_wait3A_1147 = arith.constant 2 : i32
      %dma_wait3A_1148 = arith.constant 1 : i32
      %dma_wait3A_1149 = arith.constant 20 : i32
      %dma_wait3A_1150 = arith.constant 0 : i32
      %dma_wait3A_1151 = arith.constant 0 : i32
      %dma_wait3A_1152 = tpu.memref_slice %arg7[%dma_wait3A_1147, %dma_wait3A_1150, %dma_wait3A_1151] : memref<3x80x128xf32, #tpu.memory_space<vmem>> -> memref<1x80x128xf32, #tpu.memory_space<vmem>>
      %dma_wait3A_1153 = tpu.memref_squeeze %dma_wait3A_1152 : memref<1x80x128xf32, #tpu.memory_space<vmem>> -> memref<80x128xf32, #tpu.memory_space<vmem>>
      %dma_wait3A_1154 = arith.constant 0 : i32
      %dma_wait3A_1155 = tpu.memref_slice %arg6[%dma_wait3A_1148, %dma_wait3A_1149, %dma_wait3A_1154] : memref<2x25x80xi32, #tpu.memory_space<vmem>> -> memref<1x1x80xi32, #tpu.memory_space<vmem>>
      %dma_wait3A_1156 = tpu.memref_squeeze %dma_wait3A_1155 : memref<1x1x80xi32, #tpu.memory_space<vmem>> -> memref<80xi32, #tpu.memory_space<vmem>>
      %dma_wait3A_1157 = arith.constant 0 : i32
      %dma_wait3A_1158 = arith.constant 0 : i32
      %dma_wait3A_1159 = tpu.memref_slice %arg8[%dma_wait3A_1157, %dma_wait3A_1158] : memref<10000x128xf32, #tpu.memory_space<vmem_shared>> -> memref<10000x128xf32, #tpu.memory_space<vmem_shared>>
      tpu.wait_indirect_dma semaphore(%arg14 : memref<!tpu.dma_semaphore, #tpu.memory_space<semaphore_mem>>) src(%dma_wait3A_1153 : memref<80x128xf32, #tpu.memory_space<vmem>>) dst(%dma_wait3A_1159 : memref<10000x128xf32, #tpu.memory_space<vmem_shared>>)
      %dma_start3A_1160 = arith.constant 0 : i32
      %dma_start3A_1161 = arith.constant 23 : i32
      %dma_start3A_1162 = arith.constant 2 : i32
      %dma_start3A_1163 = arith.constant 0 : i32
      %dma_start3A_1164 = arith.constant 0 : i32
      %dma_start3A_1165 = tpu.memref_slice %arg7[%dma_start3A_1162, %dma_start3A_1163, %dma_start3A_1164] : memref<3x80x128xf32, #tpu.memory_space<vmem>> -> memref<1x80x128xf32, #tpu.memory_space<vmem>>
      %dma_start3A_1166 = tpu.memref_squeeze %dma_start3A_1165 : memref<1x80x128xf32, #tpu.memory_space<vmem>> -> memref<80x128xf32, #tpu.memory_space<vmem>>
      %dma_start3A_1167 = arith.constant 0 : i32
      %dma_start3A_1168 = tpu.memref_slice %arg6[%dma_start3A_1160, %dma_start3A_1161, %dma_start3A_1167] : memref<2x25x80xi32, #tpu.memory_space<vmem>> -> memref<1x1x80xi32, #tpu.memory_space<vmem>>
      %dma_start3A_1169 = tpu.memref_squeeze %dma_start3A_1168 : memref<1x1x80xi32, #tpu.memory_space<vmem>> -> memref<80xi32, #tpu.memory_space<vmem>>
      %dma_start3A_1170 = arith.constant 0 : i32
      %dma_start3A_1171 = arith.constant 0 : i32
      %dma_start3A_1172 = tpu.memref_slice %arg2[%dma_start3A_1170, %dma_start3A_1171] : memref<10000x128xf32, #tpu.memory_space<hbm>> -> memref<10000x128xf32, #tpu.memory_space<hbm>>
      tpu.enqueue_indirect_dma source(%dma_start3A_1172 : memref<10000x128xf32, #tpu.memory_space<hbm>>) target(%dma_start3A_1166 : memref<80x128xf32, #tpu.memory_space<vmem>>) offsets(%dma_start3A_1169 : memref<80xi32, #tpu.memory_space<vmem>>) semaphore(%arg11 : memref<!tpu.dma_semaphore, #tpu.memory_space<semaphore_mem>>)
      %dma_wait3A_1173 = arith.constant 0 : i32
      %dma_wait3A_1174 = arith.constant 22 : i32
      %dma_wait3A_1175 = arith.constant 1 : i32
      %dma_wait3A_1176 = arith.constant 0 : i32
      %dma_wait3A_1177 = arith.constant 0 : i32
      %dma_wait3A_1178 = tpu.memref_slice %arg7[%dma_wait3A_1175, %dma_wait3A_1176, %dma_wait3A_1177] : memref<3x80x128xf32, #tpu.memory_space<vmem>> -> memref<1x80x128xf32, #tpu.memory_space<vmem>>
      %dma_wait3A_1179 = tpu.memref_squeeze %dma_wait3A_1178 : memref<1x80x128xf32, #tpu.memory_space<vmem>> -> memref<80x128xf32, #tpu.memory_space<vmem>>
      %dma_wait3A_1180 = arith.constant 0 : i32
      %dma_wait3A_1181 = tpu.memref_slice %arg6[%dma_wait3A_1173, %dma_wait3A_1174, %dma_wait3A_1180] : memref<2x25x80xi32, #tpu.memory_space<vmem>> -> memref<1x1x80xi32, #tpu.memory_space<vmem>>
      %dma_wait3A_1182 = tpu.memref_squeeze %dma_wait3A_1181 : memref<1x1x80xi32, #tpu.memory_space<vmem>> -> memref<80xi32, #tpu.memory_space<vmem>>
      %dma_wait3A_1183 = arith.constant 0 : i32
      %dma_wait3A_1184 = arith.constant 0 : i32
      %dma_wait3A_1185 = tpu.memref_slice %arg2[%dma_wait3A_1183, %dma_wait3A_1184] : memref<10000x128xf32, #tpu.memory_space<hbm>> -> memref<10000x128xf32, #tpu.memory_space<hbm>>
      tpu.wait_indirect_dma semaphore(%arg10 : memref<!tpu.dma_semaphore, #tpu.memory_space<semaphore_mem>>) src(%dma_wait3A_1185 : memref<10000x128xf32, #tpu.memory_space<hbm>>) dst(%dma_wait3A_1179 : memref<80x128xf32, #tpu.memory_space<vmem>>)
      %dma_start3A_1186 = arith.constant 1 : i32
      %dma_start3A_1187 = arith.constant 1 : i32
      %dma_start3A_1188 = arith.constant 22 : i32
      %dma_start3A_1189 = arith.constant 0 : i32
      %dma_start3A_1190 = arith.constant 0 : i32
      %dma_start3A_1191 = tpu.memref_slice %arg7[%dma_start3A_1186, %dma_start3A_1189, %dma_start3A_1190] : memref<3x80x128xf32, #tpu.memory_space<vmem>> -> memref<1x80x128xf32, #tpu.memory_space<vmem>>
      %dma_start3A_1192 = tpu.memref_squeeze %dma_start3A_1191 : memref<1x80x128xf32, #tpu.memory_space<vmem>> -> memref<80x128xf32, #tpu.memory_space<vmem>>
      %dma_start3A_1193 = arith.constant 0 : i32
      %dma_start3A_1194 = tpu.memref_slice %arg6[%dma_start3A_1187, %dma_start3A_1188, %dma_start3A_1193] : memref<2x25x80xi32, #tpu.memory_space<vmem>> -> memref<1x1x80xi32, #tpu.memory_space<vmem>>
      %dma_start3A_1195 = tpu.memref_squeeze %dma_start3A_1194 : memref<1x1x80xi32, #tpu.memory_space<vmem>> -> memref<80xi32, #tpu.memory_space<vmem>>
      %dma_start3A_1196 = arith.constant 0 : i32
      %dma_start3A_1197 = arith.constant 0 : i32
      %dma_start3A_1198 = tpu.memref_slice %arg8[%dma_start3A_1196, %dma_start3A_1197] : memref<10000x128xf32, #tpu.memory_space<vmem_shared>> -> memref<10000x128xf32, #tpu.memory_space<vmem_shared>>
      tpu.enqueue_indirect_dma source(%dma_start3A_1192 : memref<80x128xf32, #tpu.memory_space<vmem>>) target(%dma_start3A_1198 : memref<10000x128xf32, #tpu.memory_space<vmem_shared>>) offsets(%dma_start3A_1195 : memref<80xi32, #tpu.memory_space<vmem>>) semaphore(%arg13 : memref<!tpu.dma_semaphore, #tpu.memory_space<semaphore_mem>>) {add = true}
      %dma_wait3A_1199 = arith.constant 0 : i32
      %dma_wait3A_1200 = arith.constant 1 : i32
      %dma_wait3A_1201 = arith.constant 21 : i32
      %dma_wait3A_1202 = arith.constant 0 : i32
      %dma_wait3A_1203 = arith.constant 0 : i32
      %dma_wait3A_1204 = tpu.memref_slice %arg7[%dma_wait3A_1199, %dma_wait3A_1202, %dma_wait3A_1203] : memref<3x80x128xf32, #tpu.memory_space<vmem>> -> memref<1x80x128xf32, #tpu.memory_space<vmem>>
      %dma_wait3A_1205 = tpu.memref_squeeze %dma_wait3A_1204 : memref<1x80x128xf32, #tpu.memory_space<vmem>> -> memref<80x128xf32, #tpu.memory_space<vmem>>
      %dma_wait3A_1206 = arith.constant 0 : i32
      %dma_wait3A_1207 = tpu.memref_slice %arg6[%dma_wait3A_1200, %dma_wait3A_1201, %dma_wait3A_1206] : memref<2x25x80xi32, #tpu.memory_space<vmem>> -> memref<1x1x80xi32, #tpu.memory_space<vmem>>
      %dma_wait3A_1208 = tpu.memref_squeeze %dma_wait3A_1207 : memref<1x1x80xi32, #tpu.memory_space<vmem>> -> memref<80xi32, #tpu.memory_space<vmem>>
      %dma_wait3A_1209 = arith.constant 0 : i32
      %dma_wait3A_1210 = arith.constant 0 : i32
      %dma_wait3A_1211 = tpu.memref_slice %arg8[%dma_wait3A_1209, %dma_wait3A_1210] : memref<10000x128xf32, #tpu.memory_space<vmem_shared>> -> memref<10000x128xf32, #tpu.memory_space<vmem_shared>>
      tpu.wait_indirect_dma semaphore(%arg12 : memref<!tpu.dma_semaphore, #tpu.memory_space<semaphore_mem>>) src(%dma_wait3A_1205 : memref<80x128xf32, #tpu.memory_space<vmem>>) dst(%dma_wait3A_1211 : memref<10000x128xf32, #tpu.memory_space<vmem_shared>>)
      %dma_start3A_1212 = arith.constant 0 : i32
      %dma_start3A_1213 = arith.constant 24 : i32
      %dma_start3A_1214 = arith.constant 0 : i32
      %dma_start3A_1215 = arith.constant 0 : i32
      %dma_start3A_1216 = arith.constant 0 : i32
      %dma_start3A_1217 = tpu.memref_slice %arg7[%dma_start3A_1214, %dma_start3A_1215, %dma_start3A_1216] : memref<3x80x128xf32, #tpu.memory_space<vmem>> -> memref<1x80x128xf32, #tpu.memory_space<vmem>>
      %dma_start3A_1218 = tpu.memref_squeeze %dma_start3A_1217 : memref<1x80x128xf32, #tpu.memory_space<vmem>> -> memref<80x128xf32, #tpu.memory_space<vmem>>
      %dma_start3A_1219 = arith.constant 0 : i32
      %dma_start3A_1220 = tpu.memref_slice %arg6[%dma_start3A_1212, %dma_start3A_1213, %dma_start3A_1219] : memref<2x25x80xi32, #tpu.memory_space<vmem>> -> memref<1x1x80xi32, #tpu.memory_space<vmem>>
      %dma_start3A_1221 = tpu.memref_squeeze %dma_start3A_1220 : memref<1x1x80xi32, #tpu.memory_space<vmem>> -> memref<80xi32, #tpu.memory_space<vmem>>
      %dma_start3A_1222 = arith.constant 0 : i32
      %dma_start3A_1223 = arith.constant 0 : i32
      %dma_start3A_1224 = tpu.memref_slice %arg2[%dma_start3A_1222, %dma_start3A_1223] : memref<10000x128xf32, #tpu.memory_space<hbm>> -> memref<10000x128xf32, #tpu.memory_space<hbm>>
      tpu.enqueue_indirect_dma source(%dma_start3A_1224 : memref<10000x128xf32, #tpu.memory_space<hbm>>) target(%dma_start3A_1218 : memref<80x128xf32, #tpu.memory_space<vmem>>) offsets(%dma_start3A_1221 : memref<80xi32, #tpu.memory_space<vmem>>) semaphore(%arg9 : memref<!tpu.dma_semaphore, #tpu.memory_space<semaphore_mem>>)
      %dma_wait3A_1225 = arith.constant 0 : i32
      %dma_wait3A_1226 = arith.constant 23 : i32
      %dma_wait3A_1227 = arith.constant 2 : i32
      %dma_wait3A_1228 = arith.constant 0 : i32
      %dma_wait3A_1229 = arith.constant 0 : i32
      %dma_wait3A_1230 = tpu.memref_slice %arg7[%dma_wait3A_1227, %dma_wait3A_1228, %dma_wait3A_1229] : memref<3x80x128xf32, #tpu.memory_space<vmem>> -> memref<1x80x128xf32, #tpu.memory_space<vmem>>
      %dma_wait3A_1231 = tpu.memref_squeeze %dma_wait3A_1230 : memref<1x80x128xf32, #tpu.memory_space<vmem>> -> memref<80x128xf32, #tpu.memory_space<vmem>>
      %dma_wait3A_1232 = arith.constant 0 : i32
      %dma_wait3A_1233 = tpu.memref_slice %arg6[%dma_wait3A_1225, %dma_wait3A_1226, %dma_wait3A_1232] : memref<2x25x80xi32, #tpu.memory_space<vmem>> -> memref<1x1x80xi32, #tpu.memory_space<vmem>>
      %dma_wait3A_1234 = tpu.memref_squeeze %dma_wait3A_1233 : memref<1x1x80xi32, #tpu.memory_space<vmem>> -> memref<80xi32, #tpu.memory_space<vmem>>
      %dma_wait3A_1235 = arith.constant 0 : i32
      %dma_wait3A_1236 = arith.constant 0 : i32
      %dma_wait3A_1237 = tpu.memref_slice %arg2[%dma_wait3A_1235, %dma_wait3A_1236] : memref<10000x128xf32, #tpu.memory_space<hbm>> -> memref<10000x128xf32, #tpu.memory_space<hbm>>
      tpu.wait_indirect_dma semaphore(%arg11 : memref<!tpu.dma_semaphore, #tpu.memory_space<semaphore_mem>>) src(%dma_wait3A_1237 : memref<10000x128xf32, #tpu.memory_space<hbm>>) dst(%dma_wait3A_1231 : memref<80x128xf32, #tpu.memory_space<vmem>>)
      %dma_start3A_1238 = arith.constant 2 : i32
      %dma_start3A_1239 = arith.constant 1 : i32
      %dma_start3A_1240 = arith.constant 23 : i32
      %dma_start3A_1241 = arith.constant 0 : i32
      %dma_start3A_1242 = arith.constant 0 : i32
      %dma_start3A_1243 = tpu.memref_slice %arg7[%dma_start3A_1238, %dma_start3A_1241, %dma_start3A_1242] : memref<3x80x128xf32, #tpu.memory_space<vmem>> -> memref<1x80x128xf32, #tpu.memory_space<vmem>>
      %dma_start3A_1244 = tpu.memref_squeeze %dma_start3A_1243 : memref<1x80x128xf32, #tpu.memory_space<vmem>> -> memref<80x128xf32, #tpu.memory_space<vmem>>
      %dma_start3A_1245 = arith.constant 0 : i32
      %dma_start3A_1246 = tpu.memref_slice %arg6[%dma_start3A_1239, %dma_start3A_1240, %dma_start3A_1245] : memref<2x25x80xi32, #tpu.memory_space<vmem>> -> memref<1x1x80xi32, #tpu.memory_space<vmem>>
      %dma_start3A_1247 = tpu.memref_squeeze %dma_start3A_1246 : memref<1x1x80xi32, #tpu.memory_space<vmem>> -> memref<80xi32, #tpu.memory_space<vmem>>
      %dma_start3A_1248 = arith.constant 0 : i32
      %dma_start3A_1249 = arith.constant 0 : i32
      %dma_start3A_1250 = tpu.memref_slice %arg8[%dma_start3A_1248, %dma_start3A_1249] : memref<10000x128xf32, #tpu.memory_space<vmem_shared>> -> memref<10000x128xf32, #tpu.memory_space<vmem_shared>>
      tpu.enqueue_indirect_dma source(%dma_start3A_1244 : memref<80x128xf32, #tpu.memory_space<vmem>>) target(%dma_start3A_1250 : memref<10000x128xf32, #tpu.memory_space<vmem_shared>>) offsets(%dma_start3A_1247 : memref<80xi32, #tpu.memory_space<vmem>>) semaphore(%arg14 : memref<!tpu.dma_semaphore, #tpu.memory_space<semaphore_mem>>) {add = true}
      %dma_wait3A_1251 = arith.constant 0 : i32
      %dma_wait3A_1252 = arith.constant 24 : i32
      %dma_wait3A_1253 = arith.constant 0 : i32
      %dma_wait3A_1254 = arith.constant 0 : i32
      %dma_wait3A_1255 = arith.constant 0 : i32
      %dma_wait3A_1256 = tpu.memref_slice %arg7[%dma_wait3A_1253, %dma_wait3A_1254, %dma_wait3A_1255] : memref<3x80x128xf32, #tpu.memory_space<vmem>> -> memref<1x80x128xf32, #tpu.memory_space<vmem>>
      %dma_wait3A_1257 = tpu.memref_squeeze %dma_wait3A_1256 : memref<1x80x128xf32, #tpu.memory_space<vmem>> -> memref<80x128xf32, #tpu.memory_space<vmem>>
      %dma_wait3A_1258 = arith.constant 0 : i32
      %dma_wait3A_1259 = tpu.memref_slice %arg6[%dma_wait3A_1251, %dma_wait3A_1252, %dma_wait3A_1258] : memref<2x25x80xi32, #tpu.memory_space<vmem>> -> memref<1x1x80xi32, #tpu.memory_space<vmem>>
      %dma_wait3A_1260 = tpu.memref_squeeze %dma_wait3A_1259 : memref<1x1x80xi32, #tpu.memory_space<vmem>> -> memref<80xi32, #tpu.memory_space<vmem>>
      %dma_wait3A_1261 = arith.constant 0 : i32
      %dma_wait3A_1262 = arith.constant 0 : i32
      %dma_wait3A_1263 = tpu.memref_slice %arg2[%dma_wait3A_1261, %dma_wait3A_1262] : memref<10000x128xf32, #tpu.memory_space<hbm>> -> memref<10000x128xf32, #tpu.memory_space<hbm>>
      tpu.wait_indirect_dma semaphore(%arg9 : memref<!tpu.dma_semaphore, #tpu.memory_space<semaphore_mem>>) src(%dma_wait3A_1263 : memref<10000x128xf32, #tpu.memory_space<hbm>>) dst(%dma_wait3A_1257 : memref<80x128xf32, #tpu.memory_space<vmem>>)
      %dma_start3A_1264 = arith.constant 0 : i32
      %dma_start3A_1265 = arith.constant 1 : i32
      %dma_start3A_1266 = arith.constant 24 : i32
      %dma_start3A_1267 = arith.constant 0 : i32
      %dma_start3A_1268 = arith.constant 0 : i32
      %dma_start3A_1269 = tpu.memref_slice %arg7[%dma_start3A_1264, %dma_start3A_1267, %dma_start3A_1268] : memref<3x80x128xf32, #tpu.memory_space<vmem>> -> memref<1x80x128xf32, #tpu.memory_space<vmem>>
      %dma_start3A_1270 = tpu.memref_squeeze %dma_start3A_1269 : memref<1x80x128xf32, #tpu.memory_space<vmem>> -> memref<80x128xf32, #tpu.memory_space<vmem>>
      %dma_start3A_1271 = arith.constant 0 : i32
      %dma_start3A_1272 = tpu.memref_slice %arg6[%dma_start3A_1265, %dma_start3A_1266, %dma_start3A_1271] : memref<2x25x80xi32, #tpu.memory_space<vmem>> -> memref<1x1x80xi32, #tpu.memory_space<vmem>>
      %dma_start3A_1273 = tpu.memref_squeeze %dma_start3A_1272 : memref<1x1x80xi32, #tpu.memory_space<vmem>> -> memref<80xi32, #tpu.memory_space<vmem>>
      %dma_start3A_1274 = arith.constant 0 : i32
      %dma_start3A_1275 = arith.constant 0 : i32
      %dma_start3A_1276 = tpu.memref_slice %arg8[%dma_start3A_1274, %dma_start3A_1275] : memref<10000x128xf32, #tpu.memory_space<vmem_shared>> -> memref<10000x128xf32, #tpu.memory_space<vmem_shared>>
      tpu.enqueue_indirect_dma source(%dma_start3A_1270 : memref<80x128xf32, #tpu.memory_space<vmem>>) target(%dma_start3A_1276 : memref<10000x128xf32, #tpu.memory_space<vmem_shared>>) offsets(%dma_start3A_1273 : memref<80xi32, #tpu.memory_space<vmem>>) semaphore(%arg12 : memref<!tpu.dma_semaphore, #tpu.memory_space<semaphore_mem>>) {add = true}
      %dma_wait3A_1277 = arith.constant 1 : i32
      %dma_wait3A_1278 = arith.constant 1 : i32
      %dma_wait3A_1279 = arith.constant 22 : i32
      %dma_wait3A_1280 = arith.constant 0 : i32
      %dma_wait3A_1281 = arith.constant 0 : i32
      %dma_wait3A_1282 = tpu.memref_slice %arg7[%dma_wait3A_1277, %dma_wait3A_1280, %dma_wait3A_1281] : memref<3x80x128xf32, #tpu.memory_space<vmem>> -> memref<1x80x128xf32, #tpu.memory_space<vmem>>
      %dma_wait3A_1283 = tpu.memref_squeeze %dma_wait3A_1282 : memref<1x80x128xf32, #tpu.memory_space<vmem>> -> memref<80x128xf32, #tpu.memory_space<vmem>>
      %dma_wait3A_1284 = arith.constant 0 : i32
      %dma_wait3A_1285 = tpu.memref_slice %arg6[%dma_wait3A_1278, %dma_wait3A_1279, %dma_wait3A_1284] : memref<2x25x80xi32, #tpu.memory_space<vmem>> -> memref<1x1x80xi32, #tpu.memory_space<vmem>>
      %dma_wait3A_1286 = tpu.memref_squeeze %dma_wait3A_1285 : memref<1x1x80xi32, #tpu.memory_space<vmem>> -> memref<80xi32, #tpu.memory_space<vmem>>
      %dma_wait3A_1287 = arith.constant 0 : i32
      %dma_wait3A_1288 = arith.constant 0 : i32
      %dma_wait3A_1289 = tpu.memref_slice %arg8[%dma_wait3A_1287, %dma_wait3A_1288] : memref<10000x128xf32, #tpu.memory_space<vmem_shared>> -> memref<10000x128xf32, #tpu.memory_space<vmem_shared>>
      tpu.wait_indirect_dma semaphore(%arg13 : memref<!tpu.dma_semaphore, #tpu.memory_space<semaphore_mem>>) src(%dma_wait3A_1283 : memref<80x128xf32, #tpu.memory_space<vmem>>) dst(%dma_wait3A_1289 : memref<10000x128xf32, #tpu.memory_space<vmem_shared>>)
      %dma_wait3A_1290 = arith.constant 2 : i32
      %dma_wait3A_1291 = arith.constant 1 : i32
      %dma_wait3A_1292 = arith.constant 23 : i32
      %dma_wait3A_1293 = arith.constant 0 : i32
      %dma_wait3A_1294 = arith.constant 0 : i32
      %dma_wait3A_1295 = tpu.memref_slice %arg7[%dma_wait3A_1290, %dma_wait3A_1293, %dma_wait3A_1294] : memref<3x80x128xf32, #tpu.memory_space<vmem>> -> memref<1x80x128xf32, #tpu.memory_space<vmem>>
      %dma_wait3A_1296 = tpu.memref_squeeze %dma_wait3A_1295 : memref<1x80x128xf32, #tpu.memory_space<vmem>> -> memref<80x128xf32, #tpu.memory_space<vmem>>
      %dma_wait3A_1297 = arith.constant 0 : i32
      %dma_wait3A_1298 = tpu.memref_slice %arg6[%dma_wait3A_1291, %dma_wait3A_1292, %dma_wait3A_1297] : memref<2x25x80xi32, #tpu.memory_space<vmem>> -> memref<1x1x80xi32, #tpu.memory_space<vmem>>
      %dma_wait3A_1299 = tpu.memref_squeeze %dma_wait3A_1298 : memref<1x1x80xi32, #tpu.memory_space<vmem>> -> memref<80xi32, #tpu.memory_space<vmem>>
      %dma_wait3A_1300 = arith.constant 0 : i32
      %dma_wait3A_1301 = arith.constant 0 : i32
      %dma_wait3A_1302 = tpu.memref_slice %arg8[%dma_wait3A_1300, %dma_wait3A_1301] : memref<10000x128xf32, #tpu.memory_space<vmem_shared>> -> memref<10000x128xf32, #tpu.memory_space<vmem_shared>>
      tpu.wait_indirect_dma semaphore(%arg14 : memref<!tpu.dma_semaphore, #tpu.memory_space<semaphore_mem>>) src(%dma_wait3A_1296 : memref<80x128xf32, #tpu.memory_space<vmem>>) dst(%dma_wait3A_1302 : memref<10000x128xf32, #tpu.memory_space<vmem_shared>>)
      %dma_wait3A_1303 = arith.constant 0 : i32
      %dma_wait3A_1304 = arith.constant 1 : i32
      %dma_wait3A_1305 = arith.constant 24 : i32
      %dma_wait3A_1306 = arith.constant 0 : i32
      %dma_wait3A_1307 = arith.constant 0 : i32
      %dma_wait3A_1308 = tpu.memref_slice %arg7[%dma_wait3A_1303, %dma_wait3A_1306, %dma_wait3A_1307] : memref<3x80x128xf32, #tpu.memory_space<vmem>> -> memref<1x80x128xf32, #tpu.memory_space<vmem>>
      %dma_wait3A_1309 = tpu.memref_squeeze %dma_wait3A_1308 : memref<1x80x128xf32, #tpu.memory_space<vmem>> -> memref<80x128xf32, #tpu.memory_space<vmem>>
      %dma_wait3A_1310 = arith.constant 0 : i32
      %dma_wait3A_1311 = tpu.memref_slice %arg6[%dma_wait3A_1304, %dma_wait3A_1305, %dma_wait3A_1310] : memref<2x25x80xi32, #tpu.memory_space<vmem>> -> memref<1x1x80xi32, #tpu.memory_space<vmem>>
      %dma_wait3A_1312 = tpu.memref_squeeze %dma_wait3A_1311 : memref<1x1x80xi32, #tpu.memory_space<vmem>> -> memref<80xi32, #tpu.memory_space<vmem>>
      %dma_wait3A_1313 = arith.constant 0 : i32
      %dma_wait3A_1314 = arith.constant 0 : i32
      %dma_wait3A_1315 = tpu.memref_slice %arg8[%dma_wait3A_1313, %dma_wait3A_1314] : memref<10000x128xf32, #tpu.memory_space<vmem_shared>> -> memref<10000x128xf32, #tpu.memory_space<vmem_shared>>
      tpu.wait_indirect_dma semaphore(%arg12 : memref<!tpu.dma_semaphore, #tpu.memory_space<semaphore_mem>>) src(%dma_wait3A_1309 : memref<80x128xf32, #tpu.memory_space<vmem>>) dst(%dma_wait3A_1315 : memref<10000x128xf32, #tpu.memory_space<vmem_shared>>)
    }
    %scan3A_8 = arith.constant 5 : i32
    %barrier3A_9 = arith.constant 0 : index
    tpu.barrier barrier_id(%barrier3A_9)
    %mul3A_10 = arith.constant 624 : i32
    %mul3A_11 = arith.muli %arg1, %mul3A_10 : i32
    "tpu.region"() ({
      %run_scoped3A = tpu.sem_alloc : memref<!tpu.dma_semaphore, #tpu.memory_space<semaphore_mem>>
      %dma_start3A = arith.constant 0 : i32
      %dma_start3A_17 = tpu.memref_slice %arg5[%arg0, %mul3A_11, %dma_start3A] : memref<2x10000x128xf32, #tpu.memory_space<hbm>> -> memref<1x624x128xf32, #tpu.memory_space<hbm>>
      %dma_start3A_18 = tpu.memref_squeeze %dma_start3A_17 : memref<1x624x128xf32, #tpu.memory_space<hbm>> -> memref<624x128xf32, #tpu.memory_space<hbm>>
      %dma_start3A_19 = arith.constant 0 : i32
      %dma_start3A_20 = tpu.memref_slice %arg8[%mul3A_11, %dma_start3A_19] : memref<10000x128xf32, #tpu.memory_space<vmem_shared>> -> memref<624x128xf32, #tpu.memory_space<vmem_shared>>
      tpu.enqueue_dma source(%dma_start3A_20 : memref<624x128xf32, #tpu.memory_space<vmem_shared>>) target(%dma_start3A_18 : memref<624x128xf32, #tpu.memory_space<hbm>>) target_semaphore(%run_scoped3A : memref<!tpu.dma_semaphore, #tpu.memory_space<semaphore_mem>>)
      %dma_wait3A = arith.constant 0 : i32
      %dma_wait3A_21 = tpu.memref_slice %arg5[%arg0, %mul3A_11, %dma_wait3A] : memref<2x10000x128xf32, #tpu.memory_space<hbm>> -> memref<1x624x128xf32, #tpu.memory_space<hbm>>
      %dma_wait3A_22 = tpu.memref_squeeze %dma_wait3A_21 : memref<1x624x128xf32, #tpu.memory_space<hbm>> -> memref<624x128xf32, #tpu.memory_space<hbm>>
      %dma_wait3A_23 = arith.constant 0 : i32
      %dma_wait3A_24 = tpu.memref_slice %arg8[%mul3A_11, %dma_wait3A_23] : memref<10000x128xf32, #tpu.memory_space<vmem_shared>> -> memref<624x128xf32, #tpu.memory_space<vmem_shared>>
      tpu.wait_dma2 semaphore(%run_scoped3A : memref<!tpu.dma_semaphore, #tpu.memory_space<semaphore_mem>>) src(%dma_wait3A_24 : memref<624x128xf32, #tpu.memory_space<vmem_shared>>) dst(%dma_wait3A_22 : memref<624x128xf32, #tpu.memory_space<hbm>>)
      tpu.yield
    }) : () -> ()
    %eq3A_12 = arith.constant 15 : i32
    %eq3A_13 = arith.cmpi eq, %arg1, %eq3A_12 : i32
    %convert_element_type3A_14 = arith.extui %eq3A_13 : i1 to i32
    %cond3A_15 = arith.constant 0 : i32
    %cond3A_16 = arith.cmpi ne, %convert_element_type3A_14, %cond3A_15 : i32
    scf.if %cond3A_16 {
      "tpu.region"() ({
        %run_scoped3A = tpu.sem_alloc : memref<!tpu.dma_semaphore, #tpu.memory_space<semaphore_mem>>
        %dma_start3A = arith.constant 9984 : i32
        %dma_start3A_17 = arith.constant 0 : i32
        %dma_start3A_18 = tpu.memref_slice %arg5[%arg0, %dma_start3A, %dma_start3A_17] : memref<2x10000x128xf32, #tpu.memory_space<hbm>> -> memref<1x16x128xf32, #tpu.memory_space<hbm>>
        %dma_start3A_19 = tpu.memref_squeeze %dma_start3A_18 : memref<1x16x128xf32, #tpu.memory_space<hbm>> -> memref<16x128xf32, #tpu.memory_space<hbm>>
        %dma_start3A_20 = arith.constant 9984 : i32
        %dma_start3A_21 = arith.constant 0 : i32
        %dma_start3A_22 = tpu.memref_slice %arg8[%dma_start3A_20, %dma_start3A_21] : memref<10000x128xf32, #tpu.memory_space<vmem_shared>> -> memref<16x128xf32, #tpu.memory_space<vmem_shared>>
        tpu.enqueue_dma source(%dma_start3A_22 : memref<16x128xf32, #tpu.memory_space<vmem_shared>>) target(%dma_start3A_19 : memref<16x128xf32, #tpu.memory_space<hbm>>) target_semaphore(%run_scoped3A : memref<!tpu.dma_semaphore, #tpu.memory_space<semaphore_mem>>)
        %dma_wait3A = arith.constant 9984 : i32
        %dma_wait3A_23 = arith.constant 0 : i32
        %dma_wait3A_24 = tpu.memref_slice %arg5[%arg0, %dma_wait3A, %dma_wait3A_23] : memref<2x10000x128xf32, #tpu.memory_space<hbm>> -> memref<1x16x128xf32, #tpu.memory_space<hbm>>
        %dma_wait3A_25 = tpu.memref_squeeze %dma_wait3A_24 : memref<1x16x128xf32, #tpu.memory_space<hbm>> -> memref<16x128xf32, #tpu.memory_space<hbm>>
        %dma_wait3A_26 = arith.constant 9984 : i32
        %dma_wait3A_27 = arith.constant 0 : i32
        %dma_wait3A_28 = tpu.memref_slice %arg8[%dma_wait3A_26, %dma_wait3A_27] : memref<10000x128xf32, #tpu.memory_space<vmem_shared>> -> memref<16x128xf32, #tpu.memory_space<vmem_shared>>
        tpu.wait_dma2 semaphore(%run_scoped3A : memref<!tpu.dma_semaphore, #tpu.memory_space<semaphore_mem>>) src(%dma_wait3A_28 : memref<16x128xf32, #tpu.memory_space<vmem_shared>>) dst(%dma_wait3A_25 : memref<16x128xf32, #tpu.memory_space<hbm>>)
        tpu.yield
      }) : () -> ()
    } else {
    }
    return
  }
}

module attributes {stable_mosaic.version = 14 : i64} {
  func.func @_mlp_body(%arg0: i32, %arg1: memref<1xf32, #tpu.memory_space<smem>>, %arg2: memref<2000x128xf32, #tpu.memory_space<vmem>>, %arg3: memref<1x2000x128xf32, #tpu.memory_space<vmem>>, %arg4: memref<1x2000x128xf32, #tpu.memory_space<vmem>>, %arg5: memref<128x128xf32, #tpu.memory_space<vmem>>, %arg6: memref<128xf32, #tpu.memory_space<vmem>>, %arg7: memref<128x128xf32, #tpu.memory_space<vmem>>, %arg8: memref<128xf32, #tpu.memory_space<vmem>>, %arg9: memref<2000x128xf32, #tpu.memory_space<vmem>>) attributes {dimension_semantics = [#tpu.dimension_semantics<arbitrary>], iteration_bounds = array<i64: 5>, scalar_prefetch = 0 : i64, scratch_operands = 0 : i64, tpu.core_type = #tpu.core_type<tc>, window_params = [{transform_indices = @transform_0, window_bounds = array<i64: 1>}, {transform_indices = @transform_1, window_bounds = array<i64: 2000, 128>}, {transform_indices = @transform_2, window_bounds = array<i64: 1, 2000, 128>}, {transform_indices = @transform_3, window_bounds = array<i64: 1, 2000, 128>}, {pipeline_mode = #tpu.pipeline_mode<synchronous>, transform_indices = @transform_4, window_bounds = array<i64: 128, 128>}, {pipeline_mode = #tpu.pipeline_mode<synchronous>, transform_indices = @transform_5, window_bounds = array<i64: 128>}, {pipeline_mode = #tpu.pipeline_mode<synchronous>, transform_indices = @transform_6, window_bounds = array<i64: 128, 128>}, {pipeline_mode = #tpu.pipeline_mode<synchronous>, transform_indices = @transform_7, window_bounds = array<i64: 128>}, {transform_indices = @transform_8, window_bounds = array<i64: 2000, 128>}]} {
    %get3A = arith.constant 0 : index
    %get3A_0 = memref.load %arg1[%get3A] : memref<1xf32, #tpu.memory_space<smem>>
    %add3A = arith.constant 1.000000e+00 : f32
    %add3A_1 = arith.addf %add3A, %get3A_0 : f32
    %get3A_2 = arith.constant 0 : index
    %get3A_3 = arith.constant 0 : index
    %get3A_4 = vector.load %arg2[%get3A_2, %get3A_3] : memref<2000x128xf32, #tpu.memory_space<vmem>>, vector<2000x128xf32>
    %mul3A = vector.broadcast %add3A_1 : f32 to vector<2000x128xf32>
    %mul3A_5 = arith.mulf %mul3A, %get3A_4 : vector<2000x128xf32>
    %get3A_6 = arith.constant 0 : index
    %get3A_7 = arith.constant 0 : index
    %get3A_8 = arith.constant 0 : index
    %get3A_9 = vector.load %arg3[%get3A_6, %get3A_7, %get3A_8] : memref<1x2000x128xf32, #tpu.memory_space<vmem>>, vector<1x2000x128xf32>
    %get3A_10 = vector.shape_cast %get3A_9 : vector<1x2000x128xf32> to vector<2000x128xf32>
    %add3A_11 = arith.addf %mul3A_5, %get3A_10 : vector<2000x128xf32>
    %get3A_12 = arith.constant 0 : index
    %get3A_13 = arith.constant 0 : index
    %get3A_14 = arith.constant 0 : index
    %get3A_15 = vector.load %arg4[%get3A_12, %get3A_13, %get3A_14] : memref<1x2000x128xf32, #tpu.memory_space<vmem>>, vector<1x2000x128xf32>
    %get3A_16 = vector.shape_cast %get3A_15 : vector<1x2000x128xf32> to vector<2000x128xf32>
    %add3A_17 = arith.addf %add3A_11, %get3A_16 : vector<2000x128xf32>
    %get3A_18 = arith.constant 0 : index
    %get3A_19 = arith.constant 0 : index
    %get3A_20 = vector.load %arg5[%get3A_18, %get3A_19] : memref<128x128xf32, #tpu.memory_space<vmem>>, vector<128x128xf32>
    %dot_general3A = arith.constant dense<0.000000e+00> : vector<2000x128xf32>
    %dot_general3A_21 = tpu.matmul %add3A_17, %get3A_20, %dot_general3A {dimension_numbers = #tpu.dot_dimension_numbers<[1], [0], [0], [1], [0, 0, 1, 1], [], []>, transpose_lhs_hint = false} : vector<2000x128xf32>, vector<128x128xf32>, vector<2000x128xf32> -> vector<2000x128xf32>
    %get3A_22 = arith.constant 0 : index
    %get3A_23 = vector.load %arg6[%get3A_22] : memref<128xf32, #tpu.memory_space<vmem>>, vector<128xf32>
    %broadcast_in_dim3A = vector.shape_cast %get3A_23 : vector<128xf32> to vector<1x128xf32>
    %add3A_24 = vector.broadcast %broadcast_in_dim3A : vector<1x128xf32> to vector<2000x128xf32>
    %add3A_25 = arith.addf %dot_general3A_21, %add3A_24 : vector<2000x128xf32>
    %max3A = arith.constant 0.000000e+00 : f32
    %max3A_26 = vector.broadcast %max3A : f32 to vector<2000x128xf32>
    %max3A_27 = arith.maximumf %add3A_25, %max3A_26 : vector<2000x128xf32>
    %get3A_28 = arith.constant 0 : index
    %get3A_29 = arith.constant 0 : index
    %get3A_30 = vector.load %arg7[%get3A_28, %get3A_29] : memref<128x128xf32, #tpu.memory_space<vmem>>, vector<128x128xf32>
    %dot_general3A_31 = arith.constant dense<0.000000e+00> : vector<2000x128xf32>
    %dot_general3A_32 = tpu.matmul %max3A_27, %get3A_30, %dot_general3A_31 {dimension_numbers = #tpu.dot_dimension_numbers<[1], [0], [0], [1], [0, 0, 1, 1], [], []>, transpose_lhs_hint = false} : vector<2000x128xf32>, vector<128x128xf32>, vector<2000x128xf32> -> vector<2000x128xf32>
    %get3A_33 = arith.constant 0 : index
    %get3A_34 = vector.load %arg8[%get3A_33] : memref<128xf32, #tpu.memory_space<vmem>>, vector<128xf32>
    %broadcast_in_dim3A_35 = vector.shape_cast %get3A_34 : vector<128xf32> to vector<1x128xf32>
    %add3A_36 = vector.broadcast %broadcast_in_dim3A_35 : vector<1x128xf32> to vector<2000x128xf32>
    %add3A_37 = arith.addf %dot_general3A_32, %add3A_36 : vector<2000x128xf32>
    %max3A_38 = arith.constant 0.000000e+00 : f32
    %max3A_39 = vector.broadcast %max3A_38 : f32 to vector<2000x128xf32>
    %max3A_40 = arith.maximumf %add3A_37, %max3A_39 : vector<2000x128xf32>
    %swap3A = arith.constant 0 : index
    %swap3A_41 = arith.constant 0 : index
    %swap3A_42 = vector.load %arg9[%swap3A, %swap3A_41] : memref<2000x128xf32, #tpu.memory_space<vmem>>, vector<2000x128xf32>
    tpu.vector_store %arg9[%swap3A, %swap3A_41], %max3A_40 {strides = array<i32>} : memref<2000x128xf32, #tpu.memory_space<vmem>>, vector<2000x128xf32>,
    return
  }
  func.func @transform_0(%arg0: i32) -> i32 {
    %c0_i32 = arith.constant 0 : i32
    %c0_i32_0 = arith.constant 0 : i32
    return %c0_i32 : i32
  }
  func.func @transform_1(%arg0: i32) -> (i32, i32) {
    %c0_i32 = arith.constant 0 : i32
    %c0_i32_0 = arith.constant 0 : i32
    return %arg0, %c0_i32 : i32, i32
  }
  func.func @transform_2(%arg0: i32) -> (i32, i32, i32) {
    %c0_i32 = arith.constant 0 : i32
    %c0_i32_0 = arith.constant 0 : i32
    %c0_i32_1 = arith.constant 0 : i32
    return %c0_i32, %arg0, %c0_i32_0 : i32, i32, i32
  }
  func.func @transform_3(%arg0: i32) -> (i32, i32, i32) {
    %c1_i32 = arith.constant 1 : i32
    %c0_i32 = arith.constant 0 : i32
    %c0_i32_0 = arith.constant 0 : i32
    return %c1_i32, %arg0, %c0_i32 : i32, i32, i32
  }
  func.func @transform_4(%arg0: i32) -> (i32, i32) {
    %c0_i32 = arith.constant 0 : i32
    %c0_i32_0 = arith.constant 0 : i32
    %c0_i32_1 = arith.constant 0 : i32
    return %c0_i32, %c0_i32_0 : i32, i32
  }
  func.func @transform_5(%arg0: i32) -> i32 {
    %c0_i32 = arith.constant 0 : i32
    %c0_i32_0 = arith.constant 0 : i32
    return %c0_i32 : i32
  }
  func.func @transform_6(%arg0: i32) -> (i32, i32) {
    %c0_i32 = arith.constant 0 : i32
    %c0_i32_0 = arith.constant 0 : i32
    %c0_i32_1 = arith.constant 0 : i32
    return %c0_i32, %c0_i32_0 : i32, i32
  }
  func.func @transform_7(%arg0: i32) -> i32 {
    %c0_i32 = arith.constant 0 : i32
    %c0_i32_0 = arith.constant 0 : i32
    return %c0_i32 : i32
  }
  func.func @transform_8(%arg0: i32) -> (i32, i32) {
    %c0_i32 = arith.constant 0 : i32
    %c0_i32_0 = arith.constant 0 : i32
    return %arg0, %c0_i32 : i32, i32
  }
}

module attributes {stable_mosaic.version = 14 : i64} {
  func.func @_head_body(%arg0: i32, %arg1: memref<1xf32, #tpu.memory_space<smem>>, %arg2: memref<2000x128xf32, #tpu.memory_space<vmem>>, %arg3: memref<1x2000x128xf32, #tpu.memory_space<vmem>>, %arg4: memref<1x2000x128xf32, #tpu.memory_space<vmem>>, %arg5: memref<128x128xf32, #tpu.memory_space<vmem>>, %arg6: memref<128xf32, #tpu.memory_space<vmem>>, %arg7: memref<128x128xf32, #tpu.memory_space<vmem>>, %arg8: memref<128xf32, #tpu.memory_space<vmem>>, %arg9: memref<128x1xf32, #tpu.memory_space<vmem>>, %arg10: memref<1xf32, #tpu.memory_space<vmem>>, %arg11: memref<2000x1xf32, #tpu.memory_space<vmem>>) attributes {dimension_semantics = [#tpu.dimension_semantics<arbitrary>], iteration_bounds = array<i64: 5>, scalar_prefetch = 0 : i64, scratch_operands = 0 : i64, tpu.core_type = #tpu.core_type<tc>, window_params = [{transform_indices = @transform_0, window_bounds = array<i64: 1>}, {transform_indices = @transform_1, window_bounds = array<i64: 2000, 128>}, {transform_indices = @transform_2, window_bounds = array<i64: 1, 2000, 128>}, {transform_indices = @transform_3, window_bounds = array<i64: 1, 2000, 128>}, {pipeline_mode = #tpu.pipeline_mode<synchronous>, transform_indices = @transform_4, window_bounds = array<i64: 128, 128>}, {pipeline_mode = #tpu.pipeline_mode<synchronous>, transform_indices = @transform_5, window_bounds = array<i64: 128>}, {pipeline_mode = #tpu.pipeline_mode<synchronous>, transform_indices = @transform_6, window_bounds = array<i64: 128, 128>}, {pipeline_mode = #tpu.pipeline_mode<synchronous>, transform_indices = @transform_7, window_bounds = array<i64: 128>}, {pipeline_mode = #tpu.pipeline_mode<synchronous>, transform_indices = @transform_8, window_bounds = array<i64: 128, 1>}, {pipeline_mode = #tpu.pipeline_mode<synchronous>, transform_indices = @transform_9, window_bounds = array<i64: 1>}, {transform_indices = @transform_10, window_bounds = array<i64: 2000, 1>}]} {
    %get3A = arith.constant 0 : index
    %get3A_0 = memref.load %arg1[%get3A] : memref<1xf32, #tpu.memory_space<smem>>
    %add3A = arith.constant 1.000000e+00 : f32
    %add3A_1 = arith.addf %add3A, %get3A_0 : f32
    %get3A_2 = arith.constant 0 : index
    %get3A_3 = arith.constant 0 : index
    %get3A_4 = vector.load %arg2[%get3A_2, %get3A_3] : memref<2000x128xf32, #tpu.memory_space<vmem>>, vector<2000x128xf32>
    %mul3A = vector.broadcast %add3A_1 : f32 to vector<2000x128xf32>
    %mul3A_5 = arith.mulf %mul3A, %get3A_4 : vector<2000x128xf32>
    %get3A_6 = arith.constant 0 : index
    %get3A_7 = arith.constant 0 : index
    %get3A_8 = arith.constant 0 : index
    %get3A_9 = vector.load %arg3[%get3A_6, %get3A_7, %get3A_8] : memref<1x2000x128xf32, #tpu.memory_space<vmem>>, vector<1x2000x128xf32>
    %get3A_10 = vector.shape_cast %get3A_9 : vector<1x2000x128xf32> to vector<2000x128xf32>
    %add3A_11 = arith.addf %mul3A_5, %get3A_10 : vector<2000x128xf32>
    %get3A_12 = arith.constant 0 : index
    %get3A_13 = arith.constant 0 : index
    %get3A_14 = arith.constant 0 : index
    %get3A_15 = vector.load %arg4[%get3A_12, %get3A_13, %get3A_14] : memref<1x2000x128xf32, #tpu.memory_space<vmem>>, vector<1x2000x128xf32>
    %get3A_16 = vector.shape_cast %get3A_15 : vector<1x2000x128xf32> to vector<2000x128xf32>
    %add3A_17 = arith.addf %add3A_11, %get3A_16 : vector<2000x128xf32>
    %get3A_18 = arith.constant 0 : index
    %get3A_19 = arith.constant 0 : index
    %get3A_20 = vector.load %arg5[%get3A_18, %get3A_19] : memref<128x128xf32, #tpu.memory_space<vmem>>, vector<128x128xf32>
    %dot_general3A = arith.constant dense<0.000000e+00> : vector<2000x128xf32>
    %dot_general3A_21 = tpu.matmul %add3A_17, %get3A_20, %dot_general3A {dimension_numbers = #tpu.dot_dimension_numbers<[1], [0], [0], [1], [0, 0, 1, 1], [], []>, transpose_lhs_hint = false} : vector<2000x128xf32>, vector<128x128xf32>, vector<2000x128xf32> -> vector<2000x128xf32>
    %get3A_22 = arith.constant 0 : index
    %get3A_23 = vector.load %arg6[%get3A_22] : memref<128xf32, #tpu.memory_space<vmem>>, vector<128xf32>
    %broadcast_in_dim3A = vector.shape_cast %get3A_23 : vector<128xf32> to vector<1x128xf32>
    %add3A_24 = vector.broadcast %broadcast_in_dim3A : vector<1x128xf32> to vector<2000x128xf32>
    %add3A_25 = arith.addf %dot_general3A_21, %add3A_24 : vector<2000x128xf32>
    %max3A = arith.constant 0.000000e+00 : f32
    %max3A_26 = vector.broadcast %max3A : f32 to vector<2000x128xf32>
    %max3A_27 = arith.maximumf %add3A_25, %max3A_26 : vector<2000x128xf32>
    %get3A_28 = arith.constant 0 : index
    %get3A_29 = arith.constant 0 : index
    %get3A_30 = vector.load %arg7[%get3A_28, %get3A_29] : memref<128x128xf32, #tpu.memory_space<vmem>>, vector<128x128xf32>
    %dot_general3A_31 = arith.constant dense<0.000000e+00> : vector<2000x128xf32>
    %dot_general3A_32 = tpu.matmul %max3A_27, %get3A_30, %dot_general3A_31 {dimension_numbers = #tpu.dot_dimension_numbers<[1], [0], [0], [1], [0, 0, 1, 1], [], []>, transpose_lhs_hint = false} : vector<2000x128xf32>, vector<128x128xf32>, vector<2000x128xf32> -> vector<2000x128xf32>
    %get3A_33 = arith.constant 0 : index
    %get3A_34 = vector.load %arg8[%get3A_33] : memref<128xf32, #tpu.memory_space<vmem>>, vector<128xf32>
    %broadcast_in_dim3A_35 = vector.shape_cast %get3A_34 : vector<128xf32> to vector<1x128xf32>
    %add3A_36 = vector.broadcast %broadcast_in_dim3A_35 : vector<1x128xf32> to vector<2000x128xf32>
    %add3A_37 = arith.addf %dot_general3A_32, %add3A_36 : vector<2000x128xf32>
    %max3A_38 = arith.constant 0.000000e+00 : f32
    %max3A_39 = vector.broadcast %max3A_38 : f32 to vector<2000x128xf32>
    %max3A_40 = arith.maximumf %add3A_37, %max3A_39 : vector<2000x128xf32>
    %get3A_41 = arith.constant 0 : index
    %get3A_42 = arith.constant 0 : index
    %get3A_43 = vector.load %arg9[%get3A_41, %get3A_42] : memref<128x1xf32, #tpu.memory_space<vmem>>, vector<128x1xf32>
    %dot_general3A_44 = arith.constant dense<0.000000e+00> : vector<2000x1xf32>
    %dot_general3A_45 = tpu.matmul %max3A_40, %get3A_43, %dot_general3A_44 {dimension_numbers = #tpu.dot_dimension_numbers<[1], [0], [0], [1], [0, 0, 1, 1], [], []>, transpose_lhs_hint = false} : vector<2000x128xf32>, vector<128x1xf32>, vector<2000x1xf32> -> vector<2000x1xf32>
    %get3A_46 = arith.constant 0 : index
    %get3A_47 = vector.load %arg10[%get3A_46] : memref<1xf32, #tpu.memory_space<vmem>>, vector<1xf32>
    %broadcast_in_dim3A_48 = vector.shape_cast %get3A_47 : vector<1xf32> to vector<1x1xf32>
    %add3A_49 = vector.broadcast %broadcast_in_dim3A_48 : vector<1x1xf32> to vector<2000x1xf32>
    %add3A_50 = arith.addf %dot_general3A_45, %add3A_49 : vector<2000x1xf32>
    %logistic3A = arith.negf %add3A_50 : vector<2000x1xf32>
    %logistic3A_51 = math.exp %logistic3A : vector<2000x1xf32>
    %logistic3A_52 = arith.constant 1.000000e+00 : f32
    %logistic3A_53 = vector.broadcast %logistic3A_52 : f32 to vector<2000x1xf32>
    %logistic3A_54 = arith.addf %logistic3A_53, %logistic3A_51 : vector<2000x1xf32>
    %logistic3A_55 = arith.divf %logistic3A_53, %logistic3A_54 : vector<2000x1xf32>
    %swap3A = arith.constant 0 : index
    %swap3A_56 = arith.constant 0 : index
    %swap3A_57 = vector.load %arg11[%swap3A, %swap3A_56] : memref<2000x1xf32, #tpu.memory_space<vmem>>, vector<2000x1xf32>
    tpu.vector_store %arg11[%swap3A, %swap3A_56], %logistic3A_55 {strides = array<i32>} : memref<2000x1xf32, #tpu.memory_space<vmem>>, vector<2000x1xf32>,
    return
  }
  func.func @transform_0(%arg0: i32) -> i32 {
    %c0_i32 = arith.constant 0 : i32
    %c0_i32_0 = arith.constant 0 : i32
    return %c0_i32 : i32
  }
  func.func @transform_1(%arg0: i32) -> (i32, i32) {
    %c0_i32 = arith.constant 0 : i32
    %c0_i32_0 = arith.constant 0 : i32
    return %arg0, %c0_i32 : i32, i32
  }
  func.func @transform_2(%arg0: i32) -> (i32, i32, i32) {
    %c0_i32 = arith.constant 0 : i32
    %c0_i32_0 = arith.constant 0 : i32
    %c0_i32_1 = arith.constant 0 : i32
    return %c0_i32, %arg0, %c0_i32_0 : i32, i32, i32
  }
  func.func @transform_3(%arg0: i32) -> (i32, i32, i32) {
    %c1_i32 = arith.constant 1 : i32
    %c0_i32 = arith.constant 0 : i32
    %c0_i32_0 = arith.constant 0 : i32
    return %c1_i32, %arg0, %c0_i32 : i32, i32, i32
  }
  func.func @transform_4(%arg0: i32) -> (i32, i32) {
    %c0_i32 = arith.constant 0 : i32
    %c0_i32_0 = arith.constant 0 : i32
    %c0_i32_1 = arith.constant 0 : i32
    return %c0_i32, %c0_i32_0 : i32, i32
  }
  func.func @transform_5(%arg0: i32) -> i32 {
    %c0_i32 = arith.constant 0 : i32
    %c0_i32_0 = arith.constant 0 : i32
    return %c0_i32 : i32
  }
  func.func @transform_6(%arg0: i32) -> (i32, i32) {
    %c0_i32 = arith.constant 0 : i32
    %c0_i32_0 = arith.constant 0 : i32
    %c0_i32_1 = arith.constant 0 : i32
    return %c0_i32, %c0_i32_0 : i32, i32
  }
  func.func @transform_7(%arg0: i32) -> i32 {
    %c0_i32 = arith.constant 0 : i32
    %c0_i32_0 = arith.constant 0 : i32
    return %c0_i32 : i32
  }
  func.func @transform_8(%arg0: i32) -> (i32, i32) {
    %c0_i32 = arith.constant 0 : i32
    %c0_i32_0 = arith.constant 0 : i32
    %c0_i32_1 = arith.constant 0 : i32
    return %c0_i32, %c0_i32_0 : i32, i32
  }
  func.func @transform_9(%arg0: i32) -> i32 {
    %c0_i32 = arith.constant 0 : i32
    %c0_i32_0 = arith.constant 0 : i32
    return %c0_i32 : i32
  }
  func.func @transform_10(%arg0: i32) -> (i32, i32) {
    %c0_i32 = arith.constant 0 : i32
    %c0_i32_0 = arith.constant 0 : i32
    return %arg0, %c0_i32 : i32, i32
  }
}

</mosaic_0001>

<sc_bundles>
// kernel: kernel.6.cloned.1.call-start
scs
__scs_entry_jumppad:
0x0: {  	(pc) =	sbr.rel $0x88, $3  }
0x1: {  	(tag) =	ssettag $0x0;
	lr =	simm.s32 $0x1  }
0x2: {  	[smem:$0x3F93] =	sst lr;
	_ =	strace $0xD0000000  }
0x3: {  	_ = 	snop  }
0x4: {  	_ = 	snop  }
0x5: {  	_ = 	snop  }
0x6: {  	_ = 	snop  }
0x7: {  	_ = 	snop  }
__scs_overlays_trampoline_lowered:
0x8: {  	[smem:$0x3FA2] =	sst s0  }
0x9: {  	[smem:$0x3FA3] =	sst s1  }
0xa: {  	[smem:$0x3FA4] =	sst s2  }
0xb: {  	[smem:$0x3FA5] =	sst s3  }
0xc: {  	[smem:$0x3FA6] =	sst s4  }
0xd: {  	[smem:$0x3FA7] =	sst s5  }
0xe: {  	[smem:$0x3FA8] =	sst s6  }
0xf: {  	[smem:$0x3FA9] =	sst s7  }
0x10: {  	[smem:$0x3FAA] =	sst s8  }
0x11: {  	[smem:$0x3FAB] =	sst s9;
	s0 =	simm.s32 @!p0 $0x0  }
0x12: {  	s1 =	sld [smem:$0x3F91];
	s0 =	simm.s32 @p0 $0x1  }
0x13: {  	[smem:$0x3FAC] =	sst s0;
	s0 =	simm.s32 @!p1 $0x0  }
0x14: {  	s2 =	sld [smem:$0x3F90];
	s0 =	simm.s32 @p1 $0x1  }
0x15: {  	[smem:$0x3FAD] =	sst s0;
	s0 =	simm.s32 @!p2 $0x0  }
0x16: {  	s3 =	sld [smem:$0x3FDB];
	s0 =	simm.s32 @p2 $0x1  }
0x17: {  	s4 =	simm.s32 $0x1BF5;
	[smem:$0x3FAF] =	sst s0  }
0x18: {  	s0 =	sld [smem:$0x3F92];
	_ =	swait.ge [sflag:s4], $0x0  }
0x19: {  	s7 =	sld [smem:$0x3F93]  }
0x1a: {  	s8 =	sadd.s32 $0xFFFFE003, lr  }
0x1b: {  	s9 =	sadd.s32 $0xFFFFFEF7, lr;
	s5 =	simm.s32 $0xFFFFFFFF;
	p2 =	slt.u32 s8, $0xFFFFF086  }
0x1c: {  	p1 =	slt.u32 s9, $0xF7A;
	s5 =	simm.s32 @!p2 $0x0  }
0x1d: {  	s5 =	simm.s32 @p1 $0x1;
	p0 =	seq.s32 s7, s2  }
0x1e: {  	s7 =	smul.u32 @!p0 $0xF7A, s2;
	p2 =	seq.s32 @!p0 s5, $0x0  }
0x1f: {  	s9 =	smul.u32 $0xF7A, s1;
	s8 =	simm.s32 @!p0 $0x1BF5;
	p2 =	por !p2, p0  }
0x20: {  	[sflag:s8] =	ssyncset.s32 @!p0 $0xFFFFF086;
	s6 =	sadd.s32 @!p0 s3, s7;
	s7 =	simm.s32 @!p0 $0x108  }
0x21: {  	s3 =	sadd.s32 s3, s9;
	s6 =	sadd.s32 @!p0 $0x88, s6;
	s7 =	simm.s32 @p2 $0x1082  }
0x22: {  	[simem:s7], [sflag:s8] =	dma.local @!p0 [hbm:s6], $0xF7A  }
0x23: {  	s9 =	sor.u32 $0xD0000000, s2;
	s6 =	simm.s32 $0x108;
	_ =	swait.ge @!p0 [sflag:s8], $0x0  }
0x24: {  	s3 =	sadd.s32 $0x88, s3;
	s6 =	simm.s32 @!p1 $0x1082;
	[sflag:s4] =	ssyncset.s32 $0xFFFFF086  }
0x25: {  	[simem:s6], [sflag:s4] =	dma.local [hbm:s3], $0xF7A  }
0x26: {  	[smem:$0x3F93] =	sst s1;
	(tag) =	ssettag s2;
	_ =	strace s9  }
0x27: {  	s1 =	sld [smem:$0x3FA3]  }
0x28: {  	s2 =	sld [smem:$0x3FA4]  }
0x29: {  	s4 =	sld [smem:$0x3FA6]  }
0x2a: {  	p0 =	seq.s32 s5, $0x0;
	s5 =	sld [smem:$0x3FA7]  }
0x2b: {  	s6 =	sld [smem:$0x3FA8]  }
0x2c: {  	s7 =	sld [smem:$0x3FA9]  }
0x2d: {  	s3 =	simm.s32 $0x108;
	s8 =	sld [smem:$0x3FAA]  }
0x2e: {  	s3 =	simm.s32 @!p0 $0x1082;
	s9 =	sld [smem:$0x3FAB]  }
0x2f: {  	lr =	sadd.s32 s0, s3;
	s0 =	sld [smem:$0x3FA2]  }
0x30: {  	s3 =	sld [smem:$0x3FA5]  }
0x31: {  	[smem:$0x3FAE] =	sst s10  }
0x32: {  	s10 =	sld [smem:$0x3FAC];
	_ =	sdelay $0x3  }
0x33: {  	p0 =	seq.s32 s10, $0x1;
	s10 =	sld [smem:$0x3FAE];
	_ =	sdelay $0x3  }
0x34: {  	[smem:$0x3FAE] =	sst s10  }
0x35: {  	s10 =	sld [smem:$0x3FAD];
	_ =	sdelay $0x3  }
0x36: {  	p1 =	seq.s32 s10, $0x1;
	s10 =	sld [smem:$0x3FAE];
	_ =	sdelay $0x3  }
0x37: {  	[smem:$0x3FAE] =	sst s10  }
0x38: {  	s10 =	sld [smem:$0x3FAF]  }
0x39: {  	_ = 	snop;
	(pc) =	sbr.ind lr, $3  }
0x3a: {  	_ = 	snop  }
0x3b: {  	_ = 	snop  }
0x3c: {  	p2 =	seq.s32 s10, $0x1;
	s10 =	sld [smem:$0x3FAE]  }
0x3d: {  	_ =	shalt  }
0x3e: {  	_ =	shalt  }
0x3f: {  	_ =	shalt  }
0x40: {  	_ =	shalt  }
0x41: {  	_ =	shalt  }
0x42: {  	_ =	shalt  }
0x43: {  	_ =	shalt  }
0x44: {  	_ =	shalt  }
0x45: {  	_ =	shalt  }
0x46: {  	_ =	shalt  }
0x47: {  	_ =	shalt  }
0x48: {  	_ =	shalt  }
0x49: {  	_ =	shalt  }
0x4a: {  	_ =	shalt  }
0x4b: {  	_ =	shalt  }
0x4c: {  	_ =	shalt  }
0x4d: {  	_ =	shalt  }
0x4e: {  	_ =	shalt  }
0x4f: {  	_ =	shalt  }
0x50: {  	_ =	shalt  }
0x51: {  	_ =	shalt  }
0x52: {  	_ =	shalt  }
0x53: {  	_ =	shalt  }
0x54: {  	_ =	shalt  }
0x55: {  	_ =	shalt  }
0x56: {  	_ =	shalt  }
0x57: {  	_ =	shalt  }
0x58: {  	_ =	shalt  }
0x59: {  	_ =	shalt  }
0x5a: {  	_ =	shalt  }
0x5b: {  	_ =	shalt  }
0x5c: {  	_ =	shalt  }
0x5d: {  	_ =	shalt  }
0x5e: {  	_ =	shalt  }
0x5f: {  	_ =	shalt  }
0x60: {  	_ =	shalt  }
0x61: {  	_ =	shalt  }
0x62: {  	_ =	shalt  }
0x63: {  	_ =	shalt  }
0x64: {  	_ =	shalt  }
0x65: {  	_ =	shalt  }
0x66: {  	_ =	shalt  }
0x67: {  	_ =	shalt  }
0x68: {  	_ =	shalt  }
0x69: {  	_ =	shalt  }
0x6a: {  	_ =	shalt  }
0x6b: {  	_ =	shalt  }
0x6c: {  	_ =	shalt  }
0x6d: {  	_ =	shalt  }
0x6e: {  	_ =	shalt  }
0x6f: {  	_ =	shalt  }
0x70: {  	_ =	shalt  }
0x71: {  	_ =	shalt  }
0x72: {  	_ =	shalt  }
0x73: {  	_ =	shalt  }
0x74: {  	_ =	shalt  }
0x75: {  	_ =	shalt  }
0x76: {  	_ =	shalt  }
0x77: {  	_ =	shalt  }
0x78: {  	_ =	shalt  }
0x79: {  	_ =	shalt  }
0x7a: {  	_ =	shalt  }
0x7b: {  	_ =	shalt  }
0x7c: {  	_ =	shalt  }
0x7d: {  	_ =	shalt  }
0x7e: {  	_ =	shalt  }
0x7f: {  	_ =	shalt  }
0x80: {  	_ =	shalt  }
0x81: {  	_ =	shalt  }
0x82: {  	_ =	shalt  }
0x83: {  	_ =	shalt  }
0x84: {  	_ =	shalt  }
0x85: {  	_ =	shalt  }
0x86: {  	_ =	shalt  }
0x87: {  	_ =	shalt  }
.Lfunc_end0:
.L_simem_size_0:
called_computation_lowered:
.L_overlay_start_0:
0x88: {  	s2 =	sld [smem:$0x3FD9]  }
0x89: {  	s3 =	sld [smem:$0x3FFE];
	_ =	sdelay $0x1  }
0x8a: {  	s1 =	srdreg.scid  }
0x8b: {  	s0 =	sand.u32 $0x1, s1  }
0x8c: {  	s17 =	sshll.u32 s0, $0xA;
	s2 =	sadd.s32 s3, s2  }
0x8d: {  	s2 =	sadd.s32 s2, s17  }
0x8e: {  	[smem:$0x3FBA] =	sst s2  }
0x8f: {  	_ = 	snop  }
0x90: {  	s2 =	sld [smem:$0x3FC9];
	(tm) =	ssettm $0x1  }
0x91: {  	s18 =	sld [smem:$0x3FFB];
	_ =	sdelay $0x3  }
0x92: {  	_ =	strace s18  }
0x93: {  	s3 =	sld [smem:$0x3FFC];
	_ =	sdelay $0x3  }
0x94: {  	_ =	strace s3  }
0x95: {  	s3 =	sld [smem:$0x3FFD];
	_ =	sdelay $0x3  }
0x96: {  	_ =	strace s3  }
0x97: {  	_ =	strace $0x8FFFFFFF  }
0x98: {  	s19 =	sld [smem:$0x3FDB];
	_ =	sdelay $0x1  }
0x99: {  	s4 =	simm.s32 $_scs_section_size  }
0x9a: {  	s5 =	simm.s32 $_size__tile_overlayer_lowered;
	s6 =	simm.s32 $_tile_overlayer_lowered  }
0x9b: {  	s22 =	simm.s32 $0x1BFF;
	s21 =	sshll.u32 s6, $0x1;
	s3 =	sadd.s32 s4, s19  }
0x9c: {  	s7 =	simm.s32 $0x0;
	s20 =	sshll.u32 s5, $0x1;
	s5 =	sadd.s32 s21, s3  }
0x9d: {  	[timem:s7], [sflag:s22] =	dma.local [hbm:s5], s20  }
0x9e: {  	_ =	swait.ge [sflag:s22], s20  }
0x9f: {  	s4 =	ssub.s32 $0x0, s20;
	[sflag:s22] =	ssyncset.done $0x0  }
0xa0: {  	[sflag:s22] =	ssyncadd.s32 s4;
	_ =	sdelay $0x1  }
0xa1: {  	s23 =	simm.s32 $0x1B8B  }
0xa2: {  	_ =	swait.ge [sflag:s23], $0x1  }
0xa3: {  	[sflag:s23] =	ssyncset.done $0x0  }
0xa4: {  	s25 =	simm.s32 $0x1B8E;
	s24 =	sld [smem:$0x3FFE];
	[sflag:s23] =	ssyncadd.s32 $0xFFFFFFFF  }
0xa5: {  	s26 =	simm.s32 $execute0_lowered;
	[smem:$0x3FD2] =	sst s25  }
0xa6: {  	s5 =	sshll.u32 s26, $0x1;
	_ =	strace $0x80000046;
	[dreg:$0x1] =	wrdreg $0xFFFFFFFF  }
0xa7: {  	s28 =	simm.s32 $_size_execute0_lowered;
	s3 =	sadd.s32 s3, s5;
	[dreg:$0x0] =	wrdreg $0x0  }
0xa8: {  	s5 =	sshll.u32 s28, $0x1;
	[dreg:$0x2] =	wrdreg s3  }
0xa9: {  	[dreg:$0x3] =	wrdreg s5  }
0xaa: {  	[dreg:$0x4] =	wrdreg $0xC0  }
0xab: {  	_ =	task [dreg:s7], $0x5FFFF  }
0xac: {  	[dreg:$0x1] =	wrdreg $0xFFFFFFFF  }
0xad: {  	[dreg:$0x0] =	wrdreg $0x60  }
0xae: {  	[dreg:$0x2] =	wrdreg s2  }
0xaf: {  	[dreg:$0x3] =	wrdreg s24  }
0xb0: {  	[dreg:$0x4] =	wrdreg $0x98000  }
0xb1: {  	[dreg:$0x5] =	wrdreg $0x9  }
0xb2: {  	_ =	task.clear_ibuf [dreg:s7], $0x6FFFF;
	_ =	strace $0x90000046  }
0xb3: {  	s29 =	simm.s32 $0x9;
	_ =	strace $0x80000048  }
0xb4: {  	_ =	swait.ge [sflag:s29], $0x1  }
0xb5: {  	[sflag:s29] =	ssyncadd.s32 $0xFFFFFFFF  }
0xb6: {  	_ =	strace $0x90000048  }
0xb7: {  	_ =	sfence  }
0xb8: {  	s30 =	sld [smem:$0x0];
	_ =	sdelay $0x2  }
0xb9: {  	s31 =	sshll.u32 s1, $0xD;
	s1 =	sshrl.u32 s1, $0x2  }
0xba: {  	s3 =	sand.u32 $0x4000, s31;
	s1 =	sadd.s32 s1, s30  }
0xbb: {  	s0 =	sor.u32 s3, s0;
	s1 =	sshll.u32 s1, $0x11  }
0xbc: {  	s0 =	sor.u32 s1, s0  }
0xbd: {  	s0 =	sadd.s32 $0x8F2B, s0  }
0xbe: {  	[sflag:s0] =	ssyncadd.remote.s32 $0x1  }
0xbf: {  	_ =	sfence.sel $0xFFFF  }
0xc0: {  	[dreg:$0x0] =	wrdreg $0xFFFFFFFF;
	(pc) =	sbr.abs _section_cstart, $3  }
0xc1: {  	[dreg:$0x1] =	wrdreg $0xFFFFFFFF  }
0xc2: {  	_ =	task.clear_ibuf [dreg:s7], $0x2FFFF;
	_ =	strace $0x9FFFFFFF  }
0xc3: {  	(tm) =	ssettm $0x7FFFFFFF  }
tec
execute0_lowered:
.L_overlay_start_1:
0x0: {  	(tag) =	ssettag $0x1  }
0x1: {  	s0 =	srdreg.scid;
	s10 =	stileid.u32  }
0x2: {  	s0 =	sand.u32 $0x1, s0;
	s4 =	smul.u32 $0xA000, s10  }
0x3: {  	s2 =	rddreg [dreg:$0x0];
	s1 =	smul.u32 $0xA0000, s0  }
0x4: {  	s5 =	rddreg [dreg:$0x1]  }
0x5: {  	s3 =	rddreg [dreg:$0x2];
	s1 =	sadd.s32 s4, s1;
	s4 =	simm.s32 $0x0  }
0x6: {  	s20 =	simm.s32 $0x80;
	[smem:$0x7FF] =	sst s4  }
0x7: {  	s6 =	sadd.s32 $0x2AA00, s5;
	_ =	strace $0x80000047;
	[dreg:$0x5] =	wrdreg s20  }
0x8: {  	s21 =	simm.s32 $0x100;
	[smem:$0x7ED] =	sst s6  }
0x9: {  	s22 =	simm.s32 $0x1080;
	[dreg:$0x6] =	wrdreg s21  }
0xa: {  	s23 =	simm.s32 $0x180;
	[dreg:$0x7] =	wrdreg s22  }
0xb: {  	s25 =	simm.s32 $0x1100;
	s26 =	simm.s32 $0x200;
	[dreg:$0x8] =	wrdreg s23  }
0xc: {  	s9 =	simm.s32 $0x1180;
	s11 =	simm.s32 $0x280;
	[dreg:$0x9] =	wrdreg s25  }
0xd: {  	s13 =	simm.s32 $0x1200;
	s14 =	simm.s32 $0x300;
	[dreg:$0xa] =	wrdreg s26  }
0xe: {  	s16 =	simm.s32 $0x1280;
	s17 =	simm.s32 $0x380;
	[dreg:$0xb] =	wrdreg s9  }
0xf: {  	s18 =	simm.s32 $0x1300;
	s28 =	simm.s32 $0xA80;
	[dreg:$0xc] =	wrdreg s11  }
0x10: {  	s29 =	simm.s32 $0x1A00;
	s8 =	smul.u32 $0x4E000, s10;
	[dreg:$0xd] =	wrdreg s13  }
0x11: {  	s30 =	simm.s32 $0xB00;
	s19 =	smul.u32 $0x13800, s10;
	[dreg:$0xe] =	wrdreg s14  }
0x12: {  	s24 =	ssub.s32 $0x2, s0;
	s0 =	smul.u32 $0x138800, s0;
	[dreg:$0xf] =	wrdreg s16  }
0x13: {  	s31 =	simm.s32 $0x1A80;
	s12 =	sshrl.u32 s8, $0x2;
	[dreg:$0x10] =	wrdreg s17  }
0x14: {  	s8 =	sadd.s32 s19, s0;
	s19 =	simm.s32 $0x1700;
	[dreg:$0x11] =	wrdreg s18  }
0x15: {  	s15 =	sshll.u32 s10, $0x6;
	s20 =	simm.s32 $0x400;
	[smem:$0x7F2] =	sst s19  }
0x16: {  	p0 =	sne.s32 s10, $0xF;
	s21 =	simm.s32 $0x1380;
	[dreg:$0x12] =	wrdreg s20  }
0x17: {  	s7 =	sshrl.u32 s24, $0x1;
	s22 =	simm.s32 $0x480;
	[dreg:$0x13] =	wrdreg s21  }
0x18: {  	s0 =	sshrl.u32 s0, $0x3;
	s23 =	simm.s32 $0x1400;
	[dreg:$0x14] =	wrdreg s22  }
0x19: {  	s6 =	ssub.s32 s24, s7;
	s24 =	simm.s32 $0x500;
	[dreg:$0x15] =	wrdreg s23  }
0x1a: {  	s1 =	sshrl.u32 s1, $0x3;
	s25 =	simm.s32 $0x1480;
	[dreg:$0x16] =	wrdreg s24  }
0x1b: {  	s8 =	sshrl.u32 s8, $0x3;
	s26 =	simm.s32 $0x580;
	[dreg:$0x17] =	wrdreg s25  }
0x1c: {  	s1 =	sadd.s32 s1, s5;
	s11 =	simm.s32 $0x600;
	[dreg:$0x18] =	wrdreg s26  }
0x1d: {  	s5 =	sadd.s32 $0x2D200, s5;
	s13 =	simm.s32 $0x1580;
	[dreg:$0x1a] =	wrdreg s11  }
0x1e: {  	s7 =	sadd.s32 s12, s3;
	s14 =	simm.s32 $0x680;
	[dreg:$0x1b] =	wrdreg s13  }
0x1f: {  	s12 =	sor.u32 $0x1C07, s15;
	s15 =	simm.s32 $0x1600;
	[dreg:$0x1c] =	wrdreg s14  }
0x20: {  	s9 =	sadd.s32 $0x138000, s3;
	s16 =	simm.s32 $0x700;
	[dreg:$0x1d] =	wrdreg s15  }
0x21: {  	s17 =	simm.s32 $0x1680;
	s18 =	simm.s32 $0x780;
	[dreg:$0x1e] =	wrdreg s16  }
0x22: {  	s19 =	simm.s32 $0x2;
	s1 =	sadd.s32 $0x2A00, s1;
	[dreg:$0x1f] =	wrdreg s17  }
0x23: {  	s8 =	sadd.s32 s5, s8;
	s0 =	sadd.s32 s5, s0;
	[smem:$0x7F1] =	sst s18  }
0x24: {  	s5 =	simm.s32 $0x1500;
	s10 =	sshrl.u32 s7, $0x3;
	[smem:$0x7FB] =	sst s12  }
0x25: {  	s11 =	simm.s32 $0x7;
	s13 =	simm.s32 $0x1000;
	[dreg:$0x4] =	wrdreg s1  }
0x26: {  	s14 =	simm.s32 $0x50;
	s15 =	simm.s32 $0x2000;
	[smem:$0x7EE] =	sst s8  }
0x27: {  	s16 =	simm.s32 $0x4800;
	s20 =	simm.s32 $0x800;
	[dreg:$0x19] =	wrdreg s5  }
0x28: {  	s17 =	simm.s32 $0x1;
	s21 =	simm.s32 $0x1780;
	[smem:$0x7F3] =	sst s20  }
0x29: {  	s18 =	simm.s32 $0x7000;
	s22 =	simm.s32 $0x880;
	[smem:$0x7F4] =	sst s21  }
0x2a: {  	s23 =	simm.s32 $0x1800;
	s24 =	simm.s32 $0x900;
	[smem:$0x7F5] =	sst s22  }
0x2b: {  	s25 =	simm.s32 $0x1880;
	s26 =	simm.s32 $0x980;
	[smem:$0x7F6] =	sst s23  }
0x2c: {  	s7 =	simm.s32 $0xC00;
	s0 =	sadd.s32 $0x27000, s0;
	[smem:$0x7F7] =	sst s24  }
0x2d: {  	s8 =	smax.u32 s6, $0x1;
	s6 =	sshrl.u32 @!p0 s9, $0x3;
	[smem:$0x7F8] =	sst s25  }
0x2e: {  	s20 =	simm.s32 $0x4;
	s21 =	simm.s32 $0x3;
	[smem:$0x7F9] =	sst s26  }
0x2f: {  	s22 =	simm.s32 $0x5;
	s23 =	simm.s32 $0x6;
	[smem:$0x7FC] =	sst s10  }
0x30: {  	s24 =	simm.s32 $0x1900;
	s25 =	simm.s32 $0xA00;
	[smem:$0x7EF] =	sst s0  }
0x31: {  	s26 =	simm.s32 $0x1980;
	s5 =	simm.s32 $0x0;
	[smem:$0x7F0] =	sst s8  }
0x32: {  	s1 =	simm.s32 $0xB80;
	s9 =	simm.s32 $0x1C00;
	[smem:$0x7FA] =	sst s5  }
0x33: {  	s0 =	simm.s32 $0x1B00;
	s8 =	simm.s32 $0x1B80;
	[smem:$0x7FD] =	sst s6  }
.LBB2_1:
0x34: {  	s5 =	sld [smem:$0x7ED];
	_ =	sdelay $0x2  }
0x35: {  	[spmem:s10], [sflag:s12] =	dma.local [hbm:s5], $0x2700  }
0x36: {  	_ =	swait.ge [sflag:s11], $0x2700  }
0x37: {  	[sflag:s11] =	ssyncset.done $0x0  }
0x38: {  	[sflag:s11] =	ssyncadd.s32 $0xFFFFD900  }
0x39: {  	[spmem:s6], [sflag:s12] =	dma.local @!p0 [hbm:s5], $0x100  }
0x3a: {  	s6 =	simm.s32 @!p0 $0x7  }
0x3b: {  	_ =	swait.ge @!p0 [sflag:s6], $0x100  }
0x3c: {  	[sflag:s6] =	ssyncset.done @!p0 $0x0  }
0x3d: {  	[sflag:s6] =	ssyncadd.s32 @!p0 $0xFFFFFF00  }
0x3e: {  	[bflag:$0x0] =	sbarrier.arrive $0xFFFF  }
0x3f: {  	s12 =	rddreg [dreg:$0x4]  }
0x40: {  	s6 =	sadd.s32 $0x0, s12  }
0x41: {  	[tilespmem:s4], [sflag:$0x7] =	stream.linear.gather [hbm4b:s6+s4], $0xC80, $0x38;
	[tilespmem:$0x1D080] =	vst v63  }
0x42: {  	s6 =	sadd.s32 $0x200, s6  }
0x43: {  	[tilespmem:s13], [sflag:$0x7] =	stream.linear.gather [hbm4b:s6+s4], $0xC80, $0x38;
	[tilespmem:$0x1D080] =	vst v63  }
0x44: {  	_ =	swait.ge [sflag:s11], $0x1900  }
0x45: {  	[sflag:s11] =	ssyncset.done $0x0  }
0x46: {  	[sflag:s11] =	ssyncadd.s32 $0xFFFFE700  }
0x47: {  	[tilespmem:s15], [sflag:$0x1] =	stream.indirect.gather [hbm4b:s2+s14], $0x80, s4, s14, $0xb8;
	[tilespmem:$0x1D080] =	vst v63  }
0x48: {  	s5 =	rddreg [dreg:$0x5]  }
0x49: {  	[tilespmem:s16], [sflag:$0x2] =	stream.indirect.gather [hbm4b:s2+s14], $0x80, s5, s14, $0xb8;
	[tilespmem:$0x1D080] =	vst v63  }
0x4a: {  	_ =	swait.ge [sflag:s17], $0x2800  }
0x4b: {  	[sflag:s17] =	ssyncset.done $0x0  }
0x4c: {  	[sflag:s17] =	ssyncadd.s32 $0xFFFFD800  }
0x4d: {  	[spmem:s3] =	stream.indirect.scatter.add.f32 [tilespmem:s15], [sflag:$0x4], $0x80, s13, s14, $0xb8;
	[tilespmem:$0x1D080] =	vst v63  }
0x4e: {  	s10 =	rddreg [dreg:$0x6]  }
0x4f: {  	[tilespmem:s18], [sflag:$0x3] =	stream.indirect.gather [hbm4b:s2+s14], $0x80, s10, s14, $0xb8;
	[tilespmem:$0x1D080] =	vst v63  }
0x50: {  	_ =	swait.ge [sflag:s19], $0x2800  }
0x51: {  	[sflag:s19] =	ssyncset.done $0x0  }
0x52: {  	s12 =	rddreg [dreg:$0x7];
	[sflag:s19] =	ssyncadd.s32 $0xFFFFD800  }
0x53: {  	[spmem:s3] =	stream.indirect.scatter.add.f32 [tilespmem:s16], [sflag:$0x5], $0x80, s12, s14, $0xb8;
	[tilespmem:$0x1D080] =	vst v63  }
0x54: {  	_ =	swait.ge [sflag:s20], $0x2800  }
0x55: {  	[sflag:s20] =	ssyncset.done $0x0  }
0x56: {  	s5 =	rddreg [dreg:$0x8];
	[sflag:s20] =	ssyncadd.s32 $0xFFFFD800  }
0x57: {  	[tilespmem:s15], [sflag:$0x1] =	stream.indirect.gather [hbm4b:s2+s14], $0x80, s5, s14, $0xb8;
	[tilespmem:$0x1D080] =	vst v63  }
0x58: {  	_ =	swait.ge [sflag:s21], $0x2800  }
0x59: {  	[sflag:s21] =	ssyncset.done $0x0  }
0x5a: {  	s10 =	rddreg [dreg:$0x9];
	[sflag:s21] =	ssyncadd.s32 $0xFFFFD800  }
0x5b: {  	[spmem:s3] =	stream.indirect.scatter.add.f32 [tilespmem:s18], [sflag:$0x6], $0x80, s10, s14, $0xb8;
	[tilespmem:$0x1D080] =	vst v63  }
0x5c: {  	_ =	swait.ge [sflag:s22], $0x2800  }
0x5d: {  	[sflag:s22] =	ssyncset.done $0x0  }
0x5e: {  	s12 =	rddreg [dreg:$0xa];
	[sflag:s22] =	ssyncadd.s32 $0xFFFFD800  }
0x5f: {  	[tilespmem:s16], [sflag:$0x2] =	stream.indirect.gather [hbm4b:s2+s14], $0x80, s12, s14, $0xb8;
	[tilespmem:$0x1D080] =	vst v63  }
0x60: {  	_ =	swait.ge [sflag:s17], $0x2800  }
0x61: {  	[sflag:s17] =	ssyncset.done $0x0  }
0x62: {  	s5 =	rddreg [dreg:$0xb];
	[sflag:s17] =	ssyncadd.s32 $0xFFFFD800  }
0x63: {  	[spmem:s3] =	stream.indirect.scatter.add.f32 [tilespmem:s15], [sflag:$0x4], $0x80, s5, s14, $0xb8;
	[tilespmem:$0x1D080] =	vst v63  }
0x64: {  	_ =	swait.ge [sflag:s23], $0x2800  }
0x65: {  	[sflag:s23] =	ssyncset.done $0x0  }
0x66: {  	s10 =	rddreg [dreg:$0xc];
	[sflag:s23] =	ssyncadd.s32 $0xFFFFD800  }
0x67: {  	[tilespmem:s18], [sflag:$0x3] =	stream.indirect.gather [hbm4b:s2+s14], $0x80, s10, s14, $0xb8;
	[tilespmem:$0x1D080] =	vst v63  }
0x68: {  	_ =	swait.ge [sflag:s19], $0x2800  }
0x69: {  	[sflag:s19] =	ssyncset.done $0x0  }
0x6a: {  	s12 =	rddreg [dreg:$0xd];
	[sflag:s19] =	ssyncadd.s32 $0xFFFFD800  }
0x6b: {  	[spmem:s3] =	stream.indirect.scatter.add.f32 [tilespmem:s16], [sflag:$0x5], $0x80, s12, s14, $0xb8;
	[tilespmem:$0x1D080] =	vst v63  }
0x6c: {  	_ =	swait.ge [sflag:s20], $0x2800  }
0x6d: {  	[sflag:s20] =	ssyncset.done $0x0  }
0x6e: {  	s5 =	rddreg [dreg:$0xe];
	[sflag:s20] =	ssyncadd.s32 $0xFFFFD800  }
0x6f: {  	[tilespmem:s15], [sflag:$0x1] =	stream.indirect.gather [hbm4b:s2+s14], $0x80, s5, s14, $0xb8;
	[tilespmem:$0x1D080] =	vst v63  }
0x70: {  	_ =	swait.ge [sflag:s21], $0x2800  }
0x71: {  	[sflag:s21] =	ssyncset.done $0x0  }
0x72: {  	s10 =	rddreg [dreg:$0xf];
	[sflag:s21] =	ssyncadd.s32 $0xFFFFD800  }
0x73: {  	[spmem:s3] =	stream.indirect.scatter.add.f32 [tilespmem:s18], [sflag:$0x6], $0x80, s10, s14, $0xb8;
	[tilespmem:$0x1D080] =	vst v63  }
0x74: {  	_ =	swait.ge [sflag:s22], $0x2800  }
0x75: {  	[sflag:s22] =	ssyncset.done $0x0  }
0x76: {  	s12 =	rddreg [dreg:$0x10];
	[sflag:s22] =	ssyncadd.s32 $0xFFFFD800  }
0x77: {  	[tilespmem:s16], [sflag:$0x2] =	stream.indirect.gather [hbm4b:s2+s14], $0x80, s12, s14, $0xb8;
	[tilespmem:$0x1D080] =	vst v63  }
0x78: {  	_ =	swait.ge [sflag:s17], $0x2800  }
0x79: {  	[sflag:s17] =	ssyncset.done $0x0  }
0x7a: {  	s5 =	rddreg [dreg:$0x11];
	[sflag:s17] =	ssyncadd.s32 $0xFFFFD800  }
0x7b: {  	[spmem:s3] =	stream.indirect.scatter.add.f32 [tilespmem:s15], [sflag:$0x4], $0x80, s5, s14, $0xb8;
	[tilespmem:$0x1D080] =	vst v63  }
0x7c: {  	_ =	swait.ge [sflag:s23], $0x2800  }
0x7d: {  	[sflag:s23] =	ssyncset.done $0x0  }
0x7e: {  	s10 =	rddreg [dreg:$0x12];
	[sflag:s23] =	ssyncadd.s32 $0xFFFFD800  }
0x7f: {  	[tilespmem:s18], [sflag:$0x3] =	stream.indirect.gather [hbm4b:s2+s14], $0x80, s10, s14, $0xb8;
	[tilespmem:$0x1D080] =	vst v63  }
0x80: {  	_ =	swait.ge [sflag:s19], $0x2800  }
0x81: {  	[sflag:s19] =	ssyncset.done $0x0  }
0x82: {  	s12 =	rddreg [dreg:$0x13];
	[sflag:s19] =	ssyncadd.s32 $0xFFFFD800  }
0x83: {  	[spmem:s3] =	stream.indirect.scatter.add.f32 [tilespmem:s16], [sflag:$0x5], $0x80, s12, s14, $0xb8;
	[tilespmem:$0x1D080] =	vst v63  }
0x84: {  	_ =	swait.ge [sflag:s20], $0x2800  }
0x85: {  	[sflag:s20] =	ssyncset.done $0x0  }
0x86: {  	s5 =	rddreg [dreg:$0x14];
	[sflag:s20] =	ssyncadd.s32 $0xFFFFD800  }
0x87: {  	[tilespmem:s15], [sflag:$0x1] =	stream.indirect.gather [hbm4b:s2+s14], $0x80, s5, s14, $0xb8;
	[tilespmem:$0x1D080] =	vst v63  }
0x88: {  	_ =	swait.ge [sflag:s21], $0x2800  }
0x89: {  	[sflag:s21] =	ssyncset.done $0x0  }
0x8a: {  	s10 =	rddreg [dreg:$0x15];
	[sflag:s21] =	ssyncadd.s32 $0xFFFFD800  }
0x8b: {  	[spmem:s3] =	stream.indirect.scatter.add.f32 [tilespmem:s18], [sflag:$0x6], $0x80, s10, s14, $0xb8;
	[tilespmem:$0x1D080] =	vst v63  }
0x8c: {  	_ =	swait.ge [sflag:s22], $0x2800  }
0x8d: {  	[sflag:s22] =	ssyncset.done $0x0  }
0x8e: {  	s12 =	rddreg [dreg:$0x16];
	[sflag:s22] =	ssyncadd.s32 $0xFFFFD800  }
0x8f: {  	[tilespmem:s16], [sflag:$0x2] =	stream.indirect.gather [hbm4b:s2+s14], $0x80, s12, s14, $0xb8;
	[tilespmem:$0x1D080] =	vst v63  }
0x90: {  	_ =	swait.ge [sflag:s17], $0x2800  }
0x91: {  	[sflag:s17] =	ssyncset.done $0x0  }
0x92: {  	s5 =	rddreg [dreg:$0x17];
	[sflag:s17] =	ssyncadd.s32 $0xFFFFD800  }
0x93: {  	[spmem:s3] =	stream.indirect.scatter.add.f32 [tilespmem:s15], [sflag:$0x4], $0x80, s5, s14, $0xb8;
	[tilespmem:$0x1D080] =	vst v63  }
0x94: {  	_ =	swait.ge [sflag:s23], $0x2800  }
0x95: {  	[sflag:s23] =	ssyncset.done $0x0  }
0x96: {  	s10 =	rddreg [dreg:$0x18];
	[sflag:s23] =	ssyncadd.s32 $0xFFFFD800  }
0x97: {  	[tilespmem:s18], [sflag:$0x3] =	stream.indirect.gather [hbm4b:s2+s14], $0x80, s10, s14, $0xb8;
	[tilespmem:$0x1D080] =	vst v63  }
0x98: {  	_ =	swait.ge [sflag:s19], $0x2800  }
0x99: {  	[sflag:s19] =	ssyncset.done $0x0  }
0x9a: {  	s12 =	rddreg [dreg:$0x19];
	[sflag:s19] =	ssyncadd.s32 $0xFFFFD800  }
0x9b: {  	[spmem:s3] =	stream.indirect.scatter.add.f32 [tilespmem:s16], [sflag:$0x5], $0x80, s12, s14, $0xb8;
	[tilespmem:$0x1D080] =	vst v63  }
0x9c: {  	_ =	swait.ge [sflag:s20], $0x2800  }
0x9d: {  	[sflag:s20] =	ssyncset.done $0x0  }
0x9e: {  	s5 =	rddreg [dreg:$0x1a];
	[sflag:s20] =	ssyncadd.s32 $0xFFFFD800  }
0x9f: {  	[tilespmem:s15], [sflag:$0x1] =	stream.indirect.gather [hbm4b:s2+s14], $0x80, s5, s14, $0xb8;
	[tilespmem:$0x1D080] =	vst v63  }
0xa0: {  	_ =	swait.ge [sflag:s21], $0x2800  }
0xa1: {  	[sflag:s21] =	ssyncset.done $0x0  }
0xa2: {  	s10 =	rddreg [dreg:$0x1b];
	[sflag:s21] =	ssyncadd.s32 $0xFFFFD800  }
0xa3: {  	[spmem:s3] =	stream.indirect.scatter.add.f32 [tilespmem:s18], [sflag:$0x6], $0x80, s10, s14, $0xb8;
	[tilespmem:$0x1D080] =	vst v63  }
0xa4: {  	_ =	swait.ge [sflag:s22], $0x2800  }
0xa5: {  	[sflag:s22] =	ssyncset.done $0x0  }
0xa6: {  	s12 =	rddreg [dreg:$0x1c];
	[sflag:s22] =	ssyncadd.s32 $0xFFFFD800  }
0xa7: {  	[tilespmem:s16], [sflag:$0x2] =	stream.indirect.gather [hbm4b:s2+s14], $0x80, s12, s14, $0xb8;
	[tilespmem:$0x1D080] =	vst v63  }
0xa8: {  	_ =	swait.ge [sflag:s17], $0x2800  }
0xa9: {  	[sflag:s17] =	ssyncset.done $0x0  }
0xaa: {  	s5 =	rddreg [dreg:$0x1d];
	[sflag:s17] =	ssyncadd.s32 $0xFFFFD800  }
0xab: {  	[spmem:s3] =	stream.indirect.scatter.add.f32 [tilespmem:s15], [sflag:$0x4], $0x80, s5, s14, $0xb8;
	[tilespmem:$0x1D080] =	vst v63  }
0xac: {  	_ =	swait.ge [sflag:s23], $0x2800  }
0xad: {  	[sflag:s23] =	ssyncset.done $0x0  }
0xae: {  	s10 =	rddreg [dreg:$0x1e];
	[sflag:s23] =	ssyncadd.s32 $0xFFFFD800  }
0xaf: {  	[tilespmem:s18], [sflag:$0x3] =	stream.indirect.gather [hbm4b:s2+s14], $0x80, s10, s14, $0xb8;
	[tilespmem:$0x1D080] =	vst v63  }
0xb0: {  	_ =	swait.ge [sflag:s19], $0x2800  }
0xb1: {  	[sflag:s19] =	ssyncset.done $0x0  }
0xb2: {  	s12 =	rddreg [dreg:$0x1f];
	[sflag:s19] =	ssyncadd.s32 $0xFFFFD800  }
0xb3: {  	[spmem:s3] =	stream.indirect.scatter.add.f32 [tilespmem:s16], [sflag:$0x5], $0x80, s12, s14, $0xb8;
	[tilespmem:$0x1D080] =	vst v63  }
0xb4: {  	_ =	swait.ge [sflag:s20], $0x2800  }
0xb5: {  	s5 =	sld [smem:$0x7F1]  }
0xb6: {  	[sflag:s20] =	ssyncset.done $0x0  }
0xb7: {  	[sflag:s20] =	ssyncadd.s32 $0xFFFFD800  }
0xb8: {  	[tilespmem:s15], [sflag:$0x1] =	stream.indirect.gather [hbm4b:s2+s14], $0x80, s5, s14, $0xb8;
	[tilespmem:$0x1D080] =	vst v63  }
0xb9: {  	_ =	swait.ge [sflag:s21], $0x2800  }
0xba: {  	s10 =	sld [smem:$0x7F2]  }
0xbb: {  	[sflag:s21] =	ssyncset.done $0x0  }
0xbc: {  	[sflag:s21] =	ssyncadd.s32 $0xFFFFD800  }
0xbd: {  	[spmem:s3] =	stream.indirect.scatter.add.f32 [tilespmem:s18], [sflag:$0x6], $0x80, s10, s14, $0xb8;
	[tilespmem:$0x1D080] =	vst v63  }
0xbe: {  	_ =	swait.ge [sflag:s22], $0x2800  }
0xbf: {  	s12 =	sld [smem:$0x7F3]  }
0xc0: {  	[sflag:s22] =	ssyncset.done $0x0  }
0xc1: {  	[sflag:s22] =	ssyncadd.s32 $0xFFFFD800  }
0xc2: {  	[tilespmem:s16], [sflag:$0x2] =	stream.indirect.gather [hbm4b:s2+s14], $0x80, s12, s14, $0xb8;
	[tilespmem:$0x1D080] =	vst v63  }
0xc3: {  	_ =	swait.ge [sflag:s17], $0x2800  }
0xc4: {  	s5 =	sld [smem:$0x7F4]  }
0xc5: {  	[sflag:s17] =	ssyncset.done $0x0  }
0xc6: {  	[sflag:s17] =	ssyncadd.s32 $0xFFFFD800  }
0xc7: {  	[spmem:s3] =	stream.indirect.scatter.add.f32 [tilespmem:s15], [sflag:$0x4], $0x80, s5, s14, $0xb8;
	[tilespmem:$0x1D080] =	vst v63  }
0xc8: {  	_ =	swait.ge [sflag:s23], $0x2800  }
0xc9: {  	s10 =	sld [smem:$0x7F5]  }
0xca: {  	[sflag:s23] =	ssyncset.done $0x0  }
0xcb: {  	[sflag:s23] =	ssyncadd.s32 $0xFFFFD800  }
0xcc: {  	[tilespmem:s18], [sflag:$0x3] =	stream.indirect.gather [hbm4b:s2+s14], $0x80, s10, s14, $0xb8;
	[tilespmem:$0x1D080] =	vst v63  }
0xcd: {  	_ =	swait.ge [sflag:s19], $0x2800  }
0xce: {  	s12 =	sld [smem:$0x7F6]  }
0xcf: {  	[sflag:s19] =	ssyncset.done $0x0  }
0xd0: {  	[sflag:s19] =	ssyncadd.s32 $0xFFFFD800  }
0xd1: {  	[spmem:s3] =	stream.indirect.scatter.add.f32 [tilespmem:s16], [sflag:$0x5], $0x80, s12, s14, $0xb8;
	[tilespmem:$0x1D080] =	vst v63  }
0xd2: {  	_ =	swait.ge [sflag:s20], $0x2800  }
0xd3: {  	s5 =	sld [smem:$0x7F7]  }
0xd4: {  	[sflag:s20] =	ssyncset.done $0x0  }
0xd5: {  	[sflag:s20] =	ssyncadd.s32 $0xFFFFD800  }
0xd6: {  	[tilespmem:s15], [sflag:$0x1] =	stream.indirect.gather [hbm4b:s2+s14], $0x80, s5, s14, $0xb8;
	[tilespmem:$0x1D080] =	vst v63  }
0xd7: {  	_ =	swait.ge [sflag:s21], $0x2800  }
0xd8: {  	s10 =	sld [smem:$0x7F8]  }
0xd9: {  	[sflag:s21] =	ssyncset.done $0x0  }
0xda: {  	[sflag:s21] =	ssyncadd.s32 $0xFFFFD800  }
0xdb: {  	[spmem:s3] =	stream.indirect.scatter.add.f32 [tilespmem:s18], [sflag:$0x6], $0x80, s10, s14, $0xb8;
	[tilespmem:$0x1D080] =	vst v63  }
0xdc: {  	_ =	swait.ge [sflag:s22], $0x2800  }
0xdd: {  	s12 =	sld [smem:$0x7F9]  }
0xde: {  	[sflag:s22] =	ssyncset.done $0x0  }
0xdf: {  	[sflag:s22] =	ssyncadd.s32 $0xFFFFD800  }
0xe0: {  	[tilespmem:s16], [sflag:$0x2] =	stream.indirect.gather [hbm4b:s2+s14], $0x80, s12, s14, $0xb8;
	[tilespmem:$0x1D080] =	vst v63  }
0xe1: {  	_ =	swait.ge [sflag:s17], $0x2800  }
0xe2: {  	[sflag:s17] =	ssyncset.done $0x0  }
0xe3: {  	[sflag:s17] =	ssyncadd.s32 $0xFFFFD800  }
0xe4: {  	[spmem:s3] =	stream.indirect.scatter.add.f32 [tilespmem:s15], [sflag:$0x4], $0x80, s24, s14, $0xb8;
	[tilespmem:$0x1D080] =	vst v63  }
0xe5: {  	_ =	swait.ge [sflag:s23], $0x2800  }
0xe6: {  	[sflag:s23] =	ssyncset.done $0x0  }
0xe7: {  	[sflag:s23] =	ssyncadd.s32 $0xFFFFD800  }
0xe8: {  	[tilespmem:s18], [sflag:$0x3] =	stream.indirect.gather [hbm4b:s2+s14], $0x80, s25, s14, $0xb8;
	[tilespmem:$0x1D080] =	vst v63  }
0xe9: {  	_ =	swait.ge [sflag:s19], $0x2800  }
0xea: {  	[sflag:s19] =	ssyncset.done $0x0  }
0xeb: {  	[sflag:s19] =	ssyncadd.s32 $0xFFFFD800  }
0xec: {  	[spmem:s3] =	stream.indirect.scatter.add.f32 [tilespmem:s16], [sflag:$0x5], $0x80, s26, s14, $0xb8;
	[tilespmem:$0x1D080] =	vst v63  }
0xed: {  	_ =	swait.ge [sflag:s20], $0x2800  }
0xee: {  	[sflag:s20] =	ssyncset.done $0x0  }
0xef: {  	[sflag:s20] =	ssyncadd.s32 $0xFFFFD800  }
0xf0: {  	[tilespmem:s15], [sflag:$0x1] =	stream.indirect.gather [hbm4b:s2+s14], $0x80, s28, s14, $0xb8;
	[tilespmem:$0x1D080] =	vst v63  }
0xf1: {  	_ =	swait.ge [sflag:s21], $0x2800  }
0xf2: {  	[sflag:s21] =	ssyncset.done $0x0  }
0xf3: {  	[sflag:s21] =	ssyncadd.s32 $0xFFFFD800  }
0xf4: {  	[spmem:s3] =	stream.indirect.scatter.add.f32 [tilespmem:s18], [sflag:$0x6], $0x80, s29, s14, $0xb8;
	[tilespmem:$0x1D080] =	vst v63  }
0xf5: {  	_ =	swait.ge [sflag:s22], $0x2800  }
0xf6: {  	[sflag:s22] =	ssyncset.done $0x0  }
0xf7: {  	[sflag:s22] =	ssyncadd.s32 $0xFFFFD800  }
0xf8: {  	[tilespmem:s16], [sflag:$0x2] =	stream.indirect.gather [hbm4b:s2+s14], $0x80, s30, s14, $0xb8;
	[tilespmem:$0x1D080] =	vst v63  }
0xf9: {  	_ =	swait.ge [sflag:s17], $0x2800  }
0xfa: {  	[sflag:s17] =	ssyncset.done $0x0  }
0xfb: {  	[sflag:s17] =	ssyncadd.s32 $0xFFFFD800  }
0xfc: {  	[spmem:s3] =	stream.indirect.scatter.add.f32 [tilespmem:s15], [sflag:$0x4], $0x80, s31, s14, $0xb8;
	[tilespmem:$0x1D080] =	vst v63  }
0xfd: {  	_ =	swait.ge [sflag:s23], $0x2800  }
0xfe: {  	[sflag:s23] =	ssyncset.done $0x0  }
0xff: {  	[sflag:s23] =	ssyncadd.s32 $0xFFFFD800  }
0x100: {  	[tilespmem:s18], [sflag:$0x3] =	stream.indirect.gather [hbm4b:s2+s14], $0x80, s1, s14, $0xb8;
	[tilespmem:$0x1D080] =	vst v63  }
0x101: {  	_ =	swait.ge [sflag:s19], $0x2800  }
0x102: {  	[sflag:s19] =	ssyncset.done $0x0  }
0x103: {  	[sflag:s19] =	ssyncadd.s32 $0xFFFFD800  }
0x104: {  	[spmem:s3] =	stream.indirect.scatter.add.f32 [tilespmem:s16], [sflag:$0x5], $0x80, s0, s14, $0xb8;
	[tilespmem:$0x1D080] =	vst v63  }
0x105: {  	_ =	swait.ge [sflag:s20], $0x2800  }
0x106: {  	[sflag:s20] =	ssyncset.done $0x0  }
0x107: {  	[sflag:s20] =	ssyncadd.s32 $0xFFFFD800  }
0x108: {  	[tilespmem:s15], [sflag:$0x1] =	stream.indirect.gather [hbm4b:s2+s14], $0x80, s7, s14, $0xb8;
	[tilespmem:$0x1D080] =	vst v63  }
0x109: {  	_ =	swait.ge [sflag:s21], $0x2800  }
0x10a: {  	[sflag:s21] =	ssyncset.done $0x0  }
0x10b: {  	[sflag:s21] =	ssyncadd.s32 $0xFFFFD800  }
0x10c: {  	[spmem:s3] =	stream.indirect.scatter.add.f32 [tilespmem:s18], [sflag:$0x6], $0x80, s8, s14, $0xb8;
	[tilespmem:$0x1D080] =	vst v63  }
0x10d: {  	_ =	swait.ge [sflag:s17], $0x2800  }
0x10e: {  	[sflag:s17] =	ssyncset.done $0x0  }
0x10f: {  	[sflag:s17] =	ssyncadd.s32 $0xFFFFD800  }
0x110: {  	[spmem:s3] =	stream.indirect.scatter.add.f32 [tilespmem:s15], [sflag:$0x4], $0x80, s9, s14, $0xb8;
	[tilespmem:$0x1D080] =	vst v63  }
0x111: {  	_ =	swait.ge [sflag:s22], $0x2800  }
0x112: {  	[sflag:s22] =	ssyncset.done $0x0  }
0x113: {  	[sflag:s22] =	ssyncadd.s32 $0xFFFFD800  }
0x114: {  	_ =	swait.ge [sflag:s23], $0x2800  }
0x115: {  	[sflag:s23] =	ssyncset.done $0x0  }
0x116: {  	[sflag:s23] =	ssyncadd.s32 $0xFFFFD800  }
0x117: {  	s10 =	simm.s32 $0x400;
	_ =	swait.ge [sflag:s20], $0x2800  }
0x118: {  	s12 =	simm.s32 $0x800;
	s6 =	rddreg [dreg:$0x4];
	[sflag:s20] =	ssyncset.done $0x0  }
.LBB2_2:
0x119: {  	[sflag:s20] =	ssyncadd.s32 $0xFFFFD800;
	s6 =	sadd.s32 s10, s6  }
0x11a: {  	[tilespmem:s4], [sflag:$0x7] =	stream.linear.gather [hbm4b:s6+s4], $0xC80, $0x38;
	[tilespmem:$0x1D080] =	vst v63  }
0x11b: {  	s6 =	sadd.s32 $0x200, s6  }
0x11c: {  	[tilespmem:s13], [sflag:$0x7] =	stream.linear.gather [hbm4b:s6+s4], $0xC80, $0x38;
	[tilespmem:$0x1D080] =	vst v63  }
0x11d: {  	_ =	swait.ge [sflag:s11], $0x1900  }
0x11e: {  	[sflag:s11] =	ssyncset.done $0x0  }
0x11f: {  	[sflag:s11] =	ssyncadd.s32 $0xFFFFE700  }
0x120: {  	[tilespmem:s15], [sflag:$0x1] =	stream.indirect.gather [hbm4b:s2+s14], $0x80, s4, s14, $0xb8;
	[tilespmem:$0x1D080] =	vst v63  }
0x121: {  	s6 =	rddreg [dreg:$0x5]  }
0x122: {  	[tilespmem:s16], [sflag:$0x2] =	stream.indirect.gather [hbm4b:s2+s14], $0x80, s6, s14, $0xb8;
	[tilespmem:$0x1D080] =	vst v63  }
0x123: {  	_ =	swait.ge [sflag:s17], $0x2800  }
0x124: {  	[sflag:s17] =	ssyncset.done $0x0  }
0x125: {  	[sflag:s17] =	ssyncadd.s32 $0xFFFFD800  }
0x126: {  	[spmem:s3] =	stream.indirect.scatter.add.f32 [tilespmem:s15], [sflag:$0x4], $0x80, s13, s14, $0xb8;
	[tilespmem:$0x1D080] =	vst v63  }
0x127: {  	s6 =	rddreg [dreg:$0x6]  }
0x128: {  	[tilespmem:s18], [sflag:$0x3] =	stream.indirect.gather [hbm4b:s2+s14], $0x80, s6, s14, $0xb8;
	[tilespmem:$0x1D080] =	vst v63  }
0x129: {  	_ =	swait.ge [sflag:s19], $0x2800  }
0x12a: {  	[sflag:s19] =	ssyncset.done $0x0  }
0x12b: {  	s6 =	rddreg [dreg:$0x7];
	[sflag:s19] =	ssyncadd.s32 $0xFFFFD800  }
0x12c: {  	[spmem:s3] =	stream.indirect.scatter.add.f32 [tilespmem:s16], [sflag:$0x5], $0x80, s6, s14, $0xb8;
	[tilespmem:$0x1D080] =	vst v63  }
0x12d: {  	_ =	swait.ge [sflag:s20], $0x2800  }
0x12e: {  	[sflag:s20] =	ssyncset.done $0x0  }
0x12f: {  	s6 =	rddreg [dreg:$0x8];
	[sflag:s20] =	ssyncadd.s32 $0xFFFFD800  }
0x130: {  	[tilespmem:s15], [sflag:$0x1] =	stream.indirect.gather [hbm4b:s2+s14], $0x80, s6, s14, $0xb8;
	[tilespmem:$0x1D080] =	vst v63  }
0x131: {  	_ =	swait.ge [sflag:s21], $0x2800  }
0x132: {  	[sflag:s21] =	ssyncset.done $0x0  }
0x133: {  	s6 =	rddreg [dreg:$0x9];
	[sflag:s21] =	ssyncadd.s32 $0xFFFFD800  }
0x134: {  	[spmem:s3] =	stream.indirect.scatter.add.f32 [tilespmem:s18], [sflag:$0x6], $0x80, s6, s14, $0xb8;
	[tilespmem:$0x1D080] =	vst v63  }
0x135: {  	_ =	swait.ge [sflag:s22], $0x2800  }
0x136: {  	[sflag:s22] =	ssyncset.done $0x0  }
0x137: {  	s6 =	rddreg [dreg:$0xa];
	[sflag:s22] =	ssyncadd.s32 $0xFFFFD800  }
0x138: {  	[tilespmem:s16], [sflag:$0x2] =	stream.indirect.gather [hbm4b:s2+s14], $0x80, s6, s14, $0xb8;
	[tilespmem:$0x1D080] =	vst v63  }
0x139: {  	_ =	swait.ge [sflag:s17], $0x2800  }
0x13a: {  	[sflag:s17] =	ssyncset.done $0x0  }
0x13b: {  	s6 =	rddreg [dreg:$0xb];
	[sflag:s17] =	ssyncadd.s32 $0xFFFFD800  }
0x13c: {  	[spmem:s3] =	stream.indirect.scatter.add.f32 [tilespmem:s15], [sflag:$0x4], $0x80, s6, s14, $0xb8;
	[tilespmem:$0x1D080] =	vst v63  }
0x13d: {  	_ =	swait.ge [sflag:s23], $0x2800  }
0x13e: {  	[sflag:s23] =	ssyncset.done $0x0  }
0x13f: {  	s6 =	rddreg [dreg:$0xc];
	[sflag:s23] =	ssyncadd.s32 $0xFFFFD800  }
0x140: {  	[tilespmem:s18], [sflag:$0x3] =	stream.indirect.gather [hbm4b:s2+s14], $0x80, s6, s14, $0xb8;
	[tilespmem:$0x1D080] =	vst v63  }
0x141: {  	_ =	swait.ge [sflag:s19], $0x2800  }
0x142: {  	[sflag:s19] =	ssyncset.done $0x0  }
0x143: {  	s6 =	rddreg [dreg:$0xd];
	[sflag:s19] =	ssyncadd.s32 $0xFFFFD800  }
0x144: {  	[spmem:s3] =	stream.indirect.scatter.add.f32 [tilespmem:s16], [sflag:$0x5], $0x80, s6, s14, $0xb8;
	[tilespmem:$0x1D080] =	vst v63  }
0x145: {  	_ =	swait.ge [sflag:s20], $0x2800  }
0x146: {  	[sflag:s20] =	ssyncset.done $0x0  }
0x147: {  	s6 =	rddreg [dreg:$0xe];
	[sflag:s20] =	ssyncadd.s32 $0xFFFFD800  }
0x148: {  	[tilespmem:s15], [sflag:$0x1] =	stream.indirect.gather [hbm4b:s2+s14], $0x80, s6, s14, $0xb8;
	[tilespmem:$0x1D080] =	vst v63  }
0x149: {  	_ =	swait.ge [sflag:s21], $0x2800  }
0x14a: {  	[sflag:s21] =	ssyncset.done $0x0  }
0x14b: {  	s6 =	rddreg [dreg:$0xf];
	[sflag:s21] =	ssyncadd.s32 $0xFFFFD800  }
0x14c: {  	[spmem:s3] =	stream.indirect.scatter.add.f32 [tilespmem:s18], [sflag:$0x6], $0x80, s6, s14, $0xb8;
	[tilespmem:$0x1D080] =	vst v63  }
0x14d: {  	_ =	swait.ge [sflag:s22], $0x2800  }
0x14e: {  	[sflag:s22] =	ssyncset.done $0x0  }
0x14f: {  	s6 =	rddreg [dreg:$0x10];
	[sflag:s22] =	ssyncadd.s32 $0xFFFFD800  }
0x150: {  	[tilespmem:s16], [sflag:$0x2] =	stream.indirect.gather [hbm4b:s2+s14], $0x80, s6, s14, $0xb8;
	[tilespmem:$0x1D080] =	vst v63  }
0x151: {  	_ =	swait.ge [sflag:s17], $0x2800  }
0x152: {  	[sflag:s17] =	ssyncset.done $0x0  }
0x153: {  	s6 =	rddreg [dreg:$0x11];
	[sflag:s17] =	ssyncadd.s32 $0xFFFFD800  }
0x154: {  	[spmem:s3] =	stream.indirect.scatter.add.f32 [tilespmem:s15], [sflag:$0x4], $0x80, s6, s14, $0xb8;
	[tilespmem:$0x1D080] =	vst v63  }
0x155: {  	_ =	swait.ge [sflag:s23], $0x2800  }
0x156: {  	[sflag:s23] =	ssyncset.done $0x0  }
0x157: {  	s6 =	rddreg [dreg:$0x12];
	[sflag:s23] =	ssyncadd.s32 $0xFFFFD800  }
0x158: {  	[tilespmem:s18], [sflag:$0x3] =	stream.indirect.gather [hbm4b:s2+s14], $0x80, s6, s14, $0xb8;
	[tilespmem:$0x1D080] =	vst v63  }
0x159: {  	_ =	swait.ge [sflag:s19], $0x2800  }
0x15a: {  	[sflag:s19] =	ssyncset.done $0x0  }
0x15b: {  	s6 =	rddreg [dreg:$0x13];
	[sflag:s19] =	ssyncadd.s32 $0xFFFFD800  }
0x15c: {  	[spmem:s3] =	stream.indirect.scatter.add.f32 [tilespmem:s16], [sflag:$0x5], $0x80, s6, s14, $0xb8;
	[tilespmem:$0x1D080] =	vst v63  }
0x15d: {  	_ =	swait.ge [sflag:s20], $0x2800  }
0x15e: {  	[sflag:s20] =	ssyncset.done $0x0  }
0x15f: {  	s6 =	rddreg [dreg:$0x14];
	[sflag:s20] =	ssyncadd.s32 $0xFFFFD800  }
0x160: {  	[tilespmem:s15], [sflag:$0x1] =	stream.indirect.gather [hbm4b:s2+s14], $0x80, s6, s14, $0xb8;
	[tilespmem:$0x1D080] =	vst v63  }
0x161: {  	_ =	swait.ge [sflag:s21], $0x2800  }
0x162: {  	[sflag:s21] =	ssyncset.done $0x0  }
0x163: {  	s6 =	rddreg [dreg:$0x15];
	[sflag:s21] =	ssyncadd.s32 $0xFFFFD800  }
0x164: {  	[spmem:s3] =	stream.indirect.scatter.add.f32 [tilespmem:s18], [sflag:$0x6], $0x80, s6, s14, $0xb8;
	[tilespmem:$0x1D080] =	vst v63  }
0x165: {  	_ =	swait.ge [sflag:s22], $0x2800  }
0x166: {  	[sflag:s22] =	ssyncset.done $0x0  }
0x167: {  	s6 =	rddreg [dreg:$0x16];
	[sflag:s22] =	ssyncadd.s32 $0xFFFFD800  }
0x168: {  	[tilespmem:s16], [sflag:$0x2] =	stream.indirect.gather [hbm4b:s2+s14], $0x80, s6, s14, $0xb8;
	[tilespmem:$0x1D080] =	vst v63  }
0x169: {  	_ =	swait.ge [sflag:s17], $0x2800  }
0x16a: {  	[sflag:s17] =	ssyncset.done $0x0  }
0x16b: {  	s6 =	rddreg [dreg:$0x17];
	[sflag:s17] =	ssyncadd.s32 $0xFFFFD800  }
0x16c: {  	[spmem:s3] =	stream.indirect.scatter.add.f32 [tilespmem:s15], [sflag:$0x4], $0x80, s6, s14, $0xb8;
	[tilespmem:$0x1D080] =	vst v63  }
0x16d: {  	_ =	swait.ge [sflag:s23], $0x2800  }
0x16e: {  	[sflag:s23] =	ssyncset.done $0x0  }
0x16f: {  	s6 =	rddreg [dreg:$0x18];
	[sflag:s23] =	ssyncadd.s32 $0xFFFFD800  }
0x170: {  	[tilespmem:s18], [sflag:$0x3] =	stream.indirect.gather [hbm4b:s2+s14], $0x80, s6, s14, $0xb8;
	[tilespmem:$0x1D080] =	vst v63  }
0x171: {  	_ =	swait.ge [sflag:s19], $0x2800  }
0x172: {  	[sflag:s19] =	ssyncset.done $0x0  }
0x173: {  	s6 =	rddreg [dreg:$0x19];
	[sflag:s19] =	ssyncadd.s32 $0xFFFFD800  }
0x174: {  	[spmem:s3] =	stream.indirect.scatter.add.f32 [tilespmem:s16], [sflag:$0x5], $0x80, s6, s14, $0xb8;
	[tilespmem:$0x1D080] =	vst v63  }
0x175: {  	_ =	swait.ge [sflag:s20], $0x2800  }
0x176: {  	[sflag:s20] =	ssyncset.done $0x0  }
0x177: {  	s6 =	rddreg [dreg:$0x1a];
	[sflag:s20] =	ssyncadd.s32 $0xFFFFD800  }
0x178: {  	[tilespmem:s15], [sflag:$0x1] =	stream.indirect.gather [hbm4b:s2+s14], $0x80, s6, s14, $0xb8;
	[tilespmem:$0x1D080] =	vst v63  }
0x179: {  	_ =	swait.ge [sflag:s21], $0x2800  }
0x17a: {  	[sflag:s21] =	ssyncset.done $0x0  }
0x17b: {  	s6 =	rddreg [dreg:$0x1b];
	[sflag:s21] =	ssyncadd.s32 $0xFFFFD800  }
0x17c: {  	[spmem:s3] =	stream.indirect.scatter.add.f32 [tilespmem:s18], [sflag:$0x6], $0x80, s6, s14, $0xb8;
	[tilespmem:$0x1D080] =	vst v63  }
0x17d: {  	_ =	swait.ge [sflag:s22], $0x2800  }
0x17e: {  	[sflag:s22] =	ssyncset.done $0x0  }
0x17f: {  	s6 =	rddreg [dreg:$0x1c];
	[sflag:s22] =	ssyncadd.s32 $0xFFFFD800  }
0x180: {  	[tilespmem:s16], [sflag:$0x2] =	stream.indirect.gather [hbm4b:s2+s14], $0x80, s6, s14, $0xb8;
	[tilespmem:$0x1D080] =	vst v63  }
0x181: {  	_ =	swait.ge [sflag:s17], $0x2800  }
0x182: {  	[sflag:s17] =	ssyncset.done $0x0  }
0x183: {  	s6 =	rddreg [dreg:$0x1d];
	[sflag:s17] =	ssyncadd.s32 $0xFFFFD800  }
0x184: {  	[spmem:s3] =	stream.indirect.scatter.add.f32 [tilespmem:s15], [sflag:$0x4], $0x80, s6, s14, $0xb8;
	[tilespmem:$0x1D080] =	vst v63  }
0x185: {  	_ =	swait.ge [sflag:s23], $0x2800  }
0x186: {  	[sflag:s23] =	ssyncset.done $0x0  }
0x187: {  	s6 =	rddreg [dreg:$0x1e];
	[sflag:s23] =	ssyncadd.s32 $0xFFFFD800  }
0x188: {  	[tilespmem:s18], [sflag:$0x3] =	stream.indirect.gather [hbm4b:s2+s14], $0x80, s6, s14, $0xb8;
	[tilespmem:$0x1D080] =	vst v63  }
0x189: {  	_ =	swait.ge [sflag:s19], $0x2800  }
0x18a: {  	[sflag:s19] =	ssyncset.done $0x0  }
0x18b: {  	s6 =	rddreg [dreg:$0x1f];
	[sflag:s19] =	ssyncadd.s32 $0xFFFFD800  }
0x18c: {  	[spmem:s3] =	stream.indirect.scatter.add.f32 [tilespmem:s16], [sflag:$0x5], $0x80, s6, s14, $0xb8;
	[tilespmem:$0x1D080] =	vst v63  }
0x18d: {  	_ =	swait.ge [sflag:s20], $0x2800  }
0x18e: {  	s6 =	sld [smem:$0x7F1]  }
0x18f: {  	[sflag:s20] =	ssyncset.done $0x0  }
0x190: {  	[sflag:s20] =	ssyncadd.s32 $0xFFFFD800  }
0x191: {  	[tilespmem:s15], [sflag:$0x1] =	stream.indirect.gather [hbm4b:s2+s14], $0x80, s6, s14, $0xb8;
	[tilespmem:$0x1D080] =	vst v63  }
0x192: {  	_ =	swait.ge [sflag:s21], $0x2800  }
0x193: {  	s6 =	sld [smem:$0x7F2]  }
0x194: {  	[sflag:s21] =	ssyncset.done $0x0  }
0x195: {  	[sflag:s21] =	ssyncadd.s32 $0xFFFFD800  }
0x196: {  	[spmem:s3] =	stream.indirect.scatter.add.f32 [tilespmem:s18], [sflag:$0x6], $0x80, s6, s14, $0xb8;
	[tilespmem:$0x1D080] =	vst v63  }
0x197: {  	_ =	swait.ge [sflag:s22], $0x2800  }
0x198: {  	s6 =	sld [smem:$0x7F3]  }
0x199: {  	[sflag:s22] =	ssyncset.done $0x0  }
0x19a: {  	[sflag:s22] =	ssyncadd.s32 $0xFFFFD800  }
0x19b: {  	[tilespmem:s16], [sflag:$0x2] =	stream.indirect.gather [hbm4b:s2+s14], $0x80, s6, s14, $0xb8;
	[tilespmem:$0x1D080] =	vst v63  }
0x19c: {  	_ =	swait.ge [sflag:s17], $0x2800  }
0x19d: {  	s6 =	sld [smem:$0x7F4]  }
0x19e: {  	[sflag:s17] =	ssyncset.done $0x0  }
0x19f: {  	[sflag:s17] =	ssyncadd.s32 $0xFFFFD800  }
0x1a0: {  	[spmem:s3] =	stream.indirect.scatter.add.f32 [tilespmem:s15], [sflag:$0x4], $0x80, s6, s14, $0xb8;
	[tilespmem:$0x1D080] =	vst v63  }
0x1a1: {  	_ =	swait.ge [sflag:s23], $0x2800  }
0x1a2: {  	s6 =	sld [smem:$0x7F5]  }
0x1a3: {  	[sflag:s23] =	ssyncset.done $0x0  }
0x1a4: {  	[sflag:s23] =	ssyncadd.s32 $0xFFFFD800  }
0x1a5: {  	[tilespmem:s18], [sflag:$0x3] =	stream.indirect.gather [hbm4b:s2+s14], $0x80, s6, s14, $0xb8;
	[tilespmem:$0x1D080] =	vst v63  }
0x1a6: {  	_ =	swait.ge [sflag:s19], $0x2800  }
0x1a7: {  	s6 =	sld [smem:$0x7F6]  }
0x1a8: {  	[sflag:s19] =	ssyncset.done $0x0  }
0x1a9: {  	[sflag:s19] =	ssyncadd.s32 $0xFFFFD800  }
0x1aa: {  	[spmem:s3] =	stream.indirect.scatter.add.f32 [tilespmem:s16], [sflag:$0x5], $0x80, s6, s14, $0xb8;
	[tilespmem:$0x1D080] =	vst v63  }
0x1ab: {  	_ =	swait.ge [sflag:s20], $0x2800  }
0x1ac: {  	s6 =	sld [smem:$0x7F7]  }
0x1ad: {  	[sflag:s20] =	ssyncset.done $0x0  }
0x1ae: {  	[sflag:s20] =	ssyncadd.s32 $0xFFFFD800  }
0x1af: {  	[tilespmem:s15], [sflag:$0x1] =	stream.indirect.gather [hbm4b:s2+s14], $0x80, s6, s14, $0xb8;
	[tilespmem:$0x1D080] =	vst v63  }
0x1b0: {  	_ =	swait.ge [sflag:s21], $0x2800  }
0x1b1: {  	s6 =	sld [smem:$0x7F8]  }
0x1b2: {  	[sflag:s21] =	ssyncset.done $0x0  }
0x1b3: {  	[sflag:s21] =	ssyncadd.s32 $0xFFFFD800  }
0x1b4: {  	[spmem:s3] =	stream.indirect.scatter.add.f32 [tilespmem:s18], [sflag:$0x6], $0x80, s6, s14, $0xb8;
	[tilespmem:$0x1D080] =	vst v63  }
0x1b5: {  	_ =	swait.ge [sflag:s22], $0x2800  }
0x1b6: {  	s6 =	sld [smem:$0x7F9]  }
0x1b7: {  	[sflag:s22] =	ssyncset.done $0x0  }
0x1b8: {  	[sflag:s22] =	ssyncadd.s32 $0xFFFFD800  }
0x1b9: {  	[tilespmem:s16], [sflag:$0x2] =	stream.indirect.gather [hbm4b:s2+s14], $0x80, s6, s14, $0xb8;
	[tilespmem:$0x1D080] =	vst v63  }
0x1ba: {  	_ =	swait.ge [sflag:s17], $0x2800  }
0x1bb: {  	[sflag:s17] =	ssyncset.done $0x0  }
0x1bc: {  	[sflag:s17] =	ssyncadd.s32 $0xFFFFD800  }
0x1bd: {  	[spmem:s3] =	stream.indirect.scatter.add.f32 [tilespmem:s15], [sflag:$0x4], $0x80, s24, s14, $0xb8;
	[tilespmem:$0x1D080] =	vst v63  }
0x1be: {  	_ =	swait.ge [sflag:s23], $0x2800  }
0x1bf: {  	[sflag:s23] =	ssyncset.done $0x0  }
0x1c0: {  	[sflag:s23] =	ssyncadd.s32 $0xFFFFD800  }
0x1c1: {  	[tilespmem:s18], [sflag:$0x3] =	stream.indirect.gather [hbm4b:s2+s14], $0x80, s25, s14, $0xb8;
	[tilespmem:$0x1D080] =	vst v63  }
0x1c2: {  	_ =	swait.ge [sflag:s19], $0x2800  }
0x1c3: {  	[sflag:s19] =	ssyncset.done $0x0  }
0x1c4: {  	[sflag:s19] =	ssyncadd.s32 $0xFFFFD800  }
0x1c5: {  	[spmem:s3] =	stream.indirect.scatter.add.f32 [tilespmem:s16], [sflag:$0x5], $0x80, s26, s14, $0xb8;
	[tilespmem:$0x1D080] =	vst v63  }
0x1c6: {  	_ =	swait.ge [sflag:s20], $0x2800  }
0x1c7: {  	[sflag:s20] =	ssyncset.done $0x0  }
0x1c8: {  	[sflag:s20] =	ssyncadd.s32 $0xFFFFD800  }
0x1c9: {  	[tilespmem:s15], [sflag:$0x1] =	stream.indirect.gather [hbm4b:s2+s14], $0x80, s28, s14, $0xb8;
	[tilespmem:$0x1D080] =	vst v63  }
0x1ca: {  	_ =	swait.ge [sflag:s21], $0x2800  }
0x1cb: {  	[sflag:s21] =	ssyncset.done $0x0  }
0x1cc: {  	[sflag:s21] =	ssyncadd.s32 $0xFFFFD800  }
0x1cd: {  	[spmem:s3] =	stream.indirect.scatter.add.f32 [tilespmem:s18], [sflag:$0x6], $0x80, s29, s14, $0xb8;
	[tilespmem:$0x1D080] =	vst v63  }
0x1ce: {  	_ =	swait.ge [sflag:s22], $0x2800  }
0x1cf: {  	[sflag:s22] =	ssyncset.done $0x0  }
0x1d0: {  	[sflag:s22] =	ssyncadd.s32 $0xFFFFD800  }
0x1d1: {  	[tilespmem:s16], [sflag:$0x2] =	stream.indirect.gather [hbm4b:s2+s14], $0x80, s30, s14, $0xb8;
	[tilespmem:$0x1D080] =	vst v63  }
0x1d2: {  	_ =	swait.ge [sflag:s17], $0x2800  }
0x1d3: {  	[sflag:s17] =	ssyncset.done $0x0  }
0x1d4: {  	[sflag:s17] =	ssyncadd.s32 $0xFFFFD800  }
0x1d5: {  	[spmem:s3] =	stream.indirect.scatter.add.f32 [tilespmem:s15], [sflag:$0x4], $0x80, s31, s14, $0xb8;
	[tilespmem:$0x1D080] =	vst v63  }
0x1d6: {  	_ =	swait.ge [sflag:s23], $0x2800  }
0x1d7: {  	[sflag:s23] =	ssyncset.done $0x0  }
0x1d8: {  	[sflag:s23] =	ssyncadd.s32 $0xFFFFD800  }
0x1d9: {  	[tilespmem:s18], [sflag:$0x3] =	stream.indirect.gather [hbm4b:s2+s14], $0x80, s1, s14, $0xb8;
	[tilespmem:$0x1D080] =	vst v63  }
0x1da: {  	_ =	swait.ge [sflag:s19], $0x2800  }
0x1db: {  	[sflag:s19] =	ssyncset.done $0x0  }
0x1dc: {  	[sflag:s19] =	ssyncadd.s32 $0xFFFFD800  }
0x1dd: {  	[spmem:s3] =	stream.indirect.scatter.add.f32 [tilespmem:s16], [sflag:$0x5], $0x80, s0, s14, $0xb8;
	[tilespmem:$0x1D080] =	vst v63  }
0x1de: {  	_ =	swait.ge [sflag:s20], $0x2800  }
0x1df: {  	[sflag:s20] =	ssyncset.done $0x0  }
0x1e0: {  	[sflag:s20] =	ssyncadd.s32 $0xFFFFD800  }
0x1e1: {  	[tilespmem:s15], [sflag:$0x1] =	stream.indirect.gather [hbm4b:s2+s14], $0x80, s7, s14, $0xb8;
	[tilespmem:$0x1D080] =	vst v63  }
0x1e2: {  	_ =	swait.ge [sflag:s21], $0x2800  }
0x1e3: {  	[sflag:s21] =	ssyncset.done $0x0  }
0x1e4: {  	[sflag:s21] =	ssyncadd.s32 $0xFFFFD800  }
0x1e5: {  	[spmem:s3] =	stream.indirect.scatter.add.f32 [tilespmem:s18], [sflag:$0x6], $0x80, s8, s14, $0xb8;
	[tilespmem:$0x1D080] =	vst v63  }
0x1e6: {  	_ =	swait.ge [sflag:s17], $0x2800  }
0x1e7: {  	[sflag:s17] =	ssyncset.done $0x0  }
0x1e8: {  	[sflag:s17] =	ssyncadd.s32 $0xFFFFD800  }
0x1e9: {  	[spmem:s3] =	stream.indirect.scatter.add.f32 [tilespmem:s15], [sflag:$0x4], $0x80, s9, s14, $0xb8;
	[tilespmem:$0x1D080] =	vst v63  }
0x1ea: {  	_ =	swait.ge [sflag:s22], $0x2800  }
0x1eb: {  	[sflag:s22] =	ssyncset.done $0x0  }
0x1ec: {  	p1 =	sne.s32 s12, $0x1000;
	[sflag:s22] =	ssyncadd.s32 $0xFFFFD800  }
.Ltmp0:
0x1ed: {  	_ =	swait.ge [sflag:s23], $0x2800;
	(pc) =	sbr.rel @p1 .LBB2_2-.Ltmp0, $4  }
0x1ee: {  	[sflag:s23] =	ssyncset.done $0x0  }
0x1ef: {  	[sflag:s23] =	ssyncadd.s32 $0xFFFFD800  }
0x1f0: {  	s5 =	smov.u32 s12;
	s12 =	sadd.s32 $0x400, s12;
	_ =	swait.ge [sflag:s20], $0x2800  }
0x1f1: {  	s10 =	smov.u32 s5;
	s6 =	rddreg [dreg:$0x4];
	[sflag:s20] =	ssyncset.done $0x0  }
0x1f2: {  	s5 =	sadd.s32 s10, s6;
	[sflag:s20] =	ssyncadd.s32 $0xFFFFD800  }
0x1f3: {  	[tilespmem:s4], [sflag:$0x7] =	stream.linear.gather [hbm4b:s5+s4], $0xC80, $0x38;
	[tilespmem:$0x1D080] =	vst v63  }
0x1f4: {  	s5 =	sadd.s32 $0x200, s5  }
0x1f5: {  	[tilespmem:s13], [sflag:$0x7] =	stream.linear.gather [hbm4b:s5+s4], $0xC80, $0x38;
	[tilespmem:$0x1D080] =	vst v63  }
0x1f6: {  	_ =	swait.ge [sflag:s11], $0x1900  }
0x1f7: {  	[sflag:s11] =	ssyncset.done $0x0  }
0x1f8: {  	[sflag:s11] =	ssyncadd.s32 $0xFFFFE700  }
0x1f9: {  	[tilespmem:s15], [sflag:$0x1] =	stream.indirect.gather [hbm4b:s2+s14], $0x80, s4, s14, $0xb8;
	[tilespmem:$0x1D080] =	vst v63  }
0x1fa: {  	s6 =	rddreg [dreg:$0x5]  }
0x1fb: {  	[tilespmem:s16], [sflag:$0x2] =	stream.indirect.gather [hbm4b:s2+s14], $0x80, s6, s14, $0xb8;
	[tilespmem:$0x1D080] =	vst v63  }
0x1fc: {  	_ =	swait.ge [sflag:s17], $0x2800  }
0x1fd: {  	[sflag:s17] =	ssyncset.done $0x0  }
0x1fe: {  	[sflag:s17] =	ssyncadd.s32 $0xFFFFD800  }
0x1ff: {  	[spmem:s3] =	stream.indirect.scatter.add.f32 [tilespmem:s15], [sflag:$0x4], $0x80, s13, s14, $0xb8;
	[tilespmem:$0x1D080] =	vst v63  }
0x200: {  	s10 =	rddreg [dreg:$0x6]  }
0x201: {  	[tilespmem:s18], [sflag:$0x3] =	stream.indirect.gather [hbm4b:s2+s14], $0x80, s10, s14, $0xb8;
	[tilespmem:$0x1D080] =	vst v63  }
0x202: {  	_ =	swait.ge [sflag:s19], $0x2800  }
0x203: {  	[sflag:s19] =	ssyncset.done $0x0  }
0x204: {  	s12 =	rddreg [dreg:$0x7];
	[sflag:s19] =	ssyncadd.s32 $0xFFFFD800  }
0x205: {  	[spmem:s3] =	stream.indirect.scatter.add.f32 [tilespmem:s16], [sflag:$0x5], $0x80, s12, s14, $0xb8;
	[tilespmem:$0x1D080] =	vst v63  }
0x206: {  	_ =	swait.ge [sflag:s20], $0x2800  }
0x207: {  	[sflag:s20] =	ssyncset.done $0x0  }
0x208: {  	s6 =	rddreg [dreg:$0x8];
	[sflag:s20] =	ssyncadd.s32 $0xFFFFD800  }
0x209: {  	[tilespmem:s15], [sflag:$0x1] =	stream.indirect.gather [hbm4b:s2+s14], $0x80, s6, s14, $0xb8;
	[tilespmem:$0x1D080] =	vst v63  }
0x20a: {  	_ =	swait.ge [sflag:s21], $0x2800  }
0x20b: {  	[sflag:s21] =	ssyncset.done $0x0  }
0x20c: {  	s10 =	rddreg [dreg:$0x9];
	[sflag:s21] =	ssyncadd.s32 $0xFFFFD800  }
0x20d: {  	[spmem:s3] =	stream.indirect.scatter.add.f32 [tilespmem:s18], [sflag:$0x6], $0x80, s10, s14, $0xb8;
	[tilespmem:$0x1D080] =	vst v63  }
0x20e: {  	_ =	swait.ge [sflag:s22], $0x2800  }
0x20f: {  	[sflag:s22] =	ssyncset.done $0x0  }
0x210: {  	s12 =	rddreg [dreg:$0xa];
	[sflag:s22] =	ssyncadd.s32 $0xFFFFD800  }
0x211: {  	[tilespmem:s16], [sflag:$0x2] =	stream.indirect.gather [hbm4b:s2+s14], $0x80, s12, s14, $0xb8;
	[tilespmem:$0x1D080] =	vst v63  }
0x212: {  	_ =	swait.ge [sflag:s17], $0x2800  }
0x213: {  	[sflag:s17] =	ssyncset.done $0x0  }
0x214: {  	s6 =	rddreg [dreg:$0xb];
	[sflag:s17] =	ssyncadd.s32 $0xFFFFD800  }
0x215: {  	[spmem:s3] =	stream.indirect.scatter.add.f32 [tilespmem:s15], [sflag:$0x4], $0x80, s6, s14, $0xb8;
	[tilespmem:$0x1D080] =	vst v63  }
0x216: {  	_ =	swait.ge [sflag:s23], $0x2800  }
0x217: {  	[sflag:s23] =	ssyncset.done $0x0  }
0x218: {  	s10 =	rddreg [dreg:$0xc];
	[sflag:s23] =	ssyncadd.s32 $0xFFFFD800  }
0x219: {  	[tilespmem:s18], [sflag:$0x3] =	stream.indirect.gather [hbm4b:s2+s14], $0x80, s10, s14, $0xb8;
	[tilespmem:$0x1D080] =	vst v63  }
0x21a: {  	_ =	swait.ge [sflag:s19], $0x2800  }
0x21b: {  	[sflag:s19] =	ssyncset.done $0x0  }
0x21c: {  	s12 =	rddreg [dreg:$0xd];
	[sflag:s19] =	ssyncadd.s32 $0xFFFFD800  }
0x21d: {  	[spmem:s3] =	stream.indirect.scatter.add.f32 [tilespmem:s16], [sflag:$0x5], $0x80, s12, s14, $0xb8;
	[tilespmem:$0x1D080] =	vst v63  }
0x21e: {  	_ =	swait.ge [sflag:s20], $0x2800  }
0x21f: {  	[sflag:s20] =	ssyncset.done $0x0  }
0x220: {  	s6 =	rddreg [dreg:$0xe];
	[sflag:s20] =	ssyncadd.s32 $0xFFFFD800  }
0x221: {  	[tilespmem:s15], [sflag:$0x1] =	stream.indirect.gather [hbm4b:s2+s14], $0x80, s6, s14, $0xb8;
	[tilespmem:$0x1D080] =	vst v63  }
0x222: {  	_ =	swait.ge [sflag:s21], $0x2800  }
0x223: {  	[sflag:s21] =	ssyncset.done $0x0  }
0x224: {  	s10 =	rddreg [dreg:$0xf];
	[sflag:s21] =	ssyncadd.s32 $0xFFFFD800  }
0x225: {  	[spmem:s3] =	stream.indirect.scatter.add.f32 [tilespmem:s18], [sflag:$0x6], $0x80, s10, s14, $0xb8;
	[tilespmem:$0x1D080] =	vst v63  }
0x226: {  	_ =	swait.ge [sflag:s22], $0x2800  }
0x227: {  	[sflag:s22] =	ssyncset.done $0x0  }
0x228: {  	s12 =	rddreg [dreg:$0x10];
	[sflag:s22] =	ssyncadd.s32 $0xFFFFD800  }
0x229: {  	[tilespmem:s16], [sflag:$0x2] =	stream.indirect.gather [hbm4b:s2+s14], $0x80, s12, s14, $0xb8;
	[tilespmem:$0x1D080] =	vst v63  }
0x22a: {  	_ =	swait.ge [sflag:s17], $0x2800  }
0x22b: {  	[sflag:s17] =	ssyncset.done $0x0  }
0x22c: {  	s6 =	rddreg [dreg:$0x11];
	[sflag:s17] =	ssyncadd.s32 $0xFFFFD800  }
0x22d: {  	[spmem:s3] =	stream.indirect.scatter.add.f32 [tilespmem:s15], [sflag:$0x4], $0x80, s6, s14, $0xb8;
	[tilespmem:$0x1D080] =	vst v63  }
0x22e: {  	_ =	swait.ge [sflag:s23], $0x2800  }
0x22f: {  	[sflag:s23] =	ssyncset.done $0x0  }
0x230: {  	s10 =	rddreg [dreg:$0x12];
	[sflag:s23] =	ssyncadd.s32 $0xFFFFD800  }
0x231: {  	[tilespmem:s18], [sflag:$0x3] =	stream.indirect.gather [hbm4b:s2+s14], $0x80, s10, s14, $0xb8;
	[tilespmem:$0x1D080] =	vst v63  }
0x232: {  	_ =	swait.ge [sflag:s19], $0x2800  }
0x233: {  	[sflag:s19] =	ssyncset.done $0x0  }
0x234: {  	s12 =	rddreg [dreg:$0x13];
	[sflag:s19] =	ssyncadd.s32 $0xFFFFD800  }
0x235: {  	[spmem:s3] =	stream.indirect.scatter.add.f32 [tilespmem:s16], [sflag:$0x5], $0x80, s12, s14, $0xb8;
	[tilespmem:$0x1D080] =	vst v63  }
0x236: {  	_ =	swait.ge [sflag:s20], $0x2800  }
0x237: {  	[sflag:s20] =	ssyncset.done $0x0  }
0x238: {  	s6 =	rddreg [dreg:$0x14];
	[sflag:s20] =	ssyncadd.s32 $0xFFFFD800  }
0x239: {  	[tilespmem:s15], [sflag:$0x1] =	stream.indirect.gather [hbm4b:s2+s14], $0x80, s6, s14, $0xb8;
	[tilespmem:$0x1D080] =	vst v63  }
0x23a: {  	_ =	swait.ge [sflag:s21], $0x2800  }
0x23b: {  	[sflag:s21] =	ssyncset.done $0x0  }
0x23c: {  	s10 =	rddreg [dreg:$0x15];
	[sflag:s21] =	ssyncadd.s32 $0xFFFFD800  }
0x23d: {  	[spmem:s3] =	stream.indirect.scatter.add.f32 [tilespmem:s18], [sflag:$0x6], $0x80, s10, s14, $0xb8;
	[tilespmem:$0x1D080] =	vst v63  }
0x23e: {  	_ =	swait.ge [sflag:s22], $0x2800  }
0x23f: {  	[sflag:s22] =	ssyncset.done $0x0  }
0x240: {  	s12 =	rddreg [dreg:$0x16];
	[sflag:s22] =	ssyncadd.s32 $0xFFFFD800  }
0x241: {  	[tilespmem:s16], [sflag:$0x2] =	stream.indirect.gather [hbm4b:s2+s14], $0x80, s12, s14, $0xb8;
	[tilespmem:$0x1D080] =	vst v63  }
0x242: {  	_ =	swait.ge [sflag:s17], $0x2800  }
0x243: {  	[sflag:s17] =	ssyncset.done $0x0  }
0x244: {  	s6 =	rddreg [dreg:$0x17];
	[sflag:s17] =	ssyncadd.s32 $0xFFFFD800  }
0x245: {  	[spmem:s3] =	stream.indirect.scatter.add.f32 [tilespmem:s15], [sflag:$0x4], $0x80, s6, s14, $0xb8;
	[tilespmem:$0x1D080] =	vst v63  }
0x246: {  	_ =	swait.ge [sflag:s23], $0x2800  }
0x247: {  	[sflag:s23] =	ssyncset.done $0x0  }
0x248: {  	s10 =	rddreg [dreg:$0x18];
	[sflag:s23] =	ssyncadd.s32 $0xFFFFD800  }
0x249: {  	[tilespmem:s18], [sflag:$0x3] =	stream.indirect.gather [hbm4b:s2+s14], $0x80, s10, s14, $0xb8;
	[tilespmem:$0x1D080] =	vst v63  }
0x24a: {  	_ =	swait.ge [sflag:s19], $0x2800  }
0x24b: {  	[sflag:s19] =	ssyncset.done $0x0  }
0x24c: {  	s12 =	rddreg [dreg:$0x19];
	[sflag:s19] =	ssyncadd.s32 $0xFFFFD800  }
0x24d: {  	[spmem:s3] =	stream.indirect.scatter.add.f32 [tilespmem:s16], [sflag:$0x5], $0x80, s12, s14, $0xb8;
	[tilespmem:$0x1D080] =	vst v63  }
0x24e: {  	_ =	swait.ge [sflag:s20], $0x2800  }
0x24f: {  	[sflag:s20] =	ssyncset.done $0x0  }
0x250: {  	s6 =	rddreg [dreg:$0x1a];
	[sflag:s20] =	ssyncadd.s32 $0xFFFFD800  }
0x251: {  	[tilespmem:s15], [sflag:$0x1] =	stream.indirect.gather [hbm4b:s2+s14], $0x80, s6, s14, $0xb8;
	[tilespmem:$0x1D080] =	vst v63  }
0x252: {  	_ =	swait.ge [sflag:s21], $0x2800  }
0x253: {  	[sflag:s21] =	ssyncset.done $0x0  }
0x254: {  	s10 =	rddreg [dreg:$0x1b];
	[sflag:s21] =	ssyncadd.s32 $0xFFFFD800  }
0x255: {  	[spmem:s3] =	stream.indirect.scatter.add.f32 [tilespmem:s18], [sflag:$0x6], $0x80, s10, s14, $0xb8;
	[tilespmem:$0x1D080] =	vst v63  }
0x256: {  	_ =	swait.ge [sflag:s22], $0x2800  }
0x257: {  	[sflag:s22] =	ssyncset.done $0x0  }
0x258: {  	s12 =	rddreg [dreg:$0x1c];
	[sflag:s22] =	ssyncadd.s32 $0xFFFFD800  }
0x259: {  	[tilespmem:s16], [sflag:$0x2] =	stream.indirect.gather [hbm4b:s2+s14], $0x80, s12, s14, $0xb8;
	[tilespmem:$0x1D080] =	vst v63  }
0x25a: {  	_ =	swait.ge [sflag:s17], $0x2800  }
0x25b: {  	[sflag:s17] =	ssyncset.done $0x0  }
0x25c: {  	s6 =	rddreg [dreg:$0x1d];
	[sflag:s17] =	ssyncadd.s32 $0xFFFFD800  }
0x25d: {  	[spmem:s3] =	stream.indirect.scatter.add.f32 [tilespmem:s15], [sflag:$0x4], $0x80, s6, s14, $0xb8;
	[tilespmem:$0x1D080] =	vst v63  }
0x25e: {  	_ =	swait.ge [sflag:s23], $0x2800  }
0x25f: {  	[sflag:s23] =	ssyncset.done $0x0  }
0x260: {  	s10 =	rddreg [dreg:$0x1e];
	[sflag:s23] =	ssyncadd.s32 $0xFFFFD800  }
0x261: {  	[tilespmem:s18], [sflag:$0x3] =	stream.indirect.gather [hbm4b:s2+s14], $0x80, s10, s14, $0xb8;
	[tilespmem:$0x1D080] =	vst v63  }
0x262: {  	_ =	swait.ge [sflag:s19], $0x2800  }
0x263: {  	[sflag:s19] =	ssyncset.done $0x0  }
0x264: {  	s12 =	rddreg [dreg:$0x1f];
	[sflag:s19] =	ssyncadd.s32 $0xFFFFD800  }
0x265: {  	[spmem:s3] =	stream.indirect.scatter.add.f32 [tilespmem:s16], [sflag:$0x5], $0x80, s12, s14, $0xb8;
	[tilespmem:$0x1D080] =	vst v63  }
0x266: {  	_ =	swait.ge [sflag:s20], $0x2800  }
0x267: {  	s6 =	sld [smem:$0x7F1]  }
0x268: {  	[sflag:s20] =	ssyncset.done $0x0  }
0x269: {  	[sflag:s20] =	ssyncadd.s32 $0xFFFFD800  }
0x26a: {  	[tilespmem:s15], [sflag:$0x1] =	stream.indirect.gather [hbm4b:s2+s14], $0x80, s6, s14, $0xb8;
	[tilespmem:$0x1D080] =	vst v63  }
0x26b: {  	_ =	swait.ge [sflag:s21], $0x2800  }
0x26c: {  	s10 =	sld [smem:$0x7F2]  }
0x26d: {  	[sflag:s21] =	ssyncset.done $0x0  }
0x26e: {  	[sflag:s21] =	ssyncadd.s32 $0xFFFFD800  }
0x26f: {  	[spmem:s3] =	stream.indirect.scatter.add.f32 [tilespmem:s18], [sflag:$0x6], $0x80, s10, s14, $0xb8;
	[tilespmem:$0x1D080] =	vst v63  }
0x270: {  	_ =	swait.ge [sflag:s22], $0x2800  }
0x271: {  	s12 =	sld [smem:$0x7F3]  }
0x272: {  	[sflag:s22] =	ssyncset.done $0x0  }
0x273: {  	[sflag:s22] =	ssyncadd.s32 $0xFFFFD800  }
0x274: {  	[tilespmem:s16], [sflag:$0x2] =	stream.indirect.gather [hbm4b:s2+s14], $0x80, s12, s14, $0xb8;
	[tilespmem:$0x1D080] =	vst v63  }
0x275: {  	_ =	swait.ge [sflag:s17], $0x2800  }
0x276: {  	s6 =	sld [smem:$0x7F4]  }
0x277: {  	[sflag:s17] =	ssyncset.done $0x0  }
0x278: {  	[sflag:s17] =	ssyncadd.s32 $0xFFFFD800  }
0x279: {  	[spmem:s3] =	stream.indirect.scatter.add.f32 [tilespmem:s15], [sflag:$0x4], $0x80, s6, s14, $0xb8;
	[tilespmem:$0x1D080] =	vst v63  }
0x27a: {  	_ =	swait.ge [sflag:s23], $0x2800  }
0x27b: {  	s10 =	sld [smem:$0x7F5]  }
0x27c: {  	[sflag:s23] =	ssyncset.done $0x0  }
0x27d: {  	[sflag:s23] =	ssyncadd.s32 $0xFFFFD800  }
0x27e: {  	[tilespmem:s18], [sflag:$0x3] =	stream.indirect.gather [hbm4b:s2+s14], $0x80, s10, s14, $0xb8;
	[tilespmem:$0x1D080] =	vst v63  }
0x27f: {  	_ =	swait.ge [sflag:s19], $0x2800  }
0x280: {  	s12 =	sld [smem:$0x7F6]  }
0x281: {  	[sflag:s19] =	ssyncset.done $0x0  }
0x282: {  	[sflag:s19] =	ssyncadd.s32 $0xFFFFD800  }
0x283: {  	[spmem:s3] =	stream.indirect.scatter.add.f32 [tilespmem:s16], [sflag:$0x5], $0x80, s12, s14, $0xb8;
	[tilespmem:$0x1D080] =	vst v63  }
0x284: {  	_ =	swait.ge [sflag:s20], $0x2800  }
0x285: {  	s6 =	sld [smem:$0x7F7]  }
0x286: {  	[sflag:s20] =	ssyncset.done $0x0  }
0x287: {  	[sflag:s20] =	ssyncadd.s32 $0xFFFFD800  }
0x288: {  	[tilespmem:s15], [sflag:$0x1] =	stream.indirect.gather [hbm4b:s2+s14], $0x80, s6, s14, $0xb8;
	[tilespmem:$0x1D080] =	vst v63  }
0x289: {  	_ =	swait.ge [sflag:s21], $0x2800  }
0x28a: {  	s10 =	sld [smem:$0x7F8]  }
0x28b: {  	[sflag:s21] =	ssyncset.done $0x0  }
0x28c: {  	[sflag:s21] =	ssyncadd.s32 $0xFFFFD800  }
0x28d: {  	[spmem:s3] =	stream.indirect.scatter.add.f32 [tilespmem:s18], [sflag:$0x6], $0x80, s10, s14, $0xb8;
	[tilespmem:$0x1D080] =	vst v63  }
0x28e: {  	_ =	swait.ge [sflag:s22], $0x2800  }
0x28f: {  	s12 =	sld [smem:$0x7F9]  }
0x290: {  	[sflag:s22] =	ssyncset.done $0x0  }
0x291: {  	[sflag:s22] =	ssyncadd.s32 $0xFFFFD800  }
0x292: {  	[tilespmem:s16], [sflag:$0x2] =	stream.indirect.gather [hbm4b:s2+s14], $0x80, s12, s14, $0xb8;
	[tilespmem:$0x1D080] =	vst v63  }
0x293: {  	_ =	swait.ge [sflag:s17], $0x2800  }
0x294: {  	[sflag:s17] =	ssyncset.done $0x0  }
0x295: {  	[sflag:s17] =	ssyncadd.s32 $0xFFFFD800  }
0x296: {  	[spmem:s3] =	stream.indirect.scatter.add.f32 [tilespmem:s15], [sflag:$0x4], $0x80, s24, s14, $0xb8;
	[tilespmem:$0x1D080] =	vst v63  }
0x297: {  	_ =	swait.ge [sflag:s23], $0x2800  }
0x298: {  	[sflag:s23] =	ssyncset.done $0x0  }
0x299: {  	[sflag:s23] =	ssyncadd.s32 $0xFFFFD800  }
0x29a: {  	[tilespmem:s18], [sflag:$0x3] =	stream.indirect.gather [hbm4b:s2+s14], $0x80, s25, s14, $0xb8;
	[tilespmem:$0x1D080] =	vst v63  }
0x29b: {  	_ =	swait.ge [sflag:s19], $0x2800  }
0x29c: {  	[sflag:s19] =	ssyncset.done $0x0  }
0x29d: {  	[sflag:s19] =	ssyncadd.s32 $0xFFFFD800  }
0x29e: {  	[spmem:s3] =	stream.indirect.scatter.add.f32 [tilespmem:s16], [sflag:$0x5], $0x80, s26, s14, $0xb8;
	[tilespmem:$0x1D080] =	vst v63  }
0x29f: {  	_ =	swait.ge [sflag:s20], $0x2800  }
0x2a0: {  	[sflag:s20] =	ssyncset.done $0x0  }
0x2a1: {  	[sflag:s20] =	ssyncadd.s32 $0xFFFFD800  }
0x2a2: {  	[tilespmem:s15], [sflag:$0x1] =	stream.indirect.gather [hbm4b:s2+s14], $0x80, s28, s14, $0xb8;
	[tilespmem:$0x1D080] =	vst v63  }
0x2a3: {  	_ =	swait.ge [sflag:s21], $0x2800  }
0x2a4: {  	[sflag:s21] =	ssyncset.done $0x0  }
0x2a5: {  	[sflag:s21] =	ssyncadd.s32 $0xFFFFD800  }
0x2a6: {  	[spmem:s3] =	stream.indirect.scatter.add.f32 [tilespmem:s18], [sflag:$0x6], $0x80, s29, s14, $0xb8;
	[tilespmem:$0x1D080] =	vst v63  }
0x2a7: {  	_ =	swait.ge [sflag:s22], $0x2800  }
0x2a8: {  	[sflag:s22] =	ssyncset.done $0x0  }
0x2a9: {  	[sflag:s22] =	ssyncadd.s32 $0xFFFFD800  }
0x2aa: {  	[tilespmem:s16], [sflag:$0x2] =	stream.indirect.gather [hbm4b:s2+s14], $0x80, s30, s14, $0xb8;
	[tilespmem:$0x1D080] =	vst v63  }
0x2ab: {  	_ =	swait.ge [sflag:s17], $0x2800  }
0x2ac: {  	[sflag:s17] =	ssyncset.done $0x0  }
0x2ad: {  	[sflag:s17] =	ssyncadd.s32 $0xFFFFD800  }
0x2ae: {  	[spmem:s3] =	stream.indirect.scatter.add.f32 [tilespmem:s15], [sflag:$0x4], $0x80, s31, s14, $0xb8;
	[tilespmem:$0x1D080] =	vst v63  }
0x2af: {  	_ =	swait.ge [sflag:s23], $0x2800  }
0x2b0: {  	[sflag:s23] =	ssyncset.done $0x0  }
0x2b1: {  	[sflag:s23] =	ssyncadd.s32 $0xFFFFD800  }
0x2b2: {  	[tilespmem:s18], [sflag:$0x3] =	stream.indirect.gather [hbm4b:s2+s14], $0x80, s1, s14, $0xb8;
	[tilespmem:$0x1D080] =	vst v63  }
0x2b3: {  	_ =	swait.ge [sflag:s19], $0x2800  }
0x2b4: {  	[sflag:s19] =	ssyncset.done $0x0  }
0x2b5: {  	[sflag:s19] =	ssyncadd.s32 $0xFFFFD800  }
0x2b6: {  	[spmem:s3] =	stream.indirect.scatter.add.f32 [tilespmem:s16], [sflag:$0x5], $0x80, s0, s14, $0xb8;
	[tilespmem:$0x1D080] =	vst v63  }
0x2b7: {  	_ =	swait.ge [sflag:s20], $0x2800  }
0x2b8: {  	[sflag:s20] =	ssyncset.done $0x0  }
0x2b9: {  	[sflag:s20] =	ssyncadd.s32 $0xFFFFD800  }
0x2ba: {  	[tilespmem:s15], [sflag:$0x1] =	stream.indirect.gather [hbm4b:s2+s14], $0x80, s7, s14, $0xb8;
	[tilespmem:$0x1D080] =	vst v63  }
0x2bb: {  	_ =	swait.ge [sflag:s21], $0x2800  }
0x2bc: {  	[sflag:s21] =	ssyncset.done $0x0  }
0x2bd: {  	[sflag:s21] =	ssyncadd.s32 $0xFFFFD800  }
0x2be: {  	[spmem:s3] =	stream.indirect.scatter.add.f32 [tilespmem:s18], [sflag:$0x6], $0x80, s8, s14, $0xb8;
	[tilespmem:$0x1D080] =	vst v63  }
0x2bf: {  	_ =	swait.ge [sflag:s17], $0x2800  }
0x2c0: {  	[sflag:s17] =	ssyncset.done $0x0  }
0x2c1: {  	[sflag:s17] =	ssyncadd.s32 $0xFFFFD800  }
0x2c2: {  	[spmem:s3] =	stream.indirect.scatter.add.f32 [tilespmem:s15], [sflag:$0x4], $0x80, s9, s14, $0xb8;
	[tilespmem:$0x1D080] =	vst v63  }
0x2c3: {  	_ =	swait.ge [sflag:s22], $0x2800  }
0x2c4: {  	[sflag:s22] =	ssyncset.done $0x0  }
0x2c5: {  	[sflag:s22] =	ssyncadd.s32 $0xFFFFD800  }
0x2c6: {  	_ =	swait.ge [sflag:s23], $0x2800  }
0x2c7: {  	[sflag:s23] =	ssyncset.done $0x0  }
0x2c8: {  	[sflag:s23] =	ssyncadd.s32 $0xFFFFD800  }
0x2c9: {  	_ =	swait.ge [sflag:s20], $0x2800  }
0x2ca: {  	[sflag:s20] =	ssyncset.done $0x0  }
0x2cb: {  	[sflag:s20] =	ssyncadd.s32 $0xFFFFD800  }
0x2cc: {  	[bflag:$0x0] =	sbarrier.arrive $0xFFFF  }
0x2cd: {  	s12 =	sld [smem:$0x7FB]  }
0x2ce: {  	s6 =	sld [smem:$0x7EE]  }
0x2cf: {  	s10 =	sld [smem:$0x7FC];
	_ =	sdelay $0x2  }
0x2d0: {  	[hbm:s6], [sflag:s12] =	dma.local [spmem:s10], $0x2700  }
0x2d1: {  	_ =	swait.ge [sflag:s11], $0x2700  }
0x2d2: {  	s5 =	sld [smem:$0x7EF]  }
0x2d3: {  	s6 =	sld [smem:$0x7FD]  }
0x2d4: {  	[sflag:s11] =	ssyncset.done $0x0  }
0x2d5: {  	[sflag:s11] =	ssyncadd.s32 $0xFFFFD900  }
0x2d6: {  	[hbm:s5], [sflag:s12] =	dma.local @!p0 [spmem:s6], $0x100  }
0x2d7: {  	s5 =	smov.u32 s6;
	s6 =	simm.s32 @!p0 $0x7  }
0x2d8: {  	_ =	swait.ge @!p0 [sflag:s6], $0x100  }
0x2d9: {  	s10 =	sld [smem:$0x7FA]  }
0x2da: {  	[sflag:s6] =	ssyncset.done @!p0 $0x0;
	s6 =	sld [smem:$0x7F0];
	_ =	sdelay $0x1  }
0x2db: {  	s10 =	sadd.s32 $0x1, s10  }
0x2dc: {  	p1 =	sne.s32 s10, s6  }
.Ltmp1:
0x2dd: {  	_ = 	snop;
	(pc) =	sbr.rel @p1 .LBB2_1-.Ltmp1, $3  }
0x2de: {  	_ =	sdelay $0x1  }
0x2df: {  	[smem:$0x7FA] =	sst s10;
	s6 =	smov.u32 s5;
	s5 =	simm.s32 @!p0 $0x7  }
0x2e0: {  	s10 =	sld [smem:$0x7FC];
	[sflag:s5] =	ssyncadd.s32 @!p0 $0xFFFFFF00  }
0x2e1: {  	_ =	sfence.sel $0x180000  }
0x2e2: {  	[bflag:$0x0] =	sbarrier.arrive $0xFFFF  }
0x2e3: {  	_ =	strace $0x90000047  }
0x2e4: {  	s0 =	stileid.u32;
	[bflag:$0x2] =	sbarrier.arrive $0xFFFF  }
0x2e5: {  	p0 =	sne.s32 s0, $0x0;
	s0 =	rddreg [dreg:$0x3]  }
0x2e6: {  	s0 =	sadd.s32 @!p0 $0x100000, s0  }
0x2e7: {  	[sflag:s0] =	ssyncadd.tile.s32 @!p0 $0x1;
	_ =	shalt  }
.Lfunc_end2:
_tile_overlayer_lowered:
.L_overlay_start_2:
0x2e8: {  	(tag) =	ssettag $0x2  }
0x2e9: {  	s0 =	rddreg [dreg:$0x0];
	s2 =	stileid.u32  }
0x2ea: {  	s1 =	rddreg [dreg:$0x1];
	p0 =	sne.s32 s2, $0x0  }
0x2eb: {  	s3 =	rddreg [dreg:$0x2];
	[bflag:$0x3] =	sbarrier.arrive $0xFFFF;
	s2 =	simm.s32 @!p0 $0x1C07  }
0x2ec: {  	[timem:s3], [sflag:s2] =	dma.local @!p0 [hbm:s0], s1  }
0x2ed: {  	s0 =	simm.s32 @!p0 $0x7  }
0x2ee: {  	_ =	swait.ge @!p0 [sflag:s0], s1  }
0x2ef: {  	s1 =	ssub.s32 @!p0 $0x0, s1;
	[sflag:s0] =	ssyncset.done @!p0 $0x0  }
0x2f0: {  	[sflag:s0] =	ssyncadd.s32 @!p0 s1  }
0x2f1: {  	[bflag:$0x3] =	sbarrier.arrive $0xFFFF  }
0x2f2: {  	_ =	shalt  }

// kernel: kernel.9.cloned.1.call-start
scs
__scs_entry_jumppad:
0x0: {  	(pc) =	sbr.rel $0x88, $3  }
0x1: {  	(tag) =	ssettag $0x0;
	lr =	simm.s32 $0x1  }
0x2: {  	[smem:$0x3F93] =	sst lr;
	_ =	strace $0xD0000000  }
0x3: {  	_ = 	snop  }
0x4: {  	_ = 	snop  }
0x5: {  	_ = 	snop  }
0x6: {  	_ = 	snop  }
0x7: {  	_ = 	snop  }
__scs_overlays_trampoline_lowered:
0x8: {  	[smem:$0x3FA2] =	sst s0  }
0x9: {  	[smem:$0x3FA3] =	sst s1  }
0xa: {  	[smem:$0x3FA4] =	sst s2  }
0xb: {  	[smem:$0x3FA5] =	sst s3  }
0xc: {  	[smem:$0x3FA6] =	sst s4  }
0xd: {  	[smem:$0x3FA7] =	sst s5  }
0xe: {  	[smem:$0x3FA8] =	sst s6  }
0xf: {  	[smem:$0x3FA9] =	sst s7  }
0x10: {  	[smem:$0x3FAA] =	sst s8  }
0x11: {  	[smem:$0x3FAB] =	sst s9;
	s0 =	simm.s32 @!p0 $0x0  }
0x12: {  	s1 =	sld [smem:$0x3F91];
	s0 =	simm.s32 @p0 $0x1  }
0x13: {  	[smem:$0x3FAC] =	sst s0;
	s0 =	simm.s32 @!p1 $0x0  }
0x14: {  	s2 =	sld [smem:$0x3F90];
	s0 =	simm.s32 @p1 $0x1  }
0x15: {  	[smem:$0x3FAD] =	sst s0;
	s0 =	simm.s32 @!p2 $0x0  }
0x16: {  	s3 =	sld [smem:$0x3FDB];
	s0 =	simm.s32 @p2 $0x1  }
0x17: {  	s4 =	simm.s32 $0x1BF5;
	[smem:$0x3FAF] =	sst s0  }
0x18: {  	s0 =	sld [smem:$0x3F92];
	_ =	swait.ge [sflag:s4], $0x0  }
0x19: {  	s7 =	sld [smem:$0x3F93]  }
0x1a: {  	s8 =	sadd.s32 $0xFFFFE003, lr  }
0x1b: {  	s9 =	sadd.s32 $0xFFFFFEF7, lr;
	s5 =	simm.s32 $0xFFFFFFFF;
	p2 =	slt.u32 s8, $0xFFFFF086  }
0x1c: {  	p1 =	slt.u32 s9, $0xF7A;
	s5 =	simm.s32 @!p2 $0x0  }
0x1d: {  	s5 =	simm.s32 @p1 $0x1;
	p0 =	seq.s32 s7, s2  }
0x1e: {  	s7 =	smul.u32 @!p0 $0xF7A, s2;
	p2 =	seq.s32 @!p0 s5, $0x0  }
0x1f: {  	s9 =	smul.u32 $0xF7A, s1;
	s8 =	simm.s32 @!p0 $0x1BF5;
	p2 =	por !p2, p0  }
0x20: {  	[sflag:s8] =	ssyncset.s32 @!p0 $0xFFFFF086;
	s6 =	sadd.s32 @!p0 s3, s7;
	s7 =	simm.s32 @!p0 $0x108  }
0x21: {  	s3 =	sadd.s32 s3, s9;
	s6 =	sadd.s32 @!p0 $0x88, s6;
	s7 =	simm.s32 @p2 $0x1082  }
0x22: {  	[simem:s7], [sflag:s8] =	dma.local @!p0 [hbm:s6], $0xF7A  }
0x23: {  	s9 =	sor.u32 $0xD0000000, s2;
	s6 =	simm.s32 $0x108;
	_ =	swait.ge @!p0 [sflag:s8], $0x0  }
0x24: {  	s3 =	sadd.s32 $0x88, s3;
	s6 =	simm.s32 @!p1 $0x1082;
	[sflag:s4] =	ssyncset.s32 $0xFFFFF086  }
0x25: {  	[simem:s6], [sflag:s4] =	dma.local [hbm:s3], $0xF7A  }
0x26: {  	[smem:$0x3F93] =	sst s1;
	(tag) =	ssettag s2;
	_ =	strace s9  }
0x27: {  	s1 =	sld [smem:$0x3FA3]  }
0x28: {  	s2 =	sld [smem:$0x3FA4]  }
0x29: {  	s4 =	sld [smem:$0x3FA6]  }
0x2a: {  	p0 =	seq.s32 s5, $0x0;
	s5 =	sld [smem:$0x3FA7]  }
0x2b: {  	s6 =	sld [smem:$0x3FA8]  }
0x2c: {  	s7 =	sld [smem:$0x3FA9]  }
0x2d: {  	s3 =	simm.s32 $0x108;
	s8 =	sld [smem:$0x3FAA]  }
0x2e: {  	s3 =	simm.s32 @!p0 $0x1082;
	s9 =	sld [smem:$0x3FAB]  }
0x2f: {  	lr =	sadd.s32 s0, s3;
	s0 =	sld [smem:$0x3FA2]  }
0x30: {  	s3 =	sld [smem:$0x3FA5]  }
0x31: {  	[smem:$0x3FAE] =	sst s10  }
0x32: {  	s10 =	sld [smem:$0x3FAC];
	_ =	sdelay $0x3  }
0x33: {  	p0 =	seq.s32 s10, $0x1;
	s10 =	sld [smem:$0x3FAE];
	_ =	sdelay $0x3  }
0x34: {  	[smem:$0x3FAE] =	sst s10  }
0x35: {  	s10 =	sld [smem:$0x3FAD];
	_ =	sdelay $0x3  }
0x36: {  	p1 =	seq.s32 s10, $0x1;
	s10 =	sld [smem:$0x3FAE];
	_ =	sdelay $0x3  }
0x37: {  	[smem:$0x3FAE] =	sst s10  }
0x38: {  	s10 =	sld [smem:$0x3FAF]  }
0x39: {  	_ = 	snop;
	(pc) =	sbr.ind lr, $3  }
0x3a: {  	_ = 	snop  }
0x3b: {  	_ = 	snop  }
0x3c: {  	p2 =	seq.s32 s10, $0x1;
	s10 =	sld [smem:$0x3FAE]  }
0x3d: {  	_ =	shalt  }
0x3e: {  	_ =	shalt  }
0x3f: {  	_ =	shalt  }
0x40: {  	_ =	shalt  }
0x41: {  	_ =	shalt  }
0x42: {  	_ =	shalt  }
0x43: {  	_ =	shalt  }
0x44: {  	_ =	shalt  }
0x45: {  	_ =	shalt  }
0x46: {  	_ =	shalt  }
0x47: {  	_ =	shalt  }
0x48: {  	_ =	shalt  }
0x49: {  	_ =	shalt  }
0x4a: {  	_ =	shalt  }
0x4b: {  	_ =	shalt  }
0x4c: {  	_ =	shalt  }
0x4d: {  	_ =	shalt  }
0x4e: {  	_ =	shalt  }
0x4f: {  	_ =	shalt  }
0x50: {  	_ =	shalt  }
0x51: {  	_ =	shalt  }
0x52: {  	_ =	shalt  }
0x53: {  	_ =	shalt  }
0x54: {  	_ =	shalt  }
0x55: {  	_ =	shalt  }
0x56: {  	_ =	shalt  }
0x57: {  	_ =	shalt  }
0x58: {  	_ =	shalt  }
0x59: {  	_ =	shalt  }
0x5a: {  	_ =	shalt  }
0x5b: {  	_ =	shalt  }
0x5c: {  	_ =	shalt  }
0x5d: {  	_ =	shalt  }
0x5e: {  	_ =	shalt  }
0x5f: {  	_ =	shalt  }
0x60: {  	_ =	shalt  }
0x61: {  	_ =	shalt  }
0x62: {  	_ =	shalt  }
0x63: {  	_ =	shalt  }
0x64: {  	_ =	shalt  }
0x65: {  	_ =	shalt  }
0x66: {  	_ =	shalt  }
0x67: {  	_ =	shalt  }
0x68: {  	_ =	shalt  }
0x69: {  	_ =	shalt  }
0x6a: {  	_ =	shalt  }
0x6b: {  	_ =	shalt  }
0x6c: {  	_ =	shalt  }
0x6d: {  	_ =	shalt  }
0x6e: {  	_ =	shalt  }
0x6f: {  	_ =	shalt  }
0x70: {  	_ =	shalt  }
0x71: {  	_ =	shalt  }
0x72: {  	_ =	shalt  }
0x73: {  	_ =	shalt  }
0x74: {  	_ =	shalt  }
0x75: {  	_ =	shalt  }
0x76: {  	_ =	shalt  }
0x77: {  	_ =	shalt  }
0x78: {  	_ =	shalt  }
0x79: {  	_ =	shalt  }
0x7a: {  	_ =	shalt  }
0x7b: {  	_ =	shalt  }
0x7c: {  	_ =	shalt  }
0x7d: {  	_ =	shalt  }
0x7e: {  	_ =	shalt  }
0x7f: {  	_ =	shalt  }
0x80: {  	_ =	shalt  }
0x81: {  	_ =	shalt  }
0x82: {  	_ =	shalt  }
0x83: {  	_ =	shalt  }
0x84: {  	_ =	shalt  }
0x85: {  	_ =	shalt  }
0x86: {  	_ =	shalt  }
0x87: {  	_ =	shalt  }
.Lfunc_end0:
.L_simem_size_0:
called_computation.1_lowered:
.L_overlay_start_0:
0x88: {  	s2 =	sld [smem:$0x3FD9]  }
0x89: {  	s3 =	sld [smem:$0x3FFE];
	_ =	sdelay $0x1  }
0x8a: {  	s1 =	srdreg.scid  }
0x8b: {  	s0 =	sand.u32 $0x1, s1  }
0x8c: {  	s16 =	sshll.u32 s0, $0xA;
	s2 =	sadd.s32 s3, s2  }
0x8d: {  	s2 =	sadd.s32 s2, s16  }
0x8e: {  	[smem:$0x3FBA] =	sst s2  }
0x8f: {  	_ = 	snop  }
0x90: {  	(tm) =	ssettm $0x1  }
0x91: {  	s17 =	sld [smem:$0x3FFB];
	_ =	sdelay $0x3  }
0x92: {  	_ =	strace s17  }
0x93: {  	s2 =	sld [smem:$0x3FFC];
	_ =	sdelay $0x3  }
0x94: {  	_ =	strace s2  }
0x95: {  	s2 =	sld [smem:$0x3FFD];
	_ =	sdelay $0x3  }
0x96: {  	_ =	strace s2  }
0x97: {  	_ =	strace $0x8FFFFFFF  }
0x98: {  	s18 =	sld [smem:$0x3FDB];
	_ =	sdelay $0x1  }
0x99: {  	s19 =	simm.s32 $_scs_section_size  }
0x9a: {  	s4 =	simm.s32 $_size__tile_overlayer_lowered;
	s5 =	simm.s32 $_tile_overlayer_lowered  }
0x9b: {  	s22 =	simm.s32 $0x1BFF;
	s21 =	sshll.u32 s5, $0x1;
	s2 =	sadd.s32 s19, s18  }
0x9c: {  	s6 =	simm.s32 $0x0;
	s20 =	sshll.u32 s4, $0x1;
	s4 =	sadd.s32 s21, s2  }
0x9d: {  	[timem:s6], [sflag:s22] =	dma.local [hbm:s4], s20  }
0x9e: {  	_ =	swait.ge [sflag:s22], s20  }
0x9f: {  	s3 =	ssub.s32 $0x0, s20;
	[sflag:s22] =	ssyncset.done $0x0  }
0xa0: {  	[sflag:s22] =	ssyncadd.s32 s3;
	_ =	sdelay $0x1  }
0xa1: {  	s23 =	simm.s32 $0x1B8B  }
0xa2: {  	_ =	swait.ge [sflag:s23], $0x1  }
0xa3: {  	[sflag:s23] =	ssyncset.done $0x0  }
0xa4: {  	s25 =	simm.s32 $0x1B8E;
	s24 =	sld [smem:$0x3FFE];
	[sflag:s23] =	ssyncadd.s32 $0xFFFFFFFF  }
0xa5: {  	s26 =	simm.s32 $execute0_lowered;
	[smem:$0x3FD2] =	sst s25  }
0xa6: {  	s4 =	sshll.u32 s26, $0x1;
	_ =	strace $0x80000049;
	[dreg:$0x1] =	wrdreg $0xFFFFFFFF  }
0xa7: {  	s28 =	simm.s32 $_size_execute0_lowered;
	s2 =	sadd.s32 s2, s4;
	[dreg:$0x0] =	wrdreg $0x0  }
0xa8: {  	s4 =	sshll.u32 s28, $0x1;
	[dreg:$0x2] =	wrdreg s2  }
0xa9: {  	[dreg:$0x3] =	wrdreg s4  }
0xaa: {  	[dreg:$0x4] =	wrdreg $0xC0  }
0xab: {  	_ =	task [dreg:s6], $0x5FFFF  }
0xac: {  	[dreg:$0x1] =	wrdreg $0xFFFFFFFF  }
0xad: {  	[dreg:$0x0] =	wrdreg $0x60  }
0xae: {  	[dreg:$0x2] =	wrdreg s24  }
0xaf: {  	[dreg:$0x3] =	wrdreg $0x98000  }
0xb0: {  	[dreg:$0x4] =	wrdreg $0x9  }
0xb1: {  	_ =	task.clear_ibuf [dreg:s6], $0x5FFFF;
	_ =	strace $0x90000049  }
0xb2: {  	s29 =	simm.s32 $0x9;
	_ =	strace $0x8000004B  }
0xb3: {  	_ =	swait.ge [sflag:s29], $0x1  }
0xb4: {  	[sflag:s29] =	ssyncadd.s32 $0xFFFFFFFF  }
0xb5: {  	_ =	strace $0x9000004B  }
0xb6: {  	_ =	sfence  }
0xb7: {  	s30 =	sld [smem:$0x0];
	_ =	sdelay $0x2  }
0xb8: {  	s31 =	sshll.u32 s1, $0xD;
	s1 =	sshrl.u32 s1, $0x2  }
0xb9: {  	s3 =	sand.u32 $0x4000, s31;
	s1 =	sadd.s32 s1, s30  }
0xba: {  	s0 =	sor.u32 s3, s0;
	s1 =	sshll.u32 s1, $0x11  }
0xbb: {  	s0 =	sor.u32 s1, s0  }
0xbc: {  	s0 =	sadd.s32 $0x8F2B, s0  }
0xbd: {  	[sflag:s0] =	ssyncadd.remote.s32 $0x1  }
0xbe: {  	_ =	sfence.sel $0xFFFF  }
0xbf: {  	[dreg:$0x0] =	wrdreg $0xFFFFFFFF;
	(pc) =	sbr.abs _section_cstart, $3  }
0xc0: {  	[dreg:$0x1] =	wrdreg $0xFFFFFFFF  }
0xc1: {  	_ =	task.clear_ibuf [dreg:s6], $0x2FFFF;
	_ =	strace $0x9FFFFFFF  }
0xc2: {  	(tm) =	ssettm $0x7FFFFFFF  }
0xc3: {  	_ =	shalt  }
tec
execute0_lowered:
.L_overlay_start_1:
0x0: {  	(tag) =	ssettag $0x1  }
0x1: {  	s0 =	srdreg.scid;
	s10 =	stileid.u32  }
0x2: {  	s0 =	sand.u32 $0x1, s0;
	s3 =	smul.u32 $0xA000, s10  }
0x3: {  	s1 =	smul.u32 $0xA0000, s0  }
0x4: {  	s5 =	rddreg [dreg:$0x0]  }
0x5: {  	s2 =	rddreg [dreg:$0x1];
	s1 =	sadd.s32 s3, s1;
	s3 =	simm.s32 $0x0  }
0x6: {  	s20 =	simm.s32 $0x80;
	[smem:$0x7FF] =	sst s3  }
0x7: {  	s6 =	sadd.s32 $0x2AA00, s5;
	_ =	strace $0x8000004A;
	[dreg:$0x4] =	wrdreg s20  }
0x8: {  	s21 =	simm.s32 $0x100;
	[smem:$0x7EE] =	sst s6  }
0x9: {  	s22 =	simm.s32 $0x1080;
	[dreg:$0x5] =	wrdreg s21  }
0xa: {  	s23 =	simm.s32 $0x180;
	s25 =	simm.s32 $0x1100;
	[dreg:$0x6] =	wrdreg s22  }
0xb: {  	s26 =	simm.s32 $0x200;
	s9 =	simm.s32 $0x1180;
	[dreg:$0x7] =	wrdreg s23  }
0xc: {  	s11 =	simm.s32 $0x280;
	s13 =	simm.s32 $0x1200;
	[dreg:$0x8] =	wrdreg s25  }
0xd: {  	s14 =	simm.s32 $0x300;
	s16 =	simm.s32 $0x1280;
	[dreg:$0x9] =	wrdreg s26  }
0xe: {  	s17 =	simm.s32 $0x380;
	s18 =	simm.s32 $0x1300;
	[dreg:$0xa] =	wrdreg s9  }
0xf: {  	s28 =	simm.s32 $0xA80;
	s29 =	simm.s32 $0x1A00;
	[dreg:$0xb] =	wrdreg s11  }
0x10: {  	s30 =	simm.s32 $0xB00;
	s8 =	smul.u32 $0x4E000, s10;
	[dreg:$0xc] =	wrdreg s13  }
0x11: {  	s31 =	simm.s32 $0x1A80;
	s19 =	smul.u32 $0x13800, s10;
	[dreg:$0xd] =	wrdreg s14  }
0x12: {  	s24 =	ssub.s32 $0x2, s0;
	s0 =	smul.u32 $0x138800, s0;
	[dreg:$0xe] =	wrdreg s16  }
0x13: {  	s4 =	sadd.s32 $0x2D200, s5;
	s12 =	sshrl.u32 s8, $0x2;
	[dreg:$0xf] =	wrdreg s17  }
0x14: {  	s8 =	sadd.s32 s19, s0;
	s19 =	simm.s32 $0x1700;
	[dreg:$0x10] =	wrdreg s18  }
0x15: {  	s15 =	sshll.u32 s10, $0x6;
	s20 =	simm.s32 $0x400;
	[smem:$0x7F2] =	sst s19  }
0x16: {  	p0 =	sne.s32 s10, $0xF;
	s21 =	simm.s32 $0x1380;
	[dreg:$0x11] =	wrdreg s20  }
0x17: {  	s7 =	sshrl.u32 s24, $0x1;
	s22 =	simm.s32 $0x480;
	[dreg:$0x12] =	wrdreg s21  }
0x18: {  	s0 =	sshrl.u32 s0, $0x3;
	s23 =	simm.s32 $0x1400;
	[dreg:$0x13] =	wrdreg s22  }
0x19: {  	s6 =	ssub.s32 s24, s7;
	s24 =	simm.s32 $0x500;
	[dreg:$0x14] =	wrdreg s23  }
0x1a: {  	s1 =	sshrl.u32 s1, $0x3;
	s25 =	simm.s32 $0x1480;
	[dreg:$0x15] =	wrdreg s24  }
0x1b: {  	s8 =	sshrl.u32 s8, $0x3;
	s26 =	simm.s32 $0x580;
	[dreg:$0x16] =	wrdreg s25  }
0x1c: {  	s1 =	sadd.s32 s1, s5;
	s11 =	simm.s32 $0x600;
	[dreg:$0x17] =	wrdreg s26  }
0x1d: {  	s5 =	sadd.s32 $0x54400, s5;
	s13 =	simm.s32 $0x1580;
	[dreg:$0x19] =	wrdreg s11  }
0x1e: {  	s7 =	sadd.s32 s12, s2;
	s14 =	simm.s32 $0x680;
	[dreg:$0x1a] =	wrdreg s13  }
0x1f: {  	s12 =	sor.u32 $0x1C07, s15;
	s15 =	simm.s32 $0x1600;
	[dreg:$0x1b] =	wrdreg s14  }
0x20: {  	s9 =	sadd.s32 $0x138000, s2;
	s16 =	simm.s32 $0x700;
	[dreg:$0x1c] =	wrdreg s15  }
0x21: {  	s17 =	simm.s32 $0x1680;
	s18 =	simm.s32 $0x780;
	[dreg:$0x1d] =	wrdreg s16  }
0x22: {  	s19 =	simm.s32 $0x2;
	s1 =	sadd.s32 $0x2A00, s1;
	[dreg:$0x1e] =	wrdreg s17  }
0x23: {  	s8 =	sadd.s32 s5, s8;
	s0 =	sadd.s32 s5, s0;
	[dreg:$0x1f] =	wrdreg s18  }
0x24: {  	s5 =	simm.s32 $0x1500;
	s10 =	sshrl.u32 s7, $0x3;
	[smem:$0x7FB] =	sst s12  }
0x25: {  	s11 =	simm.s32 $0x7;
	s13 =	simm.s32 $0x1000;
	[dreg:$0x3] =	wrdreg s1  }
0x26: {  	s14 =	simm.s32 $0x50;
	s15 =	simm.s32 $0x2000;
	[smem:$0x7EF] =	sst s8  }
0x27: {  	s16 =	simm.s32 $0x4800;
	s20 =	simm.s32 $0x800;
	[dreg:$0x18] =	wrdreg s5  }
0x28: {  	s17 =	simm.s32 $0x1;
	s21 =	simm.s32 $0x1780;
	[smem:$0x7F3] =	sst s20  }
0x29: {  	s18 =	simm.s32 $0x7000;
	s22 =	simm.s32 $0x880;
	[smem:$0x7F4] =	sst s21  }
0x2a: {  	s23 =	simm.s32 $0x1800;
	s24 =	simm.s32 $0x900;
	[smem:$0x7F5] =	sst s22  }
0x2b: {  	s25 =	simm.s32 $0x1880;
	s26 =	simm.s32 $0x980;
	[smem:$0x7F6] =	sst s23  }
0x2c: {  	s7 =	simm.s32 $0xC00;
	s0 =	sadd.s32 $0x27000, s0;
	[smem:$0x7F7] =	sst s24  }
0x2d: {  	s8 =	smax.u32 s6, $0x1;
	s6 =	sshrl.u32 @!p0 s9, $0x3;
	[smem:$0x7F8] =	sst s25  }
0x2e: {  	s20 =	simm.s32 $0x4;
	s21 =	simm.s32 $0x3;
	[smem:$0x7F9] =	sst s26  }
0x2f: {  	s22 =	simm.s32 $0x5;
	s23 =	simm.s32 $0x6;
	[smem:$0x7FC] =	sst s10  }
0x30: {  	s24 =	simm.s32 $0x1900;
	s25 =	simm.s32 $0xA00;
	[smem:$0x7F0] =	sst s0  }
0x31: {  	s26 =	simm.s32 $0x1980;
	s5 =	simm.s32 $0x0;
	[smem:$0x7F1] =	sst s8  }
0x32: {  	s1 =	simm.s32 $0xB80;
	s9 =	simm.s32 $0x1C00;
	[smem:$0x7FA] =	sst s5  }
0x33: {  	s0 =	simm.s32 $0x1B00;
	s8 =	simm.s32 $0x1B80;
	[smem:$0x7FD] =	sst s6  }
.LBB2_1:
0x34: {  	s5 =	sld [smem:$0x7EE];
	_ =	sdelay $0x2  }
0x35: {  	[spmem:s10], [sflag:s12] =	dma.local [hbm:s5], $0x2700  }
0x36: {  	_ =	swait.ge [sflag:s11], $0x2700  }
0x37: {  	[sflag:s11] =	ssyncset.done $0x0  }
0x38: {  	[sflag:s11] =	ssyncadd.s32 $0xFFFFD900  }
0x39: {  	[spmem:s6], [sflag:s12] =	dma.local @!p0 [hbm:s5], $0x100  }
0x3a: {  	s6 =	simm.s32 @!p0 $0x7  }
0x3b: {  	_ =	swait.ge @!p0 [sflag:s6], $0x100  }
0x3c: {  	[sflag:s6] =	ssyncset.done @!p0 $0x0  }
0x3d: {  	[sflag:s6] =	ssyncadd.s32 @!p0 $0xFFFFFF00  }
0x3e: {  	[bflag:$0x0] =	sbarrier.arrive $0xFFFF  }
0x3f: {  	s12 =	rddreg [dreg:$0x3]  }
0x40: {  	s6 =	sadd.s32 $0x0, s12  }
0x41: {  	[tilespmem:s3], [sflag:$0x7] =	stream.linear.gather [hbm4b:s6+s3], $0xC80, $0x38;
	[tilespmem:$0x1D080] =	vst v63  }
0x42: {  	s6 =	sadd.s32 $0x200, s6  }
0x43: {  	[tilespmem:s13], [sflag:$0x7] =	stream.linear.gather [hbm4b:s6+s3], $0xC80, $0x38;
	[tilespmem:$0x1D080] =	vst v63  }
0x44: {  	_ =	swait.ge [sflag:s11], $0x1900  }
0x45: {  	[sflag:s11] =	ssyncset.done $0x0  }
0x46: {  	[sflag:s11] =	ssyncadd.s32 $0xFFFFE700  }
0x47: {  	[tilespmem:s15], [sflag:$0x1] =	stream.indirect.gather [hbm4b:s4+s14], $0x80, s3, s14, $0xb8;
	[tilespmem:$0x1D080] =	vst v63  }
0x48: {  	s5 =	rddreg [dreg:$0x4]  }
0x49: {  	[tilespmem:s16], [sflag:$0x2] =	stream.indirect.gather [hbm4b:s4+s14], $0x80, s5, s14, $0xb8;
	[tilespmem:$0x1D080] =	vst v63  }
0x4a: {  	_ =	swait.ge [sflag:s17], $0x2800  }
0x4b: {  	[sflag:s17] =	ssyncset.done $0x0  }
0x4c: {  	[sflag:s17] =	ssyncadd.s32 $0xFFFFD800  }
0x4d: {  	[spmem:s2] =	stream.indirect.scatter.add.f32 [tilespmem:s15], [sflag:$0x4], $0x80, s13, s14, $0xb8;
	[tilespmem:$0x1D080] =	vst v63  }
0x4e: {  	s10 =	rddreg [dreg:$0x5]  }
0x4f: {  	[tilespmem:s18], [sflag:$0x3] =	stream.indirect.gather [hbm4b:s4+s14], $0x80, s10, s14, $0xb8;
	[tilespmem:$0x1D080] =	vst v63  }
0x50: {  	_ =	swait.ge [sflag:s19], $0x2800  }
0x51: {  	[sflag:s19] =	ssyncset.done $0x0  }
0x52: {  	s12 =	rddreg [dreg:$0x6];
	[sflag:s19] =	ssyncadd.s32 $0xFFFFD800  }
0x53: {  	[spmem:s2] =	stream.indirect.scatter.add.f32 [tilespmem:s16], [sflag:$0x5], $0x80, s12, s14, $0xb8;
	[tilespmem:$0x1D080] =	vst v63  }
0x54: {  	_ =	swait.ge [sflag:s20], $0x2800  }
0x55: {  	[sflag:s20] =	ssyncset.done $0x0  }
0x56: {  	s5 =	rddreg [dreg:$0x7];
	[sflag:s20] =	ssyncadd.s32 $0xFFFFD800  }
0x57: {  	[tilespmem:s15], [sflag:$0x1] =	stream.indirect.gather [hbm4b:s4+s14], $0x80, s5, s14, $0xb8;
	[tilespmem:$0x1D080] =	vst v63  }
0x58: {  	_ =	swait.ge [sflag:s21], $0x2800  }
0x59: {  	[sflag:s21] =	ssyncset.done $0x0  }
0x5a: {  	s10 =	rddreg [dreg:$0x8];
	[sflag:s21] =	ssyncadd.s32 $0xFFFFD800  }
0x5b: {  	[spmem:s2] =	stream.indirect.scatter.add.f32 [tilespmem:s18], [sflag:$0x6], $0x80, s10, s14, $0xb8;
	[tilespmem:$0x1D080] =	vst v63  }
0x5c: {  	_ =	swait.ge [sflag:s22], $0x2800  }
0x5d: {  	[sflag:s22] =	ssyncset.done $0x0  }
0x5e: {  	s12 =	rddreg [dreg:$0x9];
	[sflag:s22] =	ssyncadd.s32 $0xFFFFD800  }
0x5f: {  	[tilespmem:s16], [sflag:$0x2] =	stream.indirect.gather [hbm4b:s4+s14], $0x80, s12, s14, $0xb8;
	[tilespmem:$0x1D080] =	vst v63  }
0x60: {  	_ =	swait.ge [sflag:s17], $0x2800  }
0x61: {  	[sflag:s17] =	ssyncset.done $0x0  }
0x62: {  	s5 =	rddreg [dreg:$0xa];
	[sflag:s17] =	ssyncadd.s32 $0xFFFFD800  }
0x63: {  	[spmem:s2] =	stream.indirect.scatter.add.f32 [tilespmem:s15], [sflag:$0x4], $0x80, s5, s14, $0xb8;
	[tilespmem:$0x1D080] =	vst v63  }
0x64: {  	_ =	swait.ge [sflag:s23], $0x2800  }
0x65: {  	[sflag:s23] =	ssyncset.done $0x0  }
0x66: {  	s10 =	rddreg [dreg:$0xb];
	[sflag:s23] =	ssyncadd.s32 $0xFFFFD800  }
0x67: {  	[tilespmem:s18], [sflag:$0x3] =	stream.indirect.gather [hbm4b:s4+s14], $0x80, s10, s14, $0xb8;
	[tilespmem:$0x1D080] =	vst v63  }
0x68: {  	_ =	swait.ge [sflag:s19], $0x2800  }
0x69: {  	[sflag:s19] =	ssyncset.done $0x0  }
0x6a: {  	s12 =	rddreg [dreg:$0xc];
	[sflag:s19] =	ssyncadd.s32 $0xFFFFD800  }
0x6b: {  	[spmem:s2] =	stream.indirect.scatter.add.f32 [tilespmem:s16], [sflag:$0x5], $0x80, s12, s14, $0xb8;
	[tilespmem:$0x1D080] =	vst v63  }
0x6c: {  	_ =	swait.ge [sflag:s20], $0x2800  }
0x6d: {  	[sflag:s20] =	ssyncset.done $0x0  }
0x6e: {  	s5 =	rddreg [dreg:$0xd];
	[sflag:s20] =	ssyncadd.s32 $0xFFFFD800  }
0x6f: {  	[tilespmem:s15], [sflag:$0x1] =	stream.indirect.gather [hbm4b:s4+s14], $0x80, s5, s14, $0xb8;
	[tilespmem:$0x1D080] =	vst v63  }
0x70: {  	_ =	swait.ge [sflag:s21], $0x2800  }
0x71: {  	[sflag:s21] =	ssyncset.done $0x0  }
0x72: {  	s10 =	rddreg [dreg:$0xe];
	[sflag:s21] =	ssyncadd.s32 $0xFFFFD800  }
0x73: {  	[spmem:s2] =	stream.indirect.scatter.add.f32 [tilespmem:s18], [sflag:$0x6], $0x80, s10, s14, $0xb8;
	[tilespmem:$0x1D080] =	vst v63  }
0x74: {  	_ =	swait.ge [sflag:s22], $0x2800  }
0x75: {  	[sflag:s22] =	ssyncset.done $0x0  }
0x76: {  	s12 =	rddreg [dreg:$0xf];
	[sflag:s22] =	ssyncadd.s32 $0xFFFFD800  }
0x77: {  	[tilespmem:s16], [sflag:$0x2] =	stream.indirect.gather [hbm4b:s4+s14], $0x80, s12, s14, $0xb8;
	[tilespmem:$0x1D080] =	vst v63  }
0x78: {  	_ =	swait.ge [sflag:s17], $0x2800  }
0x79: {  	[sflag:s17] =	ssyncset.done $0x0  }
0x7a: {  	s5 =	rddreg [dreg:$0x10];
	[sflag:s17] =	ssyncadd.s32 $0xFFFFD800  }
0x7b: {  	[spmem:s2] =	stream.indirect.scatter.add.f32 [tilespmem:s15], [sflag:$0x4], $0x80, s5, s14, $0xb8;
	[tilespmem:$0x1D080] =	vst v63  }
0x7c: {  	_ =	swait.ge [sflag:s23], $0x2800  }
0x7d: {  	[sflag:s23] =	ssyncset.done $0x0  }
0x7e: {  	s10 =	rddreg [dreg:$0x11];
	[sflag:s23] =	ssyncadd.s32 $0xFFFFD800  }
0x7f: {  	[tilespmem:s18], [sflag:$0x3] =	stream.indirect.gather [hbm4b:s4+s14], $0x80, s10, s14, $0xb8;
	[tilespmem:$0x1D080] =	vst v63  }
0x80: {  	_ =	swait.ge [sflag:s19], $0x2800  }
0x81: {  	[sflag:s19] =	ssyncset.done $0x0  }
0x82: {  	s12 =	rddreg [dreg:$0x12];
	[sflag:s19] =	ssyncadd.s32 $0xFFFFD800  }
0x83: {  	[spmem:s2] =	stream.indirect.scatter.add.f32 [tilespmem:s16], [sflag:$0x5], $0x80, s12, s14, $0xb8;
	[tilespmem:$0x1D080] =	vst v63  }
0x84: {  	_ =	swait.ge [sflag:s20], $0x2800  }
0x85: {  	[sflag:s20] =	ssyncset.done $0x0  }
0x86: {  	s5 =	rddreg [dreg:$0x13];
	[sflag:s20] =	ssyncadd.s32 $0xFFFFD800  }
0x87: {  	[tilespmem:s15], [sflag:$0x1] =	stream.indirect.gather [hbm4b:s4+s14], $0x80, s5, s14, $0xb8;
	[tilespmem:$0x1D080] =	vst v63  }
0x88: {  	_ =	swait.ge [sflag:s21], $0x2800  }
0x89: {  	[sflag:s21] =	ssyncset.done $0x0  }
0x8a: {  	s10 =	rddreg [dreg:$0x14];
	[sflag:s21] =	ssyncadd.s32 $0xFFFFD800  }
0x8b: {  	[spmem:s2] =	stream.indirect.scatter.add.f32 [tilespmem:s18], [sflag:$0x6], $0x80, s10, s14, $0xb8;
	[tilespmem:$0x1D080] =	vst v63  }
0x8c: {  	_ =	swait.ge [sflag:s22], $0x2800  }
0x8d: {  	[sflag:s22] =	ssyncset.done $0x0  }
0x8e: {  	s12 =	rddreg [dreg:$0x15];
	[sflag:s22] =	ssyncadd.s32 $0xFFFFD800  }
0x8f: {  	[tilespmem:s16], [sflag:$0x2] =	stream.indirect.gather [hbm4b:s4+s14], $0x80, s12, s14, $0xb8;
	[tilespmem:$0x1D080] =	vst v63  }
0x90: {  	_ =	swait.ge [sflag:s17], $0x2800  }
0x91: {  	[sflag:s17] =	ssyncset.done $0x0  }
0x92: {  	s5 =	rddreg [dreg:$0x16];
	[sflag:s17] =	ssyncadd.s32 $0xFFFFD800  }
0x93: {  	[spmem:s2] =	stream.indirect.scatter.add.f32 [tilespmem:s15], [sflag:$0x4], $0x80, s5, s14, $0xb8;
	[tilespmem:$0x1D080] =	vst v63  }
0x94: {  	_ =	swait.ge [sflag:s23], $0x2800  }
0x95: {  	[sflag:s23] =	ssyncset.done $0x0  }
0x96: {  	s10 =	rddreg [dreg:$0x17];
	[sflag:s23] =	ssyncadd.s32 $0xFFFFD800  }
0x97: {  	[tilespmem:s18], [sflag:$0x3] =	stream.indirect.gather [hbm4b:s4+s14], $0x80, s10, s14, $0xb8;
	[tilespmem:$0x1D080] =	vst v63  }
0x98: {  	_ =	swait.ge [sflag:s19], $0x2800  }
0x99: {  	[sflag:s19] =	ssyncset.done $0x0  }
0x9a: {  	s12 =	rddreg [dreg:$0x18];
	[sflag:s19] =	ssyncadd.s32 $0xFFFFD800  }
0x9b: {  	[spmem:s2] =	stream.indirect.scatter.add.f32 [tilespmem:s16], [sflag:$0x5], $0x80, s12, s14, $0xb8;
	[tilespmem:$0x1D080] =	vst v63  }
0x9c: {  	_ =	swait.ge [sflag:s20], $0x2800  }
0x9d: {  	[sflag:s20] =	ssyncset.done $0x0  }
0x9e: {  	s5 =	rddreg [dreg:$0x19];
	[sflag:s20] =	ssyncadd.s32 $0xFFFFD800  }
0x9f: {  	[tilespmem:s15], [sflag:$0x1] =	stream.indirect.gather [hbm4b:s4+s14], $0x80, s5, s14, $0xb8;
	[tilespmem:$0x1D080] =	vst v63  }
0xa0: {  	_ =	swait.ge [sflag:s21], $0x2800  }
0xa1: {  	[sflag:s21] =	ssyncset.done $0x0  }
0xa2: {  	s10 =	rddreg [dreg:$0x1a];
	[sflag:s21] =	ssyncadd.s32 $0xFFFFD800  }
0xa3: {  	[spmem:s2] =	stream.indirect.scatter.add.f32 [tilespmem:s18], [sflag:$0x6], $0x80, s10, s14, $0xb8;
	[tilespmem:$0x1D080] =	vst v63  }
0xa4: {  	_ =	swait.ge [sflag:s22], $0x2800  }
0xa5: {  	[sflag:s22] =	ssyncset.done $0x0  }
0xa6: {  	s12 =	rddreg [dreg:$0x1b];
	[sflag:s22] =	ssyncadd.s32 $0xFFFFD800  }
0xa7: {  	[tilespmem:s16], [sflag:$0x2] =	stream.indirect.gather [hbm4b:s4+s14], $0x80, s12, s14, $0xb8;
	[tilespmem:$0x1D080] =	vst v63  }
0xa8: {  	_ =	swait.ge [sflag:s17], $0x2800  }
0xa9: {  	[sflag:s17] =	ssyncset.done $0x0  }
0xaa: {  	s5 =	rddreg [dreg:$0x1c];
	[sflag:s17] =	ssyncadd.s32 $0xFFFFD800  }
0xab: {  	[spmem:s2] =	stream.indirect.scatter.add.f32 [tilespmem:s15], [sflag:$0x4], $0x80, s5, s14, $0xb8;
	[tilespmem:$0x1D080] =	vst v63  }
0xac: {  	_ =	swait.ge [sflag:s23], $0x2800  }
0xad: {  	[sflag:s23] =	ssyncset.done $0x0  }
0xae: {  	s10 =	rddreg [dreg:$0x1d];
	[sflag:s23] =	ssyncadd.s32 $0xFFFFD800  }
0xaf: {  	[tilespmem:s18], [sflag:$0x3] =	stream.indirect.gather [hbm4b:s4+s14], $0x80, s10, s14, $0xb8;
	[tilespmem:$0x1D080] =	vst v63  }
0xb0: {  	_ =	swait.ge [sflag:s19], $0x2800  }
0xb1: {  	[sflag:s19] =	ssyncset.done $0x0  }
0xb2: {  	s12 =	rddreg [dreg:$0x1e];
	[sflag:s19] =	ssyncadd.s32 $0xFFFFD800  }
0xb3: {  	[spmem:s2] =	stream.indirect.scatter.add.f32 [tilespmem:s16], [sflag:$0x5], $0x80, s12, s14, $0xb8;
	[tilespmem:$0x1D080] =	vst v63  }
0xb4: {  	_ =	swait.ge [sflag:s20], $0x2800  }
0xb5: {  	[sflag:s20] =	ssyncset.done $0x0  }
0xb6: {  	s5 =	rddreg [dreg:$0x1f];
	[sflag:s20] =	ssyncadd.s32 $0xFFFFD800  }
0xb7: {  	[tilespmem:s15], [sflag:$0x1] =	stream.indirect.gather [hbm4b:s4+s14], $0x80, s5, s14, $0xb8;
	[tilespmem:$0x1D080] =	vst v63  }
0xb8: {  	_ =	swait.ge [sflag:s21], $0x2800  }
0xb9: {  	s10 =	sld [smem:$0x7F2]  }
0xba: {  	[sflag:s21] =	ssyncset.done $0x0  }
0xbb: {  	[sflag:s21] =	ssyncadd.s32 $0xFFFFD800  }
0xbc: {  	[spmem:s2] =	stream.indirect.scatter.add.f32 [tilespmem:s18], [sflag:$0x6], $0x80, s10, s14, $0xb8;
	[tilespmem:$0x1D080] =	vst v63  }
0xbd: {  	_ =	swait.ge [sflag:s22], $0x2800  }
0xbe: {  	s12 =	sld [smem:$0x7F3]  }
0xbf: {  	[sflag:s22] =	ssyncset.done $0x0  }
0xc0: {  	[sflag:s22] =	ssyncadd.s32 $0xFFFFD800  }
0xc1: {  	[tilespmem:s16], [sflag:$0x2] =	stream.indirect.gather [hbm4b:s4+s14], $0x80, s12, s14, $0xb8;
	[tilespmem:$0x1D080] =	vst v63  }
0xc2: {  	_ =	swait.ge [sflag:s17], $0x2800  }
0xc3: {  	s5 =	sld [smem:$0x7F4]  }
0xc4: {  	[sflag:s17] =	ssyncset.done $0x0  }
0xc5: {  	[sflag:s17] =	ssyncadd.s32 $0xFFFFD800  }
0xc6: {  	[spmem:s2] =	stream.indirect.scatter.add.f32 [tilespmem:s15], [sflag:$0x4], $0x80, s5, s14, $0xb8;
	[tilespmem:$0x1D080] =	vst v63  }
0xc7: {  	_ =	swait.ge [sflag:s23], $0x2800  }
0xc8: {  	s10 =	sld [smem:$0x7F5]  }
0xc9: {  	[sflag:s23] =	ssyncset.done $0x0  }
0xca: {  	[sflag:s23] =	ssyncadd.s32 $0xFFFFD800  }
0xcb: {  	[tilespmem:s18], [sflag:$0x3] =	stream.indirect.gather [hbm4b:s4+s14], $0x80, s10, s14, $0xb8;
	[tilespmem:$0x1D080] =	vst v63  }
0xcc: {  	_ =	swait.ge [sflag:s19], $0x2800  }
0xcd: {  	s12 =	sld [smem:$0x7F6]  }
0xce: {  	[sflag:s19] =	ssyncset.done $0x0  }
0xcf: {  	[sflag:s19] =	ssyncadd.s32 $0xFFFFD800  }
0xd0: {  	[spmem:s2] =	stream.indirect.scatter.add.f32 [tilespmem:s16], [sflag:$0x5], $0x80, s12, s14, $0xb8;
	[tilespmem:$0x1D080] =	vst v63  }
0xd1: {  	_ =	swait.ge [sflag:s20], $0x2800  }
0xd2: {  	s5 =	sld [smem:$0x7F7]  }
0xd3: {  	[sflag:s20] =	ssyncset.done $0x0  }
0xd4: {  	[sflag:s20] =	ssyncadd.s32 $0xFFFFD800  }
0xd5: {  	[tilespmem:s15], [sflag:$0x1] =	stream.indirect.gather [hbm4b:s4+s14], $0x80, s5, s14, $0xb8;
	[tilespmem:$0x1D080] =	vst v63  }
0xd6: {  	_ =	swait.ge [sflag:s21], $0x2800  }
0xd7: {  	s10 =	sld [smem:$0x7F8]  }
0xd8: {  	[sflag:s21] =	ssyncset.done $0x0  }
0xd9: {  	[sflag:s21] =	ssyncadd.s32 $0xFFFFD800  }
0xda: {  	[spmem:s2] =	stream.indirect.scatter.add.f32 [tilespmem:s18], [sflag:$0x6], $0x80, s10, s14, $0xb8;
	[tilespmem:$0x1D080] =	vst v63  }
0xdb: {  	_ =	swait.ge [sflag:s22], $0x2800  }
0xdc: {  	s12 =	sld [smem:$0x7F9]  }
0xdd: {  	[sflag:s22] =	ssyncset.done $0x0  }
0xde: {  	[sflag:s22] =	ssyncadd.s32 $0xFFFFD800  }
0xdf: {  	[tilespmem:s16], [sflag:$0x2] =	stream.indirect.gather [hbm4b:s4+s14], $0x80, s12, s14, $0xb8;
	[tilespmem:$0x1D080] =	vst v63  }
0xe0: {  	_ =	swait.ge [sflag:s17], $0x2800  }
0xe1: {  	[sflag:s17] =	ssyncset.done $0x0  }
0xe2: {  	[sflag:s17] =	ssyncadd.s32 $0xFFFFD800  }
0xe3: {  	[spmem:s2] =	stream.indirect.scatter.add.f32 [tilespmem:s15], [sflag:$0x4], $0x80, s24, s14, $0xb8;
	[tilespmem:$0x1D080] =	vst v63  }
0xe4: {  	_ =	swait.ge [sflag:s23], $0x2800  }
0xe5: {  	[sflag:s23] =	ssyncset.done $0x0  }
0xe6: {  	[sflag:s23] =	ssyncadd.s32 $0xFFFFD800  }
0xe7: {  	[tilespmem:s18], [sflag:$0x3] =	stream.indirect.gather [hbm4b:s4+s14], $0x80, s25, s14, $0xb8;
	[tilespmem:$0x1D080] =	vst v63  }
0xe8: {  	_ =	swait.ge [sflag:s19], $0x2800  }
0xe9: {  	[sflag:s19] =	ssyncset.done $0x0  }
0xea: {  	[sflag:s19] =	ssyncadd.s32 $0xFFFFD800  }
0xeb: {  	[spmem:s2] =	stream.indirect.scatter.add.f32 [tilespmem:s16], [sflag:$0x5], $0x80, s26, s14, $0xb8;
	[tilespmem:$0x1D080] =	vst v63  }
0xec: {  	_ =	swait.ge [sflag:s20], $0x2800  }
0xed: {  	[sflag:s20] =	ssyncset.done $0x0  }
0xee: {  	[sflag:s20] =	ssyncadd.s32 $0xFFFFD800  }
0xef: {  	[tilespmem:s15], [sflag:$0x1] =	stream.indirect.gather [hbm4b:s4+s14], $0x80, s28, s14, $0xb8;
	[tilespmem:$0x1D080] =	vst v63  }
0xf0: {  	_ =	swait.ge [sflag:s21], $0x2800  }
0xf1: {  	[sflag:s21] =	ssyncset.done $0x0  }
0xf2: {  	[sflag:s21] =	ssyncadd.s32 $0xFFFFD800  }
0xf3: {  	[spmem:s2] =	stream.indirect.scatter.add.f32 [tilespmem:s18], [sflag:$0x6], $0x80, s29, s14, $0xb8;
	[tilespmem:$0x1D080] =	vst v63  }
0xf4: {  	_ =	swait.ge [sflag:s22], $0x2800  }
0xf5: {  	[sflag:s22] =	ssyncset.done $0x0  }
0xf6: {  	[sflag:s22] =	ssyncadd.s32 $0xFFFFD800  }
0xf7: {  	[tilespmem:s16], [sflag:$0x2] =	stream.indirect.gather [hbm4b:s4+s14], $0x80, s30, s14, $0xb8;
	[tilespmem:$0x1D080] =	vst v63  }
0xf8: {  	_ =	swait.ge [sflag:s17], $0x2800  }
0xf9: {  	[sflag:s17] =	ssyncset.done $0x0  }
0xfa: {  	[sflag:s17] =	ssyncadd.s32 $0xFFFFD800  }
0xfb: {  	[spmem:s2] =	stream.indirect.scatter.add.f32 [tilespmem:s15], [sflag:$0x4], $0x80, s31, s14, $0xb8;
	[tilespmem:$0x1D080] =	vst v63  }
0xfc: {  	_ =	swait.ge [sflag:s23], $0x2800  }
0xfd: {  	[sflag:s23] =	ssyncset.done $0x0  }
0xfe: {  	[sflag:s23] =	ssyncadd.s32 $0xFFFFD800  }
0xff: {  	[tilespmem:s18], [sflag:$0x3] =	stream.indirect.gather [hbm4b:s4+s14], $0x80, s1, s14, $0xb8;
	[tilespmem:$0x1D080] =	vst v63  }
0x100: {  	_ =	swait.ge [sflag:s19], $0x2800  }
0x101: {  	[sflag:s19] =	ssyncset.done $0x0  }
0x102: {  	[sflag:s19] =	ssyncadd.s32 $0xFFFFD800  }
0x103: {  	[spmem:s2] =	stream.indirect.scatter.add.f32 [tilespmem:s16], [sflag:$0x5], $0x80, s0, s14, $0xb8;
	[tilespmem:$0x1D080] =	vst v63  }
0x104: {  	_ =	swait.ge [sflag:s20], $0x2800  }
0x105: {  	[sflag:s20] =	ssyncset.done $0x0  }
0x106: {  	[sflag:s20] =	ssyncadd.s32 $0xFFFFD800  }
0x107: {  	[tilespmem:s15], [sflag:$0x1] =	stream.indirect.gather [hbm4b:s4+s14], $0x80, s7, s14, $0xb8;
	[tilespmem:$0x1D080] =	vst v63  }
0x108: {  	_ =	swait.ge [sflag:s21], $0x2800  }
0x109: {  	[sflag:s21] =	ssyncset.done $0x0  }
0x10a: {  	[sflag:s21] =	ssyncadd.s32 $0xFFFFD800  }
0x10b: {  	[spmem:s2] =	stream.indirect.scatter.add.f32 [tilespmem:s18], [sflag:$0x6], $0x80, s8, s14, $0xb8;
	[tilespmem:$0x1D080] =	vst v63  }
0x10c: {  	_ =	swait.ge [sflag:s17], $0x2800  }
0x10d: {  	[sflag:s17] =	ssyncset.done $0x0  }
0x10e: {  	[sflag:s17] =	ssyncadd.s32 $0xFFFFD800  }
0x10f: {  	[spmem:s2] =	stream.indirect.scatter.add.f32 [tilespmem:s15], [sflag:$0x4], $0x80, s9, s14, $0xb8;
	[tilespmem:$0x1D080] =	vst v63  }
0x110: {  	_ =	swait.ge [sflag:s22], $0x2800  }
0x111: {  	[sflag:s22] =	ssyncset.done $0x0  }
0x112: {  	[sflag:s22] =	ssyncadd.s32 $0xFFFFD800  }
0x113: {  	_ =	swait.ge [sflag:s23], $0x2800  }
0x114: {  	[sflag:s23] =	ssyncset.done $0x0  }
0x115: {  	[sflag:s23] =	ssyncadd.s32 $0xFFFFD800  }
0x116: {  	s10 =	simm.s32 $0x400;
	_ =	swait.ge [sflag:s20], $0x2800  }
0x117: {  	s12 =	simm.s32 $0x800;
	s6 =	rddreg [dreg:$0x3];
	[sflag:s20] =	ssyncset.done $0x0  }
.LBB2_2:
0x118: {  	[sflag:s20] =	ssyncadd.s32 $0xFFFFD800;
	s6 =	sadd.s32 s10, s6  }
0x119: {  	[tilespmem:s3], [sflag:$0x7] =	stream.linear.gather [hbm4b:s6+s3], $0xC80, $0x38;
	[tilespmem:$0x1D080] =	vst v63  }
0x11a: {  	s6 =	sadd.s32 $0x200, s6  }
0x11b: {  	[tilespmem:s13], [sflag:$0x7] =	stream.linear.gather [hbm4b:s6+s3], $0xC80, $0x38;
	[tilespmem:$0x1D080] =	vst v63  }
0x11c: {  	_ =	swait.ge [sflag:s11], $0x1900  }
0x11d: {  	[sflag:s11] =	ssyncset.done $0x0  }
0x11e: {  	[sflag:s11] =	ssyncadd.s32 $0xFFFFE700  }
0x11f: {  	[tilespmem:s15], [sflag:$0x1] =	stream.indirect.gather [hbm4b:s4+s14], $0x80, s3, s14, $0xb8;
	[tilespmem:$0x1D080] =	vst v63  }
0x120: {  	s6 =	rddreg [dreg:$0x4]  }
0x121: {  	[tilespmem:s16], [sflag:$0x2] =	stream.indirect.gather [hbm4b:s4+s14], $0x80, s6, s14, $0xb8;
	[tilespmem:$0x1D080] =	vst v63  }
0x122: {  	_ =	swait.ge [sflag:s17], $0x2800  }
0x123: {  	[sflag:s17] =	ssyncset.done $0x0  }
0x124: {  	[sflag:s17] =	ssyncadd.s32 $0xFFFFD800  }
0x125: {  	[spmem:s2] =	stream.indirect.scatter.add.f32 [tilespmem:s15], [sflag:$0x4], $0x80, s13, s14, $0xb8;
	[tilespmem:$0x1D080] =	vst v63  }
0x126: {  	s6 =	rddreg [dreg:$0x5]  }
0x127: {  	[tilespmem:s18], [sflag:$0x3] =	stream.indirect.gather [hbm4b:s4+s14], $0x80, s6, s14, $0xb8;
	[tilespmem:$0x1D080] =	vst v63  }
0x128: {  	_ =	swait.ge [sflag:s19], $0x2800  }
0x129: {  	[sflag:s19] =	ssyncset.done $0x0  }
0x12a: {  	s6 =	rddreg [dreg:$0x6];
	[sflag:s19] =	ssyncadd.s32 $0xFFFFD800  }
0x12b: {  	[spmem:s2] =	stream.indirect.scatter.add.f32 [tilespmem:s16], [sflag:$0x5], $0x80, s6, s14, $0xb8;
	[tilespmem:$0x1D080] =	vst v63  }
0x12c: {  	_ =	swait.ge [sflag:s20], $0x2800  }
0x12d: {  	[sflag:s20] =	ssyncset.done $0x0  }
0x12e: {  	s6 =	rddreg [dreg:$0x7];
	[sflag:s20] =	ssyncadd.s32 $0xFFFFD800  }
0x12f: {  	[tilespmem:s15], [sflag:$0x1] =	stream.indirect.gather [hbm4b:s4+s14], $0x80, s6, s14, $0xb8;
	[tilespmem:$0x1D080] =	vst v63  }
0x130: {  	_ =	swait.ge [sflag:s21], $0x2800  }
0x131: {  	[sflag:s21] =	ssyncset.done $0x0  }
0x132: {  	s6 =	rddreg [dreg:$0x8];
	[sflag:s21] =	ssyncadd.s32 $0xFFFFD800  }
0x133: {  	[spmem:s2] =	stream.indirect.scatter.add.f32 [tilespmem:s18], [sflag:$0x6], $0x80, s6, s14, $0xb8;
	[tilespmem:$0x1D080] =	vst v63  }
0x134: {  	_ =	swait.ge [sflag:s22], $0x2800  }
0x135: {  	[sflag:s22] =	ssyncset.done $0x0  }
0x136: {  	s6 =	rddreg [dreg:$0x9];
	[sflag:s22] =	ssyncadd.s32 $0xFFFFD800  }
0x137: {  	[tilespmem:s16], [sflag:$0x2] =	stream.indirect.gather [hbm4b:s4+s14], $0x80, s6, s14, $0xb8;
	[tilespmem:$0x1D080] =	vst v63  }
0x138: {  	_ =	swait.ge [sflag:s17], $0x2800  }
0x139: {  	[sflag:s17] =	ssyncset.done $0x0  }
0x13a: {  	s6 =	rddreg [dreg:$0xa];
	[sflag:s17] =	ssyncadd.s32 $0xFFFFD800  }
0x13b: {  	[spmem:s2] =	stream.indirect.scatter.add.f32 [tilespmem:s15], [sflag:$0x4], $0x80, s6, s14, $0xb8;
	[tilespmem:$0x1D080] =	vst v63  }
0x13c: {  	_ =	swait.ge [sflag:s23], $0x2800  }
0x13d: {  	[sflag:s23] =	ssyncset.done $0x0  }
0x13e: {  	s6 =	rddreg [dreg:$0xb];
	[sflag:s23] =	ssyncadd.s32 $0xFFFFD800  }
0x13f: {  	[tilespmem:s18], [sflag:$0x3] =	stream.indirect.gather [hbm4b:s4+s14], $0x80, s6, s14, $0xb8;
	[tilespmem:$0x1D080] =	vst v63  }
0x140: {  	_ =	swait.ge [sflag:s19], $0x2800  }
0x141: {  	[sflag:s19] =	ssyncset.done $0x0  }
0x142: {  	s6 =	rddreg [dreg:$0xc];
	[sflag:s19] =	ssyncadd.s32 $0xFFFFD800  }
0x143: {  	[spmem:s2] =	stream.indirect.scatter.add.f32 [tilespmem:s16], [sflag:$0x5], $0x80, s6, s14, $0xb8;
	[tilespmem:$0x1D080] =	vst v63  }
0x144: {  	_ =	swait.ge [sflag:s20], $0x2800  }
0x145: {  	[sflag:s20] =	ssyncset.done $0x0  }
0x146: {  	s6 =	rddreg [dreg:$0xd];
	[sflag:s20] =	ssyncadd.s32 $0xFFFFD800  }
0x147: {  	[tilespmem:s15], [sflag:$0x1] =	stream.indirect.gather [hbm4b:s4+s14], $0x80, s6, s14, $0xb8;
	[tilespmem:$0x1D080] =	vst v63  }
0x148: {  	_ =	swait.ge [sflag:s21], $0x2800  }
0x149: {  	[sflag:s21] =	ssyncset.done $0x0  }
0x14a: {  	s6 =	rddreg [dreg:$0xe];
	[sflag:s21] =	ssyncadd.s32 $0xFFFFD800  }
0x14b: {  	[spmem:s2] =	stream.indirect.scatter.add.f32 [tilespmem:s18], [sflag:$0x6], $0x80, s6, s14, $0xb8;
	[tilespmem:$0x1D080] =	vst v63  }
0x14c: {  	_ =	swait.ge [sflag:s22], $0x2800  }
0x14d: {  	[sflag:s22] =	ssyncset.done $0x0  }
0x14e: {  	s6 =	rddreg [dreg:$0xf];
	[sflag:s22] =	ssyncadd.s32 $0xFFFFD800  }
0x14f: {  	[tilespmem:s16], [sflag:$0x2] =	stream.indirect.gather [hbm4b:s4+s14], $0x80, s6, s14, $0xb8;
	[tilespmem:$0x1D080] =	vst v63  }
0x150: {  	_ =	swait.ge [sflag:s17], $0x2800  }
0x151: {  	[sflag:s17] =	ssyncset.done $0x0  }
0x152: {  	s6 =	rddreg [dreg:$0x10];
	[sflag:s17] =	ssyncadd.s32 $0xFFFFD800  }
0x153: {  	[spmem:s2] =	stream.indirect.scatter.add.f32 [tilespmem:s15], [sflag:$0x4], $0x80, s6, s14, $0xb8;
	[tilespmem:$0x1D080] =	vst v63  }
0x154: {  	_ =	swait.ge [sflag:s23], $0x2800  }
0x155: {  	[sflag:s23] =	ssyncset.done $0x0  }
0x156: {  	s6 =	rddreg [dreg:$0x11];
	[sflag:s23] =	ssyncadd.s32 $0xFFFFD800  }
0x157: {  	[tilespmem:s18], [sflag:$0x3] =	stream.indirect.gather [hbm4b:s4+s14], $0x80, s6, s14, $0xb8;
	[tilespmem:$0x1D080] =	vst v63  }
0x158: {  	_ =	swait.ge [sflag:s19], $0x2800  }
0x159: {  	[sflag:s19] =	ssyncset.done $0x0  }
0x15a: {  	s6 =	rddreg [dreg:$0x12];
	[sflag:s19] =	ssyncadd.s32 $0xFFFFD800  }
0x15b: {  	[spmem:s2] =	stream.indirect.scatter.add.f32 [tilespmem:s16], [sflag:$0x5], $0x80, s6, s14, $0xb8;
	[tilespmem:$0x1D080] =	vst v63  }
0x15c: {  	_ =	swait.ge [sflag:s20], $0x2800  }
0x15d: {  	[sflag:s20] =	ssyncset.done $0x0  }
0x15e: {  	s6 =	rddreg [dreg:$0x13];
	[sflag:s20] =	ssyncadd.s32 $0xFFFFD800  }
0x15f: {  	[tilespmem:s15], [sflag:$0x1] =	stream.indirect.gather [hbm4b:s4+s14], $0x80, s6, s14, $0xb8;
	[tilespmem:$0x1D080] =	vst v63  }
0x160: {  	_ =	swait.ge [sflag:s21], $0x2800  }
0x161: {  	[sflag:s21] =	ssyncset.done $0x0  }
0x162: {  	s6 =	rddreg [dreg:$0x14];
	[sflag:s21] =	ssyncadd.s32 $0xFFFFD800  }
0x163: {  	[spmem:s2] =	stream.indirect.scatter.add.f32 [tilespmem:s18], [sflag:$0x6], $0x80, s6, s14, $0xb8;
	[tilespmem:$0x1D080] =	vst v63  }
0x164: {  	_ =	swait.ge [sflag:s22], $0x2800  }
0x165: {  	[sflag:s22] =	ssyncset.done $0x0  }
0x166: {  	s6 =	rddreg [dreg:$0x15];
	[sflag:s22] =	ssyncadd.s32 $0xFFFFD800  }
0x167: {  	[tilespmem:s16], [sflag:$0x2] =	stream.indirect.gather [hbm4b:s4+s14], $0x80, s6, s14, $0xb8;
	[tilespmem:$0x1D080] =	vst v63  }
0x168: {  	_ =	swait.ge [sflag:s17], $0x2800  }
0x169: {  	[sflag:s17] =	ssyncset.done $0x0  }
0x16a: {  	s6 =	rddreg [dreg:$0x16];
	[sflag:s17] =	ssyncadd.s32 $0xFFFFD800  }
0x16b: {  	[spmem:s2] =	stream.indirect.scatter.add.f32 [tilespmem:s15], [sflag:$0x4], $0x80, s6, s14, $0xb8;
	[tilespmem:$0x1D080] =	vst v63  }
0x16c: {  	_ =	swait.ge [sflag:s23], $0x2800  }
0x16d: {  	[sflag:s23] =	ssyncset.done $0x0  }
0x16e: {  	s6 =	rddreg [dreg:$0x17];
	[sflag:s23] =	ssyncadd.s32 $0xFFFFD800  }
0x16f: {  	[tilespmem:s18], [sflag:$0x3] =	stream.indirect.gather [hbm4b:s4+s14], $0x80, s6, s14, $0xb8;
	[tilespmem:$0x1D080] =	vst v63  }
0x170: {  	_ =	swait.ge [sflag:s19], $0x2800  }
0x171: {  	[sflag:s19] =	ssyncset.done $0x0  }
0x172: {  	s6 =	rddreg [dreg:$0x18];
	[sflag:s19] =	ssyncadd.s32 $0xFFFFD800  }
0x173: {  	[spmem:s2] =	stream.indirect.scatter.add.f32 [tilespmem:s16], [sflag:$0x5], $0x80, s6, s14, $0xb8;
	[tilespmem:$0x1D080] =	vst v63  }
0x174: {  	_ =	swait.ge [sflag:s20], $0x2800  }
0x175: {  	[sflag:s20] =	ssyncset.done $0x0  }
0x176: {  	s6 =	rddreg [dreg:$0x19];
	[sflag:s20] =	ssyncadd.s32 $0xFFFFD800  }
0x177: {  	[tilespmem:s15], [sflag:$0x1] =	stream.indirect.gather [hbm4b:s4+s14], $0x80, s6, s14, $0xb8;
	[tilespmem:$0x1D080] =	vst v63  }
0x178: {  	_ =	swait.ge [sflag:s21], $0x2800  }
0x179: {  	[sflag:s21] =	ssyncset.done $0x0  }
0x17a: {  	s6 =	rddreg [dreg:$0x1a];
	[sflag:s21] =	ssyncadd.s32 $0xFFFFD800  }
0x17b: {  	[spmem:s2] =	stream.indirect.scatter.add.f32 [tilespmem:s18], [sflag:$0x6], $0x80, s6, s14, $0xb8;
	[tilespmem:$0x1D080] =	vst v63  }
0x17c: {  	_ =	swait.ge [sflag:s22], $0x2800  }
0x17d: {  	[sflag:s22] =	ssyncset.done $0x0  }
0x17e: {  	s6 =	rddreg [dreg:$0x1b];
	[sflag:s22] =	ssyncadd.s32 $0xFFFFD800  }
0x17f: {  	[tilespmem:s16], [sflag:$0x2] =	stream.indirect.gather [hbm4b:s4+s14], $0x80, s6, s14, $0xb8;
	[tilespmem:$0x1D080] =	vst v63  }
0x180: {  	_ =	swait.ge [sflag:s17], $0x2800  }
0x181: {  	[sflag:s17] =	ssyncset.done $0x0  }
0x182: {  	s6 =	rddreg [dreg:$0x1c];
	[sflag:s17] =	ssyncadd.s32 $0xFFFFD800  }
0x183: {  	[spmem:s2] =	stream.indirect.scatter.add.f32 [tilespmem:s15], [sflag:$0x4], $0x80, s6, s14, $0xb8;
	[tilespmem:$0x1D080] =	vst v63  }
0x184: {  	_ =	swait.ge [sflag:s23], $0x2800  }
0x185: {  	[sflag:s23] =	ssyncset.done $0x0  }
0x186: {  	s6 =	rddreg [dreg:$0x1d];
	[sflag:s23] =	ssyncadd.s32 $0xFFFFD800  }
0x187: {  	[tilespmem:s18], [sflag:$0x3] =	stream.indirect.gather [hbm4b:s4+s14], $0x80, s6, s14, $0xb8;
	[tilespmem:$0x1D080] =	vst v63  }
0x188: {  	_ =	swait.ge [sflag:s19], $0x2800  }
0x189: {  	[sflag:s19] =	ssyncset.done $0x0  }
0x18a: {  	s6 =	rddreg [dreg:$0x1e];
	[sflag:s19] =	ssyncadd.s32 $0xFFFFD800  }
0x18b: {  	[spmem:s2] =	stream.indirect.scatter.add.f32 [tilespmem:s16], [sflag:$0x5], $0x80, s6, s14, $0xb8;
	[tilespmem:$0x1D080] =	vst v63  }
0x18c: {  	_ =	swait.ge [sflag:s20], $0x2800  }
0x18d: {  	[sflag:s20] =	ssyncset.done $0x0  }
0x18e: {  	s6 =	rddreg [dreg:$0x1f];
	[sflag:s20] =	ssyncadd.s32 $0xFFFFD800  }
0x18f: {  	[tilespmem:s15], [sflag:$0x1] =	stream.indirect.gather [hbm4b:s4+s14], $0x80, s6, s14, $0xb8;
	[tilespmem:$0x1D080] =	vst v63  }
0x190: {  	_ =	swait.ge [sflag:s21], $0x2800  }
0x191: {  	s6 =	sld [smem:$0x7F2]  }
0x192: {  	[sflag:s21] =	ssyncset.done $0x0  }
0x193: {  	[sflag:s21] =	ssyncadd.s32 $0xFFFFD800  }
0x194: {  	[spmem:s2] =	stream.indirect.scatter.add.f32 [tilespmem:s18], [sflag:$0x6], $0x80, s6, s14, $0xb8;
	[tilespmem:$0x1D080] =	vst v63  }
0x195: {  	_ =	swait.ge [sflag:s22], $0x2800  }
0x196: {  	s6 =	sld [smem:$0x7F3]  }
0x197: {  	[sflag:s22] =	ssyncset.done $0x0  }
0x198: {  	[sflag:s22] =	ssyncadd.s32 $0xFFFFD800  }
0x199: {  	[tilespmem:s16], [sflag:$0x2] =	stream.indirect.gather [hbm4b:s4+s14], $0x80, s6, s14, $0xb8;
	[tilespmem:$0x1D080] =	vst v63  }
0x19a: {  	_ =	swait.ge [sflag:s17], $0x2800  }
0x19b: {  	s6 =	sld [smem:$0x7F4]  }
0x19c: {  	[sflag:s17] =	ssyncset.done $0x0  }
0x19d: {  	[sflag:s17] =	ssyncadd.s32 $0xFFFFD800  }
0x19e: {  	[spmem:s2] =	stream.indirect.scatter.add.f32 [tilespmem:s15], [sflag:$0x4], $0x80, s6, s14, $0xb8;
	[tilespmem:$0x1D080] =	vst v63  }
0x19f: {  	_ =	swait.ge [sflag:s23], $0x2800  }
0x1a0: {  	s6 =	sld [smem:$0x7F5]  }
0x1a1: {  	[sflag:s23] =	ssyncset.done $0x0  }
0x1a2: {  	[sflag:s23] =	ssyncadd.s32 $0xFFFFD800  }
0x1a3: {  	[tilespmem:s18], [sflag:$0x3] =	stream.indirect.gather [hbm4b:s4+s14], $0x80, s6, s14, $0xb8;
	[tilespmem:$0x1D080] =	vst v63  }
0x1a4: {  	_ =	swait.ge [sflag:s19], $0x2800  }
0x1a5: {  	s6 =	sld [smem:$0x7F6]  }
0x1a6: {  	[sflag:s19] =	ssyncset.done $0x0  }
0x1a7: {  	[sflag:s19] =	ssyncadd.s32 $0xFFFFD800  }
0x1a8: {  	[spmem:s2] =	stream.indirect.scatter.add.f32 [tilespmem:s16], [sflag:$0x5], $0x80, s6, s14, $0xb8;
	[tilespmem:$0x1D080] =	vst v63  }
0x1a9: {  	_ =	swait.ge [sflag:s20], $0x2800  }
0x1aa: {  	s6 =	sld [smem:$0x7F7]  }
0x1ab: {  	[sflag:s20] =	ssyncset.done $0x0  }
0x1ac: {  	[sflag:s20] =	ssyncadd.s32 $0xFFFFD800  }
0x1ad: {  	[tilespmem:s15], [sflag:$0x1] =	stream.indirect.gather [hbm4b:s4+s14], $0x80, s6, s14, $0xb8;
	[tilespmem:$0x1D080] =	vst v63  }
0x1ae: {  	_ =	swait.ge [sflag:s21], $0x2800  }
0x1af: {  	s6 =	sld [smem:$0x7F8]  }
0x1b0: {  	[sflag:s21] =	ssyncset.done $0x0  }
0x1b1: {  	[sflag:s21] =	ssyncadd.s32 $0xFFFFD800  }
0x1b2: {  	[spmem:s2] =	stream.indirect.scatter.add.f32 [tilespmem:s18], [sflag:$0x6], $0x80, s6, s14, $0xb8;
	[tilespmem:$0x1D080] =	vst v63  }
0x1b3: {  	_ =	swait.ge [sflag:s22], $0x2800  }
0x1b4: {  	s6 =	sld [smem:$0x7F9]  }
0x1b5: {  	[sflag:s22] =	ssyncset.done $0x0  }
0x1b6: {  	[sflag:s22] =	ssyncadd.s32 $0xFFFFD800  }
0x1b7: {  	[tilespmem:s16], [sflag:$0x2] =	stream.indirect.gather [hbm4b:s4+s14], $0x80, s6, s14, $0xb8;
	[tilespmem:$0x1D080] =	vst v63  }
0x1b8: {  	_ =	swait.ge [sflag:s17], $0x2800  }
0x1b9: {  	[sflag:s17] =	ssyncset.done $0x0  }
0x1ba: {  	[sflag:s17] =	ssyncadd.s32 $0xFFFFD800  }
0x1bb: {  	[spmem:s2] =	stream.indirect.scatter.add.f32 [tilespmem:s15], [sflag:$0x4], $0x80, s24, s14, $0xb8;
	[tilespmem:$0x1D080] =	vst v63  }
0x1bc: {  	_ =	swait.ge [sflag:s23], $0x2800  }
0x1bd: {  	[sflag:s23] =	ssyncset.done $0x0  }
0x1be: {  	[sflag:s23] =	ssyncadd.s32 $0xFFFFD800  }
0x1bf: {  	[tilespmem:s18], [sflag:$0x3] =	stream.indirect.gather [hbm4b:s4+s14], $0x80, s25, s14, $0xb8;
	[tilespmem:$0x1D080] =	vst v63  }
0x1c0: {  	_ =	swait.ge [sflag:s19], $0x2800  }
0x1c1: {  	[sflag:s19] =	ssyncset.done $0x0  }
0x1c2: {  	[sflag:s19] =	ssyncadd.s32 $0xFFFFD800  }
0x1c3: {  	[spmem:s2] =	stream.indirect.scatter.add.f32 [tilespmem:s16], [sflag:$0x5], $0x80, s26, s14, $0xb8;
	[tilespmem:$0x1D080] =	vst v63  }
0x1c4: {  	_ =	swait.ge [sflag:s20], $0x2800  }
0x1c5: {  	[sflag:s20] =	ssyncset.done $0x0  }
0x1c6: {  	[sflag:s20] =	ssyncadd.s32 $0xFFFFD800  }
0x1c7: {  	[tilespmem:s15], [sflag:$0x1] =	stream.indirect.gather [hbm4b:s4+s14], $0x80, s28, s14, $0xb8;
	[tilespmem:$0x1D080] =	vst v63  }
0x1c8: {  	_ =	swait.ge [sflag:s21], $0x2800  }
0x1c9: {  	[sflag:s21] =	ssyncset.done $0x0  }
0x1ca: {  	[sflag:s21] =	ssyncadd.s32 $0xFFFFD800  }
0x1cb: {  	[spmem:s2] =	stream.indirect.scatter.add.f32 [tilespmem:s18], [sflag:$0x6], $0x80, s29, s14, $0xb8;
	[tilespmem:$0x1D080] =	vst v63  }
0x1cc: {  	_ =	swait.ge [sflag:s22], $0x2800  }
0x1cd: {  	[sflag:s22] =	ssyncset.done $0x0  }
0x1ce: {  	[sflag:s22] =	ssyncadd.s32 $0xFFFFD800  }
0x1cf: {  	[tilespmem:s16], [sflag:$0x2] =	stream.indirect.gather [hbm4b:s4+s14], $0x80, s30, s14, $0xb8;
	[tilespmem:$0x1D080] =	vst v63  }
0x1d0: {  	_ =	swait.ge [sflag:s17], $0x2800  }
0x1d1: {  	[sflag:s17] =	ssyncset.done $0x0  }
0x1d2: {  	[sflag:s17] =	ssyncadd.s32 $0xFFFFD800  }
0x1d3: {  	[spmem:s2] =	stream.indirect.scatter.add.f32 [tilespmem:s15], [sflag:$0x4], $0x80, s31, s14, $0xb8;
	[tilespmem:$0x1D080] =	vst v63  }
0x1d4: {  	_ =	swait.ge [sflag:s23], $0x2800  }
0x1d5: {  	[sflag:s23] =	ssyncset.done $0x0  }
0x1d6: {  	[sflag:s23] =	ssyncadd.s32 $0xFFFFD800  }
0x1d7: {  	[tilespmem:s18], [sflag:$0x3] =	stream.indirect.gather [hbm4b:s4+s14], $0x80, s1, s14, $0xb8;
	[tilespmem:$0x1D080] =	vst v63  }
0x1d8: {  	_ =	swait.ge [sflag:s19], $0x2800  }
0x1d9: {  	[sflag:s19] =	ssyncset.done $0x0  }
0x1da: {  	[sflag:s19] =	ssyncadd.s32 $0xFFFFD800  }
0x1db: {  	[spmem:s2] =	stream.indirect.scatter.add.f32 [tilespmem:s16], [sflag:$0x5], $0x80, s0, s14, $0xb8;
	[tilespmem:$0x1D080] =	vst v63  }
0x1dc: {  	_ =	swait.ge [sflag:s20], $0x2800  }
0x1dd: {  	[sflag:s20] =	ssyncset.done $0x0  }
0x1de: {  	[sflag:s20] =	ssyncadd.s32 $0xFFFFD800  }
0x1df: {  	[tilespmem:s15], [sflag:$0x1] =	stream.indirect.gather [hbm4b:s4+s14], $0x80, s7, s14, $0xb8;
	[tilespmem:$0x1D080] =	vst v63  }
0x1e0: {  	_ =	swait.ge [sflag:s21], $0x2800  }
0x1e1: {  	[sflag:s21] =	ssyncset.done $0x0  }
0x1e2: {  	[sflag:s21] =	ssyncadd.s32 $0xFFFFD800  }
0x1e3: {  	[spmem:s2] =	stream.indirect.scatter.add.f32 [tilespmem:s18], [sflag:$0x6], $0x80, s8, s14, $0xb8;
	[tilespmem:$0x1D080] =	vst v63  }
0x1e4: {  	_ =	swait.ge [sflag:s17], $0x2800  }
0x1e5: {  	[sflag:s17] =	ssyncset.done $0x0  }
0x1e6: {  	[sflag:s17] =	ssyncadd.s32 $0xFFFFD800  }
0x1e7: {  	[spmem:s2] =	stream.indirect.scatter.add.f32 [tilespmem:s15], [sflag:$0x4], $0x80, s9, s14, $0xb8;
	[tilespmem:$0x1D080] =	vst v63  }
0x1e8: {  	_ =	swait.ge [sflag:s22], $0x2800  }
0x1e9: {  	[sflag:s22] =	ssyncset.done $0x0  }
0x1ea: {  	p1 =	sne.s32 s12, $0x1000;
	[sflag:s22] =	ssyncadd.s32 $0xFFFFD800  }
.Ltmp0:
0x1eb: {  	_ =	swait.ge [sflag:s23], $0x2800;
	(pc) =	sbr.rel @p1 .LBB2_2-.Ltmp0, $4  }
0x1ec: {  	[sflag:s23] =	ssyncset.done $0x0  }
0x1ed: {  	[sflag:s23] =	ssyncadd.s32 $0xFFFFD800  }
0x1ee: {  	s5 =	smov.u32 s12;
	s12 =	sadd.s32 $0x400, s12;
	_ =	swait.ge [sflag:s20], $0x2800  }
0x1ef: {  	s10 =	smov.u32 s5;
	s6 =	rddreg [dreg:$0x3];
	[sflag:s20] =	ssyncset.done $0x0  }
0x1f0: {  	s5 =	sadd.s32 s10, s6;
	[sflag:s20] =	ssyncadd.s32 $0xFFFFD800  }
0x1f1: {  	[tilespmem:s3], [sflag:$0x7] =	stream.linear.gather [hbm4b:s5+s3], $0xC80, $0x38;
	[tilespmem:$0x1D080] =	vst v63  }
0x1f2: {  	s5 =	sadd.s32 $0x200, s5  }
0x1f3: {  	[tilespmem:s13], [sflag:$0x7] =	stream.linear.gather [hbm4b:s5+s3], $0xC80, $0x38;
	[tilespmem:$0x1D080] =	vst v63  }
0x1f4: {  	_ =	swait.ge [sflag:s11], $0x1900  }
0x1f5: {  	[sflag:s11] =	ssyncset.done $0x0  }
0x1f6: {  	[sflag:s11] =	ssyncadd.s32 $0xFFFFE700  }
0x1f7: {  	[tilespmem:s15], [sflag:$0x1] =	stream.indirect.gather [hbm4b:s4+s14], $0x80, s3, s14, $0xb8;
	[tilespmem:$0x1D080] =	vst v63  }
0x1f8: {  	s6 =	rddreg [dreg:$0x4]  }
0x1f9: {  	[tilespmem:s16], [sflag:$0x2] =	stream.indirect.gather [hbm4b:s4+s14], $0x80, s6, s14, $0xb8;
	[tilespmem:$0x1D080] =	vst v63  }
0x1fa: {  	_ =	swait.ge [sflag:s17], $0x2800  }
0x1fb: {  	[sflag:s17] =	ssyncset.done $0x0  }
0x1fc: {  	[sflag:s17] =	ssyncadd.s32 $0xFFFFD800  }
0x1fd: {  	[spmem:s2] =	stream.indirect.scatter.add.f32 [tilespmem:s15], [sflag:$0x4], $0x80, s13, s14, $0xb8;
	[tilespmem:$0x1D080] =	vst v63  }
0x1fe: {  	s10 =	rddreg [dreg:$0x5]  }
0x1ff: {  	[tilespmem:s18], [sflag:$0x3] =	stream.indirect.gather [hbm4b:s4+s14], $0x80, s10, s14, $0xb8;
	[tilespmem:$0x1D080] =	vst v63  }
0x200: {  	_ =	swait.ge [sflag:s19], $0x2800  }
0x201: {  	[sflag:s19] =	ssyncset.done $0x0  }
0x202: {  	s12 =	rddreg [dreg:$0x6];
	[sflag:s19] =	ssyncadd.s32 $0xFFFFD800  }
0x203: {  	[spmem:s2] =	stream.indirect.scatter.add.f32 [tilespmem:s16], [sflag:$0x5], $0x80, s12, s14, $0xb8;
	[tilespmem:$0x1D080] =	vst v63  }
0x204: {  	_ =	swait.ge [sflag:s20], $0x2800  }
0x205: {  	[sflag:s20] =	ssyncset.done $0x0  }
0x206: {  	s6 =	rddreg [dreg:$0x7];
	[sflag:s20] =	ssyncadd.s32 $0xFFFFD800  }
0x207: {  	[tilespmem:s15], [sflag:$0x1] =	stream.indirect.gather [hbm4b:s4+s14], $0x80, s6, s14, $0xb8;
	[tilespmem:$0x1D080] =	vst v63  }
0x208: {  	_ =	swait.ge [sflag:s21], $0x2800  }
0x209: {  	[sflag:s21] =	ssyncset.done $0x0  }
0x20a: {  	s10 =	rddreg [dreg:$0x8];
	[sflag:s21] =	ssyncadd.s32 $0xFFFFD800  }
0x20b: {  	[spmem:s2] =	stream.indirect.scatter.add.f32 [tilespmem:s18], [sflag:$0x6], $0x80, s10, s14, $0xb8;
	[tilespmem:$0x1D080] =	vst v63  }
0x20c: {  	_ =	swait.ge [sflag:s22], $0x2800  }
0x20d: {  	[sflag:s22] =	ssyncset.done $0x0  }
0x20e: {  	s12 =	rddreg [dreg:$0x9];
	[sflag:s22] =	ssyncadd.s32 $0xFFFFD800  }
0x20f: {  	[tilespmem:s16], [sflag:$0x2] =	stream.indirect.gather [hbm4b:s4+s14], $0x80, s12, s14, $0xb8;
	[tilespmem:$0x1D080] =	vst v63  }
0x210: {  	_ =	swait.ge [sflag:s17], $0x2800  }
0x211: {  	[sflag:s17] =	ssyncset.done $0x0  }
0x212: {  	s6 =	rddreg [dreg:$0xa];
	[sflag:s17] =	ssyncadd.s32 $0xFFFFD800  }
0x213: {  	[spmem:s2] =	stream.indirect.scatter.add.f32 [tilespmem:s15], [sflag:$0x4], $0x80, s6, s14, $0xb8;
	[tilespmem:$0x1D080] =	vst v63  }
0x214: {  	_ =	swait.ge [sflag:s23], $0x2800  }
0x215: {  	[sflag:s23] =	ssyncset.done $0x0  }
0x216: {  	s10 =	rddreg [dreg:$0xb];
	[sflag:s23] =	ssyncadd.s32 $0xFFFFD800  }
0x217: {  	[tilespmem:s18], [sflag:$0x3] =	stream.indirect.gather [hbm4b:s4+s14], $0x80, s10, s14, $0xb8;
	[tilespmem:$0x1D080] =	vst v63  }
0x218: {  	_ =	swait.ge [sflag:s19], $0x2800  }
0x219: {  	[sflag:s19] =	ssyncset.done $0x0  }
0x21a: {  	s12 =	rddreg [dreg:$0xc];
	[sflag:s19] =	ssyncadd.s32 $0xFFFFD800  }
0x21b: {  	[spmem:s2] =	stream.indirect.scatter.add.f32 [tilespmem:s16], [sflag:$0x5], $0x80, s12, s14, $0xb8;
	[tilespmem:$0x1D080] =	vst v63  }
0x21c: {  	_ =	swait.ge [sflag:s20], $0x2800  }
0x21d: {  	[sflag:s20] =	ssyncset.done $0x0  }
0x21e: {  	s6 =	rddreg [dreg:$0xd];
	[sflag:s20] =	ssyncadd.s32 $0xFFFFD800  }
0x21f: {  	[tilespmem:s15], [sflag:$0x1] =	stream.indirect.gather [hbm4b:s4+s14], $0x80, s6, s14, $0xb8;
	[tilespmem:$0x1D080] =	vst v63  }
0x220: {  	_ =	swait.ge [sflag:s21], $0x2800  }
0x221: {  	[sflag:s21] =	ssyncset.done $0x0  }
0x222: {  	s10 =	rddreg [dreg:$0xe];
	[sflag:s21] =	ssyncadd.s32 $0xFFFFD800  }
0x223: {  	[spmem:s2] =	stream.indirect.scatter.add.f32 [tilespmem:s18], [sflag:$0x6], $0x80, s10, s14, $0xb8;
	[tilespmem:$0x1D080] =	vst v63  }
0x224: {  	_ =	swait.ge [sflag:s22], $0x2800  }
0x225: {  	[sflag:s22] =	ssyncset.done $0x0  }
0x226: {  	s12 =	rddreg [dreg:$0xf];
	[sflag:s22] =	ssyncadd.s32 $0xFFFFD800  }
0x227: {  	[tilespmem:s16], [sflag:$0x2] =	stream.indirect.gather [hbm4b:s4+s14], $0x80, s12, s14, $0xb8;
	[tilespmem:$0x1D080] =	vst v63  }
0x228: {  	_ =	swait.ge [sflag:s17], $0x2800  }
0x229: {  	[sflag:s17] =	ssyncset.done $0x0  }
0x22a: {  	s6 =	rddreg [dreg:$0x10];
	[sflag:s17] =	ssyncadd.s32 $0xFFFFD800  }
0x22b: {  	[spmem:s2] =	stream.indirect.scatter.add.f32 [tilespmem:s15], [sflag:$0x4], $0x80, s6, s14, $0xb8;
	[tilespmem:$0x1D080] =	vst v63  }
0x22c: {  	_ =	swait.ge [sflag:s23], $0x2800  }
0x22d: {  	[sflag:s23] =	ssyncset.done $0x0  }
0x22e: {  	s10 =	rddreg [dreg:$0x11];
	[sflag:s23] =	ssyncadd.s32 $0xFFFFD800  }
0x22f: {  	[tilespmem:s18], [sflag:$0x3] =	stream.indirect.gather [hbm4b:s4+s14], $0x80, s10, s14, $0xb8;
	[tilespmem:$0x1D080] =	vst v63  }
0x230: {  	_ =	swait.ge [sflag:s19], $0x2800  }
0x231: {  	[sflag:s19] =	ssyncset.done $0x0  }
0x232: {  	s12 =	rddreg [dreg:$0x12];
	[sflag:s19] =	ssyncadd.s32 $0xFFFFD800  }
0x233: {  	[spmem:s2] =	stream.indirect.scatter.add.f32 [tilespmem:s16], [sflag:$0x5], $0x80, s12, s14, $0xb8;
	[tilespmem:$0x1D080] =	vst v63  }
0x234: {  	_ =	swait.ge [sflag:s20], $0x2800  }
0x235: {  	[sflag:s20] =	ssyncset.done $0x0  }
0x236: {  	s6 =	rddreg [dreg:$0x13];
	[sflag:s20] =	ssyncadd.s32 $0xFFFFD800  }
0x237: {  	[tilespmem:s15], [sflag:$0x1] =	stream.indirect.gather [hbm4b:s4+s14], $0x80, s6, s14, $0xb8;
	[tilespmem:$0x1D080] =	vst v63  }
0x238: {  	_ =	swait.ge [sflag:s21], $0x2800  }
0x239: {  	[sflag:s21] =	ssyncset.done $0x0  }
0x23a: {  	s10 =	rddreg [dreg:$0x14];
	[sflag:s21] =	ssyncadd.s32 $0xFFFFD800  }
0x23b: {  	[spmem:s2] =	stream.indirect.scatter.add.f32 [tilespmem:s18], [sflag:$0x6], $0x80, s10, s14, $0xb8;
	[tilespmem:$0x1D080] =	vst v63  }
0x23c: {  	_ =	swait.ge [sflag:s22], $0x2800  }
0x23d: {  	[sflag:s22] =	ssyncset.done $0x0  }
0x23e: {  	s12 =	rddreg [dreg:$0x15];
	[sflag:s22] =	ssyncadd.s32 $0xFFFFD800  }
0x23f: {  	[tilespmem:s16], [sflag:$0x2] =	stream.indirect.gather [hbm4b:s4+s14], $0x80, s12, s14, $0xb8;
	[tilespmem:$0x1D080] =	vst v63  }
0x240: {  	_ =	swait.ge [sflag:s17], $0x2800  }
0x241: {  	[sflag:s17] =	ssyncset.done $0x0  }
0x242: {  	s6 =	rddreg [dreg:$0x16];
	[sflag:s17] =	ssyncadd.s32 $0xFFFFD800  }
0x243: {  	[spmem:s2] =	stream.indirect.scatter.add.f32 [tilespmem:s15], [sflag:$0x4], $0x80, s6, s14, $0xb8;
	[tilespmem:$0x1D080] =	vst v63  }
0x244: {  	_ =	swait.ge [sflag:s23], $0x2800  }
0x245: {  	[sflag:s23] =	ssyncset.done $0x0  }
0x246: {  	s10 =	rddreg [dreg:$0x17];
	[sflag:s23] =	ssyncadd.s32 $0xFFFFD800  }
0x247: {  	[tilespmem:s18], [sflag:$0x3] =	stream.indirect.gather [hbm4b:s4+s14], $0x80, s10, s14, $0xb8;
	[tilespmem:$0x1D080] =	vst v63  }
0x248: {  	_ =	swait.ge [sflag:s19], $0x2800  }
0x249: {  	[sflag:s19] =	ssyncset.done $0x0  }
0x24a: {  	s12 =	rddreg [dreg:$0x18];
	[sflag:s19] =	ssyncadd.s32 $0xFFFFD800  }
0x24b: {  	[spmem:s2] =	stream.indirect.scatter.add.f32 [tilespmem:s16], [sflag:$0x5], $0x80, s12, s14, $0xb8;
	[tilespmem:$0x1D080] =	vst v63  }
0x24c: {  	_ =	swait.ge [sflag:s20], $0x2800  }
0x24d: {  	[sflag:s20] =	ssyncset.done $0x0  }
0x24e: {  	s6 =	rddreg [dreg:$0x19];
	[sflag:s20] =	ssyncadd.s32 $0xFFFFD800  }
0x24f: {  	[tilespmem:s15], [sflag:$0x1] =	stream.indirect.gather [hbm4b:s4+s14], $0x80, s6, s14, $0xb8;
	[tilespmem:$0x1D080] =	vst v63  }
0x250: {  	_ =	swait.ge [sflag:s21], $0x2800  }
0x251: {  	[sflag:s21] =	ssyncset.done $0x0  }
0x252: {  	s10 =	rddreg [dreg:$0x1a];
	[sflag:s21] =	ssyncadd.s32 $0xFFFFD800  }
0x253: {  	[spmem:s2] =	stream.indirect.scatter.add.f32 [tilespmem:s18], [sflag:$0x6], $0x80, s10, s14, $0xb8;
	[tilespmem:$0x1D080] =	vst v63  }
0x254: {  	_ =	swait.ge [sflag:s22], $0x2800  }
0x255: {  	[sflag:s22] =	ssyncset.done $0x0  }
0x256: {  	s12 =	rddreg [dreg:$0x1b];
	[sflag:s22] =	ssyncadd.s32 $0xFFFFD800  }
0x257: {  	[tilespmem:s16], [sflag:$0x2] =	stream.indirect.gather [hbm4b:s4+s14], $0x80, s12, s14, $0xb8;
	[tilespmem:$0x1D080] =	vst v63  }
0x258: {  	_ =	swait.ge [sflag:s17], $0x2800  }
0x259: {  	[sflag:s17] =	ssyncset.done $0x0  }
0x25a: {  	s6 =	rddreg [dreg:$0x1c];
	[sflag:s17] =	ssyncadd.s32 $0xFFFFD800  }
0x25b: {  	[spmem:s2] =	stream.indirect.scatter.add.f32 [tilespmem:s15], [sflag:$0x4], $0x80, s6, s14, $0xb8;
	[tilespmem:$0x1D080] =	vst v63  }
0x25c: {  	_ =	swait.ge [sflag:s23], $0x2800  }
0x25d: {  	[sflag:s23] =	ssyncset.done $0x0  }
0x25e: {  	s10 =	rddreg [dreg:$0x1d];
	[sflag:s23] =	ssyncadd.s32 $0xFFFFD800  }
0x25f: {  	[tilespmem:s18], [sflag:$0x3] =	stream.indirect.gather [hbm4b:s4+s14], $0x80, s10, s14, $0xb8;
	[tilespmem:$0x1D080] =	vst v63  }
0x260: {  	_ =	swait.ge [sflag:s19], $0x2800  }
0x261: {  	[sflag:s19] =	ssyncset.done $0x0  }
0x262: {  	s12 =	rddreg [dreg:$0x1e];
	[sflag:s19] =	ssyncadd.s32 $0xFFFFD800  }
0x263: {  	[spmem:s2] =	stream.indirect.scatter.add.f32 [tilespmem:s16], [sflag:$0x5], $0x80, s12, s14, $0xb8;
	[tilespmem:$0x1D080] =	vst v63  }
0x264: {  	_ =	swait.ge [sflag:s20], $0x2800  }
0x265: {  	[sflag:s20] =	ssyncset.done $0x0  }
0x266: {  	s6 =	rddreg [dreg:$0x1f];
	[sflag:s20] =	ssyncadd.s32 $0xFFFFD800  }
0x267: {  	[tilespmem:s15], [sflag:$0x1] =	stream.indirect.gather [hbm4b:s4+s14], $0x80, s6, s14, $0xb8;
	[tilespmem:$0x1D080] =	vst v63  }
0x268: {  	_ =	swait.ge [sflag:s21], $0x2800  }
0x269: {  	s10 =	sld [smem:$0x7F2]  }
0x26a: {  	[sflag:s21] =	ssyncset.done $0x0  }
0x26b: {  	[sflag:s21] =	ssyncadd.s32 $0xFFFFD800  }
0x26c: {  	[spmem:s2] =	stream.indirect.scatter.add.f32 [tilespmem:s18], [sflag:$0x6], $0x80, s10, s14, $0xb8;
	[tilespmem:$0x1D080] =	vst v63  }
0x26d: {  	_ =	swait.ge [sflag:s22], $0x2800  }
0x26e: {  	s12 =	sld [smem:$0x7F3]  }
0x26f: {  	[sflag:s22] =	ssyncset.done $0x0  }
0x270: {  	[sflag:s22] =	ssyncadd.s32 $0xFFFFD800  }
0x271: {  	[tilespmem:s16], [sflag:$0x2] =	stream.indirect.gather [hbm4b:s4+s14], $0x80, s12, s14, $0xb8;
	[tilespmem:$0x1D080] =	vst v63  }
0x272: {  	_ =	swait.ge [sflag:s17], $0x2800  }
0x273: {  	s6 =	sld [smem:$0x7F4]  }
0x274: {  	[sflag:s17] =	ssyncset.done $0x0  }
0x275: {  	[sflag:s17] =	ssyncadd.s32 $0xFFFFD800  }
0x276: {  	[spmem:s2] =	stream.indirect.scatter.add.f32 [tilespmem:s15], [sflag:$0x4], $0x80, s6, s14, $0xb8;
	[tilespmem:$0x1D080] =	vst v63  }
0x277: {  	_ =	swait.ge [sflag:s23], $0x2800  }
0x278: {  	s10 =	sld [smem:$0x7F5]  }
0x279: {  	[sflag:s23] =	ssyncset.done $0x0  }
0x27a: {  	[sflag:s23] =	ssyncadd.s32 $0xFFFFD800  }
0x27b: {  	[tilespmem:s18], [sflag:$0x3] =	stream.indirect.gather [hbm4b:s4+s14], $0x80, s10, s14, $0xb8;
	[tilespmem:$0x1D080] =	vst v63  }
0x27c: {  	_ =	swait.ge [sflag:s19], $0x2800  }
0x27d: {  	s12 =	sld [smem:$0x7F6]  }
0x27e: {  	[sflag:s19] =	ssyncset.done $0x0  }
0x27f: {  	[sflag:s19] =	ssyncadd.s32 $0xFFFFD800  }
0x280: {  	[spmem:s2] =	stream.indirect.scatter.add.f32 [tilespmem:s16], [sflag:$0x5], $0x80, s12, s14, $0xb8;
	[tilespmem:$0x1D080] =	vst v63  }
0x281: {  	_ =	swait.ge [sflag:s20], $0x2800  }
0x282: {  	s6 =	sld [smem:$0x7F7]  }
0x283: {  	[sflag:s20] =	ssyncset.done $0x0  }
0x284: {  	[sflag:s20] =	ssyncadd.s32 $0xFFFFD800  }
0x285: {  	[tilespmem:s15], [sflag:$0x1] =	stream.indirect.gather [hbm4b:s4+s14], $0x80, s6, s14, $0xb8;
	[tilespmem:$0x1D080] =	vst v63  }
0x286: {  	_ =	swait.ge [sflag:s21], $0x2800  }
0x287: {  	s10 =	sld [smem:$0x7F8]  }
0x288: {  	[sflag:s21] =	ssyncset.done $0x0  }
0x289: {  	[sflag:s21] =	ssyncadd.s32 $0xFFFFD800  }
0x28a: {  	[spmem:s2] =	stream.indirect.scatter.add.f32 [tilespmem:s18], [sflag:$0x6], $0x80, s10, s14, $0xb8;
	[tilespmem:$0x1D080] =	vst v63  }
0x28b: {  	_ =	swait.ge [sflag:s22], $0x2800  }
0x28c: {  	s12 =	sld [smem:$0x7F9]  }
0x28d: {  	[sflag:s22] =	ssyncset.done $0x0  }
0x28e: {  	[sflag:s22] =	ssyncadd.s32 $0xFFFFD800  }
0x28f: {  	[tilespmem:s16], [sflag:$0x2] =	stream.indirect.gather [hbm4b:s4+s14], $0x80, s12, s14, $0xb8;
	[tilespmem:$0x1D080] =	vst v63  }
0x290: {  	_ =	swait.ge [sflag:s17], $0x2800  }
0x291: {  	[sflag:s17] =	ssyncset.done $0x0  }
0x292: {  	[sflag:s17] =	ssyncadd.s32 $0xFFFFD800  }
0x293: {  	[spmem:s2] =	stream.indirect.scatter.add.f32 [tilespmem:s15], [sflag:$0x4], $0x80, s24, s14, $0xb8;
	[tilespmem:$0x1D080] =	vst v63  }
0x294: {  	_ =	swait.ge [sflag:s23], $0x2800  }
0x295: {  	[sflag:s23] =	ssyncset.done $0x0  }
0x296: {  	[sflag:s23] =	ssyncadd.s32 $0xFFFFD800  }
0x297: {  	[tilespmem:s18], [sflag:$0x3] =	stream.indirect.gather [hbm4b:s4+s14], $0x80, s25, s14, $0xb8;
	[tilespmem:$0x1D080] =	vst v63  }
0x298: {  	_ =	swait.ge [sflag:s19], $0x2800  }
0x299: {  	[sflag:s19] =	ssyncset.done $0x0  }
0x29a: {  	[sflag:s19] =	ssyncadd.s32 $0xFFFFD800  }
0x29b: {  	[spmem:s2] =	stream.indirect.scatter.add.f32 [tilespmem:s16], [sflag:$0x5], $0x80, s26, s14, $0xb8;
	[tilespmem:$0x1D080] =	vst v63  }
0x29c: {  	_ =	swait.ge [sflag:s20], $0x2800  }
0x29d: {  	[sflag:s20] =	ssyncset.done $0x0  }
0x29e: {  	[sflag:s20] =	ssyncadd.s32 $0xFFFFD800  }
0x29f: {  	[tilespmem:s15], [sflag:$0x1] =	stream.indirect.gather [hbm4b:s4+s14], $0x80, s28, s14, $0xb8;
	[tilespmem:$0x1D080] =	vst v63  }
0x2a0: {  	_ =	swait.ge [sflag:s21], $0x2800  }
0x2a1: {  	[sflag:s21] =	ssyncset.done $0x0  }
0x2a2: {  	[sflag:s21] =	ssyncadd.s32 $0xFFFFD800  }
0x2a3: {  	[spmem:s2] =	stream.indirect.scatter.add.f32 [tilespmem:s18], [sflag:$0x6], $0x80, s29, s14, $0xb8;
	[tilespmem:$0x1D080] =	vst v63  }
0x2a4: {  	_ =	swait.ge [sflag:s22], $0x2800  }
0x2a5: {  	[sflag:s22] =	ssyncset.done $0x0  }
0x2a6: {  	[sflag:s22] =	ssyncadd.s32 $0xFFFFD800  }
0x2a7: {  	[tilespmem:s16], [sflag:$0x2] =	stream.indirect.gather [hbm4b:s4+s14], $0x80, s30, s14, $0xb8;
	[tilespmem:$0x1D080] =	vst v63  }
0x2a8: {  	_ =	swait.ge [sflag:s17], $0x2800  }
0x2a9: {  	[sflag:s17] =	ssyncset.done $0x0  }
0x2aa: {  	[sflag:s17] =	ssyncadd.s32 $0xFFFFD800  }
0x2ab: {  	[spmem:s2] =	stream.indirect.scatter.add.f32 [tilespmem:s15], [sflag:$0x4], $0x80, s31, s14, $0xb8;
	[tilespmem:$0x1D080] =	vst v63  }
0x2ac: {  	_ =	swait.ge [sflag:s23], $0x2800  }
0x2ad: {  	[sflag:s23] =	ssyncset.done $0x0  }
0x2ae: {  	[sflag:s23] =	ssyncadd.s32 $0xFFFFD800  }
0x2af: {  	[tilespmem:s18], [sflag:$0x3] =	stream.indirect.gather [hbm4b:s4+s14], $0x80, s1, s14, $0xb8;
	[tilespmem:$0x1D080] =	vst v63  }
0x2b0: {  	_ =	swait.ge [sflag:s19], $0x2800  }
0x2b1: {  	[sflag:s19] =	ssyncset.done $0x0  }
0x2b2: {  	[sflag:s19] =	ssyncadd.s32 $0xFFFFD800  }
0x2b3: {  	[spmem:s2] =	stream.indirect.scatter.add.f32 [tilespmem:s16], [sflag:$0x5], $0x80, s0, s14, $0xb8;
	[tilespmem:$0x1D080] =	vst v63  }
0x2b4: {  	_ =	swait.ge [sflag:s20], $0x2800  }
0x2b5: {  	[sflag:s20] =	ssyncset.done $0x0  }
0x2b6: {  	[sflag:s20] =	ssyncadd.s32 $0xFFFFD800  }
0x2b7: {  	[tilespmem:s15], [sflag:$0x1] =	stream.indirect.gather [hbm4b:s4+s14], $0x80, s7, s14, $0xb8;
	[tilespmem:$0x1D080] =	vst v63  }
0x2b8: {  	_ =	swait.ge [sflag:s21], $0x2800  }
0x2b9: {  	[sflag:s21] =	ssyncset.done $0x0  }
0x2ba: {  	[sflag:s21] =	ssyncadd.s32 $0xFFFFD800  }
0x2bb: {  	[spmem:s2] =	stream.indirect.scatter.add.f32 [tilespmem:s18], [sflag:$0x6], $0x80, s8, s14, $0xb8;
	[tilespmem:$0x1D080] =	vst v63  }
0x2bc: {  	_ =	swait.ge [sflag:s17], $0x2800  }
0x2bd: {  	[sflag:s17] =	ssyncset.done $0x0  }
0x2be: {  	[sflag:s17] =	ssyncadd.s32 $0xFFFFD800  }
0x2bf: {  	[spmem:s2] =	stream.indirect.scatter.add.f32 [tilespmem:s15], [sflag:$0x4], $0x80, s9, s14, $0xb8;
	[tilespmem:$0x1D080] =	vst v63  }
0x2c0: {  	_ =	swait.ge [sflag:s22], $0x2800  }
0x2c1: {  	[sflag:s22] =	ssyncset.done $0x0  }
0x2c2: {  	[sflag:s22] =	ssyncadd.s32 $0xFFFFD800  }
0x2c3: {  	_ =	swait.ge [sflag:s23], $0x2800  }
0x2c4: {  	[sflag:s23] =	ssyncset.done $0x0  }
0x2c5: {  	[sflag:s23] =	ssyncadd.s32 $0xFFFFD800  }
0x2c6: {  	_ =	swait.ge [sflag:s20], $0x2800  }
0x2c7: {  	[sflag:s20] =	ssyncset.done $0x0  }
0x2c8: {  	[sflag:s20] =	ssyncadd.s32 $0xFFFFD800  }
0x2c9: {  	[bflag:$0x0] =	sbarrier.arrive $0xFFFF  }
0x2ca: {  	s12 =	sld [smem:$0x7FB]  }
0x2cb: {  	s6 =	sld [smem:$0x7EF]  }
0x2cc: {  	s10 =	sld [smem:$0x7FC];
	_ =	sdelay $0x2  }
0x2cd: {  	[hbm:s6], [sflag:s12] =	dma.local [spmem:s10], $0x2700  }
0x2ce: {  	_ =	swait.ge [sflag:s11], $0x2700  }
0x2cf: {  	s5 =	sld [smem:$0x7F0]  }
0x2d0: {  	s6 =	sld [smem:$0x7FD]  }
0x2d1: {  	[sflag:s11] =	ssyncset.done $0x0  }
0x2d2: {  	[sflag:s11] =	ssyncadd.s32 $0xFFFFD900  }
0x2d3: {  	[hbm:s5], [sflag:s12] =	dma.local @!p0 [spmem:s6], $0x100  }
0x2d4: {  	s5 =	smov.u32 s6;
	s6 =	simm.s32 @!p0 $0x7  }
0x2d5: {  	_ =	swait.ge @!p0 [sflag:s6], $0x100  }
0x2d6: {  	s10 =	sld [smem:$0x7FA]  }
0x2d7: {  	[sflag:s6] =	ssyncset.done @!p0 $0x0;
	s6 =	sld [smem:$0x7F1];
	_ =	sdelay $0x1  }
0x2d8: {  	s10 =	sadd.s32 $0x1, s10  }
0x2d9: {  	p1 =	sne.s32 s10, s6  }
.Ltmp1:
0x2da: {  	_ = 	snop;
	(pc) =	sbr.rel @p1 .LBB2_1-.Ltmp1, $3  }
0x2db: {  	_ =	sdelay $0x1  }
0x2dc: {  	[smem:$0x7FA] =	sst s10;
	s6 =	smov.u32 s5;
	s5 =	simm.s32 @!p0 $0x7  }
0x2dd: {  	s10 =	sld [smem:$0x7FC];
	[sflag:s5] =	ssyncadd.s32 @!p0 $0xFFFFFF00  }
0x2de: {  	_ =	sfence.sel $0x180000  }
0x2df: {  	[bflag:$0x0] =	sbarrier.arrive $0xFFFF  }
0x2e0: {  	_ =	strace $0x9000004A  }
0x2e1: {  	s0 =	stileid.u32;
	[bflag:$0x2] =	sbarrier.arrive $0xFFFF  }
0x2e2: {  	p0 =	sne.s32 s0, $0x0;
	s0 =	rddreg [dreg:$0x2]  }
0x2e3: {  	s0 =	sadd.s32 @!p0 $0x100000, s0  }
0x2e4: {  	[sflag:s0] =	ssyncadd.tile.s32 @!p0 $0x1;
	_ =	shalt  }
.Lfunc_end2:
_tile_overlayer_lowered:
.L_overlay_start_2:
0x2e5: {  	(tag) =	ssettag $0x2  }
0x2e6: {  	s0 =	rddreg [dreg:$0x0];
	s2 =	stileid.u32  }
0x2e7: {  	s1 =	rddreg [dreg:$0x1];
	p0 =	sne.s32 s2, $0x0  }
0x2e8: {  	s3 =	rddreg [dreg:$0x2];
	[bflag:$0x3] =	sbarrier.arrive $0xFFFF;
	s2 =	simm.s32 @!p0 $0x1C07  }
0x2e9: {  	[timem:s3], [sflag:s2] =	dma.local @!p0 [hbm:s0], s1  }
0x2ea: {  	s0 =	simm.s32 @!p0 $0x7  }
0x2eb: {  	_ =	swait.ge @!p0 [sflag:s0], s1  }
0x2ec: {  	s1 =	ssub.s32 @!p0 $0x0, s1;
	[sflag:s0] =	ssyncset.done @!p0 $0x0  }
0x2ed: {  	[sflag:s0] =	ssyncadd.s32 @!p0 s1  }
0x2ee: {  	[bflag:$0x3] =	sbarrier.arrive $0xFFFF  }
0x2ef: {  	_ =	shalt  }

</sc_bundles>
